<compile_context>
chip_gen: v7x
topology: tpu7x:2x2x1
jax: 0.10.2.dev20260603
libtpu: 0.0.44.dev20260713+nightly
codegen_flags: <defaults>
</compile_context>

<pallas_src>
import jax
import jax.numpy as jnp
from jax import lax
from jax.experimental import pallas as pl
from jax.experimental.pallas import tpu as pltpu
from jax.experimental.pallas import tpu_sc as plsc

N = 10000
D = 128
E = 320000
NP = 10240
NTILES = 32
CHUNK = 128
NPH = 2
CPP = 40
EP = NTILES * NPH * CPP * CHUNK
RPT = NP // 16

_MESH = plsc.VectorSubcoreMesh(core_axis_name="c", subcore_axis_name="s")


RING = 8
PREF = 4


def _deg2_body(src_hbm, dst_hbm, zeros_hbm, ones_hbm, out_hbm,
               idxv, ones_v, acc_o, acc_i, ssem):
    c = lax.axis_index("c")
    s = lax.axis_index("s")
    t = c * 16 + s
    sl = pl.ds(s * RPT, RPT)
    pltpu.sync_copy(zeros_hbm, acc_o.at[sl])
    pltpu.sync_copy(zeros_hbm, acc_i.at[sl])
    pltpu.sync_copy(ones_hbm, ones_v)
    plsc.subcore_barrier()
    for idx_hbm, acc in ((src_hbm, acc_o), (dst_hbm, acc_i)):
        for ph in range(NPH):
            pltpu.sync_copy(idx_hbm.at[t, ph], idxv)

            def body(i, carry):
                pltpu.async_copy(ones_v, acc.at[idxv.at[i]], ssem, add=True)
                return carry

            lax.fori_loop(0, CPP, body, 0)

            def drain(i, carry):
                pltpu.make_async_copy(ones_v, acc.at[idxv.at[0]], ssem).wait()
                return carry

            lax.fori_loop(0, CPP, drain, 0)
    plsc.subcore_barrier()
    base_o = pl.multiple_of(c * (2 * NP) + s * RPT, 128)
    pltpu.sync_copy(acc_o.at[sl], out_hbm.at[pl.ds(base_o, RPT)])
    base_i = pl.multiple_of(c * (2 * NP) + NP + s * RPT, 128)
    pltpu.sync_copy(acc_i.at[sl], out_hbm.at[pl.ds(base_i, RPT)])


_deg2_call = pl.kernel(
    _deg2_body,
    out_type=jax.ShapeDtypeStruct((2 * 2 * NP,), jnp.float32),
    mesh=_MESH,
    scratch_types=[
        pltpu.VMEM((CPP, CHUNK), jnp.int32),
        pltpu.VMEM((CHUNK,), jnp.float32),
        pltpu.VMEM_SHARED((NP,), jnp.float32),
        pltpu.VMEM_SHARED((NP,), jnp.float32),
        pltpu.SemaphoreType.DMA,
    ],
)


def _seg_body(table_hbm, src_hbm, dst_hbm, zeros_hbm, out_hbm,
              srcv, dstv, rows, acc, gsem):
    c = lax.axis_index("c")
    s = lax.axis_index("s")
    t = c * 16 + s
    sl = pl.ds(s * RPT, RPT)
    pltpu.sync_copy(zeros_hbm, acc.at[sl])
    plsc.subcore_barrier()
    for ph in range(NPH):
        pltpu.sync_copy(src_hbm.at[t, ph], srcv)
        pltpu.sync_copy(dst_hbm.at[t, ph], dstv)
        pltpu.async_copy(table_hbm.at[srcv.at[0]], rows.at[0], gsem)

        def body(i, carry):
            slot = lax.rem(i, 2)
            nslot = lax.rem(i + 1, 2)

            @pl.when(i + 1 < CPP)
            def _():
                pltpu.async_copy(table_hbm.at[srcv.at[i + 1]], rows.at[nslot], gsem)

            pltpu.make_async_copy(table_hbm.at[srcv.at[i]], rows.at[slot], gsem).wait()
            pltpu.sync_copy(rows.at[slot], acc.at[dstv.at[i]], add=True)
            return carry

        lax.fori_loop(0, CPP, body, 0)
    plsc.subcore_barrier()
    pltpu.sync_copy(acc.at[sl], out_hbm.at[c, sl])


_seg_call = pl.kernel(
    _seg_body,
    out_type=jax.ShapeDtypeStruct((2, NP, D), jnp.float32),
    mesh=_MESH,
    scratch_types=[
        pltpu.VMEM((CPP, CHUNK), jnp.int32),
        pltpu.VMEM((CPP, CHUNK), jnp.int32),
        pltpu.VMEM((2, CHUNK, D), jnp.float32),
        pltpu.VMEM_SHARED((NP, D), jnp.float32),
        pltpu.SemaphoreType.DMA,
    ],
)

def _segden_body(table_hbm, w_hbm, src_hbm, dst_hbm, src8_hbm,
                 zeros_hbm, zeros1_hbm, out_hbm, den_hbm,
                 srcv, dstv, rows, vals, acc, accd, gsem, ssem):
    c = lax.axis_index("c")
    s = lax.axis_index("s")
    t = c * 16 + s
    sl = pl.ds(s * RPT, RPT)
    pltpu.sync_copy(zeros_hbm, acc.at[sl])
    pltpu.sync_copy(zeros1_hbm, accd.at[sl])
    plsc.subcore_barrier()
    for ph in range(NPH):
        pltpu.sync_copy(src_hbm.at[t, ph], srcv)
        pltpu.sync_copy(dst_hbm.at[t, ph], dstv)
        pltpu.async_copy(table_hbm.at[srcv.at[0]], rows.at[0], gsem)

        def body(i, carry):
            slot = lax.rem(i, 2)
            nslot = lax.rem(i + 1, 2)

            @pl.when(i + 1 < CPP)
            def _():
                pltpu.async_copy(table_hbm.at[srcv.at[i + 1]], rows.at[nslot], gsem)

            pltpu.make_async_copy(table_hbm.at[srcv.at[i]], rows.at[slot], gsem).wait()
            pltpu.sync_copy(rows.at[slot], acc.at[dstv.at[i]], add=True)
            return carry

        lax.fori_loop(0, CPP, body, 0)
    for ph in range(NPH):
        pltpu.sync_copy(src8_hbm.at[t, ph], srcv)
        pltpu.sync_copy(dst_hbm.at[t, ph], dstv)
        for j in range(PREF):
            pltpu.async_copy(w_hbm.at[srcv.at[j]], vals.at[j], gsem)

        def dbody(i, carry):
            slot = lax.rem(i, RING)

            @pl.when(i >= PREF)
            def _():
                pltpu.make_async_copy(
                    vals.at[lax.rem(i - PREF, RING)],
                    accd.at[dstv.at[i - PREF]], ssem).wait()

            @pl.when(i + PREF < CPP)
            def _():
                pltpu.async_copy(w_hbm.at[srcv.at[i + PREF]],
                                 vals.at[lax.rem(i + PREF, RING)], gsem)

            pltpu.make_async_copy(w_hbm.at[srcv.at[i]], vals.at[slot], gsem).wait()
            pltpu.async_copy(vals.at[slot], accd.at[dstv.at[i]], ssem, add=True)
            return carry

        lax.fori_loop(0, CPP, dbody, 0)
        for k in range(PREF):
            i = CPP - PREF + k
            pltpu.make_async_copy(vals.at[i % RING],
                                  accd.at[dstv.at[i]], ssem).wait()
    plsc.subcore_barrier()
    pltpu.sync_copy(acc.at[sl], out_hbm.at[c, sl])
    base = pl.multiple_of(c * NP + s * RPT, 128)
    pltpu.sync_copy(accd.at[sl], den_hbm.at[pl.ds(base, RPT)])


_segden_call = pl.kernel(
    _segden_body,
    out_type=[jax.ShapeDtypeStruct((2, NP, D), jnp.float32),
              jax.ShapeDtypeStruct((2 * NP,), jnp.float32)],
    mesh=_MESH,
    scratch_types=[
        pltpu.VMEM((CPP, CHUNK), jnp.int32),
        pltpu.VMEM((CPP, CHUNK), jnp.int32),
        pltpu.VMEM((2, CHUNK, D), jnp.float32),
        pltpu.VMEM((RING, CHUNK), jnp.float32),
        pltpu.VMEM_SHARED((NP, D), jnp.float32),
        pltpu.VMEM_SHARED((NP,), jnp.float32),
        pltpu.SemaphoreType.DMA,
        pltpu.SemaphoreType.DMA,
    ],
)



BLK = 2048
NB = NP // BLK
SL = 8

_deg_spec = pl.BlockSpec((2, 2, BLK, SL), lambda i: (0, 0, i, 0))
_row_spec = pl.BlockSpec((BLK, D), lambda i: (i, 0))
_w_spec = pl.BlockSpec((D, D), lambda i: (0, 0))
_vec_spec = pl.BlockSpec((1, D), lambda i: (0, 0))
_one_spec = pl.BlockSpec((1, 1), lambda i: (0, 0))
_s16_spec = pl.BlockSpec((BLK, SL), lambda i: (i, 0))


def _tc_a0(x_ref, w_ref, o_ref):
    o_ref[...] = jnp.dot(x_ref[...], w_ref[...],
                         preferred_element_type=jnp.float32)


_tc_call_a0 = pl.pallas_call(
    _tc_a0,
    grid=(NB,),
    in_specs=[_row_spec, _w_spec],
    out_specs=_row_spec,
    out_shape=jax.ShapeDtypeStruct((NP, D), jnp.float32),
)


def _tc_a1(y_ref, degs_ref, o_ref):
    dout = degs_ref[0, 0] + degs_ref[0, 1]
    n = lax.rsqrt(jnp.maximum(dout[:, 0:1], 1.0))
    o_ref[...] = y_ref[...] * n


_tc_call_a1 = pl.pallas_call(
    _tc_a1,
    grid=(NB,),
    in_specs=[_row_spec, _deg_spec],
    out_specs=_row_spec,
    out_shape=jax.ShapeDtypeStruct((NP, D), jnp.float32),
)


def _tc_b(p1_ref, degs_ref, b1_ref, mask_ref, wl_ref, a_ref,
          h2_ref, e_ref, m_ref):
    i = pl.program_id(0)
    din = degs_ref[1, 0] + degs_ref[1, 1]
    n = lax.rsqrt(jnp.maximum(din[:, 0:1], 1.0))
    agg = p1_ref[0] + p1_ref[1]
    h = jnp.maximum(agg * n + b1_ref[...], 0.0)
    h2 = jnp.dot(h * mask_ref[...], wl_ref[...],
                 preferred_element_type=jnp.float32)
    h2_ref[...] = h2
    sc = jnp.sum(h2 * a_ref[...], axis=1, keepdims=True)
    e = jnp.where(sc > 0, sc, 0.01 * sc)
    e_ref[...] = jnp.broadcast_to(e, (BLK, SL))

    @pl.when(i == 0)
    def _():
        m_ref[...] = jnp.full((1, 1), -jnp.inf, jnp.float32)

    m_ref[...] = jnp.maximum(m_ref[...], jnp.full((1, 1), jnp.max(e), jnp.float32))


_tc_call_b = pl.pallas_call(
    _tc_b,
    grid=(NB,),
    in_specs=[pl.BlockSpec((2, BLK, D), lambda i: (0, i, 0)),
              _deg_spec, _vec_spec, _vec_spec, _w_spec, _vec_spec],
    out_specs=[_row_spec, _s16_spec, _one_spec],
    out_shape=[jax.ShapeDtypeStruct((NP, D), jnp.float32),
               jax.ShapeDtypeStruct((NP, SL), jnp.float32),
               jax.ShapeDtypeStruct((1, 1), jnp.float32)],
)


def _tc_c(h2_ref, e_ref, m_ref, t2_ref, w16_ref):
    w = jnp.exp(e_ref[:, 0:1] - m_ref[...])
    t2_ref[...] = h2_ref[...] * w
    w16_ref[...] = jnp.broadcast_to(w, (BLK, SL))


_tc_call_c = pl.pallas_call(
    _tc_c,
    grid=(NB,),
    in_specs=[_row_spec, _s16_spec, _one_spec],
    out_specs=[_row_spec, _s16_spec],
    out_shape=[jax.ShapeDtypeStruct((NP, D), jnp.float32),
               jax.ShapeDtypeStruct((NP, SL), jnp.float32)],
)


def _tc_d(p2_ref, den_ref, degs_ref, w2_ref, t3_ref):
    num = p2_ref[0] + p2_ref[1]
    den = den_ref[0] + den_ref[1]
    h_att = jnp.maximum(num / jnp.maximum(den[:, 0:1], 1e-16), 0.0)
    dout = degs_ref[0, 0] + degs_ref[0, 1]
    n = lax.rsqrt(jnp.maximum(dout[:, 0:1], 1.0))
    t3_ref[...] = jnp.dot(h_att, w2_ref[...],
                          preferred_element_type=jnp.float32) * n


_tc_call_d = pl.pallas_call(
    _tc_d,
    grid=(NB,),
    in_specs=[pl.BlockSpec((2, BLK, D), lambda i: (0, i, 0)),
              pl.BlockSpec((2, BLK, SL), lambda i: (0, i, 0)),
              _deg_spec, _w_spec],
    out_specs=_row_spec,
    out_shape=jax.ShapeDtypeStruct((NP, D), jnp.float32),
)


def _tc_e(p3_ref, degs_ref, b2_ref, o_ref):
    din = degs_ref[1, 0] + degs_ref[1, 1]
    n = lax.rsqrt(jnp.maximum(din[:, 0:1], 1.0))
    o_ref[...] = jnp.maximum((p3_ref[0] + p3_ref[1]) * n + b2_ref[...], 0.0)


_tc_call_e = pl.pallas_call(
    _tc_e,
    grid=(NB,),
    in_specs=[pl.BlockSpec((2, BLK, D), lambda i: (0, i, 0)),
              _deg_spec, _vec_spec],
    out_specs=_row_spec,
    out_shape=jax.ShapeDtypeStruct((N, D), jnp.float32),
)


def kernel(x, edge_index, mask, W1, b1, Wl, a, W2, b2):
    f32 = jnp.float32
    src = edge_index[0]
    dst = edge_index[1]
    padn = EP - E
    fill = (N + (jnp.arange(padn, dtype=jnp.int32) % (NP - N))).astype(jnp.int32)
    src_t = jnp.concatenate([src, fill]).reshape(NTILES, NPH, CPP, CHUNK)
    dst_t = jnp.concatenate([dst, fill]).reshape(NTILES, NPH, CPP, CHUNK)
    src8_t = src_t * SL
    x_pad = jnp.concatenate([x, jnp.zeros((NP - N, D), f32)], axis=0)
    zeros1d = jnp.zeros((RPT,), f32)
    zerosrow = jnp.zeros((RPT, D), f32)
    b1r = b1.reshape(1, D)
    b2r = b2.reshape(1, D)
    maskr = mask.reshape(1, D)
    a_row = a.reshape(1, D)

    ones128 = jnp.ones((CHUNK,), f32)
    d2_flat = _deg2_call(src_t, dst_t, zeros1d, ones128)
    degs = jnp.broadcast_to(
        d2_flat.reshape(2, 2, NP).transpose(1, 0, 2)[:, :, :, None],
        (2, 2, NP, SL))
    y1 = _tc_call_a0(x_pad, W1)
    t1 = _tc_call_a1(y1, degs)
    p1 = _seg_call(t1, src_t, dst_t, zerosrow)
    h2, e16, m = _tc_call_b(p1, degs, b1r, maskr, Wl, a_row)
    t2, w16 = _tc_call_c(h2, e16, m)
    p2, den_flat = _segden_call(t2, w16.reshape(NP * SL), src_t, dst_t,
                                src8_t, zerosrow, zeros1d)
    den = jnp.broadcast_to(den_flat.reshape(2, NP, 1), (2, NP, SL))
    t3 = _tc_call_d(p2, den, degs, W2)
    p3 = _seg_call(t3, src_t, dst_t, zerosrow)
    return _tc_call_e(p3, degs, b2r)

# --- scband reference (transcript-rebuilt; emitter-appended) ---
"""Pipeline reference for scband-biclique-gcn-50431505989725 (READ-ONLY COPY).

The authoritative reference and input builder live on the scoring server;
editing this copy changes nothing except your own understanding.
"""

import jax, jax.numpy as jnp
import numpy as np

N = 10000
E = 320000
D = 128


def setup_inputs(seed: int = 0) -> dict:
    key = jax.random.key(seed)
    ks = jax.random.split(key, 8)
    x = jax.random.normal(ks[0], (N, D), dtype=jnp.float32)
    edge_index = jax.random.randint(ks[1], (2, E), 0, N, dtype=jnp.int32)
    mask = jnp.ones((D,), dtype=jnp.float32)
    W1 = jax.random.normal(ks[2], (D, D), dtype=jnp.float32) * 0.08
    b1 = jnp.zeros((D,), dtype=jnp.float32)
    Wl = jax.random.normal(ks[3], (D, D), dtype=jnp.float32) * 0.08
    a = jax.random.normal(ks[4], (D, 1), dtype=jnp.float32) * 0.1
    W2 = jax.random.normal(ks[5], (D, D), dtype=jnp.float32) * 0.08
    b2 = jnp.zeros((D,), dtype=jnp.float32)
    return {"x": x, "edge_index": edge_index, "mask": mask,
            "W1": W1, "b1": b1, "Wl": Wl, "a": a, "W2": W2, "b2": b2}


def gcn_conv(x, src, dst, W, b):
    # DGL GraphConv with norm='both': D_out^{-1/2} on src side, aggregate, D_in^{-1/2} on dst side
    ones = jnp.ones((src.shape[0],), dtype=x.dtype)
    deg_out = jax.ops.segment_sum(ones, src, num_segments=N)
    deg_in = jax.ops.segment_sum(ones, dst, num_segments=N)
    norm_src = jax.lax.rsqrt(jnp.maximum(deg_out, 1.0))
    norm_dst = jax.lax.rsqrt(jnp.maximum(deg_in, 1.0))
    h = x * norm_src[:, None]
    h = h @ W
    agg = jax.ops.segment_sum(h[src], dst, num_segments=N)
    return agg * norm_dst[:, None] + b


def biclique_layer(x, src, dst, mask, Wl, a):
    feat_masked = x * mask[None, :]
    h = feat_masked @ Wl
    # per-node attention score, gathered to edges via src
    score_node = jnp.squeeze(h @ a, axis=-1)
    e = jax.nn.leaky_relu(score_node, negative_slope=0.01)[src]
    # edge softmax grouped by destination node
    m = jax.ops.segment_max(e, dst, num_segments=N)
    m = jnp.where(jnp.isfinite(m), m, 0.0)
    ex = jnp.exp(e - m[dst])
    s = jax.ops.segment_sum(ex, dst, num_segments=N)
    alpha = ex / jnp.maximum(s[dst], 1e-16)
    h_new = jax.ops.segment_sum(h[src] * alpha[:, None], dst, num_segments=N)
    return jax.nn.relu(h_new)


def reference(x, edge_index, mask, W1, b1, Wl, a, W2, b2):
    src = edge_index[0]
    dst = edge_index[1]
    h = jax.nn.relu(gcn_conv(x, src, dst, W1, b1))
    h = biclique_layer(h, src, dst, mask, Wl, a)
    h = jax.nn.relu(gcn_conv(h, src, dst, W2, b2))
    return h

if __name__ == "__main__":
    import jax
    _d = setup_inputs()
    print(jax.jit(kernel)(*tuple(_d.values())))

</pallas_src>

<mosaic_0001>
#map = affine_map<(d0, d1) -> (0, 0)>
#map1 = affine_map<(d0, d1) -> (0, 0, 0, 0)>
#map2 = affine_map<(d0, d1) -> (0, 0, 0)>
module attributes {stable_mosaic.version = 14 : i64} {
  func.func @_seg_body(%arg0: i32, %arg1: i32, %arg2: memref<10240x128xf32, #tpu.memory_space<hbm>>, %arg3: memref<32x2x40x128xi32, #tpu.memory_space<hbm>>, %arg4: memref<32x2x40x128xi32, #tpu.memory_space<hbm>>, %arg5: memref<640x128xf32, #tpu.memory_space<hbm>>, %arg6: memref<2x10240x128xf32, #tpu.memory_space<hbm>>, %arg7: memref<40x128xi32, #tpu.memory_space<vmem>>, %arg8: memref<40x128xi32, #tpu.memory_space<vmem>>, %arg9: memref<2x128x128xf32, #tpu.memory_space<vmem>>, %arg10: memref<10240x128xf32, #tpu.memory_space<vmem_shared>>, %arg11: memref<!tpu.dma_semaphore, #tpu.memory_space<semaphore_mem>>) attributes {dimension_semantics = [#tpu.dimension_semantics<core_parallel>, #tpu.dimension_semantics<subcore_parallel>], iteration_bounds = array<i64: 2, 16>, scalar_prefetch = 0 : i64, scratch_operands = 5 : i64, tpu.core_type = #tpu.core_type<sc_vector_subcore>, window_params = [{transform_indices = #map}, {transform_indices = #map1}, {transform_indices = #map1}, {transform_indices = #map}, {transform_indices = #map2}]} {
    %mul3A = arith.constant 16 : i32
    %mul3A_0 = arith.muli %arg0, %mul3A : i32
    %add3A = arith.addi %mul3A_0, %arg1 : i32
    %mul3A_1 = arith.constant 640 : i32
    %mul3A_2 = arith.muli %arg1, %mul3A_1 : i32
    "tpu.region"() ({
      %run_scoped3A_41 = tpu.sem_alloc : memref<!tpu.dma_semaphore, #tpu.memory_space<semaphore_mem>>
      %dma_start3A_42 = arith.constant 0 : i32
      %dma_start3A_43 = tpu.memref_slice %arg10[%mul3A_2, %dma_start3A_42] : memref<10240x128xf32, #tpu.memory_space<vmem_shared>> -> memref<640x128xf32, #tpu.memory_space<vmem_shared>>
      tpu.enqueue_dma source(%arg5 : memref<640x128xf32, #tpu.memory_space<hbm>>) target(%dma_start3A_43 : memref<640x128xf32, #tpu.memory_space<vmem_shared>>) target_semaphore(%run_scoped3A_41 : memref<!tpu.dma_semaphore, #tpu.memory_space<semaphore_mem>>)
      %dma_wait3A = arith.constant 0 : i32
      %dma_wait3A_44 = tpu.memref_slice %arg10[%mul3A_2, %dma_wait3A] : memref<10240x128xf32, #tpu.memory_space<vmem_shared>> -> memref<640x128xf32, #tpu.memory_space<vmem_shared>>
      tpu.wait_dma2 semaphore(%run_scoped3A_41 : memref<!tpu.dma_semaphore, #tpu.memory_space<semaphore_mem>>) src(%arg5 : memref<640x128xf32, #tpu.memory_space<hbm>>) dst(%dma_wait3A_44 : memref<640x128xf32, #tpu.memory_space<vmem_shared>>)
      tpu.yield
    }) : () -> ()
    %barrier3A = arith.constant 0 : index
    tpu.barrier barrier_id(%barrier3A)
    %run_scoped3A = arith.constant 0 : i32
    "tpu.region"() ({
      %run_scoped3A_41 = tpu.sem_alloc : memref<!tpu.dma_semaphore, #tpu.memory_space<semaphore_mem>>
      %dma_start3A_42 = arith.constant 0 : i32
      %dma_start3A_43 = arith.constant 0 : i32
      %dma_start3A_44 = tpu.memref_slice %arg3[%add3A, %run_scoped3A, %dma_start3A_42, %dma_start3A_43] : memref<32x2x40x128xi32, #tpu.memory_space<hbm>> -> memref<1x1x40x128xi32, #tpu.memory_space<hbm>>
      %dma_start3A_45 = tpu.memref_squeeze %dma_start3A_44 : memref<1x1x40x128xi32, #tpu.memory_space<hbm>> -> memref<40x128xi32, #tpu.memory_space<hbm>>
      %dma_start3A_46 = arith.constant 0 : i32
      %dma_start3A_47 = arith.constant 0 : i32
      %dma_start3A_48 = tpu.memref_slice %arg3[%add3A, %run_scoped3A, %dma_start3A_46, %dma_start3A_47] : memref<32x2x40x128xi32, #tpu.memory_space<hbm>> -> memref<1x1x40x128xi32, #tpu.memory_space<hbm>>
      %dma_start3A_49 = tpu.memref_squeeze %dma_start3A_48 : memref<1x1x40x128xi32, #tpu.memory_space<hbm>> -> memref<40x128xi32, #tpu.memory_space<hbm>>
      tpu.enqueue_dma source(%dma_start3A_49 : memref<40x128xi32, #tpu.memory_space<hbm>>) target(%arg7 : memref<40x128xi32, #tpu.memory_space<vmem>>) target_semaphore(%run_scoped3A_41 : memref<!tpu.dma_semaphore, #tpu.memory_space<semaphore_mem>>)
      %dma_wait3A = arith.constant 0 : i32
      %dma_wait3A_50 = arith.constant 0 : i32
      %dma_wait3A_51 = tpu.memref_slice %arg3[%add3A, %run_scoped3A, %dma_wait3A, %dma_wait3A_50] : memref<32x2x40x128xi32, #tpu.memory_space<hbm>> -> memref<1x1x40x128xi32, #tpu.memory_space<hbm>>
      %dma_wait3A_52 = tpu.memref_squeeze %dma_wait3A_51 : memref<1x1x40x128xi32, #tpu.memory_space<hbm>> -> memref<40x128xi32, #tpu.memory_space<hbm>>
      %dma_wait3A_53 = arith.constant 0 : i32
      %dma_wait3A_54 = arith.constant 0 : i32
      %dma_wait3A_55 = tpu.memref_slice %arg3[%add3A, %run_scoped3A, %dma_wait3A_53, %dma_wait3A_54] : memref<32x2x40x128xi32, #tpu.memory_space<hbm>> -> memref<1x1x40x128xi32, #tpu.memory_space<hbm>>
      %dma_wait3A_56 = tpu.memref_squeeze %dma_wait3A_55 : memref<1x1x40x128xi32, #tpu.memory_space<hbm>> -> memref<40x128xi32, #tpu.memory_space<hbm>>
      tpu.wait_dma2 semaphore(%run_scoped3A_41 : memref<!tpu.dma_semaphore, #tpu.memory_space<semaphore_mem>>) src(%dma_wait3A_56 : memref<40x128xi32, #tpu.memory_space<hbm>>) dst(%arg7 : memref<40x128xi32, #tpu.memory_space<vmem>>)
      tpu.yield
    }) : () -> ()
    %run_scoped3A_3 = arith.constant 0 : i32
    "tpu.region"() ({
      %run_scoped3A_41 = tpu.sem_alloc : memref<!tpu.dma_semaphore, #tpu.memory_space<semaphore_mem>>
      %dma_start3A_42 = arith.constant 0 : i32
      %dma_start3A_43 = arith.constant 0 : i32
      %dma_start3A_44 = tpu.memref_slice %arg4[%add3A, %run_scoped3A_3, %dma_start3A_42, %dma_start3A_43] : memref<32x2x40x128xi32, #tpu.memory_space<hbm>> -> memref<1x1x40x128xi32, #tpu.memory_space<hbm>>
      %dma_start3A_45 = tpu.memref_squeeze %dma_start3A_44 : memref<1x1x40x128xi32, #tpu.memory_space<hbm>> -> memref<40x128xi32, #tpu.memory_space<hbm>>
      %dma_start3A_46 = arith.constant 0 : i32
      %dma_start3A_47 = arith.constant 0 : i32
      %dma_start3A_48 = tpu.memref_slice %arg4[%add3A, %run_scoped3A_3, %dma_start3A_46, %dma_start3A_47] : memref<32x2x40x128xi32, #tpu.memory_space<hbm>> -> memref<1x1x40x128xi32, #tpu.memory_space<hbm>>
      %dma_start3A_49 = tpu.memref_squeeze %dma_start3A_48 : memref<1x1x40x128xi32, #tpu.memory_space<hbm>> -> memref<40x128xi32, #tpu.memory_space<hbm>>
      tpu.enqueue_dma source(%dma_start3A_49 : memref<40x128xi32, #tpu.memory_space<hbm>>) target(%arg8 : memref<40x128xi32, #tpu.memory_space<vmem>>) target_semaphore(%run_scoped3A_41 : memref<!tpu.dma_semaphore, #tpu.memory_space<semaphore_mem>>)
      %dma_wait3A = arith.constant 0 : i32
      %dma_wait3A_50 = arith.constant 0 : i32
      %dma_wait3A_51 = tpu.memref_slice %arg4[%add3A, %run_scoped3A_3, %dma_wait3A, %dma_wait3A_50] : memref<32x2x40x128xi32, #tpu.memory_space<hbm>> -> memref<1x1x40x128xi32, #tpu.memory_space<hbm>>
      %dma_wait3A_52 = tpu.memref_squeeze %dma_wait3A_51 : memref<1x1x40x128xi32, #tpu.memory_space<hbm>> -> memref<40x128xi32, #tpu.memory_space<hbm>>
      %dma_wait3A_53 = arith.constant 0 : i32
      %dma_wait3A_54 = arith.constant 0 : i32
      %dma_wait3A_55 = tpu.memref_slice %arg4[%add3A, %run_scoped3A_3, %dma_wait3A_53, %dma_wait3A_54] : memref<32x2x40x128xi32, #tpu.memory_space<hbm>> -> memref<1x1x40x128xi32, #tpu.memory_space<hbm>>
      %dma_wait3A_56 = tpu.memref_squeeze %dma_wait3A_55 : memref<1x1x40x128xi32, #tpu.memory_space<hbm>> -> memref<40x128xi32, #tpu.memory_space<hbm>>
      tpu.wait_dma2 semaphore(%run_scoped3A_41 : memref<!tpu.dma_semaphore, #tpu.memory_space<semaphore_mem>>) src(%dma_wait3A_56 : memref<40x128xi32, #tpu.memory_space<hbm>>) dst(%arg8 : memref<40x128xi32, #tpu.memory_space<vmem>>)
      tpu.yield
    }) : () -> ()
    %dma_start3A = arith.constant 0 : i32
    %dma_start3A_4 = arith.constant 0 : i32
    %dma_start3A_5 = arith.constant 0 : i32
    %dma_start3A_6 = arith.constant 0 : i32
    %dma_start3A_7 = tpu.memref_slice %arg9[%dma_start3A_4, %dma_start3A_5, %dma_start3A_6] : memref<2x128x128xf32, #tpu.memory_space<vmem>> -> memref<1x128x128xf32, #tpu.memory_space<vmem>>
    %dma_start3A_8 = tpu.memref_squeeze %dma_start3A_7 : memref<1x128x128xf32, #tpu.memory_space<vmem>> -> memref<128x128xf32, #tpu.memory_space<vmem>>
    %dma_start3A_9 = arith.constant 0 : i32
    %dma_start3A_10 = tpu.memref_slice %arg7[%dma_start3A, %dma_start3A_9] : memref<40x128xi32, #tpu.memory_space<vmem>> -> memref<1x128xi32, #tpu.memory_space<vmem>>
    %dma_start3A_11 = tpu.memref_squeeze %dma_start3A_10 : memref<1x128xi32, #tpu.memory_space<vmem>> -> memref<128xi32, #tpu.memory_space<vmem>>
    %dma_start3A_12 = arith.constant 0 : i32
    %dma_start3A_13 = arith.constant 0 : i32
    %dma_start3A_14 = tpu.memref_slice %arg2[%dma_start3A_12, %dma_start3A_13] : memref<10240x128xf32, #tpu.memory_space<hbm>> -> memref<10240x128xf32, #tpu.memory_space<hbm>>
    tpu.enqueue_indirect_dma source(%dma_start3A_14 : memref<10240x128xf32, #tpu.memory_space<hbm>>) target(%dma_start3A_8 : memref<128x128xf32, #tpu.memory_space<vmem>>) offsets(%dma_start3A_11 : memref<128xi32, #tpu.memory_space<vmem>>) semaphore(%arg11 : memref<!tpu.dma_semaphore, #tpu.memory_space<semaphore_mem>>)
    %scan3A = arith.constant 0 : i32
    %scan3A_15 = arith.constant 0 : i32
    %scan3A_16 = arith.constant 40 : i32
    %scan3A_17 = arith.addi %scan3A_15, %scan3A_16 : i32
    %scan3A_18 = arith.constant 1 : i32
    scf.for %scan3A_41 = %scan3A_15 to %scan3A_17 step %scan3A_18  : i32 {
      %rem3A = arith.constant 2 : i32
      %rem3A_42 = arith.remsi %scan3A_41, %rem3A : i32
      %add3A_43 = arith.constant 1 : i32
      %add3A_44 = arith.addi %scan3A_41, %add3A_43 : i32
      %rem3A_45 = arith.constant 2 : i32
      %rem3A_46 = arith.remsi %add3A_44, %rem3A_45 : i32
      %add3A_47 = arith.constant 1 : i32
      %add3A_48 = arith.addi %scan3A_41, %add3A_47 : i32
      %lt3A = arith.constant 40 : i32
      %lt3A_49 = arith.cmpi slt, %add3A_48, %lt3A : i32
      %convert_element_type3A = arith.extui %lt3A_49 : i1 to i32
      %cond3A = arith.constant 0 : i32
      %cond3A_50 = arith.cmpi ne, %convert_element_type3A, %cond3A : i32
      scf.if %cond3A_50 {
        %add3A_60 = arith.constant 1 : i32
        %add3A_61 = arith.addi %scan3A_41, %add3A_60 : i32
        %dma_start3A_62 = arith.constant 0 : i32
        %dma_start3A_63 = arith.constant 0 : i32
        %dma_start3A_64 = tpu.memref_slice %arg9[%rem3A_46, %dma_start3A_62, %dma_start3A_63] : memref<2x128x128xf32, #tpu.memory_space<vmem>> -> memref<1x128x128xf32, #tpu.memory_space<vmem>>
        %dma_start3A_65 = tpu.memref_squeeze %dma_start3A_64 : memref<1x128x128xf32, #tpu.memory_space<vmem>> -> memref<128x128xf32, #tpu.memory_space<vmem>>
        %dma_start3A_66 = arith.constant 0 : i32
        %dma_start3A_67 = tpu.memref_slice %arg7[%add3A_61, %dma_start3A_66] : memref<40x128xi32, #tpu.memory_space<vmem>> -> memref<1x128xi32, #tpu.memory_space<vmem>>
        %dma_start3A_68 = tpu.memref_squeeze %dma_start3A_67 : memref<1x128xi32, #tpu.memory_space<vmem>> -> memref<128xi32, #tpu.memory_space<vmem>>
        %dma_start3A_69 = arith.constant 0 : i32
        %dma_start3A_70 = arith.constant 0 : i32
        %dma_start3A_71 = tpu.memref_slice %arg2[%dma_start3A_69, %dma_start3A_70] : memref<10240x128xf32, #tpu.memory_space<hbm>> -> memref<10240x128xf32, #tpu.memory_space<hbm>>
        tpu.enqueue_indirect_dma source(%dma_start3A_71 : memref<10240x128xf32, #tpu.memory_space<hbm>>) target(%dma_start3A_65 : memref<128x128xf32, #tpu.memory_space<vmem>>) offsets(%dma_start3A_68 : memref<128xi32, #tpu.memory_space<vmem>>) semaphore(%arg11 : memref<!tpu.dma_semaphore, #tpu.memory_space<semaphore_mem>>)
      } else {
      }
      %dma_wait3A = arith.constant 0 : i32
      %dma_wait3A_51 = arith.constant 0 : i32
      %dma_wait3A_52 = tpu.memref_slice %arg9[%rem3A_42, %dma_wait3A, %dma_wait3A_51] : memref<2x128x128xf32, #tpu.memory_space<vmem>> -> memref<1x128x128xf32, #tpu.memory_space<vmem>>
      %dma_wait3A_53 = tpu.memref_squeeze %dma_wait3A_52 : memref<1x128x128xf32, #tpu.memory_space<vmem>> -> memref<128x128xf32, #tpu.memory_space<vmem>>
      %dma_wait3A_54 = arith.constant 0 : i32
      %dma_wait3A_55 = tpu.memref_slice %arg7[%scan3A_41, %dma_wait3A_54] : memref<40x128xi32, #tpu.memory_space<vmem>> -> memref<1x128xi32, #tpu.memory_space<vmem>>
      %dma_wait3A_56 = tpu.memref_squeeze %dma_wait3A_55 : memref<1x128xi32, #tpu.memory_space<vmem>> -> memref<128xi32, #tpu.memory_space<vmem>>
      %dma_wait3A_57 = arith.constant 0 : i32
      %dma_wait3A_58 = arith.constant 0 : i32
      %dma_wait3A_59 = tpu.memref_slice %arg2[%dma_wait3A_57, %dma_wait3A_58] : memref<10240x128xf32, #tpu.memory_space<hbm>> -> memref<10240x128xf32, #tpu.memory_space<hbm>>
      tpu.wait_indirect_dma semaphore(%arg11 : memref<!tpu.dma_semaphore, #tpu.memory_space<semaphore_mem>>) src(%dma_wait3A_59 : memref<10240x128xf32, #tpu.memory_space<hbm>>) dst(%dma_wait3A_53 : memref<128x128xf32, #tpu.memory_space<vmem>>)
      "tpu.region"() ({
        %run_scoped3A_60 = tpu.sem_alloc : memref<!tpu.dma_semaphore, #tpu.memory_space<semaphore_mem>>
        %dma_start3A_61 = arith.constant 0 : i32
        %dma_start3A_62 = arith.constant 0 : i32
        %dma_start3A_63 = tpu.memref_slice %arg9[%rem3A_42, %dma_start3A_61, %dma_start3A_62] : memref<2x128x128xf32, #tpu.memory_space<vmem>> -> memref<1x128x128xf32, #tpu.memory_space<vmem>>
        %dma_start3A_64 = tpu.memref_squeeze %dma_start3A_63 : memref<1x128x128xf32, #tpu.memory_space<vmem>> -> memref<128x128xf32, #tpu.memory_space<vmem>>
        %dma_start3A_65 = arith.constant 0 : i32
        %dma_start3A_66 = tpu.memref_slice %arg8[%scan3A_41, %dma_start3A_65] : memref<40x128xi32, #tpu.memory_space<vmem>> -> memref<1x128xi32, #tpu.memory_space<vmem>>
        %dma_start3A_67 = tpu.memref_squeeze %dma_start3A_66 : memref<1x128xi32, #tpu.memory_space<vmem>> -> memref<128xi32, #tpu.memory_space<vmem>>
        %dma_start3A_68 = arith.constant 0 : i32
        %dma_start3A_69 = arith.constant 0 : i32
        %dma_start3A_70 = tpu.memref_slice %arg10[%dma_start3A_68, %dma_start3A_69] : memref<10240x128xf32, #tpu.memory_space<vmem_shared>> -> memref<10240x128xf32, #tpu.memory_space<vmem_shared>>
        tpu.enqueue_indirect_dma source(%dma_start3A_64 : memref<128x128xf32, #tpu.memory_space<vmem>>) target(%dma_start3A_70 : memref<10240x128xf32, #tpu.memory_space<vmem_shared>>) offsets(%dma_start3A_67 : memref<128xi32, #tpu.memory_space<vmem>>) semaphore(%run_scoped3A_60 : memref<!tpu.dma_semaphore, #tpu.memory_space<semaphore_mem>>) {add = true}
        %dma_wait3A_71 = arith.constant 0 : i32
        %dma_wait3A_72 = arith.constant 0 : i32
        %dma_wait3A_73 = tpu.memref_slice %arg9[%rem3A_42, %dma_wait3A_71, %dma_wait3A_72] : memref<2x128x128xf32, #tpu.memory_space<vmem>> -> memref<1x128x128xf32, #tpu.memory_space<vmem>>
        %dma_wait3A_74 = tpu.memref_squeeze %dma_wait3A_73 : memref<1x128x128xf32, #tpu.memory_space<vmem>> -> memref<128x128xf32, #tpu.memory_space<vmem>>
        %dma_wait3A_75 = arith.constant 0 : i32
        %dma_wait3A_76 = tpu.memref_slice %arg8[%scan3A_41, %dma_wait3A_75] : memref<40x128xi32, #tpu.memory_space<vmem>> -> memref<1x128xi32, #tpu.memory_space<vmem>>
        %dma_wait3A_77 = tpu.memref_squeeze %dma_wait3A_76 : memref<1x128xi32, #tpu.memory_space<vmem>> -> memref<128xi32, #tpu.memory_space<vmem>>
        %dma_wait3A_78 = arith.constant 0 : i32
        %dma_wait3A_79 = arith.constant 0 : i32
        %dma_wait3A_80 = tpu.memref_slice %arg10[%dma_wait3A_78, %dma_wait3A_79] : memref<10240x128xf32, #tpu.memory_space<vmem_shared>> -> memref<10240x128xf32, #tpu.memory_space<vmem_shared>>
        tpu.wait_indirect_dma semaphore(%run_scoped3A_60 : memref<!tpu.dma_semaphore, #tpu.memory_space<semaphore_mem>>) src(%dma_wait3A_74 : memref<128x128xf32, #tpu.memory_space<vmem>>) dst(%dma_wait3A_80 : memref<10240x128xf32, #tpu.memory_space<vmem_shared>>)
        tpu.yield
      }) : () -> ()
    }
    %scan3A_19 = arith.constant 40 : i32
    %run_scoped3A_20 = arith.constant 1 : i32
    "tpu.region"() ({
      %run_scoped3A_41 = tpu.sem_alloc : memref<!tpu.dma_semaphore, #tpu.memory_space<semaphore_mem>>
      %dma_start3A_42 = arith.constant 0 : i32
      %dma_start3A_43 = arith.constant 0 : i32
      %dma_start3A_44 = tpu.memref_slice %arg3[%add3A, %run_scoped3A_20, %dma_start3A_42, %dma_start3A_43] : memref<32x2x40x128xi32, #tpu.memory_space<hbm>> -> memref<1x1x40x128xi32, #tpu.memory_space<hbm>>
      %dma_start3A_45 = tpu.memref_squeeze %dma_start3A_44 : memref<1x1x40x128xi32, #tpu.memory_space<hbm>> -> memref<40x128xi32, #tpu.memory_space<hbm>>
      %dma_start3A_46 = arith.constant 0 : i32
      %dma_start3A_47 = arith.constant 0 : i32
      %dma_start3A_48 = tpu.memref_slice %arg3[%add3A, %run_scoped3A_20, %dma_start3A_46, %dma_start3A_47] : memref<32x2x40x128xi32, #tpu.memory_space<hbm>> -> memref<1x1x40x128xi32, #tpu.memory_space<hbm>>
      %dma_start3A_49 = tpu.memref_squeeze %dma_start3A_48 : memref<1x1x40x128xi32, #tpu.memory_space<hbm>> -> memref<40x128xi32, #tpu.memory_space<hbm>>
      tpu.enqueue_dma source(%dma_start3A_49 : memref<40x128xi32, #tpu.memory_space<hbm>>) target(%arg7 : memref<40x128xi32, #tpu.memory_space<vmem>>) target_semaphore(%run_scoped3A_41 : memref<!tpu.dma_semaphore, #tpu.memory_space<semaphore_mem>>)
      %dma_wait3A = arith.constant 0 : i32
      %dma_wait3A_50 = arith.constant 0 : i32
      %dma_wait3A_51 = tpu.memref_slice %arg3[%add3A, %run_scoped3A_20, %dma_wait3A, %dma_wait3A_50] : memref<32x2x40x128xi32, #tpu.memory_space<hbm>> -> memref<1x1x40x128xi32, #tpu.memory_space<hbm>>
      %dma_wait3A_52 = tpu.memref_squeeze %dma_wait3A_51 : memref<1x1x40x128xi32, #tpu.memory_space<hbm>> -> memref<40x128xi32, #tpu.memory_space<hbm>>
      %dma_wait3A_53 = arith.constant 0 : i32
      %dma_wait3A_54 = arith.constant 0 : i32
      %dma_wait3A_55 = tpu.memref_slice %arg3[%add3A, %run_scoped3A_20, %dma_wait3A_53, %dma_wait3A_54] : memref<32x2x40x128xi32, #tpu.memory_space<hbm>> -> memref<1x1x40x128xi32, #tpu.memory_space<hbm>>
      %dma_wait3A_56 = tpu.memref_squeeze %dma_wait3A_55 : memref<1x1x40x128xi32, #tpu.memory_space<hbm>> -> memref<40x128xi32, #tpu.memory_space<hbm>>
      tpu.wait_dma2 semaphore(%run_scoped3A_41 : memref<!tpu.dma_semaphore, #tpu.memory_space<semaphore_mem>>) src(%dma_wait3A_56 : memref<40x128xi32, #tpu.memory_space<hbm>>) dst(%arg7 : memref<40x128xi32, #tpu.memory_space<vmem>>)
      tpu.yield
    }) : () -> ()
    %run_scoped3A_21 = arith.constant 1 : i32
    "tpu.region"() ({
      %run_scoped3A_41 = tpu.sem_alloc : memref<!tpu.dma_semaphore, #tpu.memory_space<semaphore_mem>>
      %dma_start3A_42 = arith.constant 0 : i32
      %dma_start3A_43 = arith.constant 0 : i32
      %dma_start3A_44 = tpu.memref_slice %arg4[%add3A, %run_scoped3A_21, %dma_start3A_42, %dma_start3A_43] : memref<32x2x40x128xi32, #tpu.memory_space<hbm>> -> memref<1x1x40x128xi32, #tpu.memory_space<hbm>>
      %dma_start3A_45 = tpu.memref_squeeze %dma_start3A_44 : memref<1x1x40x128xi32, #tpu.memory_space<hbm>> -> memref<40x128xi32, #tpu.memory_space<hbm>>
      %dma_start3A_46 = arith.constant 0 : i32
      %dma_start3A_47 = arith.constant 0 : i32
      %dma_start3A_48 = tpu.memref_slice %arg4[%add3A, %run_scoped3A_21, %dma_start3A_46, %dma_start3A_47] : memref<32x2x40x128xi32, #tpu.memory_space<hbm>> -> memref<1x1x40x128xi32, #tpu.memory_space<hbm>>
      %dma_start3A_49 = tpu.memref_squeeze %dma_start3A_48 : memref<1x1x40x128xi32, #tpu.memory_space<hbm>> -> memref<40x128xi32, #tpu.memory_space<hbm>>
      tpu.enqueue_dma source(%dma_start3A_49 : memref<40x128xi32, #tpu.memory_space<hbm>>) target(%arg8 : memref<40x128xi32, #tpu.memory_space<vmem>>) target_semaphore(%run_scoped3A_41 : memref<!tpu.dma_semaphore, #tpu.memory_space<semaphore_mem>>)
      %dma_wait3A = arith.constant 0 : i32
      %dma_wait3A_50 = arith.constant 0 : i32
      %dma_wait3A_51 = tpu.memref_slice %arg4[%add3A, %run_scoped3A_21, %dma_wait3A, %dma_wait3A_50] : memref<32x2x40x128xi32, #tpu.memory_space<hbm>> -> memref<1x1x40x128xi32, #tpu.memory_space<hbm>>
      %dma_wait3A_52 = tpu.memref_squeeze %dma_wait3A_51 : memref<1x1x40x128xi32, #tpu.memory_space<hbm>> -> memref<40x128xi32, #tpu.memory_space<hbm>>
      %dma_wait3A_53 = arith.constant 0 : i32
      %dma_wait3A_54 = arith.constant 0 : i32
      %dma_wait3A_55 = tpu.memref_slice %arg4[%add3A, %run_scoped3A_21, %dma_wait3A_53, %dma_wait3A_54] : memref<32x2x40x128xi32, #tpu.memory_space<hbm>> -> memref<1x1x40x128xi32, #tpu.memory_space<hbm>>
      %dma_wait3A_56 = tpu.memref_squeeze %dma_wait3A_55 : memref<1x1x40x128xi32, #tpu.memory_space<hbm>> -> memref<40x128xi32, #tpu.memory_space<hbm>>
      tpu.wait_dma2 semaphore(%run_scoped3A_41 : memref<!tpu.dma_semaphore, #tpu.memory_space<semaphore_mem>>) src(%dma_wait3A_56 : memref<40x128xi32, #tpu.memory_space<hbm>>) dst(%arg8 : memref<40x128xi32, #tpu.memory_space<vmem>>)
      tpu.yield
    }) : () -> ()
    %dma_start3A_22 = arith.constant 0 : i32
    %dma_start3A_23 = arith.constant 0 : i32
    %dma_start3A_24 = arith.constant 0 : i32
    %dma_start3A_25 = arith.constant 0 : i32
    %dma_start3A_26 = tpu.memref_slice %arg9[%dma_start3A_23, %dma_start3A_24, %dma_start3A_25] : memref<2x128x128xf32, #tpu.memory_space<vmem>> -> memref<1x128x128xf32, #tpu.memory_space<vmem>>
    %dma_start3A_27 = tpu.memref_squeeze %dma_start3A_26 : memref<1x128x128xf32, #tpu.memory_space<vmem>> -> memref<128x128xf32, #tpu.memory_space<vmem>>
    %dma_start3A_28 = arith.constant 0 : i32
    %dma_start3A_29 = tpu.memref_slice %arg7[%dma_start3A_22, %dma_start3A_28] : memref<40x128xi32, #tpu.memory_space<vmem>> -> memref<1x128xi32, #tpu.memory_space<vmem>>
    %dma_start3A_30 = tpu.memref_squeeze %dma_start3A_29 : memref<1x128xi32, #tpu.memory_space<vmem>> -> memref<128xi32, #tpu.memory_space<vmem>>
    %dma_start3A_31 = arith.constant 0 : i32
    %dma_start3A_32 = arith.constant 0 : i32
    %dma_start3A_33 = tpu.memref_slice %arg2[%dma_start3A_31, %dma_start3A_32] : memref<10240x128xf32, #tpu.memory_space<hbm>> -> memref<10240x128xf32, #tpu.memory_space<hbm>>
    tpu.enqueue_indirect_dma source(%dma_start3A_33 : memref<10240x128xf32, #tpu.memory_space<hbm>>) target(%dma_start3A_27 : memref<128x128xf32, #tpu.memory_space<vmem>>) offsets(%dma_start3A_30 : memref<128xi32, #tpu.memory_space<vmem>>) semaphore(%arg11 : memref<!tpu.dma_semaphore, #tpu.memory_space<semaphore_mem>>)
    %scan3A_34 = arith.constant 0 : i32
    %scan3A_35 = arith.constant 0 : i32
    %scan3A_36 = arith.constant 40 : i32
    %scan3A_37 = arith.addi %scan3A_35, %scan3A_36 : i32
    %scan3A_38 = arith.constant 1 : i32
    scf.for %scan3A_41 = %scan3A_35 to %scan3A_37 step %scan3A_38  : i32 {
      %rem3A = arith.constant 2 : i32
      %rem3A_42 = arith.remsi %scan3A_41, %rem3A : i32
      %add3A_43 = arith.constant 1 : i32
      %add3A_44 = arith.addi %scan3A_41, %add3A_43 : i32
      %rem3A_45 = arith.constant 2 : i32
      %rem3A_46 = arith.remsi %add3A_44, %rem3A_45 : i32
      %add3A_47 = arith.constant 1 : i32
      %add3A_48 = arith.addi %scan3A_41, %add3A_47 : i32
      %lt3A = arith.constant 40 : i32
      %lt3A_49 = arith.cmpi slt, %add3A_48, %lt3A : i32
      %convert_element_type3A = arith.extui %lt3A_49 : i1 to i32
      %cond3A = arith.constant 0 : i32
      %cond3A_50 = arith.cmpi ne, %convert_element_type3A, %cond3A : i32
      scf.if %cond3A_50 {
        %add3A_60 = arith.constant 1 : i32
        %add3A_61 = arith.addi %scan3A_41, %add3A_60 : i32
        %dma_start3A_62 = arith.constant 0 : i32
        %dma_start3A_63 = arith.constant 0 : i32
        %dma_start3A_64 = tpu.memref_slice %arg9[%rem3A_46, %dma_start3A_62, %dma_start3A_63] : memref<2x128x128xf32, #tpu.memory_space<vmem>> -> memref<1x128x128xf32, #tpu.memory_space<vmem>>
        %dma_start3A_65 = tpu.memref_squeeze %dma_start3A_64 : memref<1x128x128xf32, #tpu.memory_space<vmem>> -> memref<128x128xf32, #tpu.memory_space<vmem>>
        %dma_start3A_66 = arith.constant 0 : i32
        %dma_start3A_67 = tpu.memref_slice %arg7[%add3A_61, %dma_start3A_66] : memref<40x128xi32, #tpu.memory_space<vmem>> -> memref<1x128xi32, #tpu.memory_space<vmem>>
        %dma_start3A_68 = tpu.memref_squeeze %dma_start3A_67 : memref<1x128xi32, #tpu.memory_space<vmem>> -> memref<128xi32, #tpu.memory_space<vmem>>
        %dma_start3A_69 = arith.constant 0 : i32
        %dma_start3A_70 = arith.constant 0 : i32
        %dma_start3A_71 = tpu.memref_slice %arg2[%dma_start3A_69, %dma_start3A_70] : memref<10240x128xf32, #tpu.memory_space<hbm>> -> memref<10240x128xf32, #tpu.memory_space<hbm>>
        tpu.enqueue_indirect_dma source(%dma_start3A_71 : memref<10240x128xf32, #tpu.memory_space<hbm>>) target(%dma_start3A_65 : memref<128x128xf32, #tpu.memory_space<vmem>>) offsets(%dma_start3A_68 : memref<128xi32, #tpu.memory_space<vmem>>) semaphore(%arg11 : memref<!tpu.dma_semaphore, #tpu.memory_space<semaphore_mem>>)
      } else {
      }
      %dma_wait3A = arith.constant 0 : i32
      %dma_wait3A_51 = arith.constant 0 : i32
      %dma_wait3A_52 = tpu.memref_slice %arg9[%rem3A_42, %dma_wait3A, %dma_wait3A_51] : memref<2x128x128xf32, #tpu.memory_space<vmem>> -> memref<1x128x128xf32, #tpu.memory_space<vmem>>
      %dma_wait3A_53 = tpu.memref_squeeze %dma_wait3A_52 : memref<1x128x128xf32, #tpu.memory_space<vmem>> -> memref<128x128xf32, #tpu.memory_space<vmem>>
      %dma_wait3A_54 = arith.constant 0 : i32
      %dma_wait3A_55 = tpu.memref_slice %arg7[%scan3A_41, %dma_wait3A_54] : memref<40x128xi32, #tpu.memory_space<vmem>> -> memref<1x128xi32, #tpu.memory_space<vmem>>
      %dma_wait3A_56 = tpu.memref_squeeze %dma_wait3A_55 : memref<1x128xi32, #tpu.memory_space<vmem>> -> memref<128xi32, #tpu.memory_space<vmem>>
      %dma_wait3A_57 = arith.constant 0 : i32
      %dma_wait3A_58 = arith.constant 0 : i32
      %dma_wait3A_59 = tpu.memref_slice %arg2[%dma_wait3A_57, %dma_wait3A_58] : memref<10240x128xf32, #tpu.memory_space<hbm>> -> memref<10240x128xf32, #tpu.memory_space<hbm>>
      tpu.wait_indirect_dma semaphore(%arg11 : memref<!tpu.dma_semaphore, #tpu.memory_space<semaphore_mem>>) src(%dma_wait3A_59 : memref<10240x128xf32, #tpu.memory_space<hbm>>) dst(%dma_wait3A_53 : memref<128x128xf32, #tpu.memory_space<vmem>>)
      "tpu.region"() ({
        %run_scoped3A_60 = tpu.sem_alloc : memref<!tpu.dma_semaphore, #tpu.memory_space<semaphore_mem>>
        %dma_start3A_61 = arith.constant 0 : i32
        %dma_start3A_62 = arith.constant 0 : i32
        %dma_start3A_63 = tpu.memref_slice %arg9[%rem3A_42, %dma_start3A_61, %dma_start3A_62] : memref<2x128x128xf32, #tpu.memory_space<vmem>> -> memref<1x128x128xf32, #tpu.memory_space<vmem>>
        %dma_start3A_64 = tpu.memref_squeeze %dma_start3A_63 : memref<1x128x128xf32, #tpu.memory_space<vmem>> -> memref<128x128xf32, #tpu.memory_space<vmem>>
        %dma_start3A_65 = arith.constant 0 : i32
        %dma_start3A_66 = tpu.memref_slice %arg8[%scan3A_41, %dma_start3A_65] : memref<40x128xi32, #tpu.memory_space<vmem>> -> memref<1x128xi32, #tpu.memory_space<vmem>>
        %dma_start3A_67 = tpu.memref_squeeze %dma_start3A_66 : memref<1x128xi32, #tpu.memory_space<vmem>> -> memref<128xi32, #tpu.memory_space<vmem>>
        %dma_start3A_68 = arith.constant 0 : i32
        %dma_start3A_69 = arith.constant 0 : i32
        %dma_start3A_70 = tpu.memref_slice %arg10[%dma_start3A_68, %dma_start3A_69] : memref<10240x128xf32, #tpu.memory_space<vmem_shared>> -> memref<10240x128xf32, #tpu.memory_space<vmem_shared>>
        tpu.enqueue_indirect_dma source(%dma_start3A_64 : memref<128x128xf32, #tpu.memory_space<vmem>>) target(%dma_start3A_70 : memref<10240x128xf32, #tpu.memory_space<vmem_shared>>) offsets(%dma_start3A_67 : memref<128xi32, #tpu.memory_space<vmem>>) semaphore(%run_scoped3A_60 : memref<!tpu.dma_semaphore, #tpu.memory_space<semaphore_mem>>) {add = true}
        %dma_wait3A_71 = arith.constant 0 : i32
        %dma_wait3A_72 = arith.constant 0 : i32
        %dma_wait3A_73 = tpu.memref_slice %arg9[%rem3A_42, %dma_wait3A_71, %dma_wait3A_72] : memref<2x128x128xf32, #tpu.memory_space<vmem>> -> memref<1x128x128xf32, #tpu.memory_space<vmem>>
        %dma_wait3A_74 = tpu.memref_squeeze %dma_wait3A_73 : memref<1x128x128xf32, #tpu.memory_space<vmem>> -> memref<128x128xf32, #tpu.memory_space<vmem>>
        %dma_wait3A_75 = arith.constant 0 : i32
        %dma_wait3A_76 = tpu.memref_slice %arg8[%scan3A_41, %dma_wait3A_75] : memref<40x128xi32, #tpu.memory_space<vmem>> -> memref<1x128xi32, #tpu.memory_space<vmem>>
        %dma_wait3A_77 = tpu.memref_squeeze %dma_wait3A_76 : memref<1x128xi32, #tpu.memory_space<vmem>> -> memref<128xi32, #tpu.memory_space<vmem>>
        %dma_wait3A_78 = arith.constant 0 : i32
        %dma_wait3A_79 = arith.constant 0 : i32
        %dma_wait3A_80 = tpu.memref_slice %arg10[%dma_wait3A_78, %dma_wait3A_79] : memref<10240x128xf32, #tpu.memory_space<vmem_shared>> -> memref<10240x128xf32, #tpu.memory_space<vmem_shared>>
        tpu.wait_indirect_dma semaphore(%run_scoped3A_60 : memref<!tpu.dma_semaphore, #tpu.memory_space<semaphore_mem>>) src(%dma_wait3A_74 : memref<128x128xf32, #tpu.memory_space<vmem>>) dst(%dma_wait3A_80 : memref<10240x128xf32, #tpu.memory_space<vmem_shared>>)
        tpu.yield
      }) : () -> ()
    }
    %scan3A_39 = arith.constant 40 : i32
    %barrier3A_40 = arith.constant 0 : index
    tpu.barrier barrier_id(%barrier3A_40)
    "tpu.region"() ({
      %run_scoped3A_41 = tpu.sem_alloc : memref<!tpu.dma_semaphore, #tpu.memory_space<semaphore_mem>>
      %dma_start3A_42 = arith.constant 0 : i32
      %dma_start3A_43 = tpu.memref_slice %arg6[%arg0, %mul3A_2, %dma_start3A_42] : memref<2x10240x128xf32, #tpu.memory_space<hbm>> -> memref<1x640x128xf32, #tpu.memory_space<hbm>>
      %dma_start3A_44 = tpu.memref_squeeze %dma_start3A_43 : memref<1x640x128xf32, #tpu.memory_space<hbm>> -> memref<640x128xf32, #tpu.memory_space<hbm>>
      %dma_start3A_45 = arith.constant 0 : i32
      %dma_start3A_46 = tpu.memref_slice %arg10[%mul3A_2, %dma_start3A_45] : memref<10240x128xf32, #tpu.memory_space<vmem_shared>> -> memref<640x128xf32, #tpu.memory_space<vmem_shared>>
      tpu.enqueue_dma source(%dma_start3A_46 : memref<640x128xf32, #tpu.memory_space<vmem_shared>>) target(%dma_start3A_44 : memref<640x128xf32, #tpu.memory_space<hbm>>) target_semaphore(%run_scoped3A_41 : memref<!tpu.dma_semaphore, #tpu.memory_space<semaphore_mem>>)
      %dma_wait3A = arith.constant 0 : i32
      %dma_wait3A_47 = tpu.memref_slice %arg6[%arg0, %mul3A_2, %dma_wait3A] : memref<2x10240x128xf32, #tpu.memory_space<hbm>> -> memref<1x640x128xf32, #tpu.memory_space<hbm>>
      %dma_wait3A_48 = tpu.memref_squeeze %dma_wait3A_47 : memref<1x640x128xf32, #tpu.memory_space<hbm>> -> memref<640x128xf32, #tpu.memory_space<hbm>>
      %dma_wait3A_49 = arith.constant 0 : i32
      %dma_wait3A_50 = tpu.memref_slice %arg10[%mul3A_2, %dma_wait3A_49] : memref<10240x128xf32, #tpu.memory_space<vmem_shared>> -> memref<640x128xf32, #tpu.memory_space<vmem_shared>>
      tpu.wait_dma2 semaphore(%run_scoped3A_41 : memref<!tpu.dma_semaphore, #tpu.memory_space<semaphore_mem>>) src(%dma_wait3A_50 : memref<640x128xf32, #tpu.memory_space<vmem_shared>>) dst(%dma_wait3A_48 : memref<640x128xf32, #tpu.memory_space<hbm>>)
      tpu.yield
    }) : () -> ()
    return
  }
}

#map = affine_map<(d0, d1) -> (0, 0)>
#map1 = affine_map<(d0, d1) -> (0)>
#map2 = affine_map<(d0, d1) -> (0, 0, 0, 0)>
#map3 = affine_map<(d0, d1) -> (0, 0, 0)>
module attributes {stable_mosaic.version = 14 : i64} {
  func.func @_segden_body(%arg0: i32, %arg1: i32, %arg2: memref<10240x128xf32, #tpu.memory_space<hbm>>, %arg3: memref<81920xf32, #tpu.memory_space<hbm>>, %arg4: memref<32x2x40x128xi32, #tpu.memory_space<hbm>>, %arg5: memref<32x2x40x128xi32, #tpu.memory_space<hbm>>, %arg6: memref<32x2x40x128xi32, #tpu.memory_space<hbm>>, %arg7: memref<640x128xf32, #tpu.memory_space<hbm>>, %arg8: memref<640xf32, #tpu.memory_space<hbm>>, %arg9: memref<2x10240x128xf32, #tpu.memory_space<hbm>>, %arg10: memref<20480xf32, #tpu.memory_space<hbm>>, %arg11: memref<40x128xi32, #tpu.memory_space<vmem>>, %arg12: memref<40x128xi32, #tpu.memory_space<vmem>>, %arg13: memref<2x128x128xf32, #tpu.memory_space<vmem>>, %arg14: memref<8x128xf32, #tpu.memory_space<vmem>>, %arg15: memref<10240x128xf32, #tpu.memory_space<vmem_shared>>, %arg16: memref<10240xf32, #tpu.memory_space<vmem_shared>>, %arg17: memref<!tpu.dma_semaphore, #tpu.memory_space<semaphore_mem>>, %arg18: memref<!tpu.dma_semaphore, #tpu.memory_space<semaphore_mem>>) attributes {dimension_semantics = [#tpu.dimension_semantics<core_parallel>, #tpu.dimension_semantics<subcore_parallel>], iteration_bounds = array<i64: 2, 16>, scalar_prefetch = 0 : i64, scratch_operands = 8 : i64, tpu.core_type = #tpu.core_type<sc_vector_subcore>, window_params = [{transform_indices = #map}, {transform_indices = #map1}, {transform_indices = #map2}, {transform_indices = #map2}, {transform_indices = #map2}, {transform_indices = #map}, {transform_indices = #map1}, {transform_indices = #map3}, {transform_indices = #map1}]} {
    %mul3A = arith.constant 16 : i32
    %mul3A_0 = arith.muli %arg0, %mul3A : i32
    %add3A = arith.addi %mul3A_0, %arg1 : i32
    %mul3A_1 = arith.constant 640 : i32
    %mul3A_2 = arith.muli %arg1, %mul3A_1 : i32
    "tpu.region"() ({
      %run_scoped3A_221 = tpu.sem_alloc : memref<!tpu.dma_semaphore, #tpu.memory_space<semaphore_mem>>
      %dma_start3A_222 = arith.constant 0 : i32
      %dma_start3A_223 = tpu.memref_slice %arg15[%mul3A_2, %dma_start3A_222] : memref<10240x128xf32, #tpu.memory_space<vmem_shared>> -> memref<640x128xf32, #tpu.memory_space<vmem_shared>>
      tpu.enqueue_dma source(%arg7 : memref<640x128xf32, #tpu.memory_space<hbm>>) target(%dma_start3A_223 : memref<640x128xf32, #tpu.memory_space<vmem_shared>>) target_semaphore(%run_scoped3A_221 : memref<!tpu.dma_semaphore, #tpu.memory_space<semaphore_mem>>)
      %dma_wait3A_224 = arith.constant 0 : i32
      %dma_wait3A_225 = tpu.memref_slice %arg15[%mul3A_2, %dma_wait3A_224] : memref<10240x128xf32, #tpu.memory_space<vmem_shared>> -> memref<640x128xf32, #tpu.memory_space<vmem_shared>>
      tpu.wait_dma2 semaphore(%run_scoped3A_221 : memref<!tpu.dma_semaphore, #tpu.memory_space<semaphore_mem>>) src(%arg7 : memref<640x128xf32, #tpu.memory_space<hbm>>) dst(%dma_wait3A_225 : memref<640x128xf32, #tpu.memory_space<vmem_shared>>)
      tpu.yield
    }) : () -> ()
    "tpu.region"() ({
      %run_scoped3A_221 = tpu.sem_alloc : memref<!tpu.dma_semaphore, #tpu.memory_space<semaphore_mem>>
      %dma_start3A_222 = tpu.memref_slice %arg16[%mul3A_2] : memref<10240xf32, #tpu.memory_space<vmem_shared>> -> memref<640xf32, #tpu.memory_space<vmem_shared>>
      tpu.enqueue_dma source(%arg8 : memref<640xf32, #tpu.memory_space<hbm>>) target(%dma_start3A_222 : memref<640xf32, #tpu.memory_space<vmem_shared>>) target_semaphore(%run_scoped3A_221 : memref<!tpu.dma_semaphore, #tpu.memory_space<semaphore_mem>>)
      %dma_wait3A_223 = tpu.memref_slice %arg16[%mul3A_2] : memref<10240xf32, #tpu.memory_space<vmem_shared>> -> memref<640xf32, #tpu.memory_space<vmem_shared>>
      tpu.wait_dma2 semaphore(%run_scoped3A_221 : memref<!tpu.dma_semaphore, #tpu.memory_space<semaphore_mem>>) src(%arg8 : memref<640xf32, #tpu.memory_space<hbm>>) dst(%dma_wait3A_223 : memref<640xf32, #tpu.memory_space<vmem_shared>>)
      tpu.yield
    }) : () -> ()
    %barrier3A = arith.constant 0 : index
    tpu.barrier barrier_id(%barrier3A)
    %run_scoped3A = arith.constant 0 : i32
    "tpu.region"() ({
      %run_scoped3A_221 = tpu.sem_alloc : memref<!tpu.dma_semaphore, #tpu.memory_space<semaphore_mem>>
      %dma_start3A_222 = arith.constant 0 : i32
      %dma_start3A_223 = arith.constant 0 : i32
      %dma_start3A_224 = tpu.memref_slice %arg4[%add3A, %run_scoped3A, %dma_start3A_222, %dma_start3A_223] : memref<32x2x40x128xi32, #tpu.memory_space<hbm>> -> memref<1x1x40x128xi32, #tpu.memory_space<hbm>>
      %dma_start3A_225 = tpu.memref_squeeze %dma_start3A_224 : memref<1x1x40x128xi32, #tpu.memory_space<hbm>> -> memref<40x128xi32, #tpu.memory_space<hbm>>
      %dma_start3A_226 = arith.constant 0 : i32
      %dma_start3A_227 = arith.constant 0 : i32
      %dma_start3A_228 = tpu.memref_slice %arg4[%add3A, %run_scoped3A, %dma_start3A_226, %dma_start3A_227] : memref<32x2x40x128xi32, #tpu.memory_space<hbm>> -> memref<1x1x40x128xi32, #tpu.memory_space<hbm>>
      %dma_start3A_229 = tpu.memref_squeeze %dma_start3A_228 : memref<1x1x40x128xi32, #tpu.memory_space<hbm>> -> memref<40x128xi32, #tpu.memory_space<hbm>>
      tpu.enqueue_dma source(%dma_start3A_229 : memref<40x128xi32, #tpu.memory_space<hbm>>) target(%arg11 : memref<40x128xi32, #tpu.memory_space<vmem>>) target_semaphore(%run_scoped3A_221 : memref<!tpu.dma_semaphore, #tpu.memory_space<semaphore_mem>>)
      %dma_wait3A_230 = arith.constant 0 : i32
      %dma_wait3A_231 = arith.constant 0 : i32
      %dma_wait3A_232 = tpu.memref_slice %arg4[%add3A, %run_scoped3A, %dma_wait3A_230, %dma_wait3A_231] : memref<32x2x40x128xi32, #tpu.memory_space<hbm>> -> memref<1x1x40x128xi32, #tpu.memory_space<hbm>>
      %dma_wait3A_233 = tpu.memref_squeeze %dma_wait3A_232 : memref<1x1x40x128xi32, #tpu.memory_space<hbm>> -> memref<40x128xi32, #tpu.memory_space<hbm>>
      %dma_wait3A_234 = arith.constant 0 : i32
      %dma_wait3A_235 = arith.constant 0 : i32
      %dma_wait3A_236 = tpu.memref_slice %arg4[%add3A, %run_scoped3A, %dma_wait3A_234, %dma_wait3A_235] : memref<32x2x40x128xi32, #tpu.memory_space<hbm>> -> memref<1x1x40x128xi32, #tpu.memory_space<hbm>>
      %dma_wait3A_237 = tpu.memref_squeeze %dma_wait3A_236 : memref<1x1x40x128xi32, #tpu.memory_space<hbm>> -> memref<40x128xi32, #tpu.memory_space<hbm>>
      tpu.wait_dma2 semaphore(%run_scoped3A_221 : memref<!tpu.dma_semaphore, #tpu.memory_space<semaphore_mem>>) src(%dma_wait3A_237 : memref<40x128xi32, #tpu.memory_space<hbm>>) dst(%arg11 : memref<40x128xi32, #tpu.memory_space<vmem>>)
      tpu.yield
    }) : () -> ()
    %run_scoped3A_3 = arith.constant 0 : i32
    "tpu.region"() ({
      %run_scoped3A_221 = tpu.sem_alloc : memref<!tpu.dma_semaphore, #tpu.memory_space<semaphore_mem>>
      %dma_start3A_222 = arith.constant 0 : i32
      %dma_start3A_223 = arith.constant 0 : i32
      %dma_start3A_224 = tpu.memref_slice %arg5[%add3A, %run_scoped3A_3, %dma_start3A_222, %dma_start3A_223] : memref<32x2x40x128xi32, #tpu.memory_space<hbm>> -> memref<1x1x40x128xi32, #tpu.memory_space<hbm>>
      %dma_start3A_225 = tpu.memref_squeeze %dma_start3A_224 : memref<1x1x40x128xi32, #tpu.memory_space<hbm>> -> memref<40x128xi32, #tpu.memory_space<hbm>>
      %dma_start3A_226 = arith.constant 0 : i32
      %dma_start3A_227 = arith.constant 0 : i32
      %dma_start3A_228 = tpu.memref_slice %arg5[%add3A, %run_scoped3A_3, %dma_start3A_226, %dma_start3A_227] : memref<32x2x40x128xi32, #tpu.memory_space<hbm>> -> memref<1x1x40x128xi32, #tpu.memory_space<hbm>>
      %dma_start3A_229 = tpu.memref_squeeze %dma_start3A_228 : memref<1x1x40x128xi32, #tpu.memory_space<hbm>> -> memref<40x128xi32, #tpu.memory_space<hbm>>
      tpu.enqueue_dma source(%dma_start3A_229 : memref<40x128xi32, #tpu.memory_space<hbm>>) target(%arg12 : memref<40x128xi32, #tpu.memory_space<vmem>>) target_semaphore(%run_scoped3A_221 : memref<!tpu.dma_semaphore, #tpu.memory_space<semaphore_mem>>)
      %dma_wait3A_230 = arith.constant 0 : i32
      %dma_wait3A_231 = arith.constant 0 : i32
      %dma_wait3A_232 = tpu.memref_slice %arg5[%add3A, %run_scoped3A_3, %dma_wait3A_230, %dma_wait3A_231] : memref<32x2x40x128xi32, #tpu.memory_space<hbm>> -> memref<1x1x40x128xi32, #tpu.memory_space<hbm>>
      %dma_wait3A_233 = tpu.memref_squeeze %dma_wait3A_232 : memref<1x1x40x128xi32, #tpu.memory_space<hbm>> -> memref<40x128xi32, #tpu.memory_space<hbm>>
      %dma_wait3A_234 = arith.constant 0 : i32
      %dma_wait3A_235 = arith.constant 0 : i32
      %dma_wait3A_236 = tpu.memref_slice %arg5[%add3A, %run_scoped3A_3, %dma_wait3A_234, %dma_wait3A_235] : memref<32x2x40x128xi32, #tpu.memory_space<hbm>> -> memref<1x1x40x128xi32, #tpu.memory_space<hbm>>
      %dma_wait3A_237 = tpu.memref_squeeze %dma_wait3A_236 : memref<1x1x40x128xi32, #tpu.memory_space<hbm>> -> memref<40x128xi32, #tpu.memory_space<hbm>>
      tpu.wait_dma2 semaphore(%run_scoped3A_221 : memref<!tpu.dma_semaphore, #tpu.memory_space<semaphore_mem>>) src(%dma_wait3A_237 : memref<40x128xi32, #tpu.memory_space<hbm>>) dst(%arg12 : memref<40x128xi32, #tpu.memory_space<vmem>>)
      tpu.yield
    }) : () -> ()
    %dma_start3A = arith.constant 0 : i32
    %dma_start3A_4 = arith.constant 0 : i32
    %dma_start3A_5 = arith.constant 0 : i32
    %dma_start3A_6 = arith.constant 0 : i32
    %dma_start3A_7 = tpu.memref_slice %arg13[%dma_start3A_4, %dma_start3A_5, %dma_start3A_6] : memref<2x128x128xf32, #tpu.memory_space<vmem>> -> memref<1x128x128xf32, #tpu.memory_space<vmem>>
    %dma_start3A_8 = tpu.memref_squeeze %dma_start3A_7 : memref<1x128x128xf32, #tpu.memory_space<vmem>> -> memref<128x128xf32, #tpu.memory_space<vmem>>
    %dma_start3A_9 = arith.constant 0 : i32
    %dma_start3A_10 = tpu.memref_slice %arg11[%dma_start3A, %dma_start3A_9] : memref<40x128xi32, #tpu.memory_space<vmem>> -> memref<1x128xi32, #tpu.memory_space<vmem>>
    %dma_start3A_11 = tpu.memref_squeeze %dma_start3A_10 : memref<1x128xi32, #tpu.memory_space<vmem>> -> memref<128xi32, #tpu.memory_space<vmem>>
    %dma_start3A_12 = arith.constant 0 : i32
    %dma_start3A_13 = arith.constant 0 : i32
    %dma_start3A_14 = tpu.memref_slice %arg2[%dma_start3A_12, %dma_start3A_13] : memref<10240x128xf32, #tpu.memory_space<hbm>> -> memref<10240x128xf32, #tpu.memory_space<hbm>>
    tpu.enqueue_indirect_dma source(%dma_start3A_14 : memref<10240x128xf32, #tpu.memory_space<hbm>>) target(%dma_start3A_8 : memref<128x128xf32, #tpu.memory_space<vmem>>) offsets(%dma_start3A_11 : memref<128xi32, #tpu.memory_space<vmem>>) semaphore(%arg17 : memref<!tpu.dma_semaphore, #tpu.memory_space<semaphore_mem>>)
    %scan3A = arith.constant 0 : i32
    %scan3A_15 = arith.constant 0 : i32
    %scan3A_16 = arith.constant 40 : i32
    %scan3A_17 = arith.addi %scan3A_15, %scan3A_16 : i32
    %scan3A_18 = arith.constant 1 : i32
    scf.for %scan3A_221 = %scan3A_15 to %scan3A_17 step %scan3A_18  : i32 {
      %rem3A = arith.constant 2 : i32
      %rem3A_222 = arith.remsi %scan3A_221, %rem3A : i32
      %add3A_223 = arith.constant 1 : i32
      %add3A_224 = arith.addi %scan3A_221, %add3A_223 : i32
      %rem3A_225 = arith.constant 2 : i32
      %rem3A_226 = arith.remsi %add3A_224, %rem3A_225 : i32
      %add3A_227 = arith.constant 1 : i32
      %add3A_228 = arith.addi %scan3A_221, %add3A_227 : i32
      %lt3A = arith.constant 40 : i32
      %lt3A_229 = arith.cmpi slt, %add3A_228, %lt3A : i32
      %convert_element_type3A = arith.extui %lt3A_229 : i1 to i32
      %cond3A = arith.constant 0 : i32
      %cond3A_230 = arith.cmpi ne, %convert_element_type3A, %cond3A : i32
      scf.if %cond3A_230 {
        %add3A_241 = arith.constant 1 : i32
        %add3A_242 = arith.addi %scan3A_221, %add3A_241 : i32
        %dma_start3A_243 = arith.constant 0 : i32
        %dma_start3A_244 = arith.constant 0 : i32
        %dma_start3A_245 = tpu.memref_slice %arg13[%rem3A_226, %dma_start3A_243, %dma_start3A_244] : memref<2x128x128xf32, #tpu.memory_space<vmem>> -> memref<1x128x128xf32, #tpu.memory_space<vmem>>
        %dma_start3A_246 = tpu.memref_squeeze %dma_start3A_245 : memref<1x128x128xf32, #tpu.memory_space<vmem>> -> memref<128x128xf32, #tpu.memory_space<vmem>>
        %dma_start3A_247 = arith.constant 0 : i32
        %dma_start3A_248 = tpu.memref_slice %arg11[%add3A_242, %dma_start3A_247] : memref<40x128xi32, #tpu.memory_space<vmem>> -> memref<1x128xi32, #tpu.memory_space<vmem>>
        %dma_start3A_249 = tpu.memref_squeeze %dma_start3A_248 : memref<1x128xi32, #tpu.memory_space<vmem>> -> memref<128xi32, #tpu.memory_space<vmem>>
        %dma_start3A_250 = arith.constant 0 : i32
        %dma_start3A_251 = arith.constant 0 : i32
        %dma_start3A_252 = tpu.memref_slice %arg2[%dma_start3A_250, %dma_start3A_251] : memref<10240x128xf32, #tpu.memory_space<hbm>> -> memref<10240x128xf32, #tpu.memory_space<hbm>>
        tpu.enqueue_indirect_dma source(%dma_start3A_252 : memref<10240x128xf32, #tpu.memory_space<hbm>>) target(%dma_start3A_246 : memref<128x128xf32, #tpu.memory_space<vmem>>) offsets(%dma_start3A_249 : memref<128xi32, #tpu.memory_space<vmem>>) semaphore(%arg17 : memref<!tpu.dma_semaphore, #tpu.memory_space<semaphore_mem>>)
      } else {
      }
      %dma_wait3A_231 = arith.constant 0 : i32
      %dma_wait3A_232 = arith.constant 0 : i32
      %dma_wait3A_233 = tpu.memref_slice %arg13[%rem3A_222, %dma_wait3A_231, %dma_wait3A_232] : memref<2x128x128xf32, #tpu.memory_space<vmem>> -> memref<1x128x128xf32, #tpu.memory_space<vmem>>
      %dma_wait3A_234 = tpu.memref_squeeze %dma_wait3A_233 : memref<1x128x128xf32, #tpu.memory_space<vmem>> -> memref<128x128xf32, #tpu.memory_space<vmem>>
      %dma_wait3A_235 = arith.constant 0 : i32
      %dma_wait3A_236 = tpu.memref_slice %arg11[%scan3A_221, %dma_wait3A_235] : memref<40x128xi32, #tpu.memory_space<vmem>> -> memref<1x128xi32, #tpu.memory_space<vmem>>
      %dma_wait3A_237 = tpu.memref_squeeze %dma_wait3A_236 : memref<1x128xi32, #tpu.memory_space<vmem>> -> memref<128xi32, #tpu.memory_space<vmem>>
      %dma_wait3A_238 = arith.constant 0 : i32
      %dma_wait3A_239 = arith.constant 0 : i32
      %dma_wait3A_240 = tpu.memref_slice %arg2[%dma_wait3A_238, %dma_wait3A_239] : memref<10240x128xf32, #tpu.memory_space<hbm>> -> memref<10240x128xf32, #tpu.memory_space<hbm>>
      tpu.wait_indirect_dma semaphore(%arg17 : memref<!tpu.dma_semaphore, #tpu.memory_space<semaphore_mem>>) src(%dma_wait3A_240 : memref<10240x128xf32, #tpu.memory_space<hbm>>) dst(%dma_wait3A_234 : memref<128x128xf32, #tpu.memory_space<vmem>>)
      "tpu.region"() ({
        %run_scoped3A_241 = tpu.sem_alloc : memref<!tpu.dma_semaphore, #tpu.memory_space<semaphore_mem>>
        %dma_start3A_242 = arith.constant 0 : i32
        %dma_start3A_243 = arith.constant 0 : i32
        %dma_start3A_244 = tpu.memref_slice %arg13[%rem3A_222, %dma_start3A_242, %dma_start3A_243] : memref<2x128x128xf32, #tpu.memory_space<vmem>> -> memref<1x128x128xf32, #tpu.memory_space<vmem>>
        %dma_start3A_245 = tpu.memref_squeeze %dma_start3A_244 : memref<1x128x128xf32, #tpu.memory_space<vmem>> -> memref<128x128xf32, #tpu.memory_space<vmem>>
        %dma_start3A_246 = arith.constant 0 : i32
        %dma_start3A_247 = tpu.memref_slice %arg12[%scan3A_221, %dma_start3A_246] : memref<40x128xi32, #tpu.memory_space<vmem>> -> memref<1x128xi32, #tpu.memory_space<vmem>>
        %dma_start3A_248 = tpu.memref_squeeze %dma_start3A_247 : memref<1x128xi32, #tpu.memory_space<vmem>> -> memref<128xi32, #tpu.memory_space<vmem>>
        %dma_start3A_249 = arith.constant 0 : i32
        %dma_start3A_250 = arith.constant 0 : i32
        %dma_start3A_251 = tpu.memref_slice %arg15[%dma_start3A_249, %dma_start3A_250] : memref<10240x128xf32, #tpu.memory_space<vmem_shared>> -> memref<10240x128xf32, #tpu.memory_space<vmem_shared>>
        tpu.enqueue_indirect_dma source(%dma_start3A_245 : memref<128x128xf32, #tpu.memory_space<vmem>>) target(%dma_start3A_251 : memref<10240x128xf32, #tpu.memory_space<vmem_shared>>) offsets(%dma_start3A_248 : memref<128xi32, #tpu.memory_space<vmem>>) semaphore(%run_scoped3A_241 : memref<!tpu.dma_semaphore, #tpu.memory_space<semaphore_mem>>) {add = true}
        %dma_wait3A_252 = arith.constant 0 : i32
        %dma_wait3A_253 = arith.constant 0 : i32
        %dma_wait3A_254 = tpu.memref_slice %arg13[%rem3A_222, %dma_wait3A_252, %dma_wait3A_253] : memref<2x128x128xf32, #tpu.memory_space<vmem>> -> memref<1x128x128xf32, #tpu.memory_space<vmem>>
        %dma_wait3A_255 = tpu.memref_squeeze %dma_wait3A_254 : memref<1x128x128xf32, #tpu.memory_space<vmem>> -> memref<128x128xf32, #tpu.memory_space<vmem>>
        %dma_wait3A_256 = arith.constant 0 : i32
        %dma_wait3A_257 = tpu.memref_slice %arg12[%scan3A_221, %dma_wait3A_256] : memref<40x128xi32, #tpu.memory_space<vmem>> -> memref<1x128xi32, #tpu.memory_space<vmem>>
        %dma_wait3A_258 = tpu.memref_squeeze %dma_wait3A_257 : memref<1x128xi32, #tpu.memory_space<vmem>> -> memref<128xi32, #tpu.memory_space<vmem>>
        %dma_wait3A_259 = arith.constant 0 : i32
        %dma_wait3A_260 = arith.constant 0 : i32
        %dma_wait3A_261 = tpu.memref_slice %arg15[%dma_wait3A_259, %dma_wait3A_260] : memref<10240x128xf32, #tpu.memory_space<vmem_shared>> -> memref<10240x128xf32, #tpu.memory_space<vmem_shared>>
        tpu.wait_indirect_dma semaphore(%run_scoped3A_241 : memref<!tpu.dma_semaphore, #tpu.memory_space<semaphore_mem>>) src(%dma_wait3A_255 : memref<128x128xf32, #tpu.memory_space<vmem>>) dst(%dma_wait3A_261 : memref<10240x128xf32, #tpu.memory_space<vmem_shared>>)
        tpu.yield
      }) : () -> ()
    }
    %scan3A_19 = arith.constant 40 : i32
    %run_scoped3A_20 = arith.constant 1 : i32
    "tpu.region"() ({
      %run_scoped3A_221 = tpu.sem_alloc : memref<!tpu.dma_semaphore, #tpu.memory_space<semaphore_mem>>
      %dma_start3A_222 = arith.constant 0 : i32
      %dma_start3A_223 = arith.constant 0 : i32
      %dma_start3A_224 = tpu.memref_slice %arg4[%add3A, %run_scoped3A_20, %dma_start3A_222, %dma_start3A_223] : memref<32x2x40x128xi32, #tpu.memory_space<hbm>> -> memref<1x1x40x128xi32, #tpu.memory_space<hbm>>
      %dma_start3A_225 = tpu.memref_squeeze %dma_start3A_224 : memref<1x1x40x128xi32, #tpu.memory_space<hbm>> -> memref<40x128xi32, #tpu.memory_space<hbm>>
      %dma_start3A_226 = arith.constant 0 : i32
      %dma_start3A_227 = arith.constant 0 : i32
      %dma_start3A_228 = tpu.memref_slice %arg4[%add3A, %run_scoped3A_20, %dma_start3A_226, %dma_start3A_227] : memref<32x2x40x128xi32, #tpu.memory_space<hbm>> -> memref<1x1x40x128xi32, #tpu.memory_space<hbm>>
      %dma_start3A_229 = tpu.memref_squeeze %dma_start3A_228 : memref<1x1x40x128xi32, #tpu.memory_space<hbm>> -> memref<40x128xi32, #tpu.memory_space<hbm>>
      tpu.enqueue_dma source(%dma_start3A_229 : memref<40x128xi32, #tpu.memory_space<hbm>>) target(%arg11 : memref<40x128xi32, #tpu.memory_space<vmem>>) target_semaphore(%run_scoped3A_221 : memref<!tpu.dma_semaphore, #tpu.memory_space<semaphore_mem>>)
      %dma_wait3A_230 = arith.constant 0 : i32
      %dma_wait3A_231 = arith.constant 0 : i32
      %dma_wait3A_232 = tpu.memref_slice %arg4[%add3A, %run_scoped3A_20, %dma_wait3A_230, %dma_wait3A_231] : memref<32x2x40x128xi32, #tpu.memory_space<hbm>> -> memref<1x1x40x128xi32, #tpu.memory_space<hbm>>
      %dma_wait3A_233 = tpu.memref_squeeze %dma_wait3A_232 : memref<1x1x40x128xi32, #tpu.memory_space<hbm>> -> memref<40x128xi32, #tpu.memory_space<hbm>>
      %dma_wait3A_234 = arith.constant 0 : i32
      %dma_wait3A_235 = arith.constant 0 : i32
      %dma_wait3A_236 = tpu.memref_slice %arg4[%add3A, %run_scoped3A_20, %dma_wait3A_234, %dma_wait3A_235] : memref<32x2x40x128xi32, #tpu.memory_space<hbm>> -> memref<1x1x40x128xi32, #tpu.memory_space<hbm>>
      %dma_wait3A_237 = tpu.memref_squeeze %dma_wait3A_236 : memref<1x1x40x128xi32, #tpu.memory_space<hbm>> -> memref<40x128xi32, #tpu.memory_space<hbm>>
      tpu.wait_dma2 semaphore(%run_scoped3A_221 : memref<!tpu.dma_semaphore, #tpu.memory_space<semaphore_mem>>) src(%dma_wait3A_237 : memref<40x128xi32, #tpu.memory_space<hbm>>) dst(%arg11 : memref<40x128xi32, #tpu.memory_space<vmem>>)
      tpu.yield
    }) : () -> ()
    %run_scoped3A_21 = arith.constant 1 : i32
    "tpu.region"() ({
      %run_scoped3A_221 = tpu.sem_alloc : memref<!tpu.dma_semaphore, #tpu.memory_space<semaphore_mem>>
      %dma_start3A_222 = arith.constant 0 : i32
      %dma_start3A_223 = arith.constant 0 : i32
      %dma_start3A_224 = tpu.memref_slice %arg5[%add3A, %run_scoped3A_21, %dma_start3A_222, %dma_start3A_223] : memref<32x2x40x128xi32, #tpu.memory_space<hbm>> -> memref<1x1x40x128xi32, #tpu.memory_space<hbm>>
      %dma_start3A_225 = tpu.memref_squeeze %dma_start3A_224 : memref<1x1x40x128xi32, #tpu.memory_space<hbm>> -> memref<40x128xi32, #tpu.memory_space<hbm>>
      %dma_start3A_226 = arith.constant 0 : i32
      %dma_start3A_227 = arith.constant 0 : i32
      %dma_start3A_228 = tpu.memref_slice %arg5[%add3A, %run_scoped3A_21, %dma_start3A_226, %dma_start3A_227] : memref<32x2x40x128xi32, #tpu.memory_space<hbm>> -> memref<1x1x40x128xi32, #tpu.memory_space<hbm>>
      %dma_start3A_229 = tpu.memref_squeeze %dma_start3A_228 : memref<1x1x40x128xi32, #tpu.memory_space<hbm>> -> memref<40x128xi32, #tpu.memory_space<hbm>>
      tpu.enqueue_dma source(%dma_start3A_229 : memref<40x128xi32, #tpu.memory_space<hbm>>) target(%arg12 : memref<40x128xi32, #tpu.memory_space<vmem>>) target_semaphore(%run_scoped3A_221 : memref<!tpu.dma_semaphore, #tpu.memory_space<semaphore_mem>>)
      %dma_wait3A_230 = arith.constant 0 : i32
      %dma_wait3A_231 = arith.constant 0 : i32
      %dma_wait3A_232 = tpu.memref_slice %arg5[%add3A, %run_scoped3A_21, %dma_wait3A_230, %dma_wait3A_231] : memref<32x2x40x128xi32, #tpu.memory_space<hbm>> -> memref<1x1x40x128xi32, #tpu.memory_space<hbm>>
      %dma_wait3A_233 = tpu.memref_squeeze %dma_wait3A_232 : memref<1x1x40x128xi32, #tpu.memory_space<hbm>> -> memref<40x128xi32, #tpu.memory_space<hbm>>
      %dma_wait3A_234 = arith.constant 0 : i32
      %dma_wait3A_235 = arith.constant 0 : i32
      %dma_wait3A_236 = tpu.memref_slice %arg5[%add3A, %run_scoped3A_21, %dma_wait3A_234, %dma_wait3A_235] : memref<32x2x40x128xi32, #tpu.memory_space<hbm>> -> memref<1x1x40x128xi32, #tpu.memory_space<hbm>>
      %dma_wait3A_237 = tpu.memref_squeeze %dma_wait3A_236 : memref<1x1x40x128xi32, #tpu.memory_space<hbm>> -> memref<40x128xi32, #tpu.memory_space<hbm>>
      tpu.wait_dma2 semaphore(%run_scoped3A_221 : memref<!tpu.dma_semaphore, #tpu.memory_space<semaphore_mem>>) src(%dma_wait3A_237 : memref<40x128xi32, #tpu.memory_space<hbm>>) dst(%arg12 : memref<40x128xi32, #tpu.memory_space<vmem>>)
      tpu.yield
    }) : () -> ()
    %dma_start3A_22 = arith.constant 0 : i32
    %dma_start3A_23 = arith.constant 0 : i32
    %dma_start3A_24 = arith.constant 0 : i32
    %dma_start3A_25 = arith.constant 0 : i32
    %dma_start3A_26 = tpu.memref_slice %arg13[%dma_start3A_23, %dma_start3A_24, %dma_start3A_25] : memref<2x128x128xf32, #tpu.memory_space<vmem>> -> memref<1x128x128xf32, #tpu.memory_space<vmem>>
    %dma_start3A_27 = tpu.memref_squeeze %dma_start3A_26 : memref<1x128x128xf32, #tpu.memory_space<vmem>> -> memref<128x128xf32, #tpu.memory_space<vmem>>
    %dma_start3A_28 = arith.constant 0 : i32
    %dma_start3A_29 = tpu.memref_slice %arg11[%dma_start3A_22, %dma_start3A_28] : memref<40x128xi32, #tpu.memory_space<vmem>> -> memref<1x128xi32, #tpu.memory_space<vmem>>
    %dma_start3A_30 = tpu.memref_squeeze %dma_start3A_29 : memref<1x128xi32, #tpu.memory_space<vmem>> -> memref<128xi32, #tpu.memory_space<vmem>>
    %dma_start3A_31 = arith.constant 0 : i32
    %dma_start3A_32 = arith.constant 0 : i32
    %dma_start3A_33 = tpu.memref_slice %arg2[%dma_start3A_31, %dma_start3A_32] : memref<10240x128xf32, #tpu.memory_space<hbm>> -> memref<10240x128xf32, #tpu.memory_space<hbm>>
    tpu.enqueue_indirect_dma source(%dma_start3A_33 : memref<10240x128xf32, #tpu.memory_space<hbm>>) target(%dma_start3A_27 : memref<128x128xf32, #tpu.memory_space<vmem>>) offsets(%dma_start3A_30 : memref<128xi32, #tpu.memory_space<vmem>>) semaphore(%arg17 : memref<!tpu.dma_semaphore, #tpu.memory_space<semaphore_mem>>)
    %scan3A_34 = arith.constant 0 : i32
    %scan3A_35 = arith.constant 0 : i32
    %scan3A_36 = arith.constant 40 : i32
    %scan3A_37 = arith.addi %scan3A_35, %scan3A_36 : i32
    %scan3A_38 = arith.constant 1 : i32
    scf.for %scan3A_221 = %scan3A_35 to %scan3A_37 step %scan3A_38  : i32 {
      %rem3A = arith.constant 2 : i32
      %rem3A_222 = arith.remsi %scan3A_221, %rem3A : i32
      %add3A_223 = arith.constant 1 : i32
      %add3A_224 = arith.addi %scan3A_221, %add3A_223 : i32
      %rem3A_225 = arith.constant 2 : i32
      %rem3A_226 = arith.remsi %add3A_224, %rem3A_225 : i32
      %add3A_227 = arith.constant 1 : i32
      %add3A_228 = arith.addi %scan3A_221, %add3A_227 : i32
      %lt3A = arith.constant 40 : i32
      %lt3A_229 = arith.cmpi slt, %add3A_228, %lt3A : i32
      %convert_element_type3A = arith.extui %lt3A_229 : i1 to i32
      %cond3A = arith.constant 0 : i32
      %cond3A_230 = arith.cmpi ne, %convert_element_type3A, %cond3A : i32
      scf.if %cond3A_230 {
        %add3A_241 = arith.constant 1 : i32
        %add3A_242 = arith.addi %scan3A_221, %add3A_241 : i32
        %dma_start3A_243 = arith.constant 0 : i32
        %dma_start3A_244 = arith.constant 0 : i32
        %dma_start3A_245 = tpu.memref_slice %arg13[%rem3A_226, %dma_start3A_243, %dma_start3A_244] : memref<2x128x128xf32, #tpu.memory_space<vmem>> -> memref<1x128x128xf32, #tpu.memory_space<vmem>>
        %dma_start3A_246 = tpu.memref_squeeze %dma_start3A_245 : memref<1x128x128xf32, #tpu.memory_space<vmem>> -> memref<128x128xf32, #tpu.memory_space<vmem>>
        %dma_start3A_247 = arith.constant 0 : i32
        %dma_start3A_248 = tpu.memref_slice %arg11[%add3A_242, %dma_start3A_247] : memref<40x128xi32, #tpu.memory_space<vmem>> -> memref<1x128xi32, #tpu.memory_space<vmem>>
        %dma_start3A_249 = tpu.memref_squeeze %dma_start3A_248 : memref<1x128xi32, #tpu.memory_space<vmem>> -> memref<128xi32, #tpu.memory_space<vmem>>
        %dma_start3A_250 = arith.constant 0 : i32
        %dma_start3A_251 = arith.constant 0 : i32
        %dma_start3A_252 = tpu.memref_slice %arg2[%dma_start3A_250, %dma_start3A_251] : memref<10240x128xf32, #tpu.memory_space<hbm>> -> memref<10240x128xf32, #tpu.memory_space<hbm>>
        tpu.enqueue_indirect_dma source(%dma_start3A_252 : memref<10240x128xf32, #tpu.memory_space<hbm>>) target(%dma_start3A_246 : memref<128x128xf32, #tpu.memory_space<vmem>>) offsets(%dma_start3A_249 : memref<128xi32, #tpu.memory_space<vmem>>) semaphore(%arg17 : memref<!tpu.dma_semaphore, #tpu.memory_space<semaphore_mem>>)
      } else {
      }
      %dma_wait3A_231 = arith.constant 0 : i32
      %dma_wait3A_232 = arith.constant 0 : i32
      %dma_wait3A_233 = tpu.memref_slice %arg13[%rem3A_222, %dma_wait3A_231, %dma_wait3A_232] : memref<2x128x128xf32, #tpu.memory_space<vmem>> -> memref<1x128x128xf32, #tpu.memory_space<vmem>>
      %dma_wait3A_234 = tpu.memref_squeeze %dma_wait3A_233 : memref<1x128x128xf32, #tpu.memory_space<vmem>> -> memref<128x128xf32, #tpu.memory_space<vmem>>
      %dma_wait3A_235 = arith.constant 0 : i32
      %dma_wait3A_236 = tpu.memref_slice %arg11[%scan3A_221, %dma_wait3A_235] : memref<40x128xi32, #tpu.memory_space<vmem>> -> memref<1x128xi32, #tpu.memory_space<vmem>>
      %dma_wait3A_237 = tpu.memref_squeeze %dma_wait3A_236 : memref<1x128xi32, #tpu.memory_space<vmem>> -> memref<128xi32, #tpu.memory_space<vmem>>
      %dma_wait3A_238 = arith.constant 0 : i32
      %dma_wait3A_239 = arith.constant 0 : i32
      %dma_wait3A_240 = tpu.memref_slice %arg2[%dma_wait3A_238, %dma_wait3A_239] : memref<10240x128xf32, #tpu.memory_space<hbm>> -> memref<10240x128xf32, #tpu.memory_space<hbm>>
      tpu.wait_indirect_dma semaphore(%arg17 : memref<!tpu.dma_semaphore, #tpu.memory_space<semaphore_mem>>) src(%dma_wait3A_240 : memref<10240x128xf32, #tpu.memory_space<hbm>>) dst(%dma_wait3A_234 : memref<128x128xf32, #tpu.memory_space<vmem>>)
      "tpu.region"() ({
        %run_scoped3A_241 = tpu.sem_alloc : memref<!tpu.dma_semaphore, #tpu.memory_space<semaphore_mem>>
        %dma_start3A_242 = arith.constant 0 : i32
        %dma_start3A_243 = arith.constant 0 : i32
        %dma_start3A_244 = tpu.memref_slice %arg13[%rem3A_222, %dma_start3A_242, %dma_start3A_243] : memref<2x128x128xf32, #tpu.memory_space<vmem>> -> memref<1x128x128xf32, #tpu.memory_space<vmem>>
        %dma_start3A_245 = tpu.memref_squeeze %dma_start3A_244 : memref<1x128x128xf32, #tpu.memory_space<vmem>> -> memref<128x128xf32, #tpu.memory_space<vmem>>
        %dma_start3A_246 = arith.constant 0 : i32
        %dma_start3A_247 = tpu.memref_slice %arg12[%scan3A_221, %dma_start3A_246] : memref<40x128xi32, #tpu.memory_space<vmem>> -> memref<1x128xi32, #tpu.memory_space<vmem>>
        %dma_start3A_248 = tpu.memref_squeeze %dma_start3A_247 : memref<1x128xi32, #tpu.memory_space<vmem>> -> memref<128xi32, #tpu.memory_space<vmem>>
        %dma_start3A_249 = arith.constant 0 : i32
        %dma_start3A_250 = arith.constant 0 : i32
        %dma_start3A_251 = tpu.memref_slice %arg15[%dma_start3A_249, %dma_start3A_250] : memref<10240x128xf32, #tpu.memory_space<vmem_shared>> -> memref<10240x128xf32, #tpu.memory_space<vmem_shared>>
        tpu.enqueue_indirect_dma source(%dma_start3A_245 : memref<128x128xf32, #tpu.memory_space<vmem>>) target(%dma_start3A_251 : memref<10240x128xf32, #tpu.memory_space<vmem_shared>>) offsets(%dma_start3A_248 : memref<128xi32, #tpu.memory_space<vmem>>) semaphore(%run_scoped3A_241 : memref<!tpu.dma_semaphore, #tpu.memory_space<semaphore_mem>>) {add = true}
        %dma_wait3A_252 = arith.constant 0 : i32
        %dma_wait3A_253 = arith.constant 0 : i32
        %dma_wait3A_254 = tpu.memref_slice %arg13[%rem3A_222, %dma_wait3A_252, %dma_wait3A_253] : memref<2x128x128xf32, #tpu.memory_space<vmem>> -> memref<1x128x128xf32, #tpu.memory_space<vmem>>
        %dma_wait3A_255 = tpu.memref_squeeze %dma_wait3A_254 : memref<1x128x128xf32, #tpu.memory_space<vmem>> -> memref<128x128xf32, #tpu.memory_space<vmem>>
        %dma_wait3A_256 = arith.constant 0 : i32
        %dma_wait3A_257 = tpu.memref_slice %arg12[%scan3A_221, %dma_wait3A_256] : memref<40x128xi32, #tpu.memory_space<vmem>> -> memref<1x128xi32, #tpu.memory_space<vmem>>
        %dma_wait3A_258 = tpu.memref_squeeze %dma_wait3A_257 : memref<1x128xi32, #tpu.memory_space<vmem>> -> memref<128xi32, #tpu.memory_space<vmem>>
        %dma_wait3A_259 = arith.constant 0 : i32
        %dma_wait3A_260 = arith.constant 0 : i32
        %dma_wait3A_261 = tpu.memref_slice %arg15[%dma_wait3A_259, %dma_wait3A_260] : memref<10240x128xf32, #tpu.memory_space<vmem_shared>> -> memref<10240x128xf32, #tpu.memory_space<vmem_shared>>
        tpu.wait_indirect_dma semaphore(%run_scoped3A_241 : memref<!tpu.dma_semaphore, #tpu.memory_space<semaphore_mem>>) src(%dma_wait3A_255 : memref<128x128xf32, #tpu.memory_space<vmem>>) dst(%dma_wait3A_261 : memref<10240x128xf32, #tpu.memory_space<vmem_shared>>)
        tpu.yield
      }) : () -> ()
    }
    %scan3A_39 = arith.constant 40 : i32
    %run_scoped3A_40 = arith.constant 0 : i32
    "tpu.region"() ({
      %run_scoped3A_221 = tpu.sem_alloc : memref<!tpu.dma_semaphore, #tpu.memory_space<semaphore_mem>>
      %dma_start3A_222 = arith.constant 0 : i32
      %dma_start3A_223 = arith.constant 0 : i32
      %dma_start3A_224 = tpu.memref_slice %arg6[%add3A, %run_scoped3A_40, %dma_start3A_222, %dma_start3A_223] : memref<32x2x40x128xi32, #tpu.memory_space<hbm>> -> memref<1x1x40x128xi32, #tpu.memory_space<hbm>>
      %dma_start3A_225 = tpu.memref_squeeze %dma_start3A_224 : memref<1x1x40x128xi32, #tpu.memory_space<hbm>> -> memref<40x128xi32, #tpu.memory_space<hbm>>
      %dma_start3A_226 = arith.constant 0 : i32
      %dma_start3A_227 = arith.constant 0 : i32
      %dma_start3A_228 = tpu.memref_slice %arg6[%add3A, %run_scoped3A_40, %dma_start3A_226, %dma_start3A_227] : memref<32x2x40x128xi32, #tpu.memory_space<hbm>> -> memref<1x1x40x128xi32, #tpu.memory_space<hbm>>
      %dma_start3A_229 = tpu.memref_squeeze %dma_start3A_228 : memref<1x1x40x128xi32, #tpu.memory_space<hbm>> -> memref<40x128xi32, #tpu.memory_space<hbm>>
      tpu.enqueue_dma source(%dma_start3A_229 : memref<40x128xi32, #tpu.memory_space<hbm>>) target(%arg11 : memref<40x128xi32, #tpu.memory_space<vmem>>) target_semaphore(%run_scoped3A_221 : memref<!tpu.dma_semaphore, #tpu.memory_space<semaphore_mem>>)
      %dma_wait3A_230 = arith.constant 0 : i32
      %dma_wait3A_231 = arith.constant 0 : i32
      %dma_wait3A_232 = tpu.memref_slice %arg6[%add3A, %run_scoped3A_40, %dma_wait3A_230, %dma_wait3A_231] : memref<32x2x40x128xi32, #tpu.memory_space<hbm>> -> memref<1x1x40x128xi32, #tpu.memory_space<hbm>>
      %dma_wait3A_233 = tpu.memref_squeeze %dma_wait3A_232 : memref<1x1x40x128xi32, #tpu.memory_space<hbm>> -> memref<40x128xi32, #tpu.memory_space<hbm>>
      %dma_wait3A_234 = arith.constant 0 : i32
      %dma_wait3A_235 = arith.constant 0 : i32
      %dma_wait3A_236 = tpu.memref_slice %arg6[%add3A, %run_scoped3A_40, %dma_wait3A_234, %dma_wait3A_235] : memref<32x2x40x128xi32, #tpu.memory_space<hbm>> -> memref<1x1x40x128xi32, #tpu.memory_space<hbm>>
      %dma_wait3A_237 = tpu.memref_squeeze %dma_wait3A_236 : memref<1x1x40x128xi32, #tpu.memory_space<hbm>> -> memref<40x128xi32, #tpu.memory_space<hbm>>
      tpu.wait_dma2 semaphore(%run_scoped3A_221 : memref<!tpu.dma_semaphore, #tpu.memory_space<semaphore_mem>>) src(%dma_wait3A_237 : memref<40x128xi32, #tpu.memory_space<hbm>>) dst(%arg11 : memref<40x128xi32, #tpu.memory_space<vmem>>)
      tpu.yield
    }) : () -> ()
    %run_scoped3A_41 = arith.constant 0 : i32
    "tpu.region"() ({
      %run_scoped3A_221 = tpu.sem_alloc : memref<!tpu.dma_semaphore, #tpu.memory_space<semaphore_mem>>
      %dma_start3A_222 = arith.constant 0 : i32
      %dma_start3A_223 = arith.constant 0 : i32
      %dma_start3A_224 = tpu.memref_slice %arg5[%add3A, %run_scoped3A_41, %dma_start3A_222, %dma_start3A_223] : memref<32x2x40x128xi32, #tpu.memory_space<hbm>> -> memref<1x1x40x128xi32, #tpu.memory_space<hbm>>
      %dma_start3A_225 = tpu.memref_squeeze %dma_start3A_224 : memref<1x1x40x128xi32, #tpu.memory_space<hbm>> -> memref<40x128xi32, #tpu.memory_space<hbm>>
      %dma_start3A_226 = arith.constant 0 : i32
      %dma_start3A_227 = arith.constant 0 : i32
      %dma_start3A_228 = tpu.memref_slice %arg5[%add3A, %run_scoped3A_41, %dma_start3A_226, %dma_start3A_227] : memref<32x2x40x128xi32, #tpu.memory_space<hbm>> -> memref<1x1x40x128xi32, #tpu.memory_space<hbm>>
      %dma_start3A_229 = tpu.memref_squeeze %dma_start3A_228 : memref<1x1x40x128xi32, #tpu.memory_space<hbm>> -> memref<40x128xi32, #tpu.memory_space<hbm>>
      tpu.enqueue_dma source(%dma_start3A_229 : memref<40x128xi32, #tpu.memory_space<hbm>>) target(%arg12 : memref<40x128xi32, #tpu.memory_space<vmem>>) target_semaphore(%run_scoped3A_221 : memref<!tpu.dma_semaphore, #tpu.memory_space<semaphore_mem>>)
      %dma_wait3A_230 = arith.constant 0 : i32
      %dma_wait3A_231 = arith.constant 0 : i32
      %dma_wait3A_232 = tpu.memref_slice %arg5[%add3A, %run_scoped3A_41, %dma_wait3A_230, %dma_wait3A_231] : memref<32x2x40x128xi32, #tpu.memory_space<hbm>> -> memref<1x1x40x128xi32, #tpu.memory_space<hbm>>
      %dma_wait3A_233 = tpu.memref_squeeze %dma_wait3A_232 : memref<1x1x40x128xi32, #tpu.memory_space<hbm>> -> memref<40x128xi32, #tpu.memory_space<hbm>>
      %dma_wait3A_234 = arith.constant 0 : i32
      %dma_wait3A_235 = arith.constant 0 : i32
      %dma_wait3A_236 = tpu.memref_slice %arg5[%add3A, %run_scoped3A_41, %dma_wait3A_234, %dma_wait3A_235] : memref<32x2x40x128xi32, #tpu.memory_space<hbm>> -> memref<1x1x40x128xi32, #tpu.memory_space<hbm>>
      %dma_wait3A_237 = tpu.memref_squeeze %dma_wait3A_236 : memref<1x1x40x128xi32, #tpu.memory_space<hbm>> -> memref<40x128xi32, #tpu.memory_space<hbm>>
      tpu.wait_dma2 semaphore(%run_scoped3A_221 : memref<!tpu.dma_semaphore, #tpu.memory_space<semaphore_mem>>) src(%dma_wait3A_237 : memref<40x128xi32, #tpu.memory_space<hbm>>) dst(%arg12 : memref<40x128xi32, #tpu.memory_space<vmem>>)
      tpu.yield
    }) : () -> ()
    %dma_start3A_42 = arith.constant 0 : i32
    %dma_start3A_43 = arith.constant 0 : i32
    %dma_start3A_44 = arith.constant 0 : i32
    %dma_start3A_45 = tpu.memref_slice %arg14[%dma_start3A_43, %dma_start3A_44] : memref<8x128xf32, #tpu.memory_space<vmem>> -> memref<1x128xf32, #tpu.memory_space<vmem>>
    %dma_start3A_46 = tpu.memref_squeeze %dma_start3A_45 : memref<1x128xf32, #tpu.memory_space<vmem>> -> memref<128xf32, #tpu.memory_space<vmem>>
    %dma_start3A_47 = arith.constant 0 : i32
    %dma_start3A_48 = tpu.memref_slice %arg11[%dma_start3A_42, %dma_start3A_47] : memref<40x128xi32, #tpu.memory_space<vmem>> -> memref<1x128xi32, #tpu.memory_space<vmem>>
    %dma_start3A_49 = tpu.memref_squeeze %dma_start3A_48 : memref<1x128xi32, #tpu.memory_space<vmem>> -> memref<128xi32, #tpu.memory_space<vmem>>
    %dma_start3A_50 = arith.constant 0 : i32
    %dma_start3A_51 = tpu.memref_slice %arg3[%dma_start3A_50] : memref<81920xf32, #tpu.memory_space<hbm>> -> memref<81920xf32, #tpu.memory_space<hbm>>
    tpu.enqueue_indirect_dma source(%dma_start3A_51 : memref<81920xf32, #tpu.memory_space<hbm>>) target(%dma_start3A_46 : memref<128xf32, #tpu.memory_space<vmem>>) offsets(%dma_start3A_49 : memref<128xi32, #tpu.memory_space<vmem>>) semaphore(%arg17 : memref<!tpu.dma_semaphore, #tpu.memory_space<semaphore_mem>>)
    %dma_start3A_52 = arith.constant 1 : i32
    %dma_start3A_53 = arith.constant 1 : i32
    %dma_start3A_54 = arith.constant 0 : i32
    %dma_start3A_55 = tpu.memref_slice %arg14[%dma_start3A_53, %dma_start3A_54] : memref<8x128xf32, #tpu.memory_space<vmem>> -> memref<1x128xf32, #tpu.memory_space<vmem>>
    %dma_start3A_56 = tpu.memref_squeeze %dma_start3A_55 : memref<1x128xf32, #tpu.memory_space<vmem>> -> memref<128xf32, #tpu.memory_space<vmem>>
    %dma_start3A_57 = arith.constant 0 : i32
    %dma_start3A_58 = tpu.memref_slice %arg11[%dma_start3A_52, %dma_start3A_57] : memref<40x128xi32, #tpu.memory_space<vmem>> -> memref<1x128xi32, #tpu.memory_space<vmem>>
    %dma_start3A_59 = tpu.memref_squeeze %dma_start3A_58 : memref<1x128xi32, #tpu.memory_space<vmem>> -> memref<128xi32, #tpu.memory_space<vmem>>
    %dma_start3A_60 = arith.constant 0 : i32
    %dma_start3A_61 = tpu.memref_slice %arg3[%dma_start3A_60] : memref<81920xf32, #tpu.memory_space<hbm>> -> memref<81920xf32, #tpu.memory_space<hbm>>
    tpu.enqueue_indirect_dma source(%dma_start3A_61 : memref<81920xf32, #tpu.memory_space<hbm>>) target(%dma_start3A_56 : memref<128xf32, #tpu.memory_space<vmem>>) offsets(%dma_start3A_59 : memref<128xi32, #tpu.memory_space<vmem>>) semaphore(%arg17 : memref<!tpu.dma_semaphore, #tpu.memory_space<semaphore_mem>>)
    %dma_start3A_62 = arith.constant 2 : i32
    %dma_start3A_63 = arith.constant 2 : i32
    %dma_start3A_64 = arith.constant 0 : i32
    %dma_start3A_65 = tpu.memref_slice %arg14[%dma_start3A_63, %dma_start3A_64] : memref<8x128xf32, #tpu.memory_space<vmem>> -> memref<1x128xf32, #tpu.memory_space<vmem>>
    %dma_start3A_66 = tpu.memref_squeeze %dma_start3A_65 : memref<1x128xf32, #tpu.memory_space<vmem>> -> memref<128xf32, #tpu.memory_space<vmem>>
    %dma_start3A_67 = arith.constant 0 : i32
    %dma_start3A_68 = tpu.memref_slice %arg11[%dma_start3A_62, %dma_start3A_67] : memref<40x128xi32, #tpu.memory_space<vmem>> -> memref<1x128xi32, #tpu.memory_space<vmem>>
    %dma_start3A_69 = tpu.memref_squeeze %dma_start3A_68 : memref<1x128xi32, #tpu.memory_space<vmem>> -> memref<128xi32, #tpu.memory_space<vmem>>
    %dma_start3A_70 = arith.constant 0 : i32
    %dma_start3A_71 = tpu.memref_slice %arg3[%dma_start3A_70] : memref<81920xf32, #tpu.memory_space<hbm>> -> memref<81920xf32, #tpu.memory_space<hbm>>
    tpu.enqueue_indirect_dma source(%dma_start3A_71 : memref<81920xf32, #tpu.memory_space<hbm>>) target(%dma_start3A_66 : memref<128xf32, #tpu.memory_space<vmem>>) offsets(%dma_start3A_69 : memref<128xi32, #tpu.memory_space<vmem>>) semaphore(%arg17 : memref<!tpu.dma_semaphore, #tpu.memory_space<semaphore_mem>>)
    %dma_start3A_72 = arith.constant 3 : i32
    %dma_start3A_73 = arith.constant 3 : i32
    %dma_start3A_74 = arith.constant 0 : i32
    %dma_start3A_75 = tpu.memref_slice %arg14[%dma_start3A_73, %dma_start3A_74] : memref<8x128xf32, #tpu.memory_space<vmem>> -> memref<1x128xf32, #tpu.memory_space<vmem>>
    %dma_start3A_76 = tpu.memref_squeeze %dma_start3A_75 : memref<1x128xf32, #tpu.memory_space<vmem>> -> memref<128xf32, #tpu.memory_space<vmem>>
    %dma_start3A_77 = arith.constant 0 : i32
    %dma_start3A_78 = tpu.memref_slice %arg11[%dma_start3A_72, %dma_start3A_77] : memref<40x128xi32, #tpu.memory_space<vmem>> -> memref<1x128xi32, #tpu.memory_space<vmem>>
    %dma_start3A_79 = tpu.memref_squeeze %dma_start3A_78 : memref<1x128xi32, #tpu.memory_space<vmem>> -> memref<128xi32, #tpu.memory_space<vmem>>
    %dma_start3A_80 = arith.constant 0 : i32
    %dma_start3A_81 = tpu.memref_slice %arg3[%dma_start3A_80] : memref<81920xf32, #tpu.memory_space<hbm>> -> memref<81920xf32, #tpu.memory_space<hbm>>
    tpu.enqueue_indirect_dma source(%dma_start3A_81 : memref<81920xf32, #tpu.memory_space<hbm>>) target(%dma_start3A_76 : memref<128xf32, #tpu.memory_space<vmem>>) offsets(%dma_start3A_79 : memref<128xi32, #tpu.memory_space<vmem>>) semaphore(%arg17 : memref<!tpu.dma_semaphore, #tpu.memory_space<semaphore_mem>>)
    %scan3A_82 = arith.constant 0 : i32
    %scan3A_83 = arith.constant 0 : i32
    %scan3A_84 = arith.constant 40 : i32
    %scan3A_85 = arith.addi %scan3A_83, %scan3A_84 : i32
    %scan3A_86 = arith.constant 1 : i32
    scf.for %scan3A_221 = %scan3A_83 to %scan3A_85 step %scan3A_86  : i32 {
      %rem3A = arith.constant 8 : i32
      %rem3A_222 = arith.remsi %scan3A_221, %rem3A : i32
      %ge3A = arith.constant 4 : i32
      %ge3A_223 = arith.cmpi sge, %scan3A_221, %ge3A : i32
      %convert_element_type3A = arith.extui %ge3A_223 : i1 to i32
      %cond3A = arith.constant 0 : i32
      %cond3A_224 = arith.cmpi ne, %convert_element_type3A, %cond3A : i32
      scf.if %cond3A_224 {
        %sub3A = arith.constant 4 : i32
        %sub3A_247 = arith.subi %scan3A_221, %sub3A : i32
        %rem3A_248 = arith.constant 8 : i32
        %rem3A_249 = arith.remsi %sub3A_247, %rem3A_248 : i32
        %sub3A_250 = arith.constant 4 : i32
        %sub3A_251 = arith.subi %scan3A_221, %sub3A_250 : i32
        %dma_wait3A_252 = arith.constant 0 : i32
        %dma_wait3A_253 = tpu.memref_slice %arg14[%rem3A_249, %dma_wait3A_252] : memref<8x128xf32, #tpu.memory_space<vmem>> -> memref<1x128xf32, #tpu.memory_space<vmem>>
        %dma_wait3A_254 = tpu.memref_squeeze %dma_wait3A_253 : memref<1x128xf32, #tpu.memory_space<vmem>> -> memref<128xf32, #tpu.memory_space<vmem>>
        %dma_wait3A_255 = arith.constant 0 : i32
        %dma_wait3A_256 = tpu.memref_slice %arg12[%sub3A_251, %dma_wait3A_255] : memref<40x128xi32, #tpu.memory_space<vmem>> -> memref<1x128xi32, #tpu.memory_space<vmem>>
        %dma_wait3A_257 = tpu.memref_squeeze %dma_wait3A_256 : memref<1x128xi32, #tpu.memory_space<vmem>> -> memref<128xi32, #tpu.memory_space<vmem>>
        %dma_wait3A_258 = arith.constant 0 : i32
        %dma_wait3A_259 = tpu.memref_slice %arg16[%dma_wait3A_258] : memref<10240xf32, #tpu.memory_space<vmem_shared>> -> memref<10240xf32, #tpu.memory_space<vmem_shared>>
        tpu.wait_indirect_dma semaphore(%arg18 : memref<!tpu.dma_semaphore, #tpu.memory_space<semaphore_mem>>) src(%dma_wait3A_254 : memref<128xf32, #tpu.memory_space<vmem>>) dst(%dma_wait3A_259 : memref<10240xf32, #tpu.memory_space<vmem_shared>>)
      } else {
      }
      %add3A_225 = arith.constant 4 : i32
      %add3A_226 = arith.addi %scan3A_221, %add3A_225 : i32
      %lt3A = arith.constant 40 : i32
      %lt3A_227 = arith.cmpi slt, %add3A_226, %lt3A : i32
      %convert_element_type3A_228 = arith.extui %lt3A_227 : i1 to i32
      %cond3A_229 = arith.constant 0 : i32
      %cond3A_230 = arith.cmpi ne, %convert_element_type3A_228, %cond3A_229 : i32
      scf.if %cond3A_230 {
        %add3A_247 = arith.constant 4 : i32
        %add3A_248 = arith.addi %scan3A_221, %add3A_247 : i32
        %add3A_249 = arith.constant 4 : i32
        %add3A_250 = arith.addi %scan3A_221, %add3A_249 : i32
        %rem3A_251 = arith.constant 8 : i32
        %rem3A_252 = arith.remsi %add3A_250, %rem3A_251 : i32
        %dma_start3A_253 = arith.constant 0 : i32
        %dma_start3A_254 = tpu.memref_slice %arg14[%rem3A_252, %dma_start3A_253] : memref<8x128xf32, #tpu.memory_space<vmem>> -> memref<1x128xf32, #tpu.memory_space<vmem>>
        %dma_start3A_255 = tpu.memref_squeeze %dma_start3A_254 : memref<1x128xf32, #tpu.memory_space<vmem>> -> memref<128xf32, #tpu.memory_space<vmem>>
        %dma_start3A_256 = arith.constant 0 : i32
        %dma_start3A_257 = tpu.memref_slice %arg11[%add3A_248, %dma_start3A_256] : memref<40x128xi32, #tpu.memory_space<vmem>> -> memref<1x128xi32, #tpu.memory_space<vmem>>
        %dma_start3A_258 = tpu.memref_squeeze %dma_start3A_257 : memref<1x128xi32, #tpu.memory_space<vmem>> -> memref<128xi32, #tpu.memory_space<vmem>>
        %dma_start3A_259 = arith.constant 0 : i32
        %dma_start3A_260 = tpu.memref_slice %arg3[%dma_start3A_259] : memref<81920xf32, #tpu.memory_space<hbm>> -> memref<81920xf32, #tpu.memory_space<hbm>>
        tpu.enqueue_indirect_dma source(%dma_start3A_260 : memref<81920xf32, #tpu.memory_space<hbm>>) target(%dma_start3A_255 : memref<128xf32, #tpu.memory_space<vmem>>) offsets(%dma_start3A_258 : memref<128xi32, #tpu.memory_space<vmem>>) semaphore(%arg17 : memref<!tpu.dma_semaphore, #tpu.memory_space<semaphore_mem>>)
      } else {
      }
      %dma_wait3A_231 = arith.constant 0 : i32
      %dma_wait3A_232 = tpu.memref_slice %arg14[%rem3A_222, %dma_wait3A_231] : memref<8x128xf32, #tpu.memory_space<vmem>> -> memref<1x128xf32, #tpu.memory_space<vmem>>
      %dma_wait3A_233 = tpu.memref_squeeze %dma_wait3A_232 : memref<1x128xf32, #tpu.memory_space<vmem>> -> memref<128xf32, #tpu.memory_space<vmem>>
      %dma_wait3A_234 = arith.constant 0 : i32
      %dma_wait3A_235 = tpu.memref_slice %arg11[%scan3A_221, %dma_wait3A_234] : memref<40x128xi32, #tpu.memory_space<vmem>> -> memref<1x128xi32, #tpu.memory_space<vmem>>
      %dma_wait3A_236 = tpu.memref_squeeze %dma_wait3A_235 : memref<1x128xi32, #tpu.memory_space<vmem>> -> memref<128xi32, #tpu.memory_space<vmem>>
      %dma_wait3A_237 = arith.constant 0 : i32
      %dma_wait3A_238 = tpu.memref_slice %arg3[%dma_wait3A_237] : memref<81920xf32, #tpu.memory_space<hbm>> -> memref<81920xf32, #tpu.memory_space<hbm>>
      tpu.wait_indirect_dma semaphore(%arg17 : memref<!tpu.dma_semaphore, #tpu.memory_space<semaphore_mem>>) src(%dma_wait3A_238 : memref<81920xf32, #tpu.memory_space<hbm>>) dst(%dma_wait3A_233 : memref<128xf32, #tpu.memory_space<vmem>>)
      %dma_start3A_239 = arith.constant 0 : i32
      %dma_start3A_240 = tpu.memref_slice %arg14[%rem3A_222, %dma_start3A_239] : memref<8x128xf32, #tpu.memory_space<vmem>> -> memref<1x128xf32, #tpu.memory_space<vmem>>
      %dma_start3A_241 = tpu.memref_squeeze %dma_start3A_240 : memref<1x128xf32, #tpu.memory_space<vmem>> -> memref<128xf32, #tpu.memory_space<vmem>>
      %dma_start3A_242 = arith.constant 0 : i32
      %dma_start3A_243 = tpu.memref_slice %arg12[%scan3A_221, %dma_start3A_242] : memref<40x128xi32, #tpu.memory_space<vmem>> -> memref<1x128xi32, #tpu.memory_space<vmem>>
      %dma_start3A_244 = tpu.memref_squeeze %dma_start3A_243 : memref<1x128xi32, #tpu.memory_space<vmem>> -> memref<128xi32, #tpu.memory_space<vmem>>
      %dma_start3A_245 = arith.constant 0 : i32
      %dma_start3A_246 = tpu.memref_slice %arg16[%dma_start3A_245] : memref<10240xf32, #tpu.memory_space<vmem_shared>> -> memref<10240xf32, #tpu.memory_space<vmem_shared>>
      tpu.enqueue_indirect_dma source(%dma_start3A_241 : memref<128xf32, #tpu.memory_space<vmem>>) target(%dma_start3A_246 : memref<10240xf32, #tpu.memory_space<vmem_shared>>) offsets(%dma_start3A_244 : memref<128xi32, #tpu.memory_space<vmem>>) semaphore(%arg18 : memref<!tpu.dma_semaphore, #tpu.memory_space<semaphore_mem>>) {add = true}
    }
    %scan3A_87 = arith.constant 40 : i32
    %dma_wait3A = arith.constant 4 : i32
    %dma_wait3A_88 = arith.constant 36 : i32
    %dma_wait3A_89 = arith.constant 0 : i32
    %dma_wait3A_90 = tpu.memref_slice %arg14[%dma_wait3A, %dma_wait3A_89] : memref<8x128xf32, #tpu.memory_space<vmem>> -> memref<1x128xf32, #tpu.memory_space<vmem>>
    %dma_wait3A_91 = tpu.memref_squeeze %dma_wait3A_90 : memref<1x128xf32, #tpu.memory_space<vmem>> -> memref<128xf32, #tpu.memory_space<vmem>>
    %dma_wait3A_92 = arith.constant 0 : i32
    %dma_wait3A_93 = tpu.memref_slice %arg12[%dma_wait3A_88, %dma_wait3A_92] : memref<40x128xi32, #tpu.memory_space<vmem>> -> memref<1x128xi32, #tpu.memory_space<vmem>>
    %dma_wait3A_94 = tpu.memref_squeeze %dma_wait3A_93 : memref<1x128xi32, #tpu.memory_space<vmem>> -> memref<128xi32, #tpu.memory_space<vmem>>
    %dma_wait3A_95 = arith.constant 0 : i32
    %dma_wait3A_96 = tpu.memref_slice %arg16[%dma_wait3A_95] : memref<10240xf32, #tpu.memory_space<vmem_shared>> -> memref<10240xf32, #tpu.memory_space<vmem_shared>>
    tpu.wait_indirect_dma semaphore(%arg18 : memref<!tpu.dma_semaphore, #tpu.memory_space<semaphore_mem>>) src(%dma_wait3A_91 : memref<128xf32, #tpu.memory_space<vmem>>) dst(%dma_wait3A_96 : memref<10240xf32, #tpu.memory_space<vmem_shared>>)
    %dma_wait3A_97 = arith.constant 5 : i32
    %dma_wait3A_98 = arith.constant 37 : i32
    %dma_wait3A_99 = arith.constant 0 : i32
    %dma_wait3A_100 = tpu.memref_slice %arg14[%dma_wait3A_97, %dma_wait3A_99] : memref<8x128xf32, #tpu.memory_space<vmem>> -> memref<1x128xf32, #tpu.memory_space<vmem>>
    %dma_wait3A_101 = tpu.memref_squeeze %dma_wait3A_100 : memref<1x128xf32, #tpu.memory_space<vmem>> -> memref<128xf32, #tpu.memory_space<vmem>>
    %dma_wait3A_102 = arith.constant 0 : i32
    %dma_wait3A_103 = tpu.memref_slice %arg12[%dma_wait3A_98, %dma_wait3A_102] : memref<40x128xi32, #tpu.memory_space<vmem>> -> memref<1x128xi32, #tpu.memory_space<vmem>>
    %dma_wait3A_104 = tpu.memref_squeeze %dma_wait3A_103 : memref<1x128xi32, #tpu.memory_space<vmem>> -> memref<128xi32, #tpu.memory_space<vmem>>
    %dma_wait3A_105 = arith.constant 0 : i32
    %dma_wait3A_106 = tpu.memref_slice %arg16[%dma_wait3A_105] : memref<10240xf32, #tpu.memory_space<vmem_shared>> -> memref<10240xf32, #tpu.memory_space<vmem_shared>>
    tpu.wait_indirect_dma semaphore(%arg18 : memref<!tpu.dma_semaphore, #tpu.memory_space<semaphore_mem>>) src(%dma_wait3A_101 : memref<128xf32, #tpu.memory_space<vmem>>) dst(%dma_wait3A_106 : memref<10240xf32, #tpu.memory_space<vmem_shared>>)
    %dma_wait3A_107 = arith.constant 6 : i32
    %dma_wait3A_108 = arith.constant 38 : i32
    %dma_wait3A_109 = arith.constant 0 : i32
    %dma_wait3A_110 = tpu.memref_slice %arg14[%dma_wait3A_107, %dma_wait3A_109] : memref<8x128xf32, #tpu.memory_space<vmem>> -> memref<1x128xf32, #tpu.memory_space<vmem>>
    %dma_wait3A_111 = tpu.memref_squeeze %dma_wait3A_110 : memref<1x128xf32, #tpu.memory_space<vmem>> -> memref<128xf32, #tpu.memory_space<vmem>>
    %dma_wait3A_112 = arith.constant 0 : i32
    %dma_wait3A_113 = tpu.memref_slice %arg12[%dma_wait3A_108, %dma_wait3A_112] : memref<40x128xi32, #tpu.memory_space<vmem>> -> memref<1x128xi32, #tpu.memory_space<vmem>>
    %dma_wait3A_114 = tpu.memref_squeeze %dma_wait3A_113 : memref<1x128xi32, #tpu.memory_space<vmem>> -> memref<128xi32, #tpu.memory_space<vmem>>
    %dma_wait3A_115 = arith.constant 0 : i32
    %dma_wait3A_116 = tpu.memref_slice %arg16[%dma_wait3A_115] : memref<10240xf32, #tpu.memory_space<vmem_shared>> -> memref<10240xf32, #tpu.memory_space<vmem_shared>>
    tpu.wait_indirect_dma semaphore(%arg18 : memref<!tpu.dma_semaphore, #tpu.memory_space<semaphore_mem>>) src(%dma_wait3A_111 : memref<128xf32, #tpu.memory_space<vmem>>) dst(%dma_wait3A_116 : memref<10240xf32, #tpu.memory_space<vmem_shared>>)
    %dma_wait3A_117 = arith.constant 7 : i32
    %dma_wait3A_118 = arith.constant 39 : i32
    %dma_wait3A_119 = arith.constant 0 : i32
    %dma_wait3A_120 = tpu.memref_slice %arg14[%dma_wait3A_117, %dma_wait3A_119] : memref<8x128xf32, #tpu.memory_space<vmem>> -> memref<1x128xf32, #tpu.memory_space<vmem>>
    %dma_wait3A_121 = tpu.memref_squeeze %dma_wait3A_120 : memref<1x128xf32, #tpu.memory_space<vmem>> -> memref<128xf32, #tpu.memory_space<vmem>>
    %dma_wait3A_122 = arith.constant 0 : i32
    %dma_wait3A_123 = tpu.memref_slice %arg12[%dma_wait3A_118, %dma_wait3A_122] : memref<40x128xi32, #tpu.memory_space<vmem>> -> memref<1x128xi32, #tpu.memory_space<vmem>>
    %dma_wait3A_124 = tpu.memref_squeeze %dma_wait3A_123 : memref<1x128xi32, #tpu.memory_space<vmem>> -> memref<128xi32, #tpu.memory_space<vmem>>
    %dma_wait3A_125 = arith.constant 0 : i32
    %dma_wait3A_126 = tpu.memref_slice %arg16[%dma_wait3A_125] : memref<10240xf32, #tpu.memory_space<vmem_shared>> -> memref<10240xf32, #tpu.memory_space<vmem_shared>>
    tpu.wait_indirect_dma semaphore(%arg18 : memref<!tpu.dma_semaphore, #tpu.memory_space<semaphore_mem>>) src(%dma_wait3A_121 : memref<128xf32, #tpu.memory_space<vmem>>) dst(%dma_wait3A_126 : memref<10240xf32, #tpu.memory_space<vmem_shared>>)
    %run_scoped3A_127 = arith.constant 1 : i32
    "tpu.region"() ({
      %run_scoped3A_221 = tpu.sem_alloc : memref<!tpu.dma_semaphore, #tpu.memory_space<semaphore_mem>>
      %dma_start3A_222 = arith.constant 0 : i32
      %dma_start3A_223 = arith.constant 0 : i32
      %dma_start3A_224 = tpu.memref_slice %arg6[%add3A, %run_scoped3A_127, %dma_start3A_222, %dma_start3A_223] : memref<32x2x40x128xi32, #tpu.memory_space<hbm>> -> memref<1x1x40x128xi32, #tpu.memory_space<hbm>>
      %dma_start3A_225 = tpu.memref_squeeze %dma_start3A_224 : memref<1x1x40x128xi32, #tpu.memory_space<hbm>> -> memref<40x128xi32, #tpu.memory_space<hbm>>
      %dma_start3A_226 = arith.constant 0 : i32
      %dma_start3A_227 = arith.constant 0 : i32
      %dma_start3A_228 = tpu.memref_slice %arg6[%add3A, %run_scoped3A_127, %dma_start3A_226, %dma_start3A_227] : memref<32x2x40x128xi32, #tpu.memory_space<hbm>> -> memref<1x1x40x128xi32, #tpu.memory_space<hbm>>
      %dma_start3A_229 = tpu.memref_squeeze %dma_start3A_228 : memref<1x1x40x128xi32, #tpu.memory_space<hbm>> -> memref<40x128xi32, #tpu.memory_space<hbm>>
      tpu.enqueue_dma source(%dma_start3A_229 : memref<40x128xi32, #tpu.memory_space<hbm>>) target(%arg11 : memref<40x128xi32, #tpu.memory_space<vmem>>) target_semaphore(%run_scoped3A_221 : memref<!tpu.dma_semaphore, #tpu.memory_space<semaphore_mem>>)
      %dma_wait3A_230 = arith.constant 0 : i32
      %dma_wait3A_231 = arith.constant 0 : i32
      %dma_wait3A_232 = tpu.memref_slice %arg6[%add3A, %run_scoped3A_127, %dma_wait3A_230, %dma_wait3A_231] : memref<32x2x40x128xi32, #tpu.memory_space<hbm>> -> memref<1x1x40x128xi32, #tpu.memory_space<hbm>>
      %dma_wait3A_233 = tpu.memref_squeeze %dma_wait3A_232 : memref<1x1x40x128xi32, #tpu.memory_space<hbm>> -> memref<40x128xi32, #tpu.memory_space<hbm>>
      %dma_wait3A_234 = arith.constant 0 : i32
      %dma_wait3A_235 = arith.constant 0 : i32
      %dma_wait3A_236 = tpu.memref_slice %arg6[%add3A, %run_scoped3A_127, %dma_wait3A_234, %dma_wait3A_235] : memref<32x2x40x128xi32, #tpu.memory_space<hbm>> -> memref<1x1x40x128xi32, #tpu.memory_space<hbm>>
      %dma_wait3A_237 = tpu.memref_squeeze %dma_wait3A_236 : memref<1x1x40x128xi32, #tpu.memory_space<hbm>> -> memref<40x128xi32, #tpu.memory_space<hbm>>
      tpu.wait_dma2 semaphore(%run_scoped3A_221 : memref<!tpu.dma_semaphore, #tpu.memory_space<semaphore_mem>>) src(%dma_wait3A_237 : memref<40x128xi32, #tpu.memory_space<hbm>>) dst(%arg11 : memref<40x128xi32, #tpu.memory_space<vmem>>)
      tpu.yield
    }) : () -> ()
    %run_scoped3A_128 = arith.constant 1 : i32
    "tpu.region"() ({
      %run_scoped3A_221 = tpu.sem_alloc : memref<!tpu.dma_semaphore, #tpu.memory_space<semaphore_mem>>
      %dma_start3A_222 = arith.constant 0 : i32
      %dma_start3A_223 = arith.constant 0 : i32
      %dma_start3A_224 = tpu.memref_slice %arg5[%add3A, %run_scoped3A_128, %dma_start3A_222, %dma_start3A_223] : memref<32x2x40x128xi32, #tpu.memory_space<hbm>> -> memref<1x1x40x128xi32, #tpu.memory_space<hbm>>
      %dma_start3A_225 = tpu.memref_squeeze %dma_start3A_224 : memref<1x1x40x128xi32, #tpu.memory_space<hbm>> -> memref<40x128xi32, #tpu.memory_space<hbm>>
      %dma_start3A_226 = arith.constant 0 : i32
      %dma_start3A_227 = arith.constant 0 : i32
      %dma_start3A_228 = tpu.memref_slice %arg5[%add3A, %run_scoped3A_128, %dma_start3A_226, %dma_start3A_227] : memref<32x2x40x128xi32, #tpu.memory_space<hbm>> -> memref<1x1x40x128xi32, #tpu.memory_space<hbm>>
      %dma_start3A_229 = tpu.memref_squeeze %dma_start3A_228 : memref<1x1x40x128xi32, #tpu.memory_space<hbm>> -> memref<40x128xi32, #tpu.memory_space<hbm>>
      tpu.enqueue_dma source(%dma_start3A_229 : memref<40x128xi32, #tpu.memory_space<hbm>>) target(%arg12 : memref<40x128xi32, #tpu.memory_space<vmem>>) target_semaphore(%run_scoped3A_221 : memref<!tpu.dma_semaphore, #tpu.memory_space<semaphore_mem>>)
      %dma_wait3A_230 = arith.constant 0 : i32
      %dma_wait3A_231 = arith.constant 0 : i32
      %dma_wait3A_232 = tpu.memref_slice %arg5[%add3A, %run_scoped3A_128, %dma_wait3A_230, %dma_wait3A_231] : memref<32x2x40x128xi32, #tpu.memory_space<hbm>> -> memref<1x1x40x128xi32, #tpu.memory_space<hbm>>
      %dma_wait3A_233 = tpu.memref_squeeze %dma_wait3A_232 : memref<1x1x40x128xi32, #tpu.memory_space<hbm>> -> memref<40x128xi32, #tpu.memory_space<hbm>>
      %dma_wait3A_234 = arith.constant 0 : i32
      %dma_wait3A_235 = arith.constant 0 : i32
      %dma_wait3A_236 = tpu.memref_slice %arg5[%add3A, %run_scoped3A_128, %dma_wait3A_234, %dma_wait3A_235] : memref<32x2x40x128xi32, #tpu.memory_space<hbm>> -> memref<1x1x40x128xi32, #tpu.memory_space<hbm>>
      %dma_wait3A_237 = tpu.memref_squeeze %dma_wait3A_236 : memref<1x1x40x128xi32, #tpu.memory_space<hbm>> -> memref<40x128xi32, #tpu.memory_space<hbm>>
      tpu.wait_dma2 semaphore(%run_scoped3A_221 : memref<!tpu.dma_semaphore, #tpu.memory_space<semaphore_mem>>) src(%dma_wait3A_237 : memref<40x128xi32, #tpu.memory_space<hbm>>) dst(%arg12 : memref<40x128xi32, #tpu.memory_space<vmem>>)
      tpu.yield
    }) : () -> ()
    %dma_start3A_129 = arith.constant 0 : i32
    %dma_start3A_130 = arith.constant 0 : i32
    %dma_start3A_131 = arith.constant 0 : i32
    %dma_start3A_132 = tpu.memref_slice %arg14[%dma_start3A_130, %dma_start3A_131] : memref<8x128xf32, #tpu.memory_space<vmem>> -> memref<1x128xf32, #tpu.memory_space<vmem>>
    %dma_start3A_133 = tpu.memref_squeeze %dma_start3A_132 : memref<1x128xf32, #tpu.memory_space<vmem>> -> memref<128xf32, #tpu.memory_space<vmem>>
    %dma_start3A_134 = arith.constant 0 : i32
    %dma_start3A_135 = tpu.memref_slice %arg11[%dma_start3A_129, %dma_start3A_134] : memref<40x128xi32, #tpu.memory_space<vmem>> -> memref<1x128xi32, #tpu.memory_space<vmem>>
    %dma_start3A_136 = tpu.memref_squeeze %dma_start3A_135 : memref<1x128xi32, #tpu.memory_space<vmem>> -> memref<128xi32, #tpu.memory_space<vmem>>
    %dma_start3A_137 = arith.constant 0 : i32
    %dma_start3A_138 = tpu.memref_slice %arg3[%dma_start3A_137] : memref<81920xf32, #tpu.memory_space<hbm>> -> memref<81920xf32, #tpu.memory_space<hbm>>
    tpu.enqueue_indirect_dma source(%dma_start3A_138 : memref<81920xf32, #tpu.memory_space<hbm>>) target(%dma_start3A_133 : memref<128xf32, #tpu.memory_space<vmem>>) offsets(%dma_start3A_136 : memref<128xi32, #tpu.memory_space<vmem>>) semaphore(%arg17 : memref<!tpu.dma_semaphore, #tpu.memory_space<semaphore_mem>>)
    %dma_start3A_139 = arith.constant 1 : i32
    %dma_start3A_140 = arith.constant 1 : i32
    %dma_start3A_141 = arith.constant 0 : i32
    %dma_start3A_142 = tpu.memref_slice %arg14[%dma_start3A_140, %dma_start3A_141] : memref<8x128xf32, #tpu.memory_space<vmem>> -> memref<1x128xf32, #tpu.memory_space<vmem>>
    %dma_start3A_143 = tpu.memref_squeeze %dma_start3A_142 : memref<1x128xf32, #tpu.memory_space<vmem>> -> memref<128xf32, #tpu.memory_space<vmem>>
    %dma_start3A_144 = arith.constant 0 : i32
    %dma_start3A_145 = tpu.memref_slice %arg11[%dma_start3A_139, %dma_start3A_144] : memref<40x128xi32, #tpu.memory_space<vmem>> -> memref<1x128xi32, #tpu.memory_space<vmem>>
    %dma_start3A_146 = tpu.memref_squeeze %dma_start3A_145 : memref<1x128xi32, #tpu.memory_space<vmem>> -> memref<128xi32, #tpu.memory_space<vmem>>
    %dma_start3A_147 = arith.constant 0 : i32
    %dma_start3A_148 = tpu.memref_slice %arg3[%dma_start3A_147] : memref<81920xf32, #tpu.memory_space<hbm>> -> memref<81920xf32, #tpu.memory_space<hbm>>
    tpu.enqueue_indirect_dma source(%dma_start3A_148 : memref<81920xf32, #tpu.memory_space<hbm>>) target(%dma_start3A_143 : memref<128xf32, #tpu.memory_space<vmem>>) offsets(%dma_start3A_146 : memref<128xi32, #tpu.memory_space<vmem>>) semaphore(%arg17 : memref<!tpu.dma_semaphore, #tpu.memory_space<semaphore_mem>>)
    %dma_start3A_149 = arith.constant 2 : i32
    %dma_start3A_150 = arith.constant 2 : i32
    %dma_start3A_151 = arith.constant 0 : i32
    %dma_start3A_152 = tpu.memref_slice %arg14[%dma_start3A_150, %dma_start3A_151] : memref<8x128xf32, #tpu.memory_space<vmem>> -> memref<1x128xf32, #tpu.memory_space<vmem>>
    %dma_start3A_153 = tpu.memref_squeeze %dma_start3A_152 : memref<1x128xf32, #tpu.memory_space<vmem>> -> memref<128xf32, #tpu.memory_space<vmem>>
    %dma_start3A_154 = arith.constant 0 : i32
    %dma_start3A_155 = tpu.memref_slice %arg11[%dma_start3A_149, %dma_start3A_154] : memref<40x128xi32, #tpu.memory_space<vmem>> -> memref<1x128xi32, #tpu.memory_space<vmem>>
    %dma_start3A_156 = tpu.memref_squeeze %dma_start3A_155 : memref<1x128xi32, #tpu.memory_space<vmem>> -> memref<128xi32, #tpu.memory_space<vmem>>
    %dma_start3A_157 = arith.constant 0 : i32
    %dma_start3A_158 = tpu.memref_slice %arg3[%dma_start3A_157] : memref<81920xf32, #tpu.memory_space<hbm>> -> memref<81920xf32, #tpu.memory_space<hbm>>
    tpu.enqueue_indirect_dma source(%dma_start3A_158 : memref<81920xf32, #tpu.memory_space<hbm>>) target(%dma_start3A_153 : memref<128xf32, #tpu.memory_space<vmem>>) offsets(%dma_start3A_156 : memref<128xi32, #tpu.memory_space<vmem>>) semaphore(%arg17 : memref<!tpu.dma_semaphore, #tpu.memory_space<semaphore_mem>>)
    %dma_start3A_159 = arith.constant 3 : i32
    %dma_start3A_160 = arith.constant 3 : i32
    %dma_start3A_161 = arith.constant 0 : i32
    %dma_start3A_162 = tpu.memref_slice %arg14[%dma_start3A_160, %dma_start3A_161] : memref<8x128xf32, #tpu.memory_space<vmem>> -> memref<1x128xf32, #tpu.memory_space<vmem>>
    %dma_start3A_163 = tpu.memref_squeeze %dma_start3A_162 : memref<1x128xf32, #tpu.memory_space<vmem>> -> memref<128xf32, #tpu.memory_space<vmem>>
    %dma_start3A_164 = arith.constant 0 : i32
    %dma_start3A_165 = tpu.memref_slice %arg11[%dma_start3A_159, %dma_start3A_164] : memref<40x128xi32, #tpu.memory_space<vmem>> -> memref<1x128xi32, #tpu.memory_space<vmem>>
    %dma_start3A_166 = tpu.memref_squeeze %dma_start3A_165 : memref<1x128xi32, #tpu.memory_space<vmem>> -> memref<128xi32, #tpu.memory_space<vmem>>
    %dma_start3A_167 = arith.constant 0 : i32
    %dma_start3A_168 = tpu.memref_slice %arg3[%dma_start3A_167] : memref<81920xf32, #tpu.memory_space<hbm>> -> memref<81920xf32, #tpu.memory_space<hbm>>
    tpu.enqueue_indirect_dma source(%dma_start3A_168 : memref<81920xf32, #tpu.memory_space<hbm>>) target(%dma_start3A_163 : memref<128xf32, #tpu.memory_space<vmem>>) offsets(%dma_start3A_166 : memref<128xi32, #tpu.memory_space<vmem>>) semaphore(%arg17 : memref<!tpu.dma_semaphore, #tpu.memory_space<semaphore_mem>>)
    %scan3A_169 = arith.constant 0 : i32
    %scan3A_170 = arith.constant 0 : i32
    %scan3A_171 = arith.constant 40 : i32
    %scan3A_172 = arith.addi %scan3A_170, %scan3A_171 : i32
    %scan3A_173 = arith.constant 1 : i32
    scf.for %scan3A_221 = %scan3A_170 to %scan3A_172 step %scan3A_173  : i32 {
      %rem3A = arith.constant 8 : i32
      %rem3A_222 = arith.remsi %scan3A_221, %rem3A : i32
      %ge3A = arith.constant 4 : i32
      %ge3A_223 = arith.cmpi sge, %scan3A_221, %ge3A : i32
      %convert_element_type3A = arith.extui %ge3A_223 : i1 to i32
      %cond3A = arith.constant 0 : i32
      %cond3A_224 = arith.cmpi ne, %convert_element_type3A, %cond3A : i32
      scf.if %cond3A_224 {
        %sub3A = arith.constant 4 : i32
        %sub3A_247 = arith.subi %scan3A_221, %sub3A : i32
        %rem3A_248 = arith.constant 8 : i32
        %rem3A_249 = arith.remsi %sub3A_247, %rem3A_248 : i32
        %sub3A_250 = arith.constant 4 : i32
        %sub3A_251 = arith.subi %scan3A_221, %sub3A_250 : i32
        %dma_wait3A_252 = arith.constant 0 : i32
        %dma_wait3A_253 = tpu.memref_slice %arg14[%rem3A_249, %dma_wait3A_252] : memref<8x128xf32, #tpu.memory_space<vmem>> -> memref<1x128xf32, #tpu.memory_space<vmem>>
        %dma_wait3A_254 = tpu.memref_squeeze %dma_wait3A_253 : memref<1x128xf32, #tpu.memory_space<vmem>> -> memref<128xf32, #tpu.memory_space<vmem>>
        %dma_wait3A_255 = arith.constant 0 : i32
        %dma_wait3A_256 = tpu.memref_slice %arg12[%sub3A_251, %dma_wait3A_255] : memref<40x128xi32, #tpu.memory_space<vmem>> -> memref<1x128xi32, #tpu.memory_space<vmem>>
        %dma_wait3A_257 = tpu.memref_squeeze %dma_wait3A_256 : memref<1x128xi32, #tpu.memory_space<vmem>> -> memref<128xi32, #tpu.memory_space<vmem>>
        %dma_wait3A_258 = arith.constant 0 : i32
        %dma_wait3A_259 = tpu.memref_slice %arg16[%dma_wait3A_258] : memref<10240xf32, #tpu.memory_space<vmem_shared>> -> memref<10240xf32, #tpu.memory_space<vmem_shared>>
        tpu.wait_indirect_dma semaphore(%arg18 : memref<!tpu.dma_semaphore, #tpu.memory_space<semaphore_mem>>) src(%dma_wait3A_254 : memref<128xf32, #tpu.memory_space<vmem>>) dst(%dma_wait3A_259 : memref<10240xf32, #tpu.memory_space<vmem_shared>>)
      } else {
      }
      %add3A_225 = arith.constant 4 : i32
      %add3A_226 = arith.addi %scan3A_221, %add3A_225 : i32
      %lt3A = arith.constant 40 : i32
      %lt3A_227 = arith.cmpi slt, %add3A_226, %lt3A : i32
      %convert_element_type3A_228 = arith.extui %lt3A_227 : i1 to i32
      %cond3A_229 = arith.constant 0 : i32
      %cond3A_230 = arith.cmpi ne, %convert_element_type3A_228, %cond3A_229 : i32
      scf.if %cond3A_230 {
        %add3A_247 = arith.constant 4 : i32
        %add3A_248 = arith.addi %scan3A_221, %add3A_247 : i32
        %add3A_249 = arith.constant 4 : i32
        %add3A_250 = arith.addi %scan3A_221, %add3A_249 : i32
        %rem3A_251 = arith.constant 8 : i32
        %rem3A_252 = arith.remsi %add3A_250, %rem3A_251 : i32
        %dma_start3A_253 = arith.constant 0 : i32
        %dma_start3A_254 = tpu.memref_slice %arg14[%rem3A_252, %dma_start3A_253] : memref<8x128xf32, #tpu.memory_space<vmem>> -> memref<1x128xf32, #tpu.memory_space<vmem>>
        %dma_start3A_255 = tpu.memref_squeeze %dma_start3A_254 : memref<1x128xf32, #tpu.memory_space<vmem>> -> memref<128xf32, #tpu.memory_space<vmem>>
        %dma_start3A_256 = arith.constant 0 : i32
        %dma_start3A_257 = tpu.memref_slice %arg11[%add3A_248, %dma_start3A_256] : memref<40x128xi32, #tpu.memory_space<vmem>> -> memref<1x128xi32, #tpu.memory_space<vmem>>
        %dma_start3A_258 = tpu.memref_squeeze %dma_start3A_257 : memref<1x128xi32, #tpu.memory_space<vmem>> -> memref<128xi32, #tpu.memory_space<vmem>>
        %dma_start3A_259 = arith.constant 0 : i32
        %dma_start3A_260 = tpu.memref_slice %arg3[%dma_start3A_259] : memref<81920xf32, #tpu.memory_space<hbm>> -> memref<81920xf32, #tpu.memory_space<hbm>>
        tpu.enqueue_indirect_dma source(%dma_start3A_260 : memref<81920xf32, #tpu.memory_space<hbm>>) target(%dma_start3A_255 : memref<128xf32, #tpu.memory_space<vmem>>) offsets(%dma_start3A_258 : memref<128xi32, #tpu.memory_space<vmem>>) semaphore(%arg17 : memref<!tpu.dma_semaphore, #tpu.memory_space<semaphore_mem>>)
      } else {
      }
      %dma_wait3A_231 = arith.constant 0 : i32
      %dma_wait3A_232 = tpu.memref_slice %arg14[%rem3A_222, %dma_wait3A_231] : memref<8x128xf32, #tpu.memory_space<vmem>> -> memref<1x128xf32, #tpu.memory_space<vmem>>
      %dma_wait3A_233 = tpu.memref_squeeze %dma_wait3A_232 : memref<1x128xf32, #tpu.memory_space<vmem>> -> memref<128xf32, #tpu.memory_space<vmem>>
      %dma_wait3A_234 = arith.constant 0 : i32
      %dma_wait3A_235 = tpu.memref_slice %arg11[%scan3A_221, %dma_wait3A_234] : memref<40x128xi32, #tpu.memory_space<vmem>> -> memref<1x128xi32, #tpu.memory_space<vmem>>
      %dma_wait3A_236 = tpu.memref_squeeze %dma_wait3A_235 : memref<1x128xi32, #tpu.memory_space<vmem>> -> memref<128xi32, #tpu.memory_space<vmem>>
      %dma_wait3A_237 = arith.constant 0 : i32
      %dma_wait3A_238 = tpu.memref_slice %arg3[%dma_wait3A_237] : memref<81920xf32, #tpu.memory_space<hbm>> -> memref<81920xf32, #tpu.memory_space<hbm>>
      tpu.wait_indirect_dma semaphore(%arg17 : memref<!tpu.dma_semaphore, #tpu.memory_space<semaphore_mem>>) src(%dma_wait3A_238 : memref<81920xf32, #tpu.memory_space<hbm>>) dst(%dma_wait3A_233 : memref<128xf32, #tpu.memory_space<vmem>>)
      %dma_start3A_239 = arith.constant 0 : i32
      %dma_start3A_240 = tpu.memref_slice %arg14[%rem3A_222, %dma_start3A_239] : memref<8x128xf32, #tpu.memory_space<vmem>> -> memref<1x128xf32, #tpu.memory_space<vmem>>
      %dma_start3A_241 = tpu.memref_squeeze %dma_start3A_240 : memref<1x128xf32, #tpu.memory_space<vmem>> -> memref<128xf32, #tpu.memory_space<vmem>>
      %dma_start3A_242 = arith.constant 0 : i32
      %dma_start3A_243 = tpu.memref_slice %arg12[%scan3A_221, %dma_start3A_242] : memref<40x128xi32, #tpu.memory_space<vmem>> -> memref<1x128xi32, #tpu.memory_space<vmem>>
      %dma_start3A_244 = tpu.memref_squeeze %dma_start3A_243 : memref<1x128xi32, #tpu.memory_space<vmem>> -> memref<128xi32, #tpu.memory_space<vmem>>
      %dma_start3A_245 = arith.constant 0 : i32
      %dma_start3A_246 = tpu.memref_slice %arg16[%dma_start3A_245] : memref<10240xf32, #tpu.memory_space<vmem_shared>> -> memref<10240xf32, #tpu.memory_space<vmem_shared>>
      tpu.enqueue_indirect_dma source(%dma_start3A_241 : memref<128xf32, #tpu.memory_space<vmem>>) target(%dma_start3A_246 : memref<10240xf32, #tpu.memory_space<vmem_shared>>) offsets(%dma_start3A_244 : memref<128xi32, #tpu.memory_space<vmem>>) semaphore(%arg18 : memref<!tpu.dma_semaphore, #tpu.memory_space<semaphore_mem>>) {add = true}
    }
    %scan3A_174 = arith.constant 40 : i32
    %dma_wait3A_175 = arith.constant 4 : i32
    %dma_wait3A_176 = arith.constant 36 : i32
    %dma_wait3A_177 = arith.constant 0 : i32
    %dma_wait3A_178 = tpu.memref_slice %arg14[%dma_wait3A_175, %dma_wait3A_177] : memref<8x128xf32, #tpu.memory_space<vmem>> -> memref<1x128xf32, #tpu.memory_space<vmem>>
    %dma_wait3A_179 = tpu.memref_squeeze %dma_wait3A_178 : memref<1x128xf32, #tpu.memory_space<vmem>> -> memref<128xf32, #tpu.memory_space<vmem>>
    %dma_wait3A_180 = arith.constant 0 : i32
    %dma_wait3A_181 = tpu.memref_slice %arg12[%dma_wait3A_176, %dma_wait3A_180] : memref<40x128xi32, #tpu.memory_space<vmem>> -> memref<1x128xi32, #tpu.memory_space<vmem>>
    %dma_wait3A_182 = tpu.memref_squeeze %dma_wait3A_181 : memref<1x128xi32, #tpu.memory_space<vmem>> -> memref<128xi32, #tpu.memory_space<vmem>>
    %dma_wait3A_183 = arith.constant 0 : i32
    %dma_wait3A_184 = tpu.memref_slice %arg16[%dma_wait3A_183] : memref<10240xf32, #tpu.memory_space<vmem_shared>> -> memref<10240xf32, #tpu.memory_space<vmem_shared>>
    tpu.wait_indirect_dma semaphore(%arg18 : memref<!tpu.dma_semaphore, #tpu.memory_space<semaphore_mem>>) src(%dma_wait3A_179 : memref<128xf32, #tpu.memory_space<vmem>>) dst(%dma_wait3A_184 : memref<10240xf32, #tpu.memory_space<vmem_shared>>)
    %dma_wait3A_185 = arith.constant 5 : i32
    %dma_wait3A_186 = arith.constant 37 : i32
    %dma_wait3A_187 = arith.constant 0 : i32
    %dma_wait3A_188 = tpu.memref_slice %arg14[%dma_wait3A_185, %dma_wait3A_187] : memref<8x128xf32, #tpu.memory_space<vmem>> -> memref<1x128xf32, #tpu.memory_space<vmem>>
    %dma_wait3A_189 = tpu.memref_squeeze %dma_wait3A_188 : memref<1x128xf32, #tpu.memory_space<vmem>> -> memref<128xf32, #tpu.memory_space<vmem>>
    %dma_wait3A_190 = arith.constant 0 : i32
    %dma_wait3A_191 = tpu.memref_slice %arg12[%dma_wait3A_186, %dma_wait3A_190] : memref<40x128xi32, #tpu.memory_space<vmem>> -> memref<1x128xi32, #tpu.memory_space<vmem>>
    %dma_wait3A_192 = tpu.memref_squeeze %dma_wait3A_191 : memref<1x128xi32, #tpu.memory_space<vmem>> -> memref<128xi32, #tpu.memory_space<vmem>>
    %dma_wait3A_193 = arith.constant 0 : i32
    %dma_wait3A_194 = tpu.memref_slice %arg16[%dma_wait3A_193] : memref<10240xf32, #tpu.memory_space<vmem_shared>> -> memref<10240xf32, #tpu.memory_space<vmem_shared>>
    tpu.wait_indirect_dma semaphore(%arg18 : memref<!tpu.dma_semaphore, #tpu.memory_space<semaphore_mem>>) src(%dma_wait3A_189 : memref<128xf32, #tpu.memory_space<vmem>>) dst(%dma_wait3A_194 : memref<10240xf32, #tpu.memory_space<vmem_shared>>)
    %dma_wait3A_195 = arith.constant 6 : i32
    %dma_wait3A_196 = arith.constant 38 : i32
    %dma_wait3A_197 = arith.constant 0 : i32
    %dma_wait3A_198 = tpu.memref_slice %arg14[%dma_wait3A_195, %dma_wait3A_197] : memref<8x128xf32, #tpu.memory_space<vmem>> -> memref<1x128xf32, #tpu.memory_space<vmem>>
    %dma_wait3A_199 = tpu.memref_squeeze %dma_wait3A_198 : memref<1x128xf32, #tpu.memory_space<vmem>> -> memref<128xf32, #tpu.memory_space<vmem>>
    %dma_wait3A_200 = arith.constant 0 : i32
    %dma_wait3A_201 = tpu.memref_slice %arg12[%dma_wait3A_196, %dma_wait3A_200] : memref<40x128xi32, #tpu.memory_space<vmem>> -> memref<1x128xi32, #tpu.memory_space<vmem>>
    %dma_wait3A_202 = tpu.memref_squeeze %dma_wait3A_201 : memref<1x128xi32, #tpu.memory_space<vmem>> -> memref<128xi32, #tpu.memory_space<vmem>>
    %dma_wait3A_203 = arith.constant 0 : i32
    %dma_wait3A_204 = tpu.memref_slice %arg16[%dma_wait3A_203] : memref<10240xf32, #tpu.memory_space<vmem_shared>> -> memref<10240xf32, #tpu.memory_space<vmem_shared>>
    tpu.wait_indirect_dma semaphore(%arg18 : memref<!tpu.dma_semaphore, #tpu.memory_space<semaphore_mem>>) src(%dma_wait3A_199 : memref<128xf32, #tpu.memory_space<vmem>>) dst(%dma_wait3A_204 : memref<10240xf32, #tpu.memory_space<vmem_shared>>)
    %dma_wait3A_205 = arith.constant 7 : i32
    %dma_wait3A_206 = arith.constant 39 : i32
    %dma_wait3A_207 = arith.constant 0 : i32
    %dma_wait3A_208 = tpu.memref_slice %arg14[%dma_wait3A_205, %dma_wait3A_207] : memref<8x128xf32, #tpu.memory_space<vmem>> -> memref<1x128xf32, #tpu.memory_space<vmem>>
    %dma_wait3A_209 = tpu.memref_squeeze %dma_wait3A_208 : memref<1x128xf32, #tpu.memory_space<vmem>> -> memref<128xf32, #tpu.memory_space<vmem>>
    %dma_wait3A_210 = arith.constant 0 : i32
    %dma_wait3A_211 = tpu.memref_slice %arg12[%dma_wait3A_206, %dma_wait3A_210] : memref<40x128xi32, #tpu.memory_space<vmem>> -> memref<1x128xi32, #tpu.memory_space<vmem>>
    %dma_wait3A_212 = tpu.memref_squeeze %dma_wait3A_211 : memref<1x128xi32, #tpu.memory_space<vmem>> -> memref<128xi32, #tpu.memory_space<vmem>>
    %dma_wait3A_213 = arith.constant 0 : i32
    %dma_wait3A_214 = tpu.memref_slice %arg16[%dma_wait3A_213] : memref<10240xf32, #tpu.memory_space<vmem_shared>> -> memref<10240xf32, #tpu.memory_space<vmem_shared>>
    tpu.wait_indirect_dma semaphore(%arg18 : memref<!tpu.dma_semaphore, #tpu.memory_space<semaphore_mem>>) src(%dma_wait3A_209 : memref<128xf32, #tpu.memory_space<vmem>>) dst(%dma_wait3A_214 : memref<10240xf32, #tpu.memory_space<vmem_shared>>)
    %barrier3A_215 = arith.constant 0 : index
    tpu.barrier barrier_id(%barrier3A_215)
    "tpu.region"() ({
      %run_scoped3A_221 = tpu.sem_alloc : memref<!tpu.dma_semaphore, #tpu.memory_space<semaphore_mem>>
      %dma_start3A_222 = arith.constant 0 : i32
      %dma_start3A_223 = tpu.memref_slice %arg9[%arg0, %mul3A_2, %dma_start3A_222] : memref<2x10240x128xf32, #tpu.memory_space<hbm>> -> memref<1x640x128xf32, #tpu.memory_space<hbm>>
      %dma_start3A_224 = tpu.memref_squeeze %dma_start3A_223 : memref<1x640x128xf32, #tpu.memory_space<hbm>> -> memref<640x128xf32, #tpu.memory_space<hbm>>
      %dma_start3A_225 = arith.constant 0 : i32
      %dma_start3A_226 = tpu.memref_slice %arg15[%mul3A_2, %dma_start3A_225] : memref<10240x128xf32, #tpu.memory_space<vmem_shared>> -> memref<640x128xf32, #tpu.memory_space<vmem_shared>>
      tpu.enqueue_dma source(%dma_start3A_226 : memref<640x128xf32, #tpu.memory_space<vmem_shared>>) target(%dma_start3A_224 : memref<640x128xf32, #tpu.memory_space<hbm>>) target_semaphore(%run_scoped3A_221 : memref<!tpu.dma_semaphore, #tpu.memory_space<semaphore_mem>>)
      %dma_wait3A_227 = arith.constant 0 : i32
      %dma_wait3A_228 = tpu.memref_slice %arg9[%arg0, %mul3A_2, %dma_wait3A_227] : memref<2x10240x128xf32, #tpu.memory_space<hbm>> -> memref<1x640x128xf32, #tpu.memory_space<hbm>>
      %dma_wait3A_229 = tpu.memref_squeeze %dma_wait3A_228 : memref<1x640x128xf32, #tpu.memory_space<hbm>> -> memref<640x128xf32, #tpu.memory_space<hbm>>
      %dma_wait3A_230 = arith.constant 0 : i32
      %dma_wait3A_231 = tpu.memref_slice %arg15[%mul3A_2, %dma_wait3A_230] : memref<10240x128xf32, #tpu.memory_space<vmem_shared>> -> memref<640x128xf32, #tpu.memory_space<vmem_shared>>
      tpu.wait_dma2 semaphore(%run_scoped3A_221 : memref<!tpu.dma_semaphore, #tpu.memory_space<semaphore_mem>>) src(%dma_wait3A_231 : memref<640x128xf32, #tpu.memory_space<vmem_shared>>) dst(%dma_wait3A_229 : memref<640x128xf32, #tpu.memory_space<hbm>>)
      tpu.yield
    }) : () -> ()
    %mul3A_216 = arith.constant 10240 : i32
    %mul3A_217 = arith.muli %arg0, %mul3A_216 : i32
    %mul3A_218 = arith.constant 640 : i32
    %mul3A_219 = arith.muli %arg1, %mul3A_218 : i32
    %add3A_220 = arith.addi %mul3A_217, %mul3A_219 : i32
    %multiple_of3A = tpu.assume_multiple %add3A_220, 128 : i32
    "tpu.region"() ({
      %run_scoped3A_221 = tpu.sem_alloc : memref<!tpu.dma_semaphore, #tpu.memory_space<semaphore_mem>>
      %dma_start3A_222 = tpu.memref_slice %arg10[%multiple_of3A] : memref<20480xf32, #tpu.memory_space<hbm>> -> memref<640xf32, #tpu.memory_space<hbm>>
      %dma_start3A_223 = tpu.memref_slice %arg16[%mul3A_2] : memref<10240xf32, #tpu.memory_space<vmem_shared>> -> memref<640xf32, #tpu.memory_space<vmem_shared>>
      tpu.enqueue_dma source(%dma_start3A_223 : memref<640xf32, #tpu.memory_space<vmem_shared>>) target(%dma_start3A_222 : memref<640xf32, #tpu.memory_space<hbm>>) target_semaphore(%run_scoped3A_221 : memref<!tpu.dma_semaphore, #tpu.memory_space<semaphore_mem>>)
      %dma_wait3A_224 = tpu.memref_slice %arg10[%multiple_of3A] : memref<20480xf32, #tpu.memory_space<hbm>> -> memref<640xf32, #tpu.memory_space<hbm>>
      %dma_wait3A_225 = tpu.memref_slice %arg16[%mul3A_2] : memref<10240xf32, #tpu.memory_space<vmem_shared>> -> memref<640xf32, #tpu.memory_space<vmem_shared>>
      tpu.wait_dma2 semaphore(%run_scoped3A_221 : memref<!tpu.dma_semaphore, #tpu.memory_space<semaphore_mem>>) src(%dma_wait3A_225 : memref<640xf32, #tpu.memory_space<vmem_shared>>) dst(%dma_wait3A_224 : memref<640xf32, #tpu.memory_space<hbm>>)
      tpu.yield
    }) : () -> ()
    return
  }
}

#map = affine_map<(d0, d1) -> (0, 0, 0, 0)>
#map1 = affine_map<(d0, d1) -> (0)>
module attributes {stable_mosaic.version = 14 : i64} {
  func.func @_deg2_body(%arg0: i32, %arg1: i32, %arg2: memref<32x2x40x128xi32, #tpu.memory_space<hbm>>, %arg3: memref<32x2x40x128xi32, #tpu.memory_space<hbm>>, %arg4: memref<640xf32, #tpu.memory_space<hbm>>, %arg5: memref<128xf32, #tpu.memory_space<hbm>>, %arg6: memref<40960xf32, #tpu.memory_space<hbm>>, %arg7: memref<40x128xi32, #tpu.memory_space<vmem>>, %arg8: memref<128xf32, #tpu.memory_space<vmem>>, %arg9: memref<10240xf32, #tpu.memory_space<vmem_shared>>, %arg10: memref<10240xf32, #tpu.memory_space<vmem_shared>>, %arg11: memref<!tpu.dma_semaphore, #tpu.memory_space<semaphore_mem>>) attributes {dimension_semantics = [#tpu.dimension_semantics<core_parallel>, #tpu.dimension_semantics<subcore_parallel>], iteration_bounds = array<i64: 2, 16>, scalar_prefetch = 0 : i64, scratch_operands = 5 : i64, tpu.core_type = #tpu.core_type<sc_vector_subcore>, window_params = [{transform_indices = #map}, {transform_indices = #map}, {transform_indices = #map1}, {transform_indices = #map1}, {transform_indices = #map1}]} {
    %mul3A = arith.constant 16 : i32
    %mul3A_0 = arith.muli %arg0, %mul3A : i32
    %add3A = arith.addi %mul3A_0, %arg1 : i32
    %mul3A_1 = arith.constant 640 : i32
    %mul3A_2 = arith.muli %arg1, %mul3A_1 : i32
    "tpu.region"() ({
      %run_scoped3A_67 = tpu.sem_alloc : memref<!tpu.dma_semaphore, #tpu.memory_space<semaphore_mem>>
      %dma_start3A = tpu.memref_slice %arg9[%mul3A_2] : memref<10240xf32, #tpu.memory_space<vmem_shared>> -> memref<640xf32, #tpu.memory_space<vmem_shared>>
      tpu.enqueue_dma source(%arg4 : memref<640xf32, #tpu.memory_space<hbm>>) target(%dma_start3A : memref<640xf32, #tpu.memory_space<vmem_shared>>) target_semaphore(%run_scoped3A_67 : memref<!tpu.dma_semaphore, #tpu.memory_space<semaphore_mem>>)
      %dma_wait3A = tpu.memref_slice %arg9[%mul3A_2] : memref<10240xf32, #tpu.memory_space<vmem_shared>> -> memref<640xf32, #tpu.memory_space<vmem_shared>>
      tpu.wait_dma2 semaphore(%run_scoped3A_67 : memref<!tpu.dma_semaphore, #tpu.memory_space<semaphore_mem>>) src(%arg4 : memref<640xf32, #tpu.memory_space<hbm>>) dst(%dma_wait3A : memref<640xf32, #tpu.memory_space<vmem_shared>>)
      tpu.yield
    }) : () -> ()
    "tpu.region"() ({
      %run_scoped3A_67 = tpu.sem_alloc : memref<!tpu.dma_semaphore, #tpu.memory_space<semaphore_mem>>
      %dma_start3A = tpu.memref_slice %arg10[%mul3A_2] : memref<10240xf32, #tpu.memory_space<vmem_shared>> -> memref<640xf32, #tpu.memory_space<vmem_shared>>
      tpu.enqueue_dma source(%arg4 : memref<640xf32, #tpu.memory_space<hbm>>) target(%dma_start3A : memref<640xf32, #tpu.memory_space<vmem_shared>>) target_semaphore(%run_scoped3A_67 : memref<!tpu.dma_semaphore, #tpu.memory_space<semaphore_mem>>)
      %dma_wait3A = tpu.memref_slice %arg10[%mul3A_2] : memref<10240xf32, #tpu.memory_space<vmem_shared>> -> memref<640xf32, #tpu.memory_space<vmem_shared>>
      tpu.wait_dma2 semaphore(%run_scoped3A_67 : memref<!tpu.dma_semaphore, #tpu.memory_space<semaphore_mem>>) src(%arg4 : memref<640xf32, #tpu.memory_space<hbm>>) dst(%dma_wait3A : memref<640xf32, #tpu.memory_space<vmem_shared>>)
      tpu.yield
    }) : () -> ()
    "tpu.region"() ({
      %run_scoped3A_67 = tpu.sem_alloc : memref<!tpu.dma_semaphore, #tpu.memory_space<semaphore_mem>>
      tpu.enqueue_dma source(%arg5 : memref<128xf32, #tpu.memory_space<hbm>>) target(%arg8 : memref<128xf32, #tpu.memory_space<vmem>>) target_semaphore(%run_scoped3A_67 : memref<!tpu.dma_semaphore, #tpu.memory_space<semaphore_mem>>)
      tpu.wait_dma2 semaphore(%run_scoped3A_67 : memref<!tpu.dma_semaphore, #tpu.memory_space<semaphore_mem>>) src(%arg5 : memref<128xf32, #tpu.memory_space<hbm>>) dst(%arg8 : memref<128xf32, #tpu.memory_space<vmem>>)
      tpu.yield
    }) : () -> ()
    %barrier3A = arith.constant 0 : index
    tpu.barrier barrier_id(%barrier3A)
    %run_scoped3A = arith.constant 0 : i32
    "tpu.region"() ({
      %run_scoped3A_67 = tpu.sem_alloc : memref<!tpu.dma_semaphore, #tpu.memory_space<semaphore_mem>>
      %dma_start3A = arith.constant 0 : i32
      %dma_start3A_68 = arith.constant 0 : i32
      %dma_start3A_69 = tpu.memref_slice %arg2[%add3A, %run_scoped3A, %dma_start3A, %dma_start3A_68] : memref<32x2x40x128xi32, #tpu.memory_space<hbm>> -> memref<1x1x40x128xi32, #tpu.memory_space<hbm>>
      %dma_start3A_70 = tpu.memref_squeeze %dma_start3A_69 : memref<1x1x40x128xi32, #tpu.memory_space<hbm>> -> memref<40x128xi32, #tpu.memory_space<hbm>>
      %dma_start3A_71 = arith.constant 0 : i32
      %dma_start3A_72 = arith.constant 0 : i32
      %dma_start3A_73 = tpu.memref_slice %arg2[%add3A, %run_scoped3A, %dma_start3A_71, %dma_start3A_72] : memref<32x2x40x128xi32, #tpu.memory_space<hbm>> -> memref<1x1x40x128xi32, #tpu.memory_space<hbm>>
      %dma_start3A_74 = tpu.memref_squeeze %dma_start3A_73 : memref<1x1x40x128xi32, #tpu.memory_space<hbm>> -> memref<40x128xi32, #tpu.memory_space<hbm>>
      tpu.enqueue_dma source(%dma_start3A_74 : memref<40x128xi32, #tpu.memory_space<hbm>>) target(%arg7 : memref<40x128xi32, #tpu.memory_space<vmem>>) target_semaphore(%run_scoped3A_67 : memref<!tpu.dma_semaphore, #tpu.memory_space<semaphore_mem>>)
      %dma_wait3A = arith.constant 0 : i32
      %dma_wait3A_75 = arith.constant 0 : i32
      %dma_wait3A_76 = tpu.memref_slice %arg2[%add3A, %run_scoped3A, %dma_wait3A, %dma_wait3A_75] : memref<32x2x40x128xi32, #tpu.memory_space<hbm>> -> memref<1x1x40x128xi32, #tpu.memory_space<hbm>>
      %dma_wait3A_77 = tpu.memref_squeeze %dma_wait3A_76 : memref<1x1x40x128xi32, #tpu.memory_space<hbm>> -> memref<40x128xi32, #tpu.memory_space<hbm>>
      %dma_wait3A_78 = arith.constant 0 : i32
      %dma_wait3A_79 = arith.constant 0 : i32
      %dma_wait3A_80 = tpu.memref_slice %arg2[%add3A, %run_scoped3A, %dma_wait3A_78, %dma_wait3A_79] : memref<32x2x40x128xi32, #tpu.memory_space<hbm>> -> memref<1x1x40x128xi32, #tpu.memory_space<hbm>>
      %dma_wait3A_81 = tpu.memref_squeeze %dma_wait3A_80 : memref<1x1x40x128xi32, #tpu.memory_space<hbm>> -> memref<40x128xi32, #tpu.memory_space<hbm>>
      tpu.wait_dma2 semaphore(%run_scoped3A_67 : memref<!tpu.dma_semaphore, #tpu.memory_space<semaphore_mem>>) src(%dma_wait3A_81 : memref<40x128xi32, #tpu.memory_space<hbm>>) dst(%arg7 : memref<40x128xi32, #tpu.memory_space<vmem>>)
      tpu.yield
    }) : () -> ()
    %scan3A = arith.constant 0 : i32
    %scan3A_3 = arith.constant 0 : i32
    %scan3A_4 = arith.constant 40 : i32
    %scan3A_5 = arith.addi %scan3A_3, %scan3A_4 : i32
    %scan3A_6 = arith.constant 1 : i32
    scf.for %scan3A_67 = %scan3A_3 to %scan3A_5 step %scan3A_6  : i32 {
      %dma_start3A = arith.constant 0 : i32
      %dma_start3A_68 = tpu.memref_slice %arg7[%scan3A_67, %dma_start3A] : memref<40x128xi32, #tpu.memory_space<vmem>> -> memref<1x128xi32, #tpu.memory_space<vmem>>
      %dma_start3A_69 = tpu.memref_squeeze %dma_start3A_68 : memref<1x128xi32, #tpu.memory_space<vmem>> -> memref<128xi32, #tpu.memory_space<vmem>>
      %dma_start3A_70 = arith.constant 0 : i32
      %dma_start3A_71 = tpu.memref_slice %arg9[%dma_start3A_70] : memref<10240xf32, #tpu.memory_space<vmem_shared>> -> memref<10240xf32, #tpu.memory_space<vmem_shared>>
      tpu.enqueue_indirect_dma source(%arg8 : memref<128xf32, #tpu.memory_space<vmem>>) target(%dma_start3A_71 : memref<10240xf32, #tpu.memory_space<vmem_shared>>) offsets(%dma_start3A_69 : memref<128xi32, #tpu.memory_space<vmem>>) semaphore(%arg11 : memref<!tpu.dma_semaphore, #tpu.memory_space<semaphore_mem>>) {add = true}
    }
    %scan3A_7 = arith.constant 40 : i32
    %scan3A_8 = arith.constant 0 : i32
    %scan3A_9 = arith.constant 0 : i32
    %scan3A_10 = arith.constant 40 : i32
    %scan3A_11 = arith.addi %scan3A_9, %scan3A_10 : i32
    %scan3A_12 = arith.constant 1 : i32
    scf.for %scan3A_67 = %scan3A_9 to %scan3A_11 step %scan3A_12  : i32 {
      %dma_wait3A = arith.constant 0 : i32
      %dma_wait3A_68 = arith.constant 0 : i32
      %dma_wait3A_69 = tpu.memref_slice %arg7[%dma_wait3A, %dma_wait3A_68] : memref<40x128xi32, #tpu.memory_space<vmem>> -> memref<1x128xi32, #tpu.memory_space<vmem>>
      %dma_wait3A_70 = tpu.memref_squeeze %dma_wait3A_69 : memref<1x128xi32, #tpu.memory_space<vmem>> -> memref<128xi32, #tpu.memory_space<vmem>>
      %dma_wait3A_71 = arith.constant 0 : i32
      %dma_wait3A_72 = tpu.memref_slice %arg9[%dma_wait3A_71] : memref<10240xf32, #tpu.memory_space<vmem_shared>> -> memref<10240xf32, #tpu.memory_space<vmem_shared>>
      tpu.wait_indirect_dma semaphore(%arg11 : memref<!tpu.dma_semaphore, #tpu.memory_space<semaphore_mem>>) src(%arg8 : memref<128xf32, #tpu.memory_space<vmem>>) dst(%dma_wait3A_72 : memref<10240xf32, #tpu.memory_space<vmem_shared>>)
    }
    %scan3A_13 = arith.constant 40 : i32
    %run_scoped3A_14 = arith.constant 1 : i32
    "tpu.region"() ({
      %run_scoped3A_67 = tpu.sem_alloc : memref<!tpu.dma_semaphore, #tpu.memory_space<semaphore_mem>>
      %dma_start3A = arith.constant 0 : i32
      %dma_start3A_68 = arith.constant 0 : i32
      %dma_start3A_69 = tpu.memref_slice %arg2[%add3A, %run_scoped3A_14, %dma_start3A, %dma_start3A_68] : memref<32x2x40x128xi32, #tpu.memory_space<hbm>> -> memref<1x1x40x128xi32, #tpu.memory_space<hbm>>
      %dma_start3A_70 = tpu.memref_squeeze %dma_start3A_69 : memref<1x1x40x128xi32, #tpu.memory_space<hbm>> -> memref<40x128xi32, #tpu.memory_space<hbm>>
      %dma_start3A_71 = arith.constant 0 : i32
      %dma_start3A_72 = arith.constant 0 : i32
      %dma_start3A_73 = tpu.memref_slice %arg2[%add3A, %run_scoped3A_14, %dma_start3A_71, %dma_start3A_72] : memref<32x2x40x128xi32, #tpu.memory_space<hbm>> -> memref<1x1x40x128xi32, #tpu.memory_space<hbm>>
      %dma_start3A_74 = tpu.memref_squeeze %dma_start3A_73 : memref<1x1x40x128xi32, #tpu.memory_space<hbm>> -> memref<40x128xi32, #tpu.memory_space<hbm>>
      tpu.enqueue_dma source(%dma_start3A_74 : memref<40x128xi32, #tpu.memory_space<hbm>>) target(%arg7 : memref<40x128xi32, #tpu.memory_space<vmem>>) target_semaphore(%run_scoped3A_67 : memref<!tpu.dma_semaphore, #tpu.memory_space<semaphore_mem>>)
      %dma_wait3A = arith.constant 0 : i32
      %dma_wait3A_75 = arith.constant 0 : i32
      %dma_wait3A_76 = tpu.memref_slice %arg2[%add3A, %run_scoped3A_14, %dma_wait3A, %dma_wait3A_75] : memref<32x2x40x128xi32, #tpu.memory_space<hbm>> -> memref<1x1x40x128xi32, #tpu.memory_space<hbm>>
      %dma_wait3A_77 = tpu.memref_squeeze %dma_wait3A_76 : memref<1x1x40x128xi32, #tpu.memory_space<hbm>> -> memref<40x128xi32, #tpu.memory_space<hbm>>
      %dma_wait3A_78 = arith.constant 0 : i32
      %dma_wait3A_79 = arith.constant 0 : i32
      %dma_wait3A_80 = tpu.memref_slice %arg2[%add3A, %run_scoped3A_14, %dma_wait3A_78, %dma_wait3A_79] : memref<32x2x40x128xi32, #tpu.memory_space<hbm>> -> memref<1x1x40x128xi32, #tpu.memory_space<hbm>>
      %dma_wait3A_81 = tpu.memref_squeeze %dma_wait3A_80 : memref<1x1x40x128xi32, #tpu.memory_space<hbm>> -> memref<40x128xi32, #tpu.memory_space<hbm>>
      tpu.wait_dma2 semaphore(%run_scoped3A_67 : memref<!tpu.dma_semaphore, #tpu.memory_space<semaphore_mem>>) src(%dma_wait3A_81 : memref<40x128xi32, #tpu.memory_space<hbm>>) dst(%arg7 : memref<40x128xi32, #tpu.memory_space<vmem>>)
      tpu.yield
    }) : () -> ()
    %scan3A_15 = arith.constant 0 : i32
    %scan3A_16 = arith.constant 0 : i32
    %scan3A_17 = arith.constant 40 : i32
    %scan3A_18 = arith.addi %scan3A_16, %scan3A_17 : i32
    %scan3A_19 = arith.constant 1 : i32
    scf.for %scan3A_67 = %scan3A_16 to %scan3A_18 step %scan3A_19  : i32 {
      %dma_start3A = arith.constant 0 : i32
      %dma_start3A_68 = tpu.memref_slice %arg7[%scan3A_67, %dma_start3A] : memref<40x128xi32, #tpu.memory_space<vmem>> -> memref<1x128xi32, #tpu.memory_space<vmem>>
      %dma_start3A_69 = tpu.memref_squeeze %dma_start3A_68 : memref<1x128xi32, #tpu.memory_space<vmem>> -> memref<128xi32, #tpu.memory_space<vmem>>
      %dma_start3A_70 = arith.constant 0 : i32
      %dma_start3A_71 = tpu.memref_slice %arg9[%dma_start3A_70] : memref<10240xf32, #tpu.memory_space<vmem_shared>> -> memref<10240xf32, #tpu.memory_space<vmem_shared>>
      tpu.enqueue_indirect_dma source(%arg8 : memref<128xf32, #tpu.memory_space<vmem>>) target(%dma_start3A_71 : memref<10240xf32, #tpu.memory_space<vmem_shared>>) offsets(%dma_start3A_69 : memref<128xi32, #tpu.memory_space<vmem>>) semaphore(%arg11 : memref<!tpu.dma_semaphore, #tpu.memory_space<semaphore_mem>>) {add = true}
    }
    %scan3A_20 = arith.constant 40 : i32
    %scan3A_21 = arith.constant 0 : i32
    %scan3A_22 = arith.constant 0 : i32
    %scan3A_23 = arith.constant 40 : i32
    %scan3A_24 = arith.addi %scan3A_22, %scan3A_23 : i32
    %scan3A_25 = arith.constant 1 : i32
    scf.for %scan3A_67 = %scan3A_22 to %scan3A_24 step %scan3A_25  : i32 {
      %dma_wait3A = arith.constant 0 : i32
      %dma_wait3A_68 = arith.constant 0 : i32
      %dma_wait3A_69 = tpu.memref_slice %arg7[%dma_wait3A, %dma_wait3A_68] : memref<40x128xi32, #tpu.memory_space<vmem>> -> memref<1x128xi32, #tpu.memory_space<vmem>>
      %dma_wait3A_70 = tpu.memref_squeeze %dma_wait3A_69 : memref<1x128xi32, #tpu.memory_space<vmem>> -> memref<128xi32, #tpu.memory_space<vmem>>
      %dma_wait3A_71 = arith.constant 0 : i32
      %dma_wait3A_72 = tpu.memref_slice %arg9[%dma_wait3A_71] : memref<10240xf32, #tpu.memory_space<vmem_shared>> -> memref<10240xf32, #tpu.memory_space<vmem_shared>>
      tpu.wait_indirect_dma semaphore(%arg11 : memref<!tpu.dma_semaphore, #tpu.memory_space<semaphore_mem>>) src(%arg8 : memref<128xf32, #tpu.memory_space<vmem>>) dst(%dma_wait3A_72 : memref<10240xf32, #tpu.memory_space<vmem_shared>>)
    }
    %scan3A_26 = arith.constant 40 : i32
    %run_scoped3A_27 = arith.constant 0 : i32
    "tpu.region"() ({
      %run_scoped3A_67 = tpu.sem_alloc : memref<!tpu.dma_semaphore, #tpu.memory_space<semaphore_mem>>
      %dma_start3A = arith.constant 0 : i32
      %dma_start3A_68 = arith.constant 0 : i32
      %dma_start3A_69 = tpu.memref_slice %arg3[%add3A, %run_scoped3A_27, %dma_start3A, %dma_start3A_68] : memref<32x2x40x128xi32, #tpu.memory_space<hbm>> -> memref<1x1x40x128xi32, #tpu.memory_space<hbm>>
      %dma_start3A_70 = tpu.memref_squeeze %dma_start3A_69 : memref<1x1x40x128xi32, #tpu.memory_space<hbm>> -> memref<40x128xi32, #tpu.memory_space<hbm>>
      %dma_start3A_71 = arith.constant 0 : i32
      %dma_start3A_72 = arith.constant 0 : i32
      %dma_start3A_73 = tpu.memref_slice %arg3[%add3A, %run_scoped3A_27, %dma_start3A_71, %dma_start3A_72] : memref<32x2x40x128xi32, #tpu.memory_space<hbm>> -> memref<1x1x40x128xi32, #tpu.memory_space<hbm>>
      %dma_start3A_74 = tpu.memref_squeeze %dma_start3A_73 : memref<1x1x40x128xi32, #tpu.memory_space<hbm>> -> memref<40x128xi32, #tpu.memory_space<hbm>>
      tpu.enqueue_dma source(%dma_start3A_74 : memref<40x128xi32, #tpu.memory_space<hbm>>) target(%arg7 : memref<40x128xi32, #tpu.memory_space<vmem>>) target_semaphore(%run_scoped3A_67 : memref<!tpu.dma_semaphore, #tpu.memory_space<semaphore_mem>>)
      %dma_wait3A = arith.constant 0 : i32
      %dma_wait3A_75 = arith.constant 0 : i32
      %dma_wait3A_76 = tpu.memref_slice %arg3[%add3A, %run_scoped3A_27, %dma_wait3A, %dma_wait3A_75] : memref<32x2x40x128xi32, #tpu.memory_space<hbm>> -> memref<1x1x40x128xi32, #tpu.memory_space<hbm>>
      %dma_wait3A_77 = tpu.memref_squeeze %dma_wait3A_76 : memref<1x1x40x128xi32, #tpu.memory_space<hbm>> -> memref<40x128xi32, #tpu.memory_space<hbm>>
      %dma_wait3A_78 = arith.constant 0 : i32
      %dma_wait3A_79 = arith.constant 0 : i32
      %dma_wait3A_80 = tpu.memref_slice %arg3[%add3A, %run_scoped3A_27, %dma_wait3A_78, %dma_wait3A_79] : memref<32x2x40x128xi32, #tpu.memory_space<hbm>> -> memref<1x1x40x128xi32, #tpu.memory_space<hbm>>
      %dma_wait3A_81 = tpu.memref_squeeze %dma_wait3A_80 : memref<1x1x40x128xi32, #tpu.memory_space<hbm>> -> memref<40x128xi32, #tpu.memory_space<hbm>>
      tpu.wait_dma2 semaphore(%run_scoped3A_67 : memref<!tpu.dma_semaphore, #tpu.memory_space<semaphore_mem>>) src(%dma_wait3A_81 : memref<40x128xi32, #tpu.memory_space<hbm>>) dst(%arg7 : memref<40x128xi32, #tpu.memory_space<vmem>>)
      tpu.yield
    }) : () -> ()
    %scan3A_28 = arith.constant 0 : i32
    %scan3A_29 = arith.constant 0 : i32
    %scan3A_30 = arith.constant 40 : i32
    %scan3A_31 = arith.addi %scan3A_29, %scan3A_30 : i32
    %scan3A_32 = arith.constant 1 : i32
    scf.for %scan3A_67 = %scan3A_29 to %scan3A_31 step %scan3A_32  : i32 {
      %dma_start3A = arith.constant 0 : i32
      %dma_start3A_68 = tpu.memref_slice %arg7[%scan3A_67, %dma_start3A] : memref<40x128xi32, #tpu.memory_space<vmem>> -> memref<1x128xi32, #tpu.memory_space<vmem>>
      %dma_start3A_69 = tpu.memref_squeeze %dma_start3A_68 : memref<1x128xi32, #tpu.memory_space<vmem>> -> memref<128xi32, #tpu.memory_space<vmem>>
      %dma_start3A_70 = arith.constant 0 : i32
      %dma_start3A_71 = tpu.memref_slice %arg10[%dma_start3A_70] : memref<10240xf32, #tpu.memory_space<vmem_shared>> -> memref<10240xf32, #tpu.memory_space<vmem_shared>>
      tpu.enqueue_indirect_dma source(%arg8 : memref<128xf32, #tpu.memory_space<vmem>>) target(%dma_start3A_71 : memref<10240xf32, #tpu.memory_space<vmem_shared>>) offsets(%dma_start3A_69 : memref<128xi32, #tpu.memory_space<vmem>>) semaphore(%arg11 : memref<!tpu.dma_semaphore, #tpu.memory_space<semaphore_mem>>) {add = true}
    }
    %scan3A_33 = arith.constant 40 : i32
    %scan3A_34 = arith.constant 0 : i32
    %scan3A_35 = arith.constant 0 : i32
    %scan3A_36 = arith.constant 40 : i32
    %scan3A_37 = arith.addi %scan3A_35, %scan3A_36 : i32
    %scan3A_38 = arith.constant 1 : i32
    scf.for %scan3A_67 = %scan3A_35 to %scan3A_37 step %scan3A_38  : i32 {
      %dma_wait3A = arith.constant 0 : i32
      %dma_wait3A_68 = arith.constant 0 : i32
      %dma_wait3A_69 = tpu.memref_slice %arg7[%dma_wait3A, %dma_wait3A_68] : memref<40x128xi32, #tpu.memory_space<vmem>> -> memref<1x128xi32, #tpu.memory_space<vmem>>
      %dma_wait3A_70 = tpu.memref_squeeze %dma_wait3A_69 : memref<1x128xi32, #tpu.memory_space<vmem>> -> memref<128xi32, #tpu.memory_space<vmem>>
      %dma_wait3A_71 = arith.constant 0 : i32
      %dma_wait3A_72 = tpu.memref_slice %arg10[%dma_wait3A_71] : memref<10240xf32, #tpu.memory_space<vmem_shared>> -> memref<10240xf32, #tpu.memory_space<vmem_shared>>
      tpu.wait_indirect_dma semaphore(%arg11 : memref<!tpu.dma_semaphore, #tpu.memory_space<semaphore_mem>>) src(%arg8 : memref<128xf32, #tpu.memory_space<vmem>>) dst(%dma_wait3A_72 : memref<10240xf32, #tpu.memory_space<vmem_shared>>)
    }
    %scan3A_39 = arith.constant 40 : i32
    %run_scoped3A_40 = arith.constant 1 : i32
    "tpu.region"() ({
      %run_scoped3A_67 = tpu.sem_alloc : memref<!tpu.dma_semaphore, #tpu.memory_space<semaphore_mem>>
      %dma_start3A = arith.constant 0 : i32
      %dma_start3A_68 = arith.constant 0 : i32
      %dma_start3A_69 = tpu.memref_slice %arg3[%add3A, %run_scoped3A_40, %dma_start3A, %dma_start3A_68] : memref<32x2x40x128xi32, #tpu.memory_space<hbm>> -> memref<1x1x40x128xi32, #tpu.memory_space<hbm>>
      %dma_start3A_70 = tpu.memref_squeeze %dma_start3A_69 : memref<1x1x40x128xi32, #tpu.memory_space<hbm>> -> memref<40x128xi32, #tpu.memory_space<hbm>>
      %dma_start3A_71 = arith.constant 0 : i32
      %dma_start3A_72 = arith.constant 0 : i32
      %dma_start3A_73 = tpu.memref_slice %arg3[%add3A, %run_scoped3A_40, %dma_start3A_71, %dma_start3A_72] : memref<32x2x40x128xi32, #tpu.memory_space<hbm>> -> memref<1x1x40x128xi32, #tpu.memory_space<hbm>>
      %dma_start3A_74 = tpu.memref_squeeze %dma_start3A_73 : memref<1x1x40x128xi32, #tpu.memory_space<hbm>> -> memref<40x128xi32, #tpu.memory_space<hbm>>
      tpu.enqueue_dma source(%dma_start3A_74 : memref<40x128xi32, #tpu.memory_space<hbm>>) target(%arg7 : memref<40x128xi32, #tpu.memory_space<vmem>>) target_semaphore(%run_scoped3A_67 : memref<!tpu.dma_semaphore, #tpu.memory_space<semaphore_mem>>)
      %dma_wait3A = arith.constant 0 : i32
      %dma_wait3A_75 = arith.constant 0 : i32
      %dma_wait3A_76 = tpu.memref_slice %arg3[%add3A, %run_scoped3A_40, %dma_wait3A, %dma_wait3A_75] : memref<32x2x40x128xi32, #tpu.memory_space<hbm>> -> memref<1x1x40x128xi32, #tpu.memory_space<hbm>>
      %dma_wait3A_77 = tpu.memref_squeeze %dma_wait3A_76 : memref<1x1x40x128xi32, #tpu.memory_space<hbm>> -> memref<40x128xi32, #tpu.memory_space<hbm>>
      %dma_wait3A_78 = arith.constant 0 : i32
      %dma_wait3A_79 = arith.constant 0 : i32
      %dma_wait3A_80 = tpu.memref_slice %arg3[%add3A, %run_scoped3A_40, %dma_wait3A_78, %dma_wait3A_79] : memref<32x2x40x128xi32, #tpu.memory_space<hbm>> -> memref<1x1x40x128xi32, #tpu.memory_space<hbm>>
      %dma_wait3A_81 = tpu.memref_squeeze %dma_wait3A_80 : memref<1x1x40x128xi32, #tpu.memory_space<hbm>> -> memref<40x128xi32, #tpu.memory_space<hbm>>
      tpu.wait_dma2 semaphore(%run_scoped3A_67 : memref<!tpu.dma_semaphore, #tpu.memory_space<semaphore_mem>>) src(%dma_wait3A_81 : memref<40x128xi32, #tpu.memory_space<hbm>>) dst(%arg7 : memref<40x128xi32, #tpu.memory_space<vmem>>)
      tpu.yield
    }) : () -> ()
    %scan3A_41 = arith.constant 0 : i32
    %scan3A_42 = arith.constant 0 : i32
    %scan3A_43 = arith.constant 40 : i32
    %scan3A_44 = arith.addi %scan3A_42, %scan3A_43 : i32
    %scan3A_45 = arith.constant 1 : i32
    scf.for %scan3A_67 = %scan3A_42 to %scan3A_44 step %scan3A_45  : i32 {
      %dma_start3A = arith.constant 0 : i32
      %dma_start3A_68 = tpu.memref_slice %arg7[%scan3A_67, %dma_start3A] : memref<40x128xi32, #tpu.memory_space<vmem>> -> memref<1x128xi32, #tpu.memory_space<vmem>>
      %dma_start3A_69 = tpu.memref_squeeze %dma_start3A_68 : memref<1x128xi32, #tpu.memory_space<vmem>> -> memref<128xi32, #tpu.memory_space<vmem>>
      %dma_start3A_70 = arith.constant 0 : i32
      %dma_start3A_71 = tpu.memref_slice %arg10[%dma_start3A_70] : memref<10240xf32, #tpu.memory_space<vmem_shared>> -> memref<10240xf32, #tpu.memory_space<vmem_shared>>
      tpu.enqueue_indirect_dma source(%arg8 : memref<128xf32, #tpu.memory_space<vmem>>) target(%dma_start3A_71 : memref<10240xf32, #tpu.memory_space<vmem_shared>>) offsets(%dma_start3A_69 : memref<128xi32, #tpu.memory_space<vmem>>) semaphore(%arg11 : memref<!tpu.dma_semaphore, #tpu.memory_space<semaphore_mem>>) {add = true}
    }
    %scan3A_46 = arith.constant 40 : i32
    %scan3A_47 = arith.constant 0 : i32
    %scan3A_48 = arith.constant 0 : i32
    %scan3A_49 = arith.constant 40 : i32
    %scan3A_50 = arith.addi %scan3A_48, %scan3A_49 : i32
    %scan3A_51 = arith.constant 1 : i32
    scf.for %scan3A_67 = %scan3A_48 to %scan3A_50 step %scan3A_51  : i32 {
      %dma_wait3A = arith.constant 0 : i32
      %dma_wait3A_68 = arith.constant 0 : i32
      %dma_wait3A_69 = tpu.memref_slice %arg7[%dma_wait3A, %dma_wait3A_68] : memref<40x128xi32, #tpu.memory_space<vmem>> -> memref<1x128xi32, #tpu.memory_space<vmem>>
      %dma_wait3A_70 = tpu.memref_squeeze %dma_wait3A_69 : memref<1x128xi32, #tpu.memory_space<vmem>> -> memref<128xi32, #tpu.memory_space<vmem>>
      %dma_wait3A_71 = arith.constant 0 : i32
      %dma_wait3A_72 = tpu.memref_slice %arg10[%dma_wait3A_71] : memref<10240xf32, #tpu.memory_space<vmem_shared>> -> memref<10240xf32, #tpu.memory_space<vmem_shared>>
      tpu.wait_indirect_dma semaphore(%arg11 : memref<!tpu.dma_semaphore, #tpu.memory_space<semaphore_mem>>) src(%arg8 : memref<128xf32, #tpu.memory_space<vmem>>) dst(%dma_wait3A_72 : memref<10240xf32, #tpu.memory_space<vmem_shared>>)
    }
    %scan3A_52 = arith.constant 40 : i32
    %barrier3A_53 = arith.constant 0 : index
    tpu.barrier barrier_id(%barrier3A_53)
    %mul3A_54 = arith.constant 20480 : i32
    %mul3A_55 = arith.muli %arg0, %mul3A_54 : i32
    %mul3A_56 = arith.constant 640 : i32
    %mul3A_57 = arith.muli %arg1, %mul3A_56 : i32
    %add3A_58 = arith.addi %mul3A_55, %mul3A_57 : i32
    %multiple_of3A = tpu.assume_multiple %add3A_58, 128 : i32
    "tpu.region"() ({
      %run_scoped3A_67 = tpu.sem_alloc : memref<!tpu.dma_semaphore, #tpu.memory_space<semaphore_mem>>
      %dma_start3A = tpu.memref_slice %arg6[%multiple_of3A] : memref<40960xf32, #tpu.memory_space<hbm>> -> memref<640xf32, #tpu.memory_space<hbm>>
      %dma_start3A_68 = tpu.memref_slice %arg9[%mul3A_2] : memref<10240xf32, #tpu.memory_space<vmem_shared>> -> memref<640xf32, #tpu.memory_space<vmem_shared>>
      tpu.enqueue_dma source(%dma_start3A_68 : memref<640xf32, #tpu.memory_space<vmem_shared>>) target(%dma_start3A : memref<640xf32, #tpu.memory_space<hbm>>) target_semaphore(%run_scoped3A_67 : memref<!tpu.dma_semaphore, #tpu.memory_space<semaphore_mem>>)
      %dma_wait3A = tpu.memref_slice %arg6[%multiple_of3A] : memref<40960xf32, #tpu.memory_space<hbm>> -> memref<640xf32, #tpu.memory_space<hbm>>
      %dma_wait3A_69 = tpu.memref_slice %arg9[%mul3A_2] : memref<10240xf32, #tpu.memory_space<vmem_shared>> -> memref<640xf32, #tpu.memory_space<vmem_shared>>
      tpu.wait_dma2 semaphore(%run_scoped3A_67 : memref<!tpu.dma_semaphore, #tpu.memory_space<semaphore_mem>>) src(%dma_wait3A_69 : memref<640xf32, #tpu.memory_space<vmem_shared>>) dst(%dma_wait3A : memref<640xf32, #tpu.memory_space<hbm>>)
      tpu.yield
    }) : () -> ()
    %mul3A_59 = arith.constant 20480 : i32
    %mul3A_60 = arith.muli %arg0, %mul3A_59 : i32
    %add3A_61 = arith.constant 10240 : i32
    %add3A_62 = arith.addi %mul3A_60, %add3A_61 : i32
    %mul3A_63 = arith.constant 640 : i32
    %mul3A_64 = arith.muli %arg1, %mul3A_63 : i32
    %add3A_65 = arith.addi %add3A_62, %mul3A_64 : i32
    %multiple_of3A_66 = tpu.assume_multiple %add3A_65, 128 : i32
    "tpu.region"() ({
      %run_scoped3A_67 = tpu.sem_alloc : memref<!tpu.dma_semaphore, #tpu.memory_space<semaphore_mem>>
      %dma_start3A = tpu.memref_slice %arg6[%multiple_of3A_66] : memref<40960xf32, #tpu.memory_space<hbm>> -> memref<640xf32, #tpu.memory_space<hbm>>
      %dma_start3A_68 = tpu.memref_slice %arg10[%mul3A_2] : memref<10240xf32, #tpu.memory_space<vmem_shared>> -> memref<640xf32, #tpu.memory_space<vmem_shared>>
      tpu.enqueue_dma source(%dma_start3A_68 : memref<640xf32, #tpu.memory_space<vmem_shared>>) target(%dma_start3A : memref<640xf32, #tpu.memory_space<hbm>>) target_semaphore(%run_scoped3A_67 : memref<!tpu.dma_semaphore, #tpu.memory_space<semaphore_mem>>)
      %dma_wait3A = tpu.memref_slice %arg6[%multiple_of3A_66] : memref<40960xf32, #tpu.memory_space<hbm>> -> memref<640xf32, #tpu.memory_space<hbm>>
      %dma_wait3A_69 = tpu.memref_slice %arg10[%mul3A_2] : memref<10240xf32, #tpu.memory_space<vmem_shared>> -> memref<640xf32, #tpu.memory_space<vmem_shared>>
      tpu.wait_dma2 semaphore(%run_scoped3A_67 : memref<!tpu.dma_semaphore, #tpu.memory_space<semaphore_mem>>) src(%dma_wait3A_69 : memref<640xf32, #tpu.memory_space<vmem_shared>>) dst(%dma_wait3A : memref<640xf32, #tpu.memory_space<hbm>>)
      tpu.yield
    }) : () -> ()
    return
  }
}

#map = affine_map<(d0, d1) -> (0, 0)>
#map1 = affine_map<(d0, d1) -> (0, 0, 0, 0)>
#map2 = affine_map<(d0, d1) -> (0, 0, 0)>
module attributes {stable_mosaic.version = 14 : i64} {
  func.func @_seg_body(%arg0: i32, %arg1: i32, %arg2: memref<10240x128xf32, #tpu.memory_space<hbm>>, %arg3: memref<32x2x40x128xi32, #tpu.memory_space<hbm>>, %arg4: memref<32x2x40x128xi32, #tpu.memory_space<hbm>>, %arg5: memref<640x128xf32, #tpu.memory_space<hbm>>, %arg6: memref<2x10240x128xf32, #tpu.memory_space<hbm>>, %arg7: memref<40x128xi32, #tpu.memory_space<vmem>>, %arg8: memref<40x128xi32, #tpu.memory_space<vmem>>, %arg9: memref<2x128x128xf32, #tpu.memory_space<vmem>>, %arg10: memref<10240x128xf32, #tpu.memory_space<vmem_shared>>, %arg11: memref<!tpu.dma_semaphore, #tpu.memory_space<semaphore_mem>>) attributes {dimension_semantics = [#tpu.dimension_semantics<core_parallel>, #tpu.dimension_semantics<subcore_parallel>], iteration_bounds = array<i64: 2, 16>, scalar_prefetch = 0 : i64, scratch_operands = 5 : i64, tpu.core_type = #tpu.core_type<sc_vector_subcore>, window_params = [{transform_indices = #map}, {transform_indices = #map1}, {transform_indices = #map1}, {transform_indices = #map}, {transform_indices = #map2}]} {
    %mul3A = arith.constant 16 : i32
    %mul3A_0 = arith.muli %arg0, %mul3A : i32
    %add3A = arith.addi %mul3A_0, %arg1 : i32
    %mul3A_1 = arith.constant 640 : i32
    %mul3A_2 = arith.muli %arg1, %mul3A_1 : i32
    "tpu.region"() ({
      %run_scoped3A_41 = tpu.sem_alloc : memref<!tpu.dma_semaphore, #tpu.memory_space<semaphore_mem>>
      %dma_start3A_42 = arith.constant 0 : i32
      %dma_start3A_43 = tpu.memref_slice %arg10[%mul3A_2, %dma_start3A_42] : memref<10240x128xf32, #tpu.memory_space<vmem_shared>> -> memref<640x128xf32, #tpu.memory_space<vmem_shared>>
      tpu.enqueue_dma source(%arg5 : memref<640x128xf32, #tpu.memory_space<hbm>>) target(%dma_start3A_43 : memref<640x128xf32, #tpu.memory_space<vmem_shared>>) target_semaphore(%run_scoped3A_41 : memref<!tpu.dma_semaphore, #tpu.memory_space<semaphore_mem>>)
      %dma_wait3A = arith.constant 0 : i32
      %dma_wait3A_44 = tpu.memref_slice %arg10[%mul3A_2, %dma_wait3A] : memref<10240x128xf32, #tpu.memory_space<vmem_shared>> -> memref<640x128xf32, #tpu.memory_space<vmem_shared>>
      tpu.wait_dma2 semaphore(%run_scoped3A_41 : memref<!tpu.dma_semaphore, #tpu.memory_space<semaphore_mem>>) src(%arg5 : memref<640x128xf32, #tpu.memory_space<hbm>>) dst(%dma_wait3A_44 : memref<640x128xf32, #tpu.memory_space<vmem_shared>>)
      tpu.yield
    }) : () -> ()
    %barrier3A = arith.constant 0 : index
    tpu.barrier barrier_id(%barrier3A)
    %run_scoped3A = arith.constant 0 : i32
    "tpu.region"() ({
      %run_scoped3A_41 = tpu.sem_alloc : memref<!tpu.dma_semaphore, #tpu.memory_space<semaphore_mem>>
      %dma_start3A_42 = arith.constant 0 : i32
      %dma_start3A_43 = arith.constant 0 : i32
      %dma_start3A_44 = tpu.memref_slice %arg3[%add3A, %run_scoped3A, %dma_start3A_42, %dma_start3A_43] : memref<32x2x40x128xi32, #tpu.memory_space<hbm>> -> memref<1x1x40x128xi32, #tpu.memory_space<hbm>>
      %dma_start3A_45 = tpu.memref_squeeze %dma_start3A_44 : memref<1x1x40x128xi32, #tpu.memory_space<hbm>> -> memref<40x128xi32, #tpu.memory_space<hbm>>
      %dma_start3A_46 = arith.constant 0 : i32
      %dma_start3A_47 = arith.constant 0 : i32
      %dma_start3A_48 = tpu.memref_slice %arg3[%add3A, %run_scoped3A, %dma_start3A_46, %dma_start3A_47] : memref<32x2x40x128xi32, #tpu.memory_space<hbm>> -> memref<1x1x40x128xi32, #tpu.memory_space<hbm>>
      %dma_start3A_49 = tpu.memref_squeeze %dma_start3A_48 : memref<1x1x40x128xi32, #tpu.memory_space<hbm>> -> memref<40x128xi32, #tpu.memory_space<hbm>>
      tpu.enqueue_dma source(%dma_start3A_49 : memref<40x128xi32, #tpu.memory_space<hbm>>) target(%arg7 : memref<40x128xi32, #tpu.memory_space<vmem>>) target_semaphore(%run_scoped3A_41 : memref<!tpu.dma_semaphore, #tpu.memory_space<semaphore_mem>>)
      %dma_wait3A = arith.constant 0 : i32
      %dma_wait3A_50 = arith.constant 0 : i32
      %dma_wait3A_51 = tpu.memref_slice %arg3[%add3A, %run_scoped3A, %dma_wait3A, %dma_wait3A_50] : memref<32x2x40x128xi32, #tpu.memory_space<hbm>> -> memref<1x1x40x128xi32, #tpu.memory_space<hbm>>
      %dma_wait3A_52 = tpu.memref_squeeze %dma_wait3A_51 : memref<1x1x40x128xi32, #tpu.memory_space<hbm>> -> memref<40x128xi32, #tpu.memory_space<hbm>>
      %dma_wait3A_53 = arith.constant 0 : i32
      %dma_wait3A_54 = arith.constant 0 : i32
      %dma_wait3A_55 = tpu.memref_slice %arg3[%add3A, %run_scoped3A, %dma_wait3A_53, %dma_wait3A_54] : memref<32x2x40x128xi32, #tpu.memory_space<hbm>> -> memref<1x1x40x128xi32, #tpu.memory_space<hbm>>
      %dma_wait3A_56 = tpu.memref_squeeze %dma_wait3A_55 : memref<1x1x40x128xi32, #tpu.memory_space<hbm>> -> memref<40x128xi32, #tpu.memory_space<hbm>>
      tpu.wait_dma2 semaphore(%run_scoped3A_41 : memref<!tpu.dma_semaphore, #tpu.memory_space<semaphore_mem>>) src(%dma_wait3A_56 : memref<40x128xi32, #tpu.memory_space<hbm>>) dst(%arg7 : memref<40x128xi32, #tpu.memory_space<vmem>>)
      tpu.yield
    }) : () -> ()
    %run_scoped3A_3 = arith.constant 0 : i32
    "tpu.region"() ({
      %run_scoped3A_41 = tpu.sem_alloc : memref<!tpu.dma_semaphore, #tpu.memory_space<semaphore_mem>>
      %dma_start3A_42 = arith.constant 0 : i32
      %dma_start3A_43 = arith.constant 0 : i32
      %dma_start3A_44 = tpu.memref_slice %arg4[%add3A, %run_scoped3A_3, %dma_start3A_42, %dma_start3A_43] : memref<32x2x40x128xi32, #tpu.memory_space<hbm>> -> memref<1x1x40x128xi32, #tpu.memory_space<hbm>>
      %dma_start3A_45 = tpu.memref_squeeze %dma_start3A_44 : memref<1x1x40x128xi32, #tpu.memory_space<hbm>> -> memref<40x128xi32, #tpu.memory_space<hbm>>
      %dma_start3A_46 = arith.constant 0 : i32
      %dma_start3A_47 = arith.constant 0 : i32
      %dma_start3A_48 = tpu.memref_slice %arg4[%add3A, %run_scoped3A_3, %dma_start3A_46, %dma_start3A_47] : memref<32x2x40x128xi32, #tpu.memory_space<hbm>> -> memref<1x1x40x128xi32, #tpu.memory_space<hbm>>
      %dma_start3A_49 = tpu.memref_squeeze %dma_start3A_48 : memref<1x1x40x128xi32, #tpu.memory_space<hbm>> -> memref<40x128xi32, #tpu.memory_space<hbm>>
      tpu.enqueue_dma source(%dma_start3A_49 : memref<40x128xi32, #tpu.memory_space<hbm>>) target(%arg8 : memref<40x128xi32, #tpu.memory_space<vmem>>) target_semaphore(%run_scoped3A_41 : memref<!tpu.dma_semaphore, #tpu.memory_space<semaphore_mem>>)
      %dma_wait3A = arith.constant 0 : i32
      %dma_wait3A_50 = arith.constant 0 : i32
      %dma_wait3A_51 = tpu.memref_slice %arg4[%add3A, %run_scoped3A_3, %dma_wait3A, %dma_wait3A_50] : memref<32x2x40x128xi32, #tpu.memory_space<hbm>> -> memref<1x1x40x128xi32, #tpu.memory_space<hbm>>
      %dma_wait3A_52 = tpu.memref_squeeze %dma_wait3A_51 : memref<1x1x40x128xi32, #tpu.memory_space<hbm>> -> memref<40x128xi32, #tpu.memory_space<hbm>>
      %dma_wait3A_53 = arith.constant 0 : i32
      %dma_wait3A_54 = arith.constant 0 : i32
      %dma_wait3A_55 = tpu.memref_slice %arg4[%add3A, %run_scoped3A_3, %dma_wait3A_53, %dma_wait3A_54] : memref<32x2x40x128xi32, #tpu.memory_space<hbm>> -> memref<1x1x40x128xi32, #tpu.memory_space<hbm>>
      %dma_wait3A_56 = tpu.memref_squeeze %dma_wait3A_55 : memref<1x1x40x128xi32, #tpu.memory_space<hbm>> -> memref<40x128xi32, #tpu.memory_space<hbm>>
      tpu.wait_dma2 semaphore(%run_scoped3A_41 : memref<!tpu.dma_semaphore, #tpu.memory_space<semaphore_mem>>) src(%dma_wait3A_56 : memref<40x128xi32, #tpu.memory_space<hbm>>) dst(%arg8 : memref<40x128xi32, #tpu.memory_space<vmem>>)
      tpu.yield
    }) : () -> ()
    %dma_start3A = arith.constant 0 : i32
    %dma_start3A_4 = arith.constant 0 : i32
    %dma_start3A_5 = arith.constant 0 : i32
    %dma_start3A_6 = arith.constant 0 : i32
    %dma_start3A_7 = tpu.memref_slice %arg9[%dma_start3A_4, %dma_start3A_5, %dma_start3A_6] : memref<2x128x128xf32, #tpu.memory_space<vmem>> -> memref<1x128x128xf32, #tpu.memory_space<vmem>>
    %dma_start3A_8 = tpu.memref_squeeze %dma_start3A_7 : memref<1x128x128xf32, #tpu.memory_space<vmem>> -> memref<128x128xf32, #tpu.memory_space<vmem>>
    %dma_start3A_9 = arith.constant 0 : i32
    %dma_start3A_10 = tpu.memref_slice %arg7[%dma_start3A, %dma_start3A_9] : memref<40x128xi32, #tpu.memory_space<vmem>> -> memref<1x128xi32, #tpu.memory_space<vmem>>
    %dma_start3A_11 = tpu.memref_squeeze %dma_start3A_10 : memref<1x128xi32, #tpu.memory_space<vmem>> -> memref<128xi32, #tpu.memory_space<vmem>>
    %dma_start3A_12 = arith.constant 0 : i32
    %dma_start3A_13 = arith.constant 0 : i32
    %dma_start3A_14 = tpu.memref_slice %arg2[%dma_start3A_12, %dma_start3A_13] : memref<10240x128xf32, #tpu.memory_space<hbm>> -> memref<10240x128xf32, #tpu.memory_space<hbm>>
    tpu.enqueue_indirect_dma source(%dma_start3A_14 : memref<10240x128xf32, #tpu.memory_space<hbm>>) target(%dma_start3A_8 : memref<128x128xf32, #tpu.memory_space<vmem>>) offsets(%dma_start3A_11 : memref<128xi32, #tpu.memory_space<vmem>>) semaphore(%arg11 : memref<!tpu.dma_semaphore, #tpu.memory_space<semaphore_mem>>)
    %scan3A = arith.constant 0 : i32
    %scan3A_15 = arith.constant 0 : i32
    %scan3A_16 = arith.constant 40 : i32
    %scan3A_17 = arith.addi %scan3A_15, %scan3A_16 : i32
    %scan3A_18 = arith.constant 1 : i32
    scf.for %scan3A_41 = %scan3A_15 to %scan3A_17 step %scan3A_18  : i32 {
      %rem3A = arith.constant 2 : i32
      %rem3A_42 = arith.remsi %scan3A_41, %rem3A : i32
      %add3A_43 = arith.constant 1 : i32
      %add3A_44 = arith.addi %scan3A_41, %add3A_43 : i32
      %rem3A_45 = arith.constant 2 : i32
      %rem3A_46 = arith.remsi %add3A_44, %rem3A_45 : i32
      %add3A_47 = arith.constant 1 : i32
      %add3A_48 = arith.addi %scan3A_41, %add3A_47 : i32
      %lt3A = arith.constant 40 : i32
      %lt3A_49 = arith.cmpi slt, %add3A_48, %lt3A : i32
      %convert_element_type3A = arith.extui %lt3A_49 : i1 to i32
      %cond3A = arith.constant 0 : i32
      %cond3A_50 = arith.cmpi ne, %convert_element_type3A, %cond3A : i32
      scf.if %cond3A_50 {
        %add3A_60 = arith.constant 1 : i32
        %add3A_61 = arith.addi %scan3A_41, %add3A_60 : i32
        %dma_start3A_62 = arith.constant 0 : i32
        %dma_start3A_63 = arith.constant 0 : i32
        %dma_start3A_64 = tpu.memref_slice %arg9[%rem3A_46, %dma_start3A_62, %dma_start3A_63] : memref<2x128x128xf32, #tpu.memory_space<vmem>> -> memref<1x128x128xf32, #tpu.memory_space<vmem>>
        %dma_start3A_65 = tpu.memref_squeeze %dma_start3A_64 : memref<1x128x128xf32, #tpu.memory_space<vmem>> -> memref<128x128xf32, #tpu.memory_space<vmem>>
        %dma_start3A_66 = arith.constant 0 : i32
        %dma_start3A_67 = tpu.memref_slice %arg7[%add3A_61, %dma_start3A_66] : memref<40x128xi32, #tpu.memory_space<vmem>> -> memref<1x128xi32, #tpu.memory_space<vmem>>
        %dma_start3A_68 = tpu.memref_squeeze %dma_start3A_67 : memref<1x128xi32, #tpu.memory_space<vmem>> -> memref<128xi32, #tpu.memory_space<vmem>>
        %dma_start3A_69 = arith.constant 0 : i32
        %dma_start3A_70 = arith.constant 0 : i32
        %dma_start3A_71 = tpu.memref_slice %arg2[%dma_start3A_69, %dma_start3A_70] : memref<10240x128xf32, #tpu.memory_space<hbm>> -> memref<10240x128xf32, #tpu.memory_space<hbm>>
        tpu.enqueue_indirect_dma source(%dma_start3A_71 : memref<10240x128xf32, #tpu.memory_space<hbm>>) target(%dma_start3A_65 : memref<128x128xf32, #tpu.memory_space<vmem>>) offsets(%dma_start3A_68 : memref<128xi32, #tpu.memory_space<vmem>>) semaphore(%arg11 : memref<!tpu.dma_semaphore, #tpu.memory_space<semaphore_mem>>)
      } else {
      }
      %dma_wait3A = arith.constant 0 : i32
      %dma_wait3A_51 = arith.constant 0 : i32
      %dma_wait3A_52 = tpu.memref_slice %arg9[%rem3A_42, %dma_wait3A, %dma_wait3A_51] : memref<2x128x128xf32, #tpu.memory_space<vmem>> -> memref<1x128x128xf32, #tpu.memory_space<vmem>>
      %dma_wait3A_53 = tpu.memref_squeeze %dma_wait3A_52 : memref<1x128x128xf32, #tpu.memory_space<vmem>> -> memref<128x128xf32, #tpu.memory_space<vmem>>
      %dma_wait3A_54 = arith.constant 0 : i32
      %dma_wait3A_55 = tpu.memref_slice %arg7[%scan3A_41, %dma_wait3A_54] : memref<40x128xi32, #tpu.memory_space<vmem>> -> memref<1x128xi32, #tpu.memory_space<vmem>>
      %dma_wait3A_56 = tpu.memref_squeeze %dma_wait3A_55 : memref<1x128xi32, #tpu.memory_space<vmem>> -> memref<128xi32, #tpu.memory_space<vmem>>
      %dma_wait3A_57 = arith.constant 0 : i32
      %dma_wait3A_58 = arith.constant 0 : i32
      %dma_wait3A_59 = tpu.memref_slice %arg2[%dma_wait3A_57, %dma_wait3A_58] : memref<10240x128xf32, #tpu.memory_space<hbm>> -> memref<10240x128xf32, #tpu.memory_space<hbm>>
      tpu.wait_indirect_dma semaphore(%arg11 : memref<!tpu.dma_semaphore, #tpu.memory_space<semaphore_mem>>) src(%dma_wait3A_59 : memref<10240x128xf32, #tpu.memory_space<hbm>>) dst(%dma_wait3A_53 : memref<128x128xf32, #tpu.memory_space<vmem>>)
      "tpu.region"() ({
        %run_scoped3A_60 = tpu.sem_alloc : memref<!tpu.dma_semaphore, #tpu.memory_space<semaphore_mem>>
        %dma_start3A_61 = arith.constant 0 : i32
        %dma_start3A_62 = arith.constant 0 : i32
        %dma_start3A_63 = tpu.memref_slice %arg9[%rem3A_42, %dma_start3A_61, %dma_start3A_62] : memref<2x128x128xf32, #tpu.memory_space<vmem>> -> memref<1x128x128xf32, #tpu.memory_space<vmem>>
        %dma_start3A_64 = tpu.memref_squeeze %dma_start3A_63 : memref<1x128x128xf32, #tpu.memory_space<vmem>> -> memref<128x128xf32, #tpu.memory_space<vmem>>
        %dma_start3A_65 = arith.constant 0 : i32
        %dma_start3A_66 = tpu.memref_slice %arg8[%scan3A_41, %dma_start3A_65] : memref<40x128xi32, #tpu.memory_space<vmem>> -> memref<1x128xi32, #tpu.memory_space<vmem>>
        %dma_start3A_67 = tpu.memref_squeeze %dma_start3A_66 : memref<1x128xi32, #tpu.memory_space<vmem>> -> memref<128xi32, #tpu.memory_space<vmem>>
        %dma_start3A_68 = arith.constant 0 : i32
        %dma_start3A_69 = arith.constant 0 : i32
        %dma_start3A_70 = tpu.memref_slice %arg10[%dma_start3A_68, %dma_start3A_69] : memref<10240x128xf32, #tpu.memory_space<vmem_shared>> -> memref<10240x128xf32, #tpu.memory_space<vmem_shared>>
        tpu.enqueue_indirect_dma source(%dma_start3A_64 : memref<128x128xf32, #tpu.memory_space<vmem>>) target(%dma_start3A_70 : memref<10240x128xf32, #tpu.memory_space<vmem_shared>>) offsets(%dma_start3A_67 : memref<128xi32, #tpu.memory_space<vmem>>) semaphore(%run_scoped3A_60 : memref<!tpu.dma_semaphore, #tpu.memory_space<semaphore_mem>>) {add = true}
        %dma_wait3A_71 = arith.constant 0 : i32
        %dma_wait3A_72 = arith.constant 0 : i32
        %dma_wait3A_73 = tpu.memref_slice %arg9[%rem3A_42, %dma_wait3A_71, %dma_wait3A_72] : memref<2x128x128xf32, #tpu.memory_space<vmem>> -> memref<1x128x128xf32, #tpu.memory_space<vmem>>
        %dma_wait3A_74 = tpu.memref_squeeze %dma_wait3A_73 : memref<1x128x128xf32, #tpu.memory_space<vmem>> -> memref<128x128xf32, #tpu.memory_space<vmem>>
        %dma_wait3A_75 = arith.constant 0 : i32
        %dma_wait3A_76 = tpu.memref_slice %arg8[%scan3A_41, %dma_wait3A_75] : memref<40x128xi32, #tpu.memory_space<vmem>> -> memref<1x128xi32, #tpu.memory_space<vmem>>
        %dma_wait3A_77 = tpu.memref_squeeze %dma_wait3A_76 : memref<1x128xi32, #tpu.memory_space<vmem>> -> memref<128xi32, #tpu.memory_space<vmem>>
        %dma_wait3A_78 = arith.constant 0 : i32
        %dma_wait3A_79 = arith.constant 0 : i32
        %dma_wait3A_80 = tpu.memref_slice %arg10[%dma_wait3A_78, %dma_wait3A_79] : memref<10240x128xf32, #tpu.memory_space<vmem_shared>> -> memref<10240x128xf32, #tpu.memory_space<vmem_shared>>
        tpu.wait_indirect_dma semaphore(%run_scoped3A_60 : memref<!tpu.dma_semaphore, #tpu.memory_space<semaphore_mem>>) src(%dma_wait3A_74 : memref<128x128xf32, #tpu.memory_space<vmem>>) dst(%dma_wait3A_80 : memref<10240x128xf32, #tpu.memory_space<vmem_shared>>)
        tpu.yield
      }) : () -> ()
    }
    %scan3A_19 = arith.constant 40 : i32
    %run_scoped3A_20 = arith.constant 1 : i32
    "tpu.region"() ({
      %run_scoped3A_41 = tpu.sem_alloc : memref<!tpu.dma_semaphore, #tpu.memory_space<semaphore_mem>>
      %dma_start3A_42 = arith.constant 0 : i32
      %dma_start3A_43 = arith.constant 0 : i32
      %dma_start3A_44 = tpu.memref_slice %arg3[%add3A, %run_scoped3A_20, %dma_start3A_42, %dma_start3A_43] : memref<32x2x40x128xi32, #tpu.memory_space<hbm>> -> memref<1x1x40x128xi32, #tpu.memory_space<hbm>>
      %dma_start3A_45 = tpu.memref_squeeze %dma_start3A_44 : memref<1x1x40x128xi32, #tpu.memory_space<hbm>> -> memref<40x128xi32, #tpu.memory_space<hbm>>
      %dma_start3A_46 = arith.constant 0 : i32
      %dma_start3A_47 = arith.constant 0 : i32
      %dma_start3A_48 = tpu.memref_slice %arg3[%add3A, %run_scoped3A_20, %dma_start3A_46, %dma_start3A_47] : memref<32x2x40x128xi32, #tpu.memory_space<hbm>> -> memref<1x1x40x128xi32, #tpu.memory_space<hbm>>
      %dma_start3A_49 = tpu.memref_squeeze %dma_start3A_48 : memref<1x1x40x128xi32, #tpu.memory_space<hbm>> -> memref<40x128xi32, #tpu.memory_space<hbm>>
      tpu.enqueue_dma source(%dma_start3A_49 : memref<40x128xi32, #tpu.memory_space<hbm>>) target(%arg7 : memref<40x128xi32, #tpu.memory_space<vmem>>) target_semaphore(%run_scoped3A_41 : memref<!tpu.dma_semaphore, #tpu.memory_space<semaphore_mem>>)
      %dma_wait3A = arith.constant 0 : i32
      %dma_wait3A_50 = arith.constant 0 : i32
      %dma_wait3A_51 = tpu.memref_slice %arg3[%add3A, %run_scoped3A_20, %dma_wait3A, %dma_wait3A_50] : memref<32x2x40x128xi32, #tpu.memory_space<hbm>> -> memref<1x1x40x128xi32, #tpu.memory_space<hbm>>
      %dma_wait3A_52 = tpu.memref_squeeze %dma_wait3A_51 : memref<1x1x40x128xi32, #tpu.memory_space<hbm>> -> memref<40x128xi32, #tpu.memory_space<hbm>>
      %dma_wait3A_53 = arith.constant 0 : i32
      %dma_wait3A_54 = arith.constant 0 : i32
      %dma_wait3A_55 = tpu.memref_slice %arg3[%add3A, %run_scoped3A_20, %dma_wait3A_53, %dma_wait3A_54] : memref<32x2x40x128xi32, #tpu.memory_space<hbm>> -> memref<1x1x40x128xi32, #tpu.memory_space<hbm>>
      %dma_wait3A_56 = tpu.memref_squeeze %dma_wait3A_55 : memref<1x1x40x128xi32, #tpu.memory_space<hbm>> -> memref<40x128xi32, #tpu.memory_space<hbm>>
      tpu.wait_dma2 semaphore(%run_scoped3A_41 : memref<!tpu.dma_semaphore, #tpu.memory_space<semaphore_mem>>) src(%dma_wait3A_56 : memref<40x128xi32, #tpu.memory_space<hbm>>) dst(%arg7 : memref<40x128xi32, #tpu.memory_space<vmem>>)
      tpu.yield
    }) : () -> ()
    %run_scoped3A_21 = arith.constant 1 : i32
    "tpu.region"() ({
      %run_scoped3A_41 = tpu.sem_alloc : memref<!tpu.dma_semaphore, #tpu.memory_space<semaphore_mem>>
      %dma_start3A_42 = arith.constant 0 : i32
      %dma_start3A_43 = arith.constant 0 : i32
      %dma_start3A_44 = tpu.memref_slice %arg4[%add3A, %run_scoped3A_21, %dma_start3A_42, %dma_start3A_43] : memref<32x2x40x128xi32, #tpu.memory_space<hbm>> -> memref<1x1x40x128xi32, #tpu.memory_space<hbm>>
      %dma_start3A_45 = tpu.memref_squeeze %dma_start3A_44 : memref<1x1x40x128xi32, #tpu.memory_space<hbm>> -> memref<40x128xi32, #tpu.memory_space<hbm>>
      %dma_start3A_46 = arith.constant 0 : i32
      %dma_start3A_47 = arith.constant 0 : i32
      %dma_start3A_48 = tpu.memref_slice %arg4[%add3A, %run_scoped3A_21, %dma_start3A_46, %dma_start3A_47] : memref<32x2x40x128xi32, #tpu.memory_space<hbm>> -> memref<1x1x40x128xi32, #tpu.memory_space<hbm>>
      %dma_start3A_49 = tpu.memref_squeeze %dma_start3A_48 : memref<1x1x40x128xi32, #tpu.memory_space<hbm>> -> memref<40x128xi32, #tpu.memory_space<hbm>>
      tpu.enqueue_dma source(%dma_start3A_49 : memref<40x128xi32, #tpu.memory_space<hbm>>) target(%arg8 : memref<40x128xi32, #tpu.memory_space<vmem>>) target_semaphore(%run_scoped3A_41 : memref<!tpu.dma_semaphore, #tpu.memory_space<semaphore_mem>>)
      %dma_wait3A = arith.constant 0 : i32
      %dma_wait3A_50 = arith.constant 0 : i32
      %dma_wait3A_51 = tpu.memref_slice %arg4[%add3A, %run_scoped3A_21, %dma_wait3A, %dma_wait3A_50] : memref<32x2x40x128xi32, #tpu.memory_space<hbm>> -> memref<1x1x40x128xi32, #tpu.memory_space<hbm>>
      %dma_wait3A_52 = tpu.memref_squeeze %dma_wait3A_51 : memref<1x1x40x128xi32, #tpu.memory_space<hbm>> -> memref<40x128xi32, #tpu.memory_space<hbm>>
      %dma_wait3A_53 = arith.constant 0 : i32
      %dma_wait3A_54 = arith.constant 0 : i32
      %dma_wait3A_55 = tpu.memref_slice %arg4[%add3A, %run_scoped3A_21, %dma_wait3A_53, %dma_wait3A_54] : memref<32x2x40x128xi32, #tpu.memory_space<hbm>> -> memref<1x1x40x128xi32, #tpu.memory_space<hbm>>
      %dma_wait3A_56 = tpu.memref_squeeze %dma_wait3A_55 : memref<1x1x40x128xi32, #tpu.memory_space<hbm>> -> memref<40x128xi32, #tpu.memory_space<hbm>>
      tpu.wait_dma2 semaphore(%run_scoped3A_41 : memref<!tpu.dma_semaphore, #tpu.memory_space<semaphore_mem>>) src(%dma_wait3A_56 : memref<40x128xi32, #tpu.memory_space<hbm>>) dst(%arg8 : memref<40x128xi32, #tpu.memory_space<vmem>>)
      tpu.yield
    }) : () -> ()
    %dma_start3A_22 = arith.constant 0 : i32
    %dma_start3A_23 = arith.constant 0 : i32
    %dma_start3A_24 = arith.constant 0 : i32
    %dma_start3A_25 = arith.constant 0 : i32
    %dma_start3A_26 = tpu.memref_slice %arg9[%dma_start3A_23, %dma_start3A_24, %dma_start3A_25] : memref<2x128x128xf32, #tpu.memory_space<vmem>> -> memref<1x128x128xf32, #tpu.memory_space<vmem>>
    %dma_start3A_27 = tpu.memref_squeeze %dma_start3A_26 : memref<1x128x128xf32, #tpu.memory_space<vmem>> -> memref<128x128xf32, #tpu.memory_space<vmem>>
    %dma_start3A_28 = arith.constant 0 : i32
    %dma_start3A_29 = tpu.memref_slice %arg7[%dma_start3A_22, %dma_start3A_28] : memref<40x128xi32, #tpu.memory_space<vmem>> -> memref<1x128xi32, #tpu.memory_space<vmem>>
    %dma_start3A_30 = tpu.memref_squeeze %dma_start3A_29 : memref<1x128xi32, #tpu.memory_space<vmem>> -> memref<128xi32, #tpu.memory_space<vmem>>
    %dma_start3A_31 = arith.constant 0 : i32
    %dma_start3A_32 = arith.constant 0 : i32
    %dma_start3A_33 = tpu.memref_slice %arg2[%dma_start3A_31, %dma_start3A_32] : memref<10240x128xf32, #tpu.memory_space<hbm>> -> memref<10240x128xf32, #tpu.memory_space<hbm>>
    tpu.enqueue_indirect_dma source(%dma_start3A_33 : memref<10240x128xf32, #tpu.memory_space<hbm>>) target(%dma_start3A_27 : memref<128x128xf32, #tpu.memory_space<vmem>>) offsets(%dma_start3A_30 : memref<128xi32, #tpu.memory_space<vmem>>) semaphore(%arg11 : memref<!tpu.dma_semaphore, #tpu.memory_space<semaphore_mem>>)
    %scan3A_34 = arith.constant 0 : i32
    %scan3A_35 = arith.constant 0 : i32
    %scan3A_36 = arith.constant 40 : i32
    %scan3A_37 = arith.addi %scan3A_35, %scan3A_36 : i32
    %scan3A_38 = arith.constant 1 : i32
    scf.for %scan3A_41 = %scan3A_35 to %scan3A_37 step %scan3A_38  : i32 {
      %rem3A = arith.constant 2 : i32
      %rem3A_42 = arith.remsi %scan3A_41, %rem3A : i32
      %add3A_43 = arith.constant 1 : i32
      %add3A_44 = arith.addi %scan3A_41, %add3A_43 : i32
      %rem3A_45 = arith.constant 2 : i32
      %rem3A_46 = arith.remsi %add3A_44, %rem3A_45 : i32
      %add3A_47 = arith.constant 1 : i32
      %add3A_48 = arith.addi %scan3A_41, %add3A_47 : i32
      %lt3A = arith.constant 40 : i32
      %lt3A_49 = arith.cmpi slt, %add3A_48, %lt3A : i32
      %convert_element_type3A = arith.extui %lt3A_49 : i1 to i32
      %cond3A = arith.constant 0 : i32
      %cond3A_50 = arith.cmpi ne, %convert_element_type3A, %cond3A : i32
      scf.if %cond3A_50 {
        %add3A_60 = arith.constant 1 : i32
        %add3A_61 = arith.addi %scan3A_41, %add3A_60 : i32
        %dma_start3A_62 = arith.constant 0 : i32
        %dma_start3A_63 = arith.constant 0 : i32
        %dma_start3A_64 = tpu.memref_slice %arg9[%rem3A_46, %dma_start3A_62, %dma_start3A_63] : memref<2x128x128xf32, #tpu.memory_space<vmem>> -> memref<1x128x128xf32, #tpu.memory_space<vmem>>
        %dma_start3A_65 = tpu.memref_squeeze %dma_start3A_64 : memref<1x128x128xf32, #tpu.memory_space<vmem>> -> memref<128x128xf32, #tpu.memory_space<vmem>>
        %dma_start3A_66 = arith.constant 0 : i32
        %dma_start3A_67 = tpu.memref_slice %arg7[%add3A_61, %dma_start3A_66] : memref<40x128xi32, #tpu.memory_space<vmem>> -> memref<1x128xi32, #tpu.memory_space<vmem>>
        %dma_start3A_68 = tpu.memref_squeeze %dma_start3A_67 : memref<1x128xi32, #tpu.memory_space<vmem>> -> memref<128xi32, #tpu.memory_space<vmem>>
        %dma_start3A_69 = arith.constant 0 : i32
        %dma_start3A_70 = arith.constant 0 : i32
        %dma_start3A_71 = tpu.memref_slice %arg2[%dma_start3A_69, %dma_start3A_70] : memref<10240x128xf32, #tpu.memory_space<hbm>> -> memref<10240x128xf32, #tpu.memory_space<hbm>>
        tpu.enqueue_indirect_dma source(%dma_start3A_71 : memref<10240x128xf32, #tpu.memory_space<hbm>>) target(%dma_start3A_65 : memref<128x128xf32, #tpu.memory_space<vmem>>) offsets(%dma_start3A_68 : memref<128xi32, #tpu.memory_space<vmem>>) semaphore(%arg11 : memref<!tpu.dma_semaphore, #tpu.memory_space<semaphore_mem>>)
      } else {
      }
      %dma_wait3A = arith.constant 0 : i32
      %dma_wait3A_51 = arith.constant 0 : i32
      %dma_wait3A_52 = tpu.memref_slice %arg9[%rem3A_42, %dma_wait3A, %dma_wait3A_51] : memref<2x128x128xf32, #tpu.memory_space<vmem>> -> memref<1x128x128xf32, #tpu.memory_space<vmem>>
      %dma_wait3A_53 = tpu.memref_squeeze %dma_wait3A_52 : memref<1x128x128xf32, #tpu.memory_space<vmem>> -> memref<128x128xf32, #tpu.memory_space<vmem>>
      %dma_wait3A_54 = arith.constant 0 : i32
      %dma_wait3A_55 = tpu.memref_slice %arg7[%scan3A_41, %dma_wait3A_54] : memref<40x128xi32, #tpu.memory_space<vmem>> -> memref<1x128xi32, #tpu.memory_space<vmem>>
      %dma_wait3A_56 = tpu.memref_squeeze %dma_wait3A_55 : memref<1x128xi32, #tpu.memory_space<vmem>> -> memref<128xi32, #tpu.memory_space<vmem>>
      %dma_wait3A_57 = arith.constant 0 : i32
      %dma_wait3A_58 = arith.constant 0 : i32
      %dma_wait3A_59 = tpu.memref_slice %arg2[%dma_wait3A_57, %dma_wait3A_58] : memref<10240x128xf32, #tpu.memory_space<hbm>> -> memref<10240x128xf32, #tpu.memory_space<hbm>>
      tpu.wait_indirect_dma semaphore(%arg11 : memref<!tpu.dma_semaphore, #tpu.memory_space<semaphore_mem>>) src(%dma_wait3A_59 : memref<10240x128xf32, #tpu.memory_space<hbm>>) dst(%dma_wait3A_53 : memref<128x128xf32, #tpu.memory_space<vmem>>)
      "tpu.region"() ({
        %run_scoped3A_60 = tpu.sem_alloc : memref<!tpu.dma_semaphore, #tpu.memory_space<semaphore_mem>>
        %dma_start3A_61 = arith.constant 0 : i32
        %dma_start3A_62 = arith.constant 0 : i32
        %dma_start3A_63 = tpu.memref_slice %arg9[%rem3A_42, %dma_start3A_61, %dma_start3A_62] : memref<2x128x128xf32, #tpu.memory_space<vmem>> -> memref<1x128x128xf32, #tpu.memory_space<vmem>>
        %dma_start3A_64 = tpu.memref_squeeze %dma_start3A_63 : memref<1x128x128xf32, #tpu.memory_space<vmem>> -> memref<128x128xf32, #tpu.memory_space<vmem>>
        %dma_start3A_65 = arith.constant 0 : i32
        %dma_start3A_66 = tpu.memref_slice %arg8[%scan3A_41, %dma_start3A_65] : memref<40x128xi32, #tpu.memory_space<vmem>> -> memref<1x128xi32, #tpu.memory_space<vmem>>
        %dma_start3A_67 = tpu.memref_squeeze %dma_start3A_66 : memref<1x128xi32, #tpu.memory_space<vmem>> -> memref<128xi32, #tpu.memory_space<vmem>>
        %dma_start3A_68 = arith.constant 0 : i32
        %dma_start3A_69 = arith.constant 0 : i32
        %dma_start3A_70 = tpu.memref_slice %arg10[%dma_start3A_68, %dma_start3A_69] : memref<10240x128xf32, #tpu.memory_space<vmem_shared>> -> memref<10240x128xf32, #tpu.memory_space<vmem_shared>>
        tpu.enqueue_indirect_dma source(%dma_start3A_64 : memref<128x128xf32, #tpu.memory_space<vmem>>) target(%dma_start3A_70 : memref<10240x128xf32, #tpu.memory_space<vmem_shared>>) offsets(%dma_start3A_67 : memref<128xi32, #tpu.memory_space<vmem>>) semaphore(%run_scoped3A_60 : memref<!tpu.dma_semaphore, #tpu.memory_space<semaphore_mem>>) {add = true}
        %dma_wait3A_71 = arith.constant 0 : i32
        %dma_wait3A_72 = arith.constant 0 : i32
        %dma_wait3A_73 = tpu.memref_slice %arg9[%rem3A_42, %dma_wait3A_71, %dma_wait3A_72] : memref<2x128x128xf32, #tpu.memory_space<vmem>> -> memref<1x128x128xf32, #tpu.memory_space<vmem>>
        %dma_wait3A_74 = tpu.memref_squeeze %dma_wait3A_73 : memref<1x128x128xf32, #tpu.memory_space<vmem>> -> memref<128x128xf32, #tpu.memory_space<vmem>>
        %dma_wait3A_75 = arith.constant 0 : i32
        %dma_wait3A_76 = tpu.memref_slice %arg8[%scan3A_41, %dma_wait3A_75] : memref<40x128xi32, #tpu.memory_space<vmem>> -> memref<1x128xi32, #tpu.memory_space<vmem>>
        %dma_wait3A_77 = tpu.memref_squeeze %dma_wait3A_76 : memref<1x128xi32, #tpu.memory_space<vmem>> -> memref<128xi32, #tpu.memory_space<vmem>>
        %dma_wait3A_78 = arith.constant 0 : i32
        %dma_wait3A_79 = arith.constant 0 : i32
        %dma_wait3A_80 = tpu.memref_slice %arg10[%dma_wait3A_78, %dma_wait3A_79] : memref<10240x128xf32, #tpu.memory_space<vmem_shared>> -> memref<10240x128xf32, #tpu.memory_space<vmem_shared>>
        tpu.wait_indirect_dma semaphore(%run_scoped3A_60 : memref<!tpu.dma_semaphore, #tpu.memory_space<semaphore_mem>>) src(%dma_wait3A_74 : memref<128x128xf32, #tpu.memory_space<vmem>>) dst(%dma_wait3A_80 : memref<10240x128xf32, #tpu.memory_space<vmem_shared>>)
        tpu.yield
      }) : () -> ()
    }
    %scan3A_39 = arith.constant 40 : i32
    %barrier3A_40 = arith.constant 0 : index
    tpu.barrier barrier_id(%barrier3A_40)
    "tpu.region"() ({
      %run_scoped3A_41 = tpu.sem_alloc : memref<!tpu.dma_semaphore, #tpu.memory_space<semaphore_mem>>
      %dma_start3A_42 = arith.constant 0 : i32
      %dma_start3A_43 = tpu.memref_slice %arg6[%arg0, %mul3A_2, %dma_start3A_42] : memref<2x10240x128xf32, #tpu.memory_space<hbm>> -> memref<1x640x128xf32, #tpu.memory_space<hbm>>
      %dma_start3A_44 = tpu.memref_squeeze %dma_start3A_43 : memref<1x640x128xf32, #tpu.memory_space<hbm>> -> memref<640x128xf32, #tpu.memory_space<hbm>>
      %dma_start3A_45 = arith.constant 0 : i32
      %dma_start3A_46 = tpu.memref_slice %arg10[%mul3A_2, %dma_start3A_45] : memref<10240x128xf32, #tpu.memory_space<vmem_shared>> -> memref<640x128xf32, #tpu.memory_space<vmem_shared>>
      tpu.enqueue_dma source(%dma_start3A_46 : memref<640x128xf32, #tpu.memory_space<vmem_shared>>) target(%dma_start3A_44 : memref<640x128xf32, #tpu.memory_space<hbm>>) target_semaphore(%run_scoped3A_41 : memref<!tpu.dma_semaphore, #tpu.memory_space<semaphore_mem>>)
      %dma_wait3A = arith.constant 0 : i32
      %dma_wait3A_47 = tpu.memref_slice %arg6[%arg0, %mul3A_2, %dma_wait3A] : memref<2x10240x128xf32, #tpu.memory_space<hbm>> -> memref<1x640x128xf32, #tpu.memory_space<hbm>>
      %dma_wait3A_48 = tpu.memref_squeeze %dma_wait3A_47 : memref<1x640x128xf32, #tpu.memory_space<hbm>> -> memref<640x128xf32, #tpu.memory_space<hbm>>
      %dma_wait3A_49 = arith.constant 0 : i32
      %dma_wait3A_50 = tpu.memref_slice %arg10[%mul3A_2, %dma_wait3A_49] : memref<10240x128xf32, #tpu.memory_space<vmem_shared>> -> memref<640x128xf32, #tpu.memory_space<vmem_shared>>
      tpu.wait_dma2 semaphore(%run_scoped3A_41 : memref<!tpu.dma_semaphore, #tpu.memory_space<semaphore_mem>>) src(%dma_wait3A_50 : memref<640x128xf32, #tpu.memory_space<vmem_shared>>) dst(%dma_wait3A_48 : memref<640x128xf32, #tpu.memory_space<hbm>>)
      tpu.yield
    }) : () -> ()
    return
  }
}

module attributes {stable_mosaic.version = 14 : i64} {
  func.func @_tc_a0(%arg0: i32, %arg1: memref<2048x128xf32, #tpu.memory_space<vmem>>, %arg2: memref<128x128xf32, #tpu.memory_space<vmem>>, %arg3: memref<2048x128xf32, #tpu.memory_space<vmem>>) attributes {dimension_semantics = [#tpu.dimension_semantics<arbitrary>], iteration_bounds = array<i64: 5>, scalar_prefetch = 0 : i64, scratch_operands = 0 : i64, tpu.core_type = #tpu.core_type<tc>, window_params = [{transform_indices = @transform_0, window_bounds = array<i64: 2048, 128>}, {pipeline_mode = #tpu.pipeline_mode<synchronous>, transform_indices = @transform_1, window_bounds = array<i64: 128, 128>}, {transform_indices = @transform_2, window_bounds = array<i64: 2048, 128>}]} {
    %get3A = arith.constant 0 : index
    %get3A_0 = arith.constant 0 : index
    %get3A_1 = vector.load %arg1[%get3A, %get3A_0] : memref<2048x128xf32, #tpu.memory_space<vmem>>, vector<2048x128xf32>
    %get3A_2 = arith.constant 0 : index
    %get3A_3 = arith.constant 0 : index
    %get3A_4 = vector.load %arg2[%get3A_2, %get3A_3] : memref<128x128xf32, #tpu.memory_space<vmem>>, vector<128x128xf32>
    %dot_general3A = arith.constant dense<0.000000e+00> : vector<2048x128xf32>
    %dot_general3A_5 = tpu.matmul %get3A_1, %get3A_4, %dot_general3A {dimension_numbers = #tpu.dot_dimension_numbers<[1], [0], [0], [1], [0, 0, 1, 1], [], []>, transpose_lhs_hint = false} : vector<2048x128xf32>, vector<128x128xf32>, vector<2048x128xf32> -> vector<2048x128xf32>
    %swap3A = arith.constant 0 : index
    %swap3A_6 = arith.constant 0 : index
    %swap3A_7 = vector.load %arg3[%swap3A, %swap3A_6] : memref<2048x128xf32, #tpu.memory_space<vmem>>, vector<2048x128xf32>
    tpu.vector_store %arg3[%swap3A, %swap3A_6], %dot_general3A_5 {strides = array<i32>} : memref<2048x128xf32, #tpu.memory_space<vmem>>, vector<2048x128xf32>,
    return
  }
  func.func @transform_0(%arg0: i32) -> (i32, i32) {
    %c0_i32 = arith.constant 0 : i32
    %c0_i32_0 = arith.constant 0 : i32
    return %arg0, %c0_i32 : i32, i32
  }
  func.func @transform_1(%arg0: i32) -> (i32, i32) {
    %c0_i32 = arith.constant 0 : i32
    %c0_i32_0 = arith.constant 0 : i32
    %c0_i32_1 = arith.constant 0 : i32
    return %c0_i32, %c0_i32_0 : i32, i32
  }
  func.func @transform_2(%arg0: i32) -> (i32, i32) {
    %c0_i32 = arith.constant 0 : i32
    %c0_i32_0 = arith.constant 0 : i32
    return %arg0, %c0_i32 : i32, i32
  }
}

module attributes {stable_mosaic.version = 14 : i64} {
  func.func @_tc_a1(%arg0: i32, %arg1: memref<2048x128xf32, #tpu.memory_space<vmem>>, %arg2: memref<2x2x2048x8xf32, #tpu.memory_space<vmem>>, %arg3: memref<2048x128xf32, #tpu.memory_space<vmem>>) attributes {dimension_semantics = [#tpu.dimension_semantics<arbitrary>], iteration_bounds = array<i64: 5>, scalar_prefetch = 0 : i64, scratch_operands = 0 : i64, tpu.core_type = #tpu.core_type<tc>, window_params = [{transform_indices = @transform_0, window_bounds = array<i64: 2048, 128>}, {transform_indices = @transform_1, window_bounds = array<i64: 2, 2, 2048, 8>}, {transform_indices = @transform_2, window_bounds = array<i64: 2048, 128>}]} {
    %get3A = arith.constant 0 : index
    %get3A_0 = arith.constant 0 : index
    %get3A_1 = arith.constant 0 : index
    %get3A_2 = arith.constant 0 : index
    %get3A_3 = vector.load %arg2[%get3A, %get3A_0, %get3A_1, %get3A_2] : memref<2x2x2048x8xf32, #tpu.memory_space<vmem>>, vector<1x1x2048x8xf32>
    %get3A_4 = vector.shape_cast %get3A_3 : vector<1x1x2048x8xf32> to vector<2048x8xf32>
    %get3A_5 = arith.constant 0 : index
    %get3A_6 = arith.constant 1 : index
    %get3A_7 = arith.constant 0 : index
    %get3A_8 = arith.constant 0 : index
    %get3A_9 = vector.load %arg2[%get3A_5, %get3A_6, %get3A_7, %get3A_8] : memref<2x2x2048x8xf32, #tpu.memory_space<vmem>>, vector<1x1x2048x8xf32>
    %get3A_10 = vector.shape_cast %get3A_9 : vector<1x1x2048x8xf32> to vector<2048x8xf32>
    %add3A = arith.addf %get3A_4, %get3A_10 : vector<2048x8xf32>
    %slice3A = vector.extract_strided_slice %add3A {offsets = [0, 0], sizes = [2048, 1], strides = [1, 1]} : vector<2048x8xf32> to vector<2048x1xf32>
    %max3A = arith.constant 1.000000e+00 : f32
    %max3A_11 = vector.broadcast %max3A : f32 to vector<2048x1xf32>
    %max3A_12 = arith.maximumf %slice3A, %max3A_11 : vector<2048x1xf32>
    %rsqrt3A = math.rsqrt %max3A_12 : vector<2048x1xf32>
    %get3A_13 = arith.constant 0 : index
    %get3A_14 = arith.constant 0 : index
    %get3A_15 = vector.load %arg1[%get3A_13, %get3A_14] : memref<2048x128xf32, #tpu.memory_space<vmem>>, vector<2048x128xf32>
    %mul3A = vector.broadcast %rsqrt3A : vector<2048x1xf32> to vector<2048x128xf32>
    %mul3A_16 = arith.mulf %get3A_15, %mul3A : vector<2048x128xf32>
    %swap3A = arith.constant 0 : index
    %swap3A_17 = arith.constant 0 : index
    %swap3A_18 = vector.load %arg3[%swap3A, %swap3A_17] : memref<2048x128xf32, #tpu.memory_space<vmem>>, vector<2048x128xf32>
    tpu.vector_store %arg3[%swap3A, %swap3A_17], %mul3A_16 {strides = array<i32>} : memref<2048x128xf32, #tpu.memory_space<vmem>>, vector<2048x128xf32>,
    return
  }
  func.func @transform_0(%arg0: i32) -> (i32, i32) {
    %c0_i32 = arith.constant 0 : i32
    %c0_i32_0 = arith.constant 0 : i32
    return %arg0, %c0_i32 : i32, i32
  }
  func.func @transform_1(%arg0: i32) -> (i32, i32, i32, i32) {
    %c0_i32 = arith.constant 0 : i32
    %c0_i32_0 = arith.constant 0 : i32
    %c0_i32_1 = arith.constant 0 : i32
    %c0_i32_2 = arith.constant 0 : i32
    return %c0_i32, %c0_i32_0, %arg0, %c0_i32_1 : i32, i32, i32, i32
  }
  func.func @transform_2(%arg0: i32) -> (i32, i32) {
    %c0_i32 = arith.constant 0 : i32
    %c0_i32_0 = arith.constant 0 : i32
    return %arg0, %c0_i32 : i32, i32
  }
}

module attributes {stable_mosaic.version = 14 : i64} {
  func.func @_tc_b(%arg0: i32, %arg1: memref<2x2048x128xf32, #tpu.memory_space<vmem>>, %arg2: memref<2x2x2048x8xf32, #tpu.memory_space<vmem>>, %arg3: memref<1x128xf32, #tpu.memory_space<vmem>>, %arg4: memref<1x128xf32, #tpu.memory_space<vmem>>, %arg5: memref<128x128xf32, #tpu.memory_space<vmem>>, %arg6: memref<1x128xf32, #tpu.memory_space<vmem>>, %arg7: memref<2048x128xf32, #tpu.memory_space<vmem>>, %arg8: memref<2048x8xf32, #tpu.memory_space<vmem>>, %arg9: memref<1x1xf32, #tpu.memory_space<vmem>>) attributes {dimension_semantics = [#tpu.dimension_semantics<arbitrary>], iteration_bounds = array<i64: 5>, scalar_prefetch = 0 : i64, scratch_operands = 0 : i64, tpu.core_type = #tpu.core_type<tc>, window_params = [{transform_indices = @transform_0, window_bounds = array<i64: 2, 2048, 128>}, {transform_indices = @transform_1, window_bounds = array<i64: 2, 2, 2048, 8>}, {pipeline_mode = #tpu.pipeline_mode<synchronous>, transform_indices = @transform_2, window_bounds = array<i64: 1, 128>}, {pipeline_mode = #tpu.pipeline_mode<synchronous>, transform_indices = @transform_3, window_bounds = array<i64: 1, 128>}, {pipeline_mode = #tpu.pipeline_mode<synchronous>, transform_indices = @transform_4, window_bounds = array<i64: 128, 128>}, {pipeline_mode = #tpu.pipeline_mode<synchronous>, transform_indices = @transform_5, window_bounds = array<i64: 1, 128>}, {transform_indices = @transform_6, window_bounds = array<i64: 2048, 128>}, {transform_indices = @transform_7, window_bounds = array<i64: 2048, 8>}, {pipeline_mode = #tpu.pipeline_mode<synchronous>, transform_indices = @transform_8, window_bounds = array<i64: 1, 1>}]} {
    %get3A = arith.constant 1 : index
    %get3A_0 = arith.constant 0 : index
    %get3A_1 = arith.constant 0 : index
    %get3A_2 = arith.constant 0 : index
    %get3A_3 = vector.load %arg2[%get3A, %get3A_0, %get3A_1, %get3A_2] : memref<2x2x2048x8xf32, #tpu.memory_space<vmem>>, vector<1x1x2048x8xf32>
    %get3A_4 = vector.shape_cast %get3A_3 : vector<1x1x2048x8xf32> to vector<2048x8xf32>
    %get3A_5 = arith.constant 1 : index
    %get3A_6 = arith.constant 1 : index
    %get3A_7 = arith.constant 0 : index
    %get3A_8 = arith.constant 0 : index
    %get3A_9 = vector.load %arg2[%get3A_5, %get3A_6, %get3A_7, %get3A_8] : memref<2x2x2048x8xf32, #tpu.memory_space<vmem>>, vector<1x1x2048x8xf32>
    %get3A_10 = vector.shape_cast %get3A_9 : vector<1x1x2048x8xf32> to vector<2048x8xf32>
    %add3A = arith.addf %get3A_4, %get3A_10 : vector<2048x8xf32>
    %slice3A = vector.extract_strided_slice %add3A {offsets = [0, 0], sizes = [2048, 1], strides = [1, 1]} : vector<2048x8xf32> to vector<2048x1xf32>
    %max3A = arith.constant 1.000000e+00 : f32
    %max3A_11 = vector.broadcast %max3A : f32 to vector<2048x1xf32>
    %max3A_12 = arith.maximumf %slice3A, %max3A_11 : vector<2048x1xf32>
    %rsqrt3A = math.rsqrt %max3A_12 : vector<2048x1xf32>
    %get3A_13 = arith.constant 0 : index
    %get3A_14 = arith.constant 0 : index
    %get3A_15 = arith.constant 0 : index
    %get3A_16 = vector.load %arg1[%get3A_13, %get3A_14, %get3A_15] : memref<2x2048x128xf32, #tpu.memory_space<vmem>>, vector<1x2048x128xf32>
    %get3A_17 = vector.shape_cast %get3A_16 : vector<1x2048x128xf32> to vector<2048x128xf32>
    %get3A_18 = arith.constant 1 : index
    %get3A_19 = arith.constant 0 : index
    %get3A_20 = arith.constant 0 : index
    %get3A_21 = vector.load %arg1[%get3A_18, %get3A_19, %get3A_20] : memref<2x2048x128xf32, #tpu.memory_space<vmem>>, vector<1x2048x128xf32>
    %get3A_22 = vector.shape_cast %get3A_21 : vector<1x2048x128xf32> to vector<2048x128xf32>
    %add3A_23 = arith.addf %get3A_17, %get3A_22 : vector<2048x128xf32>
    %mul3A = vector.broadcast %rsqrt3A : vector<2048x1xf32> to vector<2048x128xf32>
    %mul3A_24 = arith.mulf %add3A_23, %mul3A : vector<2048x128xf32>
    %get3A_25 = arith.constant 0 : index
    %get3A_26 = arith.constant 0 : index
    %get3A_27 = vector.load %arg3[%get3A_25, %get3A_26] : memref<1x128xf32, #tpu.memory_space<vmem>>, vector<1x128xf32>
    %add3A_28 = vector.broadcast %get3A_27 : vector<1x128xf32> to vector<2048x128xf32>
    %add3A_29 = arith.addf %mul3A_24, %add3A_28 : vector<2048x128xf32>
    %max3A_30 = arith.constant 0.000000e+00 : f32
    %max3A_31 = vector.broadcast %max3A_30 : f32 to vector<2048x128xf32>
    %max3A_32 = arith.maximumf %add3A_29, %max3A_31 : vector<2048x128xf32>
    %get3A_33 = arith.constant 0 : index
    %get3A_34 = arith.constant 0 : index
    %get3A_35 = vector.load %arg4[%get3A_33, %get3A_34] : memref<1x128xf32, #tpu.memory_space<vmem>>, vector<1x128xf32>
    %mul3A_36 = vector.broadcast %get3A_35 : vector<1x128xf32> to vector<2048x128xf32>
    %mul3A_37 = arith.mulf %max3A_32, %mul3A_36 : vector<2048x128xf32>
    %get3A_38 = arith.constant 0 : index
    %get3A_39 = arith.constant 0 : index
    %get3A_40 = vector.load %arg5[%get3A_38, %get3A_39] : memref<128x128xf32, #tpu.memory_space<vmem>>, vector<128x128xf32>
    %dot_general3A = arith.constant dense<0.000000e+00> : vector<2048x128xf32>
    %dot_general3A_41 = tpu.matmul %mul3A_37, %get3A_40, %dot_general3A {dimension_numbers = #tpu.dot_dimension_numbers<[1], [0], [0], [1], [0, 0, 1, 1], [], []>, transpose_lhs_hint = false} : vector<2048x128xf32>, vector<128x128xf32>, vector<2048x128xf32> -> vector<2048x128xf32>
    %swap3A = arith.constant 0 : index
    %swap3A_42 = arith.constant 0 : index
    %swap3A_43 = vector.load %arg7[%swap3A, %swap3A_42] : memref<2048x128xf32, #tpu.memory_space<vmem>>, vector<2048x128xf32>
    tpu.vector_store %arg7[%swap3A, %swap3A_42], %dot_general3A_41 {strides = array<i32>} : memref<2048x128xf32, #tpu.memory_space<vmem>>, vector<2048x128xf32>,
    %get3A_44 = arith.constant 0 : index
    %get3A_45 = arith.constant 0 : index
    %get3A_46 = vector.load %arg6[%get3A_44, %get3A_45] : memref<1x128xf32, #tpu.memory_space<vmem>>, vector<1x128xf32>
    %mul3A_47 = vector.broadcast %get3A_46 : vector<1x128xf32> to vector<2048x128xf32>
    %mul3A_48 = arith.mulf %dot_general3A_41, %mul3A_47 : vector<2048x128xf32>
    %reduce_sum3A = arith.constant dense<0.000000e+00> : vector<2048xf32>
    %reduce_sum3A_49 = vector.multi_reduction <add>, %mul3A_48, %reduce_sum3A [1] : vector<2048x128xf32> to vector<2048xf32>
    %broadcast_in_dim3A = vector.shape_cast %reduce_sum3A_49 : vector<2048xf32> to vector<2048x1xf32>
    %gt3A = arith.constant 0.000000e+00 : f32
    %gt3A_50 = vector.broadcast %gt3A : f32 to vector<2048x1xf32>
    %gt3A_51 = arith.cmpf ogt, %broadcast_in_dim3A, %gt3A_50 : vector<2048x1xf32>
    %mul3A_52 = arith.constant 0.00999999977 : f32
    %mul3A_53 = vector.broadcast %mul3A_52 : f32 to vector<2048x1xf32>
    %mul3A_54 = arith.mulf %mul3A_53, %broadcast_in_dim3A : vector<2048x1xf32>
    %select_n3A = arith.select %gt3A_51, %broadcast_in_dim3A, %mul3A_54 : vector<2048x1xi1>, vector<2048x1xf32>
    %broadcast_in_dim3A_55 = vector.shape_cast %select_n3A : vector<2048x1xf32> to vector<2048x1xf32>
    %broadcast_in_dim3A_56 = vector.broadcast %broadcast_in_dim3A_55 : vector<2048x1xf32> to vector<2048x8xf32>
    %swap3A_57 = arith.constant 0 : index
    %swap3A_58 = arith.constant 0 : index
    %swap3A_59 = vector.load %arg8[%swap3A_57, %swap3A_58] : memref<2048x8xf32, #tpu.memory_space<vmem>>, vector<2048x8xf32>
    tpu.vector_store %arg8[%swap3A_57, %swap3A_58], %broadcast_in_dim3A_56 {strides = array<i32>} : memref<2048x8xf32, #tpu.memory_space<vmem>>, vector<2048x8xf32>,
    %eq3A = arith.constant 0 : i32
    %eq3A_60 = arith.cmpi eq, %arg0, %eq3A : i32
    %convert_element_type3A = arith.extui %eq3A_60 : i1 to i32
    %cond3A = arith.constant 0 : i32
    %cond3A_61 = arith.cmpi ne, %convert_element_type3A, %cond3A : i32
    scf.if %cond3A_61 {
      %broadcast_in_dim3A_74 = arith.constant 0xFF800000 : f32
      %broadcast_in_dim3A_75 = vector.broadcast %broadcast_in_dim3A_74 : f32 to vector<1x1xf32>
      %swap3A_76 = arith.constant 0 : index
      %swap3A_77 = arith.constant 0 : index
      %swap3A_78 = vector.load %arg9[%swap3A_76, %swap3A_77] : memref<1x1xf32, #tpu.memory_space<vmem>>, vector<1x1xf32>
      tpu.vector_store %arg9[%swap3A_76, %swap3A_77], %broadcast_in_dim3A_75 {strides = array<i32>} : memref<1x1xf32, #tpu.memory_space<vmem>>, vector<1x1xf32>,
    } else {
    }
    %get3A_62 = arith.constant 0 : index
    %get3A_63 = arith.constant 0 : index
    %get3A_64 = vector.load %arg9[%get3A_62, %get3A_63] : memref<1x1xf32, #tpu.memory_space<vmem>>, vector<1x1xf32>
    %reduce_max3A = vector.shape_cast %select_n3A : vector<2048x1xf32> to vector<1x2048x1xf32>
    %reduce_max3A_65 = arith.constant dense<0xFF800000> : vector<1xf32>
    %reduce_max3A_66 = vector.multi_reduction <maximumf>, %reduce_max3A, %reduce_max3A_65 [1, 2] : vector<1x2048x1xf32> to vector<1xf32>
    %reduce_max3A_67 = vector.shape_cast %reduce_max3A_66 : vector<1xf32> to vector<1x1x1xf32>
    %reduce_max3A_68 = vector.extract %reduce_max3A_67[0, 0, 0] : f32 from vector<1x1x1xf32>
    %broadcast_in_dim3A_69 = vector.broadcast %reduce_max3A_68 : f32 to vector<1x1xf32>
    %max3A_70 = arith.maximumf %get3A_64, %broadcast_in_dim3A_69 : vector<1x1xf32>
    %swap3A_71 = arith.constant 0 : index
    %swap3A_72 = arith.constant 0 : index
    %swap3A_73 = vector.load %arg9[%swap3A_71, %swap3A_72] : memref<1x1xf32, #tpu.memory_space<vmem>>, vector<1x1xf32>
    tpu.vector_store %arg9[%swap3A_71, %swap3A_72], %max3A_70 {strides = array<i32>} : memref<1x1xf32, #tpu.memory_space<vmem>>, vector<1x1xf32>,
    return
  }
  func.func @transform_0(%arg0: i32) -> (i32, i32, i32) {
    %c0_i32 = arith.constant 0 : i32
    %c0_i32_0 = arith.constant 0 : i32
    %c0_i32_1 = arith.constant 0 : i32
    return %c0_i32, %arg0, %c0_i32_0 : i32, i32, i32
  }
  func.func @transform_1(%arg0: i32) -> (i32, i32, i32, i32) {
    %c0_i32 = arith.constant 0 : i32
    %c0_i32_0 = arith.constant 0 : i32
    %c0_i32_1 = arith.constant 0 : i32
    %c0_i32_2 = arith.constant 0 : i32
    return %c0_i32, %c0_i32_0, %arg0, %c0_i32_1 : i32, i32, i32, i32
  }
  func.func @transform_2(%arg0: i32) -> (i32, i32) {
    %c0_i32 = arith.constant 0 : i32
    %c0_i32_0 = arith.constant 0 : i32
    %c0_i32_1 = arith.constant 0 : i32
    return %c0_i32, %c0_i32_0 : i32, i32
  }
  func.func @transform_3(%arg0: i32) -> (i32, i32) {
    %c0_i32 = arith.constant 0 : i32
    %c0_i32_0 = arith.constant 0 : i32
    %c0_i32_1 = arith.constant 0 : i32
    return %c0_i32, %c0_i32_0 : i32, i32
  }
  func.func @transform_4(%arg0: i32) -> (i32, i32) {
    %c0_i32 = arith.constant 0 : i32
    %c0_i32_0 = arith.constant 0 : i32
    %c0_i32_1 = arith.constant 0 : i32
    return %c0_i32, %c0_i32_0 : i32, i32
  }
  func.func @transform_5(%arg0: i32) -> (i32, i32) {
    %c0_i32 = arith.constant 0 : i32
    %c0_i32_0 = arith.constant 0 : i32
    %c0_i32_1 = arith.constant 0 : i32
    return %c0_i32, %c0_i32_0 : i32, i32
  }
  func.func @transform_6(%arg0: i32) -> (i32, i32) {
    %c0_i32 = arith.constant 0 : i32
    %c0_i32_0 = arith.constant 0 : i32
    return %arg0, %c0_i32 : i32, i32
  }
  func.func @transform_7(%arg0: i32) -> (i32, i32) {
    %c0_i32 = arith.constant 0 : i32
    %c0_i32_0 = arith.constant 0 : i32
    return %arg0, %c0_i32 : i32, i32
  }
  func.func @transform_8(%arg0: i32) -> (i32, i32) {
    %c0_i32 = arith.constant 0 : i32
    %c0_i32_0 = arith.constant 0 : i32
    %c0_i32_1 = arith.constant 0 : i32
    return %c0_i32, %c0_i32_0 : i32, i32
  }
}

module attributes {stable_mosaic.version = 14 : i64} {
  func.func @_tc_c(%arg0: i32, %arg1: memref<2048x128xf32, #tpu.memory_space<vmem>>, %arg2: memref<2048x8xf32, #tpu.memory_space<vmem>>, %arg3: memref<1x1xf32, #tpu.memory_space<vmem>>, %arg4: memref<2048x128xf32, #tpu.memory_space<vmem>>, %arg5: memref<2048x8xf32, #tpu.memory_space<vmem>>) attributes {dimension_semantics = [#tpu.dimension_semantics<arbitrary>], iteration_bounds = array<i64: 5>, scalar_prefetch = 0 : i64, scratch_operands = 0 : i64, tpu.core_type = #tpu.core_type<tc>, window_params = [{transform_indices = @transform_0, window_bounds = array<i64: 2048, 128>}, {transform_indices = @transform_1, window_bounds = array<i64: 2048, 8>}, {pipeline_mode = #tpu.pipeline_mode<synchronous>, transform_indices = @transform_2, window_bounds = array<i64: 1, 1>}, {transform_indices = @transform_3, window_bounds = array<i64: 2048, 128>}, {transform_indices = @transform_4, window_bounds = array<i64: 2048, 8>}]} {
    %get3A = arith.constant 0 : index
    %get3A_0 = arith.constant 0 : index
    %get3A_1 = vector.load %arg2[%get3A, %get3A_0] : memref<2048x8xf32, #tpu.memory_space<vmem>>, vector<2048x1xf32>
    %get3A_2 = arith.constant 0 : index
    %get3A_3 = arith.constant 0 : index
    %get3A_4 = vector.load %arg3[%get3A_2, %get3A_3] : memref<1x1xf32, #tpu.memory_space<vmem>>, vector<1x1xf32>
    %sub3A = vector.broadcast %get3A_4 : vector<1x1xf32> to vector<2048x1xf32>
    %sub3A_5 = arith.subf %get3A_1, %sub3A : vector<2048x1xf32>
    %exp3A = math.exp %sub3A_5 : vector<2048x1xf32>
    %get3A_6 = arith.constant 0 : index
    %get3A_7 = arith.constant 0 : index
    %get3A_8 = vector.load %arg1[%get3A_6, %get3A_7] : memref<2048x128xf32, #tpu.memory_space<vmem>>, vector<2048x128xf32>
    %mul3A = vector.broadcast %exp3A : vector<2048x1xf32> to vector<2048x128xf32>
    %mul3A_9 = arith.mulf %get3A_8, %mul3A : vector<2048x128xf32>
    %swap3A = arith.constant 0 : index
    %swap3A_10 = arith.constant 0 : index
    %swap3A_11 = vector.load %arg4[%swap3A, %swap3A_10] : memref<2048x128xf32, #tpu.memory_space<vmem>>, vector<2048x128xf32>
    tpu.vector_store %arg4[%swap3A, %swap3A_10], %mul3A_9 {strides = array<i32>} : memref<2048x128xf32, #tpu.memory_space<vmem>>, vector<2048x128xf32>,
    %broadcast_in_dim3A = vector.shape_cast %exp3A : vector<2048x1xf32> to vector<2048x1xf32>
    %broadcast_in_dim3A_12 = vector.broadcast %broadcast_in_dim3A : vector<2048x1xf32> to vector<2048x8xf32>
    %swap3A_13 = arith.constant 0 : index
    %swap3A_14 = arith.constant 0 : index
    %swap3A_15 = vector.load %arg5[%swap3A_13, %swap3A_14] : memref<2048x8xf32, #tpu.memory_space<vmem>>, vector<2048x8xf32>
    tpu.vector_store %arg5[%swap3A_13, %swap3A_14], %broadcast_in_dim3A_12 {strides = array<i32>} : memref<2048x8xf32, #tpu.memory_space<vmem>>, vector<2048x8xf32>,
    return
  }
  func.func @transform_0(%arg0: i32) -> (i32, i32) {
    %c0_i32 = arith.constant 0 : i32
    %c0_i32_0 = arith.constant 0 : i32
    return %arg0, %c0_i32 : i32, i32
  }
  func.func @transform_1(%arg0: i32) -> (i32, i32) {
    %c0_i32 = arith.constant 0 : i32
    %c0_i32_0 = arith.constant 0 : i32
    return %arg0, %c0_i32 : i32, i32
  }
  func.func @transform_2(%arg0: i32) -> (i32, i32) {
    %c0_i32 = arith.constant 0 : i32
    %c0_i32_0 = arith.constant 0 : i32
    %c0_i32_1 = arith.constant 0 : i32
    return %c0_i32, %c0_i32_0 : i32, i32
  }
  func.func @transform_3(%arg0: i32) -> (i32, i32) {
    %c0_i32 = arith.constant 0 : i32
    %c0_i32_0 = arith.constant 0 : i32
    return %arg0, %c0_i32 : i32, i32
  }
  func.func @transform_4(%arg0: i32) -> (i32, i32) {
    %c0_i32 = arith.constant 0 : i32
    %c0_i32_0 = arith.constant 0 : i32
    return %arg0, %c0_i32 : i32, i32
  }
}

module attributes {stable_mosaic.version = 14 : i64} {
  func.func @_tc_d(%arg0: i32, %arg1: memref<2x2048x128xf32, #tpu.memory_space<vmem>>, %arg2: memref<2x2048x8xf32, #tpu.memory_space<vmem>>, %arg3: memref<2x2x2048x8xf32, #tpu.memory_space<vmem>>, %arg4: memref<128x128xf32, #tpu.memory_space<vmem>>, %arg5: memref<2048x128xf32, #tpu.memory_space<vmem>>) attributes {dimension_semantics = [#tpu.dimension_semantics<arbitrary>], iteration_bounds = array<i64: 5>, scalar_prefetch = 0 : i64, scratch_operands = 0 : i64, tpu.core_type = #tpu.core_type<tc>, window_params = [{transform_indices = @transform_0, window_bounds = array<i64: 2, 2048, 128>}, {transform_indices = @transform_1, window_bounds = array<i64: 2, 2048, 8>}, {transform_indices = @transform_2, window_bounds = array<i64: 2, 2, 2048, 8>}, {pipeline_mode = #tpu.pipeline_mode<synchronous>, transform_indices = @transform_3, window_bounds = array<i64: 128, 128>}, {transform_indices = @transform_4, window_bounds = array<i64: 2048, 128>}]} {
    %get3A = arith.constant 0 : index
    %get3A_0 = arith.constant 0 : index
    %get3A_1 = arith.constant 0 : index
    %get3A_2 = vector.load %arg1[%get3A, %get3A_0, %get3A_1] : memref<2x2048x128xf32, #tpu.memory_space<vmem>>, vector<1x2048x128xf32>
    %get3A_3 = vector.shape_cast %get3A_2 : vector<1x2048x128xf32> to vector<2048x128xf32>
    %get3A_4 = arith.constant 1 : index
    %get3A_5 = arith.constant 0 : index
    %get3A_6 = arith.constant 0 : index
    %get3A_7 = vector.load %arg1[%get3A_4, %get3A_5, %get3A_6] : memref<2x2048x128xf32, #tpu.memory_space<vmem>>, vector<1x2048x128xf32>
    %get3A_8 = vector.shape_cast %get3A_7 : vector<1x2048x128xf32> to vector<2048x128xf32>
    %add3A = arith.addf %get3A_3, %get3A_8 : vector<2048x128xf32>
    %get3A_9 = arith.constant 0 : index
    %get3A_10 = arith.constant 0 : index
    %get3A_11 = arith.constant 0 : index
    %get3A_12 = vector.load %arg2[%get3A_9, %get3A_10, %get3A_11] : memref<2x2048x8xf32, #tpu.memory_space<vmem>>, vector<1x2048x8xf32>
    %get3A_13 = vector.shape_cast %get3A_12 : vector<1x2048x8xf32> to vector<2048x8xf32>
    %get3A_14 = arith.constant 1 : index
    %get3A_15 = arith.constant 0 : index
    %get3A_16 = arith.constant 0 : index
    %get3A_17 = vector.load %arg2[%get3A_14, %get3A_15, %get3A_16] : memref<2x2048x8xf32, #tpu.memory_space<vmem>>, vector<1x2048x8xf32>
    %get3A_18 = vector.shape_cast %get3A_17 : vector<1x2048x8xf32> to vector<2048x8xf32>
    %add3A_19 = arith.addf %get3A_13, %get3A_18 : vector<2048x8xf32>
    %slice3A = vector.extract_strided_slice %add3A_19 {offsets = [0, 0], sizes = [2048, 1], strides = [1, 1]} : vector<2048x8xf32> to vector<2048x1xf32>
    %max3A = arith.constant 1.000000e-16 : f32
    %max3A_20 = vector.broadcast %max3A : f32 to vector<2048x1xf32>
    %max3A_21 = arith.maximumf %slice3A, %max3A_20 : vector<2048x1xf32>
    %div3A = vector.broadcast %max3A_21 : vector<2048x1xf32> to vector<2048x128xf32>
    %div3A_22 = arith.divf %add3A, %div3A : vector<2048x128xf32>
    %max3A_23 = arith.constant 0.000000e+00 : f32
    %max3A_24 = vector.broadcast %max3A_23 : f32 to vector<2048x128xf32>
    %max3A_25 = arith.maximumf %div3A_22, %max3A_24 : vector<2048x128xf32>
    %get3A_26 = arith.constant 0 : index
    %get3A_27 = arith.constant 0 : index
    %get3A_28 = arith.constant 0 : index
    %get3A_29 = arith.constant 0 : index
    %get3A_30 = vector.load %arg3[%get3A_26, %get3A_27, %get3A_28, %get3A_29] : memref<2x2x2048x8xf32, #tpu.memory_space<vmem>>, vector<1x1x2048x8xf32>
    %get3A_31 = vector.shape_cast %get3A_30 : vector<1x1x2048x8xf32> to vector<2048x8xf32>
    %get3A_32 = arith.constant 0 : index
    %get3A_33 = arith.constant 1 : index
    %get3A_34 = arith.constant 0 : index
    %get3A_35 = arith.constant 0 : index
    %get3A_36 = vector.load %arg3[%get3A_32, %get3A_33, %get3A_34, %get3A_35] : memref<2x2x2048x8xf32, #tpu.memory_space<vmem>>, vector<1x1x2048x8xf32>
    %get3A_37 = vector.shape_cast %get3A_36 : vector<1x1x2048x8xf32> to vector<2048x8xf32>
    %add3A_38 = arith.addf %get3A_31, %get3A_37 : vector<2048x8xf32>
    %slice3A_39 = vector.extract_strided_slice %add3A_38 {offsets = [0, 0], sizes = [2048, 1], strides = [1, 1]} : vector<2048x8xf32> to vector<2048x1xf32>
    %max3A_40 = arith.constant 1.000000e+00 : f32
    %max3A_41 = vector.broadcast %max3A_40 : f32 to vector<2048x1xf32>
    %max3A_42 = arith.maximumf %slice3A_39, %max3A_41 : vector<2048x1xf32>
    %rsqrt3A = math.rsqrt %max3A_42 : vector<2048x1xf32>
    %get3A_43 = arith.constant 0 : index
    %get3A_44 = arith.constant 0 : index
    %get3A_45 = vector.load %arg4[%get3A_43, %get3A_44] : memref<128x128xf32, #tpu.memory_space<vmem>>, vector<128x128xf32>
    %dot_general3A = arith.constant dense<0.000000e+00> : vector<2048x128xf32>
    %dot_general3A_46 = tpu.matmul %max3A_25, %get3A_45, %dot_general3A {dimension_numbers = #tpu.dot_dimension_numbers<[1], [0], [0], [1], [0, 0, 1, 1], [], []>, transpose_lhs_hint = false} : vector<2048x128xf32>, vector<128x128xf32>, vector<2048x128xf32> -> vector<2048x128xf32>
    %mul3A = vector.broadcast %rsqrt3A : vector<2048x1xf32> to vector<2048x128xf32>
    %mul3A_47 = arith.mulf %dot_general3A_46, %mul3A : vector<2048x128xf32>
    %swap3A = arith.constant 0 : index
    %swap3A_48 = arith.constant 0 : index
    %swap3A_49 = vector.load %arg5[%swap3A, %swap3A_48] : memref<2048x128xf32, #tpu.memory_space<vmem>>, vector<2048x128xf32>
    tpu.vector_store %arg5[%swap3A, %swap3A_48], %mul3A_47 {strides = array<i32>} : memref<2048x128xf32, #tpu.memory_space<vmem>>, vector<2048x128xf32>,
    return
  }
  func.func @transform_0(%arg0: i32) -> (i32, i32, i32) {
    %c0_i32 = arith.constant 0 : i32
    %c0_i32_0 = arith.constant 0 : i32
    %c0_i32_1 = arith.constant 0 : i32
    return %c0_i32, %arg0, %c0_i32_0 : i32, i32, i32
  }
  func.func @transform_1(%arg0: i32) -> (i32, i32, i32) {
    %c0_i32 = arith.constant 0 : i32
    %c0_i32_0 = arith.constant 0 : i32
    %c0_i32_1 = arith.constant 0 : i32
    return %c0_i32, %arg0, %c0_i32_0 : i32, i32, i32
  }
  func.func @transform_2(%arg0: i32) -> (i32, i32, i32, i32) {
    %c0_i32 = arith.constant 0 : i32
    %c0_i32_0 = arith.constant 0 : i32
    %c0_i32_1 = arith.constant 0 : i32
    %c0_i32_2 = arith.constant 0 : i32
    return %c0_i32, %c0_i32_0, %arg0, %c0_i32_1 : i32, i32, i32, i32
  }
  func.func @transform_3(%arg0: i32) -> (i32, i32) {
    %c0_i32 = arith.constant 0 : i32
    %c0_i32_0 = arith.constant 0 : i32
    %c0_i32_1 = arith.constant 0 : i32
    return %c0_i32, %c0_i32_0 : i32, i32
  }
  func.func @transform_4(%arg0: i32) -> (i32, i32) {
    %c0_i32 = arith.constant 0 : i32
    %c0_i32_0 = arith.constant 0 : i32
    return %arg0, %c0_i32 : i32, i32
  }
}

module attributes {stable_mosaic.version = 14 : i64} {
  func.func @_tc_e(%arg0: i32, %arg1: memref<2x2048x128xf32, #tpu.memory_space<vmem>>, %arg2: memref<2x2x2048x8xf32, #tpu.memory_space<vmem>>, %arg3: memref<1x128xf32, #tpu.memory_space<vmem>>, %arg4: memref<2048x128xf32, #tpu.memory_space<vmem>>) attributes {dimension_semantics = [#tpu.dimension_semantics<arbitrary>], iteration_bounds = array<i64: 5>, scalar_prefetch = 0 : i64, scratch_operands = 0 : i64, tpu.core_type = #tpu.core_type<tc>, window_params = [{transform_indices = @transform_0, window_bounds = array<i64: 2, 2048, 128>}, {transform_indices = @transform_1, window_bounds = array<i64: 2, 2, 2048, 8>}, {pipeline_mode = #tpu.pipeline_mode<synchronous>, transform_indices = @transform_2, window_bounds = array<i64: 1, 128>}, {transform_indices = @transform_3, window_bounds = array<i64: 2048, 128>}]} {
    %get3A = arith.constant 1 : index
    %get3A_0 = arith.constant 0 : index
    %get3A_1 = arith.constant 0 : index
    %get3A_2 = arith.constant 0 : index
    %get3A_3 = vector.load %arg2[%get3A, %get3A_0, %get3A_1, %get3A_2] : memref<2x2x2048x8xf32, #tpu.memory_space<vmem>>, vector<1x1x2048x8xf32>
    %get3A_4 = vector.shape_cast %get3A_3 : vector<1x1x2048x8xf32> to vector<2048x8xf32>
    %get3A_5 = arith.constant 1 : index
    %get3A_6 = arith.constant 1 : index
    %get3A_7 = arith.constant 0 : index
    %get3A_8 = arith.constant 0 : index
    %get3A_9 = vector.load %arg2[%get3A_5, %get3A_6, %get3A_7, %get3A_8] : memref<2x2x2048x8xf32, #tpu.memory_space<vmem>>, vector<1x1x2048x8xf32>
    %get3A_10 = vector.shape_cast %get3A_9 : vector<1x1x2048x8xf32> to vector<2048x8xf32>
    %add3A = arith.addf %get3A_4, %get3A_10 : vector<2048x8xf32>
    %slice3A = vector.extract_strided_slice %add3A {offsets = [0, 0], sizes = [2048, 1], strides = [1, 1]} : vector<2048x8xf32> to vector<2048x1xf32>
    %max3A = arith.constant 1.000000e+00 : f32
    %max3A_11 = vector.broadcast %max3A : f32 to vector<2048x1xf32>
    %max3A_12 = arith.maximumf %slice3A, %max3A_11 : vector<2048x1xf32>
    %rsqrt3A = math.rsqrt %max3A_12 : vector<2048x1xf32>
    %get3A_13 = arith.constant 0 : index
    %get3A_14 = arith.constant 0 : index
    %get3A_15 = arith.constant 0 : index
    %get3A_16 = vector.load %arg1[%get3A_13, %get3A_14, %get3A_15] : memref<2x2048x128xf32, #tpu.memory_space<vmem>>, vector<1x2048x128xf32>
    %get3A_17 = vector.shape_cast %get3A_16 : vector<1x2048x128xf32> to vector<2048x128xf32>
    %get3A_18 = arith.constant 1 : index
    %get3A_19 = arith.constant 0 : index
    %get3A_20 = arith.constant 0 : index
    %get3A_21 = vector.load %arg1[%get3A_18, %get3A_19, %get3A_20] : memref<2x2048x128xf32, #tpu.memory_space<vmem>>, vector<1x2048x128xf32>
    %get3A_22 = vector.shape_cast %get3A_21 : vector<1x2048x128xf32> to vector<2048x128xf32>
    %add3A_23 = arith.addf %get3A_17, %get3A_22 : vector<2048x128xf32>
    %mul3A = vector.broadcast %rsqrt3A : vector<2048x1xf32> to vector<2048x128xf32>
    %mul3A_24 = arith.mulf %add3A_23, %mul3A : vector<2048x128xf32>
    %get3A_25 = arith.constant 0 : index
    %get3A_26 = arith.constant 0 : index
    %get3A_27 = vector.load %arg3[%get3A_25, %get3A_26] : memref<1x128xf32, #tpu.memory_space<vmem>>, vector<1x128xf32>
    %add3A_28 = vector.broadcast %get3A_27 : vector<1x128xf32> to vector<2048x128xf32>
    %add3A_29 = arith.addf %mul3A_24, %add3A_28 : vector<2048x128xf32>
    %max3A_30 = arith.constant 0.000000e+00 : f32
    %max3A_31 = vector.broadcast %max3A_30 : f32 to vector<2048x128xf32>
    %max3A_32 = arith.maximumf %add3A_29, %max3A_31 : vector<2048x128xf32>
    %swap3A = arith.constant 0 : index
    %swap3A_33 = arith.constant 0 : index
    %swap3A_34 = vector.load %arg4[%swap3A, %swap3A_33] : memref<2048x128xf32, #tpu.memory_space<vmem>>, vector<2048x128xf32>
    tpu.vector_store %arg4[%swap3A, %swap3A_33], %max3A_32 {strides = array<i32>} : memref<2048x128xf32, #tpu.memory_space<vmem>>, vector<2048x128xf32>,
    return
  }
  func.func @transform_0(%arg0: i32) -> (i32, i32, i32) {
    %c0_i32 = arith.constant 0 : i32
    %c0_i32_0 = arith.constant 0 : i32
    %c0_i32_1 = arith.constant 0 : i32
    return %c0_i32, %arg0, %c0_i32_0 : i32, i32, i32
  }
  func.func @transform_1(%arg0: i32) -> (i32, i32, i32, i32) {
    %c0_i32 = arith.constant 0 : i32
    %c0_i32_0 = arith.constant 0 : i32
    %c0_i32_1 = arith.constant 0 : i32
    %c0_i32_2 = arith.constant 0 : i32
    return %c0_i32, %c0_i32_0, %arg0, %c0_i32_1 : i32, i32, i32, i32
  }
  func.func @transform_2(%arg0: i32) -> (i32, i32) {
    %c0_i32 = arith.constant 0 : i32
    %c0_i32_0 = arith.constant 0 : i32
    %c0_i32_1 = arith.constant 0 : i32
    return %c0_i32, %c0_i32_0 : i32, i32
  }
  func.func @transform_3(%arg0: i32) -> (i32, i32) {
    %c0_i32 = arith.constant 0 : i32
    %c0_i32_0 = arith.constant 0 : i32
    return %arg0, %c0_i32 : i32, i32
  }
}

</mosaic_0001>

<sc_bundles>
// kernel: kernel.12.cloned.1.call-start
scs
__scs_entry_jumppad:
0x0: {  	(pc) =	sbr.rel $0x88, $3  }
0x1: {  	(tag) =	ssettag $0x0;
	lr =	simm.s32 $0x1  }
0x2: {  	[smem:$0x3F98] =	sst lr;
	_ =	strace $0xD0000000  }
0x3: {  	_ = 	snop  }
0x4: {  	_ = 	snop  }
0x5: {  	_ = 	snop  }
0x6: {  	_ = 	snop  }
0x7: {  	_ = 	snop  }
__scs_overlays_trampoline_lowered:
0x8: {  	[smem:$0x3FA7] =	sst s0  }
0x9: {  	[smem:$0x3FA8] =	sst s1  }
0xa: {  	[smem:$0x3FA9] =	sst s2  }
0xb: {  	[smem:$0x3FAA] =	sst s3  }
0xc: {  	[smem:$0x3FAB] =	sst s4  }
0xd: {  	[smem:$0x3FAC] =	sst s5  }
0xe: {  	[smem:$0x3FAD] =	sst s6  }
0xf: {  	[smem:$0x3FAE] =	sst s7  }
0x10: {  	[smem:$0x3FAF] =	sst s8  }
0x11: {  	[smem:$0x3FB0] =	sst s9;
	s0 =	simm.s32 @!p0 $0x0  }
0x12: {  	s1 =	sld [smem:$0x3F96];
	s0 =	simm.s32 @p0 $0x1  }
0x13: {  	[smem:$0x3FB1] =	sst s0;
	s0 =	simm.s32 @!p1 $0x0  }
0x14: {  	s2 =	sld [smem:$0x3F95];
	s0 =	simm.s32 @p1 $0x1  }
0x15: {  	[smem:$0x3FB2] =	sst s0;
	s0 =	simm.s32 @!p2 $0x0  }
0x16: {  	s3 =	sld [smem:$0x3FDB];
	s0 =	simm.s32 @p2 $0x1  }
0x17: {  	s4 =	simm.s32 $0x1BF5;
	[smem:$0x3FB4] =	sst s0  }
0x18: {  	s0 =	sld [smem:$0x3F97];
	_ =	swait.ge [sflag:s4], $0x0  }
0x19: {  	s7 =	sld [smem:$0x3F98]  }
0x1a: {  	s8 =	sadd.s32 $0xFFFFE003, lr  }
0x1b: {  	s9 =	sadd.s32 $0xFFFFFEF7, lr;
	s5 =	simm.s32 $0xFFFFFFFF;
	p2 =	slt.u32 s8, $0xFFFFF086  }
0x1c: {  	p1 =	slt.u32 s9, $0xF7A;
	s5 =	simm.s32 @!p2 $0x0  }
0x1d: {  	s5 =	simm.s32 @p1 $0x1;
	p0 =	seq.s32 s7, s2  }
0x1e: {  	s7 =	smul.u32 @!p0 $0xF7A, s2;
	p2 =	seq.s32 @!p0 s5, $0x0  }
0x1f: {  	s9 =	smul.u32 $0xF7A, s1;
	s8 =	simm.s32 @!p0 $0x1BF5;
	p2 =	por !p2, p0  }
0x20: {  	[sflag:s8] =	ssyncset.s32 @!p0 $0xFFFFF086;
	s6 =	sadd.s32 @!p0 s3, s7;
	s7 =	simm.s32 @!p0 $0x108  }
0x21: {  	s3 =	sadd.s32 s3, s9;
	s6 =	sadd.s32 @!p0 $0x88, s6;
	s7 =	simm.s32 @p2 $0x1082  }
0x22: {  	[simem:s7], [sflag:s8] =	dma.local @!p0 [hbm:s6], $0xF7A  }
0x23: {  	s9 =	sor.u32 $0xD0000000, s2;
	s6 =	simm.s32 $0x108;
	_ =	swait.ge @!p0 [sflag:s8], $0x0  }
0x24: {  	s3 =	sadd.s32 $0x88, s3;
	s6 =	simm.s32 @!p1 $0x1082;
	[sflag:s4] =	ssyncset.s32 $0xFFFFF086  }
0x25: {  	[simem:s6], [sflag:s4] =	dma.local [hbm:s3], $0xF7A  }
0x26: {  	[smem:$0x3F98] =	sst s1;
	(tag) =	ssettag s2;
	_ =	strace s9  }
0x27: {  	s1 =	sld [smem:$0x3FA8]  }
0x28: {  	s2 =	sld [smem:$0x3FA9]  }
0x29: {  	s4 =	sld [smem:$0x3FAB]  }
0x2a: {  	p0 =	seq.s32 s5, $0x0;
	s5 =	sld [smem:$0x3FAC]  }
0x2b: {  	s6 =	sld [smem:$0x3FAD]  }
0x2c: {  	s7 =	sld [smem:$0x3FAE]  }
0x2d: {  	s3 =	simm.s32 $0x108;
	s8 =	sld [smem:$0x3FAF]  }
0x2e: {  	s3 =	simm.s32 @!p0 $0x1082;
	s9 =	sld [smem:$0x3FB0]  }
0x2f: {  	lr =	sadd.s32 s0, s3;
	s0 =	sld [smem:$0x3FA7]  }
0x30: {  	s3 =	sld [smem:$0x3FAA]  }
0x31: {  	[smem:$0x3FB3] =	sst s10  }
0x32: {  	s10 =	sld [smem:$0x3FB1];
	_ =	sdelay $0x3  }
0x33: {  	p0 =	seq.s32 s10, $0x1;
	s10 =	sld [smem:$0x3FB3];
	_ =	sdelay $0x3  }
0x34: {  	[smem:$0x3FB3] =	sst s10  }
0x35: {  	s10 =	sld [smem:$0x3FB2];
	_ =	sdelay $0x3  }
0x36: {  	p1 =	seq.s32 s10, $0x1;
	s10 =	sld [smem:$0x3FB3];
	_ =	sdelay $0x3  }
0x37: {  	[smem:$0x3FB3] =	sst s10  }
0x38: {  	s10 =	sld [smem:$0x3FB4]  }
0x39: {  	_ = 	snop;
	(pc) =	sbr.ind lr, $3  }
0x3a: {  	_ = 	snop  }
0x3b: {  	_ = 	snop  }
0x3c: {  	p2 =	seq.s32 s10, $0x1;
	s10 =	sld [smem:$0x3FB3]  }
0x3d: {  	_ =	shalt  }
0x3e: {  	_ =	shalt  }
0x3f: {  	_ =	shalt  }
0x40: {  	_ =	shalt  }
0x41: {  	_ =	shalt  }
0x42: {  	_ =	shalt  }
0x43: {  	_ =	shalt  }
0x44: {  	_ =	shalt  }
0x45: {  	_ =	shalt  }
0x46: {  	_ =	shalt  }
0x47: {  	_ =	shalt  }
0x48: {  	_ =	shalt  }
0x49: {  	_ =	shalt  }
0x4a: {  	_ =	shalt  }
0x4b: {  	_ =	shalt  }
0x4c: {  	_ =	shalt  }
0x4d: {  	_ =	shalt  }
0x4e: {  	_ =	shalt  }
0x4f: {  	_ =	shalt  }
0x50: {  	_ =	shalt  }
0x51: {  	_ =	shalt  }
0x52: {  	_ =	shalt  }
0x53: {  	_ =	shalt  }
0x54: {  	_ =	shalt  }
0x55: {  	_ =	shalt  }
0x56: {  	_ =	shalt  }
0x57: {  	_ =	shalt  }
0x58: {  	_ =	shalt  }
0x59: {  	_ =	shalt  }
0x5a: {  	_ =	shalt  }
0x5b: {  	_ =	shalt  }
0x5c: {  	_ =	shalt  }
0x5d: {  	_ =	shalt  }
0x5e: {  	_ =	shalt  }
0x5f: {  	_ =	shalt  }
0x60: {  	_ =	shalt  }
0x61: {  	_ =	shalt  }
0x62: {  	_ =	shalt  }
0x63: {  	_ =	shalt  }
0x64: {  	_ =	shalt  }
0x65: {  	_ =	shalt  }
0x66: {  	_ =	shalt  }
0x67: {  	_ =	shalt  }
0x68: {  	_ =	shalt  }
0x69: {  	_ =	shalt  }
0x6a: {  	_ =	shalt  }
0x6b: {  	_ =	shalt  }
0x6c: {  	_ =	shalt  }
0x6d: {  	_ =	shalt  }
0x6e: {  	_ =	shalt  }
0x6f: {  	_ =	shalt  }
0x70: {  	_ =	shalt  }
0x71: {  	_ =	shalt  }
0x72: {  	_ =	shalt  }
0x73: {  	_ =	shalt  }
0x74: {  	_ =	shalt  }
0x75: {  	_ =	shalt  }
0x76: {  	_ =	shalt  }
0x77: {  	_ =	shalt  }
0x78: {  	_ =	shalt  }
0x79: {  	_ =	shalt  }
0x7a: {  	_ =	shalt  }
0x7b: {  	_ =	shalt  }
0x7c: {  	_ =	shalt  }
0x7d: {  	_ =	shalt  }
0x7e: {  	_ =	shalt  }
0x7f: {  	_ =	shalt  }
0x80: {  	_ =	shalt  }
0x81: {  	_ =	shalt  }
0x82: {  	_ =	shalt  }
0x83: {  	_ =	shalt  }
0x84: {  	_ =	shalt  }
0x85: {  	_ =	shalt  }
0x86: {  	_ =	shalt  }
0x87: {  	_ =	shalt  }
.Lfunc_end0:
.L_simem_size_0:
called_computation_lowered:
.L_overlay_start_0:
0x88: {  	s2 =	sld [smem:$0x3FD9]  }
0x89: {  	s3 =	sld [smem:$0x3FFE];
	_ =	sdelay $0x1  }
0x8a: {  	s1 =	srdreg.scid  }
0x8b: {  	s0 =	sand.u32 $0x1, s1  }
0x8c: {  	s17 =	sshll.u32 s0, $0xA;
	s2 =	sadd.s32 s3, s2  }
0x8d: {  	s2 =	sadd.s32 s2, s17  }
0x8e: {  	[smem:$0x3FBF] =	sst s2  }
0x8f: {  	_ = 	snop  }
0x90: {  	s2 =	sld [smem:$0x3FD0];
	(tm) =	ssettm $0x1  }
0x91: {  	s18 =	sld [smem:$0x3FFB];
	_ =	sdelay $0x3  }
0x92: {  	_ =	strace s18  }
0x93: {  	s3 =	sld [smem:$0x3FFC];
	_ =	sdelay $0x3  }
0x94: {  	_ =	strace s3  }
0x95: {  	s3 =	sld [smem:$0x3FFD];
	_ =	sdelay $0x3  }
0x96: {  	_ =	strace s3  }
0x97: {  	_ =	strace $0x8FFFFFFF  }
0x98: {  	s19 =	sld [smem:$0x3FDB];
	_ =	sdelay $0x1  }
0x99: {  	s4 =	simm.s32 $_scs_section_size  }
0x9a: {  	s5 =	simm.s32 $_size__tile_overlayer_lowered;
	s6 =	simm.s32 $_tile_overlayer_lowered  }
0x9b: {  	s22 =	simm.s32 $0x1BFF;
	s21 =	sshll.u32 s6, $0x1;
	s3 =	sadd.s32 s4, s19  }
0x9c: {  	s7 =	simm.s32 $0x0;
	s20 =	sshll.u32 s5, $0x1;
	s5 =	sadd.s32 s21, s3  }
0x9d: {  	[timem:s7], [sflag:s22] =	dma.local [hbm:s5], s20  }
0x9e: {  	_ =	swait.ge [sflag:s22], s20  }
0x9f: {  	s4 =	ssub.s32 $0x0, s20;
	[sflag:s22] =	ssyncset.done $0x0  }
0xa0: {  	[sflag:s22] =	ssyncadd.s32 s4;
	_ =	sdelay $0x1  }
0xa1: {  	s23 =	simm.s32 $0x1B8B  }
0xa2: {  	_ =	swait.ge [sflag:s23], $0x1  }
0xa3: {  	[sflag:s23] =	ssyncset.done $0x0  }
0xa4: {  	s25 =	simm.s32 $0x1B8E;
	s24 =	sld [smem:$0x3FFE];
	[sflag:s23] =	ssyncadd.s32 $0xFFFFFFFF  }
0xa5: {  	s26 =	simm.s32 $execute0_lowered;
	[smem:$0x3FD2] =	sst s25  }
0xa6: {  	s5 =	sshll.u32 s26, $0x1;
	_ =	strace $0x80000046;
	[dreg:$0x1] =	wrdreg $0xFFFFFFFF  }
0xa7: {  	s28 =	simm.s32 $_size_execute0_lowered;
	s3 =	sadd.s32 s3, s5;
	[dreg:$0x0] =	wrdreg $0x0  }
0xa8: {  	s5 =	sshll.u32 s28, $0x1;
	[dreg:$0x2] =	wrdreg s3  }
0xa9: {  	[dreg:$0x3] =	wrdreg s5  }
0xaa: {  	[dreg:$0x4] =	wrdreg $0xC0  }
0xab: {  	_ =	task [dreg:s7], $0x5FFFF  }
0xac: {  	[dreg:$0x1] =	wrdreg $0xFFFFFFFF  }
0xad: {  	[dreg:$0x0] =	wrdreg $0x60  }
0xae: {  	[dreg:$0x2] =	wrdreg s24  }
0xaf: {  	[dreg:$0x3] =	wrdreg s2  }
0xb0: {  	[dreg:$0x4] =	wrdreg $0x14800  }
0xb1: {  	[dreg:$0x5] =	wrdreg $0x17000  }
0xb2: {  	[dreg:$0x6] =	wrdreg $0x9  }
0xb3: {  	_ =	task.clear_ibuf [dreg:s7], $0x7FFFF;
	_ =	strace $0x90000046  }
0xb4: {  	s29 =	simm.s32 $0x9;
	_ =	strace $0x80000048  }
0xb5: {  	_ =	swait.ge [sflag:s29], $0x1  }
0xb6: {  	[sflag:s29] =	ssyncadd.s32 $0xFFFFFFFF  }
0xb7: {  	_ =	strace $0x90000048  }
0xb8: {  	_ =	sfence  }
0xb9: {  	s30 =	sld [smem:$0x0];
	_ =	sdelay $0x2  }
0xba: {  	s31 =	sshll.u32 s1, $0xD;
	s1 =	sshrl.u32 s1, $0x2  }
0xbb: {  	s3 =	sand.u32 $0x4000, s31;
	s1 =	sadd.s32 s1, s30  }
0xbc: {  	s0 =	sor.u32 s3, s0;
	s1 =	sshll.u32 s1, $0x11  }
0xbd: {  	s0 =	sor.u32 s1, s0  }
0xbe: {  	s0 =	sadd.s32 $0x8F2B, s0  }
0xbf: {  	[sflag:s0] =	ssyncadd.remote.s32 $0x1  }
0xc0: {  	_ =	sfence.sel $0xFFFF  }
0xc1: {  	[dreg:$0x0] =	wrdreg $0xFFFFFFFF;
	(pc) =	sbr.abs _section_cstart, $3  }
0xc2: {  	[dreg:$0x1] =	wrdreg $0xFFFFFFFF  }
0xc3: {  	_ =	task.clear_ibuf [dreg:s7], $0x2FFFF;
	_ =	strace $0x9FFFFFFF  }
0xc4: {  	(tm) =	ssettm $0x7FFFFFFF  }
0xc5: {  	_ =	shalt  }
tec
execute0_lowered:
.L_overlay_start_1:
0x0: {  	(tag) =	ssettag $0x1  }
0x1: {  	s0 =	rddreg [dreg:$0x0]  }
0x2: {  	s2 =	rddreg [dreg:$0x1]  }
0x3: {  	s1 =	rddreg [dreg:$0x2]  }
0x4: {  	s3 =	rddreg [dreg:$0x3]  }
0x5: {  	s4 =	simm.s32 $0x0;
	s5 =	srdreg.scid;
	s11 =	stileid.u32  }
0x6: {  	s16 =	simm.s32 $0x2;
	s15 =	simm.s32 $0xC00;
	s17 =	simm.s32 $0xC80  }
0x7: {  	s28 =	simm.s32 $0x1080;
	s29 =	simm.s32 $0x1100;
	s30 =	simm.s32 $0x1180  }
0x8: {  	s31 =	simm.s32 $0x1200;
	[smem:$0x7FF] =	sst s4;
	s5 =	sand.u32 $0x1, s5  }
0x9: {  	s6 =	smul.u32 $0x280, s11;
	s8 =	sadd.s32 $0x3600, s0;
	s9 =	sadd.s32 $0xD800, s0  }
0xa: {  	s18 =	sadd.s32 $0xD600, s0;
	_ =	strace $0x80000047;
	[dreg:$0x5] =	wrdreg s9  }
0xb: {  	s20 =	sshll.u32 s11, $0x6;
	s7 =	smul.u32 $0x5000, s5;
	[dreg:$0x6] =	wrdreg s18  }
0xc: {  	s19 =	sshll.u32 s5, $0x4;
	s5 =	ssub.s32 $0x2, s5;
	s18 =	simm.s32 $0x1400  }
0xd: {  	s9 =	sor.u32 s11, s19;
	s10 =	sshrl.u32 s5, $0x1;
	s21 =	sadd.s32 s6, s1  }
0xe: {  	s19 =	simm.s32 $0x80;
	s7 =	sadd.s32 s6, s7;
	s9 =	smul.u32 $0x2800, s9  }
0xf: {  	s5 =	ssub.s32 s5, s10;
	s6 =	sadd.s32 s6, s3;
	s11 =	sshrl.u32 s21, $0x3  }
0x10: {  	s21 =	simm.s32 $0xD80;
	s7 =	sshrl.u32 s7, $0x3;
	s26 =	smax.u32 s5, $0x1  }
0x11: {  	s13 =	sshrl.u32 s6, $0x3;
	s5 =	simm.s32 $0xB80;
	s6 =	simm.s32 $0x1380  }
0x12: {  	s0 =	sadd.s32 s7, s0;
	s7 =	sor.u32 $0x1C02, s20;
	s9 =	sshrl.u32 s9, $0x3  }
0x13: {  	[dreg:$0xd] =	wrdreg s26;
	s20 =	simm.s32 $0xD00;
	s22 =	sadd.s32 s8, s9  }
0x14: {  	s26 =	simm.s32 $0x1000;
	s24 =	sadd.s32 s2, s9;
	[dreg:$0x7] =	wrdreg s22  }
0x15: {  	s23 =	sadd.s32 $0x280, s9;
	s25 =	sadd.s32 $0xDA00, s0;
	[dreg:$0x9] =	wrdreg s24  }
0x16: {  	s0 =	sadd.s32 $0xDF00, s0;
	s9 =	simm.s32 $0x0;
	[dreg:$0xb] =	wrdreg s25  }
0x17: {  	s8 =	sadd.s32 s8, s23;
	s2 =	sadd.s32 s2, s23;
	[dreg:$0xc] =	wrdreg s0  }
0x18: {  	s22 =	simm.s32 $0xE00;
	s23 =	simm.s32 $0xE80;
	s24 =	simm.s32 $0xF00  }
0x19: {  	s25 =	simm.s32 $0xF80;
	s0 =	simm.s32 $0x1280;
	[dreg:$0x8] =	wrdreg s8  }
0x1a: {  	[dreg:$0xa] =	wrdreg s2;
	s2 =	simm.s32 $0x1300;
	s8 =	simm.s32 $0x1  }
.LBB2_1:
0x1b: {  	s10 =	rddreg [dreg:$0x5]  }
0x1c: {  	[spmem:s11], [sflag:s7] =	dma.local [hbm:s10], $0x50  }
0x1d: {  	_ =	swait.ge [sflag:s16], $0x50  }
0x1e: {  	[sflag:s16] =	ssyncset.done $0x0  }
0x1f: {  	[sflag:s16] =	ssyncadd.s32 $0xFFFFFFB0  }
0x20: {  	[spmem:s13], [sflag:s7] =	dma.local [hbm:s10], $0x50  }
0x21: {  	_ =	swait.ge [sflag:s16], $0x50  }
0x22: {  	[sflag:s16] =	ssyncset.done $0x0  }
0x23: {  	s12 =	smov.u32 s11;
	s11 =	rddreg [dreg:$0x6];
	[sflag:s16] =	ssyncadd.s32 $0xFFFFFFB0  }
0x24: {  	[tilespmem:s18], [sflag:$0x2] =	stream.linear.gather [hbm4b:s11+s4], $0x80, $0x38;
	[tilespmem:$0x1980] =	vst v63  }
0x25: {  	_ =	swait.ge [sflag:s16], $0x80  }
0x26: {  	[sflag:s16] =	ssyncset.done $0x0  }
0x27: {  	[sflag:s16] =	ssyncadd.s32 $0xFFFFFF80  }
0x28: {  	[bflag:$0x0] =	sbarrier.arrive $0xFFFF  }
0x29: {  	s14 =	smov.u32 s13;
	s13 =	rddreg [dreg:$0x7]  }
0x2a: {  	[tilespmem:s4], [sflag:$0x2] =	stream.linear.gather [hbm4b:s13+s4], $0x1400, $0x38;
	[tilespmem:$0x1980] =	vst v63  }
0x2b: {  	_ =	swait.ge [sflag:s16], $0x1400  }
0x2c: {  	[sflag:s16] =	ssyncset.done $0x0  }
0x2d: {  	[sflag:s16] =	ssyncadd.s32 $0xFFFFEC00  }
0x2e: {  	[spmem:s1] =	stream.indirect.scatter.add.f32 [tilespmem:s18], [sflag:$0x1], $0x1, s4, s19, $0xb8;
	[tilespmem:$0x1980] =	vst v63  }
0x2f: {  	_ = 	snop  }
0x30: {  	[spmem:s1] =	stream.indirect.scatter.add.f32 [tilespmem:s18], [sflag:$0x1], $0x1, s19, s19, $0xb8;
	[tilespmem:$0x1980] =	vst v63  }
0x31: {  	s11 =	simm.s32 $0x100  }
0x32: {  	[spmem:s1] =	stream.indirect.scatter.add.f32 [tilespmem:s18], [sflag:$0x1], $0x1, s11, s19, $0xb8;
	[tilespmem:$0x1980] =	vst v63  }
0x33: {  	s13 =	simm.s32 $0x180  }
0x34: {  	[spmem:s1] =	stream.indirect.scatter.add.f32 [tilespmem:s18], [sflag:$0x1], $0x1, s13, s19, $0xb8;
	[tilespmem:$0x1980] =	vst v63  }
0x35: {  	s10 =	simm.s32 $0x200  }
0x36: {  	[spmem:s1] =	stream.indirect.scatter.add.f32 [tilespmem:s18], [sflag:$0x1], $0x1, s10, s19, $0xb8;
	[tilespmem:$0x1980] =	vst v63  }
0x37: {  	s10 =	simm.s32 $0x280  }
0x38: {  	[spmem:s1] =	stream.indirect.scatter.add.f32 [tilespmem:s18], [sflag:$0x1], $0x1, s10, s19, $0xb8;
	[tilespmem:$0x1980] =	vst v63  }
0x39: {  	s10 =	simm.s32 $0x300  }
0x3a: {  	[spmem:s1] =	stream.indirect.scatter.add.f32 [tilespmem:s18], [sflag:$0x1], $0x1, s10, s19, $0xb8;
	[tilespmem:$0x1980] =	vst v63  }
0x3b: {  	s10 =	simm.s32 $0x380  }
0x3c: {  	[spmem:s1] =	stream.indirect.scatter.add.f32 [tilespmem:s18], [sflag:$0x1], $0x1, s10, s19, $0xb8;
	[tilespmem:$0x1980] =	vst v63  }
0x3d: {  	s10 =	simm.s32 $0x400  }
0x3e: {  	[spmem:s1] =	stream.indirect.scatter.add.f32 [tilespmem:s18], [sflag:$0x1], $0x1, s10, s19, $0xb8;
	[tilespmem:$0x1980] =	vst v63  }
0x3f: {  	s10 =	simm.s32 $0x480  }
0x40: {  	[spmem:s1] =	stream.indirect.scatter.add.f32 [tilespmem:s18], [sflag:$0x1], $0x1, s10, s19, $0xb8;
	[tilespmem:$0x1980] =	vst v63  }
0x41: {  	s10 =	simm.s32 $0x500  }
0x42: {  	[spmem:s1] =	stream.indirect.scatter.add.f32 [tilespmem:s18], [sflag:$0x1], $0x1, s10, s19, $0xb8;
	[tilespmem:$0x1980] =	vst v63  }
0x43: {  	s10 =	simm.s32 $0x580  }
0x44: {  	[spmem:s1] =	stream.indirect.scatter.add.f32 [tilespmem:s18], [sflag:$0x1], $0x1, s10, s19, $0xb8;
	[tilespmem:$0x1980] =	vst v63  }
0x45: {  	s10 =	simm.s32 $0x600  }
0x46: {  	[spmem:s1] =	stream.indirect.scatter.add.f32 [tilespmem:s18], [sflag:$0x1], $0x1, s10, s19, $0xb8;
	[tilespmem:$0x1980] =	vst v63  }
0x47: {  	s10 =	simm.s32 $0x680  }
0x48: {  	[spmem:s1] =	stream.indirect.scatter.add.f32 [tilespmem:s18], [sflag:$0x1], $0x1, s10, s19, $0xb8;
	[tilespmem:$0x1980] =	vst v63  }
0x49: {  	s10 =	simm.s32 $0x700  }
0x4a: {  	[spmem:s1] =	stream.indirect.scatter.add.f32 [tilespmem:s18], [sflag:$0x1], $0x1, s10, s19, $0xb8;
	[tilespmem:$0x1980] =	vst v63  }
0x4b: {  	s10 =	simm.s32 $0x780  }
0x4c: {  	[spmem:s1] =	stream.indirect.scatter.add.f32 [tilespmem:s18], [sflag:$0x1], $0x1, s10, s19, $0xb8;
	[tilespmem:$0x1980] =	vst v63  }
0x4d: {  	s10 =	simm.s32 $0x800  }
0x4e: {  	[spmem:s1] =	stream.indirect.scatter.add.f32 [tilespmem:s18], [sflag:$0x1], $0x1, s10, s19, $0xb8;
	[tilespmem:$0x1980] =	vst v63  }
0x4f: {  	s10 =	simm.s32 $0x880  }
0x50: {  	[spmem:s1] =	stream.indirect.scatter.add.f32 [tilespmem:s18], [sflag:$0x1], $0x1, s10, s19, $0xb8;
	[tilespmem:$0x1980] =	vst v63  }
0x51: {  	s10 =	simm.s32 $0x900  }
0x52: {  	[spmem:s1] =	stream.indirect.scatter.add.f32 [tilespmem:s18], [sflag:$0x1], $0x1, s10, s19, $0xb8;
	[tilespmem:$0x1980] =	vst v63  }
0x53: {  	s10 =	simm.s32 $0x980  }
0x54: {  	[spmem:s1] =	stream.indirect.scatter.add.f32 [tilespmem:s18], [sflag:$0x1], $0x1, s10, s19, $0xb8;
	[tilespmem:$0x1980] =	vst v63  }
0x55: {  	s10 =	simm.s32 $0xA00  }
0x56: {  	[spmem:s1] =	stream.indirect.scatter.add.f32 [tilespmem:s18], [sflag:$0x1], $0x1, s10, s19, $0xb8;
	[tilespmem:$0x1980] =	vst v63  }
0x57: {  	s10 =	simm.s32 $0xA80  }
0x58: {  	[spmem:s1] =	stream.indirect.scatter.add.f32 [tilespmem:s18], [sflag:$0x1], $0x1, s10, s19, $0xb8;
	[tilespmem:$0x1980] =	vst v63  }
0x59: {  	s10 =	simm.s32 $0xB00  }
0x5a: {  	[spmem:s1] =	stream.indirect.scatter.add.f32 [tilespmem:s18], [sflag:$0x1], $0x1, s10, s19, $0xb8;
	[tilespmem:$0x1980] =	vst v63  }
0x5b: {  	_ = 	snop  }
0x5c: {  	[spmem:s1] =	stream.indirect.scatter.add.f32 [tilespmem:s18], [sflag:$0x1], $0x1, s5, s19, $0xb8;
	[tilespmem:$0x1980] =	vst v63  }
0x5d: {  	_ = 	snop  }
0x5e: {  	[spmem:s1] =	stream.indirect.scatter.add.f32 [tilespmem:s18], [sflag:$0x1], $0x1, s15, s19, $0xb8;
	[tilespmem:$0x1980] =	vst v63  }
0x5f: {  	_ = 	snop  }
0x60: {  	[spmem:s1] =	stream.indirect.scatter.add.f32 [tilespmem:s18], [sflag:$0x1], $0x1, s17, s19, $0xb8;
	[tilespmem:$0x1980] =	vst v63  }
0x61: {  	_ = 	snop  }
0x62: {  	[spmem:s1] =	stream.indirect.scatter.add.f32 [tilespmem:s18], [sflag:$0x1], $0x1, s20, s19, $0xb8;
	[tilespmem:$0x1980] =	vst v63  }
0x63: {  	_ = 	snop  }
0x64: {  	[spmem:s1] =	stream.indirect.scatter.add.f32 [tilespmem:s18], [sflag:$0x1], $0x1, s21, s19, $0xb8;
	[tilespmem:$0x1980] =	vst v63  }
0x65: {  	_ = 	snop  }
0x66: {  	[spmem:s1] =	stream.indirect.scatter.add.f32 [tilespmem:s18], [sflag:$0x1], $0x1, s22, s19, $0xb8;
	[tilespmem:$0x1980] =	vst v63  }
0x67: {  	_ = 	snop  }
0x68: {  	[spmem:s1] =	stream.indirect.scatter.add.f32 [tilespmem:s18], [sflag:$0x1], $0x1, s23, s19, $0xb8;
	[tilespmem:$0x1980] =	vst v63  }
0x69: {  	_ = 	snop  }
0x6a: {  	[spmem:s1] =	stream.indirect.scatter.add.f32 [tilespmem:s18], [sflag:$0x1], $0x1, s24, s19, $0xb8;
	[tilespmem:$0x1980] =	vst v63  }
0x6b: {  	_ = 	snop  }
0x6c: {  	[spmem:s1] =	stream.indirect.scatter.add.f32 [tilespmem:s18], [sflag:$0x1], $0x1, s25, s19, $0xb8;
	[tilespmem:$0x1980] =	vst v63  }
0x6d: {  	_ = 	snop  }
0x6e: {  	[spmem:s1] =	stream.indirect.scatter.add.f32 [tilespmem:s18], [sflag:$0x1], $0x1, s26, s19, $0xb8;
	[tilespmem:$0x1980] =	vst v63  }
0x6f: {  	_ = 	snop  }
0x70: {  	[spmem:s1] =	stream.indirect.scatter.add.f32 [tilespmem:s18], [sflag:$0x1], $0x1, s28, s19, $0xb8;
	[tilespmem:$0x1980] =	vst v63  }
0x71: {  	_ = 	snop  }
0x72: {  	[spmem:s1] =	stream.indirect.scatter.add.f32 [tilespmem:s18], [sflag:$0x1], $0x1, s29, s19, $0xb8;
	[tilespmem:$0x1980] =	vst v63  }
0x73: {  	_ = 	snop  }
0x74: {  	[spmem:s1] =	stream.indirect.scatter.add.f32 [tilespmem:s18], [sflag:$0x1], $0x1, s30, s19, $0xb8;
	[tilespmem:$0x1980] =	vst v63  }
0x75: {  	_ = 	snop  }
0x76: {  	[spmem:s1] =	stream.indirect.scatter.add.f32 [tilespmem:s18], [sflag:$0x1], $0x1, s31, s19, $0xb8;
	[tilespmem:$0x1980] =	vst v63  }
0x77: {  	_ = 	snop  }
0x78: {  	[spmem:s1] =	stream.indirect.scatter.add.f32 [tilespmem:s18], [sflag:$0x1], $0x1, s0, s19, $0xb8;
	[tilespmem:$0x1980] =	vst v63  }
0x79: {  	_ = 	snop  }
0x7a: {  	[spmem:s1] =	stream.indirect.scatter.add.f32 [tilespmem:s18], [sflag:$0x1], $0x1, s2, s19, $0xb8;
	[tilespmem:$0x1980] =	vst v63  }
0x7b: {  	_ = 	snop  }
0x7c: {  	[spmem:s1] =	stream.indirect.scatter.add.f32 [tilespmem:s18], [sflag:$0x1], $0x1, s6, s19, $0xb8;
	[tilespmem:$0x1980] =	vst v63  }
0x7d: {  	_ =	swait.ge [sflag:s8], $0x80  }
0x7e: {  	s10 =	simm.s32 $0x27;
	[sflag:s8] =	ssyncset.done $0x0  }
.LBB2_2:
0x7f: {  	p0 =	sne.s32 s10, $0x1;
	s10 =	sadd.s32 $0xFFFFFFFF, s10;
	[sflag:s8] =	ssyncadd.s32 $0xFFFFFF80  }
.Ltmp0:
0x80: {  	(pc) =	sbr.rel @p0 .LBB2_2-.Ltmp0, $3  }
0x81: {  	_ =	sdelay $0x1  }
0x82: {  	_ =	swait.ge [sflag:s8], $0x80  }
0x83: {  	[sflag:s8] =	ssyncset.done $0x0  }
0x84: {  	[sflag:s8] =	ssyncadd.s32 $0xFFFFFF80;
	s10 =	rddreg [dreg:$0x8]  }
0x85: {  	[tilespmem:s4], [sflag:$0x2] =	stream.linear.gather [hbm4b:s10+s4], $0x1400, $0x38;
	[tilespmem:$0x1980] =	vst v63  }
0x86: {  	_ =	swait.ge [sflag:s16], $0x1400  }
0x87: {  	[sflag:s16] =	ssyncset.done $0x0  }
0x88: {  	[sflag:s16] =	ssyncadd.s32 $0xFFFFEC00  }
0x89: {  	[spmem:s1] =	stream.indirect.scatter.add.f32 [tilespmem:s18], [sflag:$0x1], $0x1, s4, s19, $0xb8;
	[tilespmem:$0x1980] =	vst v63  }
0x8a: {  	_ = 	snop  }
0x8b: {  	[spmem:s1] =	stream.indirect.scatter.add.f32 [tilespmem:s18], [sflag:$0x1], $0x1, s19, s19, $0xb8;
	[tilespmem:$0x1980] =	vst v63  }
0x8c: {  	_ = 	snop  }
0x8d: {  	[spmem:s1] =	stream.indirect.scatter.add.f32 [tilespmem:s18], [sflag:$0x1], $0x1, s11, s19, $0xb8;
	[tilespmem:$0x1980] =	vst v63  }
0x8e: {  	_ = 	snop  }
0x8f: {  	[spmem:s1] =	stream.indirect.scatter.add.f32 [tilespmem:s18], [sflag:$0x1], $0x1, s13, s19, $0xb8;
	[tilespmem:$0x1980] =	vst v63  }
0x90: {  	s10 =	simm.s32 $0x200  }
0x91: {  	[spmem:s1] =	stream.indirect.scatter.add.f32 [tilespmem:s18], [sflag:$0x1], $0x1, s10, s19, $0xb8;
	[tilespmem:$0x1980] =	vst v63  }
0x92: {  	s10 =	simm.s32 $0x280  }
0x93: {  	[spmem:s1] =	stream.indirect.scatter.add.f32 [tilespmem:s18], [sflag:$0x1], $0x1, s10, s19, $0xb8;
	[tilespmem:$0x1980] =	vst v63  }
0x94: {  	s10 =	simm.s32 $0x300  }
0x95: {  	[spmem:s1] =	stream.indirect.scatter.add.f32 [tilespmem:s18], [sflag:$0x1], $0x1, s10, s19, $0xb8;
	[tilespmem:$0x1980] =	vst v63  }
0x96: {  	s10 =	simm.s32 $0x380  }
0x97: {  	[spmem:s1] =	stream.indirect.scatter.add.f32 [tilespmem:s18], [sflag:$0x1], $0x1, s10, s19, $0xb8;
	[tilespmem:$0x1980] =	vst v63  }
0x98: {  	s10 =	simm.s32 $0x400  }
0x99: {  	[spmem:s1] =	stream.indirect.scatter.add.f32 [tilespmem:s18], [sflag:$0x1], $0x1, s10, s19, $0xb8;
	[tilespmem:$0x1980] =	vst v63  }
0x9a: {  	s10 =	simm.s32 $0x480  }
0x9b: {  	[spmem:s1] =	stream.indirect.scatter.add.f32 [tilespmem:s18], [sflag:$0x1], $0x1, s10, s19, $0xb8;
	[tilespmem:$0x1980] =	vst v63  }
0x9c: {  	s10 =	simm.s32 $0x500  }
0x9d: {  	[spmem:s1] =	stream.indirect.scatter.add.f32 [tilespmem:s18], [sflag:$0x1], $0x1, s10, s19, $0xb8;
	[tilespmem:$0x1980] =	vst v63  }
0x9e: {  	s10 =	simm.s32 $0x580  }
0x9f: {  	[spmem:s1] =	stream.indirect.scatter.add.f32 [tilespmem:s18], [sflag:$0x1], $0x1, s10, s19, $0xb8;
	[tilespmem:$0x1980] =	vst v63  }
0xa0: {  	s10 =	simm.s32 $0x600  }
0xa1: {  	[spmem:s1] =	stream.indirect.scatter.add.f32 [tilespmem:s18], [sflag:$0x1], $0x1, s10, s19, $0xb8;
	[tilespmem:$0x1980] =	vst v63  }
0xa2: {  	s10 =	simm.s32 $0x680  }
0xa3: {  	[spmem:s1] =	stream.indirect.scatter.add.f32 [tilespmem:s18], [sflag:$0x1], $0x1, s10, s19, $0xb8;
	[tilespmem:$0x1980] =	vst v63  }
0xa4: {  	s10 =	simm.s32 $0x700  }
0xa5: {  	[spmem:s1] =	stream.indirect.scatter.add.f32 [tilespmem:s18], [sflag:$0x1], $0x1, s10, s19, $0xb8;
	[tilespmem:$0x1980] =	vst v63  }
0xa6: {  	s10 =	simm.s32 $0x780  }
0xa7: {  	[spmem:s1] =	stream.indirect.scatter.add.f32 [tilespmem:s18], [sflag:$0x1], $0x1, s10, s19, $0xb8;
	[tilespmem:$0x1980] =	vst v63  }
0xa8: {  	s10 =	simm.s32 $0x800  }
0xa9: {  	[spmem:s1] =	stream.indirect.scatter.add.f32 [tilespmem:s18], [sflag:$0x1], $0x1, s10, s19, $0xb8;
	[tilespmem:$0x1980] =	vst v63  }
0xaa: {  	s10 =	simm.s32 $0x880  }
0xab: {  	[spmem:s1] =	stream.indirect.scatter.add.f32 [tilespmem:s18], [sflag:$0x1], $0x1, s10, s19, $0xb8;
	[tilespmem:$0x1980] =	vst v63  }
0xac: {  	s10 =	simm.s32 $0x900  }
0xad: {  	[spmem:s1] =	stream.indirect.scatter.add.f32 [tilespmem:s18], [sflag:$0x1], $0x1, s10, s19, $0xb8;
	[tilespmem:$0x1980] =	vst v63  }
0xae: {  	s10 =	simm.s32 $0x980  }
0xaf: {  	[spmem:s1] =	stream.indirect.scatter.add.f32 [tilespmem:s18], [sflag:$0x1], $0x1, s10, s19, $0xb8;
	[tilespmem:$0x1980] =	vst v63  }
0xb0: {  	s10 =	simm.s32 $0xA00  }
0xb1: {  	[spmem:s1] =	stream.indirect.scatter.add.f32 [tilespmem:s18], [sflag:$0x1], $0x1, s10, s19, $0xb8;
	[tilespmem:$0x1980] =	vst v63  }
0xb2: {  	s10 =	simm.s32 $0xA80  }
0xb3: {  	[spmem:s1] =	stream.indirect.scatter.add.f32 [tilespmem:s18], [sflag:$0x1], $0x1, s10, s19, $0xb8;
	[tilespmem:$0x1980] =	vst v63  }
0xb4: {  	s10 =	simm.s32 $0xB00  }
0xb5: {  	[spmem:s1] =	stream.indirect.scatter.add.f32 [tilespmem:s18], [sflag:$0x1], $0x1, s10, s19, $0xb8;
	[tilespmem:$0x1980] =	vst v63  }
0xb6: {  	_ = 	snop  }
0xb7: {  	[spmem:s1] =	stream.indirect.scatter.add.f32 [tilespmem:s18], [sflag:$0x1], $0x1, s5, s19, $0xb8;
	[tilespmem:$0x1980] =	vst v63  }
0xb8: {  	_ = 	snop  }
0xb9: {  	[spmem:s1] =	stream.indirect.scatter.add.f32 [tilespmem:s18], [sflag:$0x1], $0x1, s15, s19, $0xb8;
	[tilespmem:$0x1980] =	vst v63  }
0xba: {  	_ = 	snop  }
0xbb: {  	[spmem:s1] =	stream.indirect.scatter.add.f32 [tilespmem:s18], [sflag:$0x1], $0x1, s17, s19, $0xb8;
	[tilespmem:$0x1980] =	vst v63  }
0xbc: {  	_ = 	snop  }
0xbd: {  	[spmem:s1] =	stream.indirect.scatter.add.f32 [tilespmem:s18], [sflag:$0x1], $0x1, s20, s19, $0xb8;
	[tilespmem:$0x1980] =	vst v63  }
0xbe: {  	_ = 	snop  }
0xbf: {  	[spmem:s1] =	stream.indirect.scatter.add.f32 [tilespmem:s18], [sflag:$0x1], $0x1, s21, s19, $0xb8;
	[tilespmem:$0x1980] =	vst v63  }
0xc0: {  	_ = 	snop  }
0xc1: {  	[spmem:s1] =	stream.indirect.scatter.add.f32 [tilespmem:s18], [sflag:$0x1], $0x1, s22, s19, $0xb8;
	[tilespmem:$0x1980] =	vst v63  }
0xc2: {  	_ = 	snop  }
0xc3: {  	[spmem:s1] =	stream.indirect.scatter.add.f32 [tilespmem:s18], [sflag:$0x1], $0x1, s23, s19, $0xb8;
	[tilespmem:$0x1980] =	vst v63  }
0xc4: {  	_ = 	snop  }
0xc5: {  	[spmem:s1] =	stream.indirect.scatter.add.f32 [tilespmem:s18], [sflag:$0x1], $0x1, s24, s19, $0xb8;
	[tilespmem:$0x1980] =	vst v63  }
0xc6: {  	_ = 	snop  }
0xc7: {  	[spmem:s1] =	stream.indirect.scatter.add.f32 [tilespmem:s18], [sflag:$0x1], $0x1, s25, s19, $0xb8;
	[tilespmem:$0x1980] =	vst v63  }
0xc8: {  	_ = 	snop  }
0xc9: {  	[spmem:s1] =	stream.indirect.scatter.add.f32 [tilespmem:s18], [sflag:$0x1], $0x1, s26, s19, $0xb8;
	[tilespmem:$0x1980] =	vst v63  }
0xca: {  	_ = 	snop  }
0xcb: {  	[spmem:s1] =	stream.indirect.scatter.add.f32 [tilespmem:s18], [sflag:$0x1], $0x1, s28, s19, $0xb8;
	[tilespmem:$0x1980] =	vst v63  }
0xcc: {  	_ = 	snop  }
0xcd: {  	[spmem:s1] =	stream.indirect.scatter.add.f32 [tilespmem:s18], [sflag:$0x1], $0x1, s29, s19, $0xb8;
	[tilespmem:$0x1980] =	vst v63  }
0xce: {  	_ = 	snop  }
0xcf: {  	[spmem:s1] =	stream.indirect.scatter.add.f32 [tilespmem:s18], [sflag:$0x1], $0x1, s30, s19, $0xb8;
	[tilespmem:$0x1980] =	vst v63  }
0xd0: {  	_ = 	snop  }
0xd1: {  	[spmem:s1] =	stream.indirect.scatter.add.f32 [tilespmem:s18], [sflag:$0x1], $0x1, s31, s19, $0xb8;
	[tilespmem:$0x1980] =	vst v63  }
0xd2: {  	_ = 	snop  }
0xd3: {  	[spmem:s1] =	stream.indirect.scatter.add.f32 [tilespmem:s18], [sflag:$0x1], $0x1, s0, s19, $0xb8;
	[tilespmem:$0x1980] =	vst v63  }
0xd4: {  	_ = 	snop  }
0xd5: {  	[spmem:s1] =	stream.indirect.scatter.add.f32 [tilespmem:s18], [sflag:$0x1], $0x1, s2, s19, $0xb8;
	[tilespmem:$0x1980] =	vst v63  }
0xd6: {  	_ = 	snop  }
0xd7: {  	[spmem:s1] =	stream.indirect.scatter.add.f32 [tilespmem:s18], [sflag:$0x1], $0x1, s6, s19, $0xb8;
	[tilespmem:$0x1980] =	vst v63  }
0xd8: {  	_ =	swait.ge [sflag:s8], $0x80  }
0xd9: {  	s10 =	simm.s32 $0x27;
	[sflag:s8] =	ssyncset.done $0x0  }
.LBB2_4:
0xda: {  	p0 =	sne.s32 s10, $0x1;
	s10 =	sadd.s32 $0xFFFFFFFF, s10;
	[sflag:s8] =	ssyncadd.s32 $0xFFFFFF80  }
.Ltmp1:
0xdb: {  	(pc) =	sbr.rel @p0 .LBB2_4-.Ltmp1, $3  }
0xdc: {  	_ =	sdelay $0x1  }
0xdd: {  	_ =	swait.ge [sflag:s8], $0x80  }
0xde: {  	[sflag:s8] =	ssyncset.done $0x0  }
0xdf: {  	[sflag:s8] =	ssyncadd.s32 $0xFFFFFF80;
	s10 =	rddreg [dreg:$0x9]  }
0xe0: {  	[tilespmem:s4], [sflag:$0x2] =	stream.linear.gather [hbm4b:s10+s4], $0x1400, $0x38;
	[tilespmem:$0x1980] =	vst v63  }
0xe1: {  	_ =	swait.ge [sflag:s16], $0x1400  }
0xe2: {  	[sflag:s16] =	ssyncset.done $0x0  }
0xe3: {  	[sflag:s16] =	ssyncadd.s32 $0xFFFFEC00  }
0xe4: {  	[spmem:s3] =	stream.indirect.scatter.add.f32 [tilespmem:s18], [sflag:$0x1], $0x1, s4, s19, $0xb8;
	[tilespmem:$0x1980] =	vst v63  }
0xe5: {  	_ = 	snop  }
0xe6: {  	[spmem:s3] =	stream.indirect.scatter.add.f32 [tilespmem:s18], [sflag:$0x1], $0x1, s19, s19, $0xb8;
	[tilespmem:$0x1980] =	vst v63  }
0xe7: {  	_ = 	snop  }
0xe8: {  	[spmem:s3] =	stream.indirect.scatter.add.f32 [tilespmem:s18], [sflag:$0x1], $0x1, s11, s19, $0xb8;
	[tilespmem:$0x1980] =	vst v63  }
0xe9: {  	_ = 	snop  }
0xea: {  	[spmem:s3] =	stream.indirect.scatter.add.f32 [tilespmem:s18], [sflag:$0x1], $0x1, s13, s19, $0xb8;
	[tilespmem:$0x1980] =	vst v63  }
0xeb: {  	s10 =	simm.s32 $0x200  }
0xec: {  	[spmem:s3] =	stream.indirect.scatter.add.f32 [tilespmem:s18], [sflag:$0x1], $0x1, s10, s19, $0xb8;
	[tilespmem:$0x1980] =	vst v63  }
0xed: {  	s10 =	simm.s32 $0x280  }
0xee: {  	[spmem:s3] =	stream.indirect.scatter.add.f32 [tilespmem:s18], [sflag:$0x1], $0x1, s10, s19, $0xb8;
	[tilespmem:$0x1980] =	vst v63  }
0xef: {  	s10 =	simm.s32 $0x300  }
0xf0: {  	[spmem:s3] =	stream.indirect.scatter.add.f32 [tilespmem:s18], [sflag:$0x1], $0x1, s10, s19, $0xb8;
	[tilespmem:$0x1980] =	vst v63  }
0xf1: {  	s10 =	simm.s32 $0x380  }
0xf2: {  	[spmem:s3] =	stream.indirect.scatter.add.f32 [tilespmem:s18], [sflag:$0x1], $0x1, s10, s19, $0xb8;
	[tilespmem:$0x1980] =	vst v63  }
0xf3: {  	s10 =	simm.s32 $0x400  }
0xf4: {  	[spmem:s3] =	stream.indirect.scatter.add.f32 [tilespmem:s18], [sflag:$0x1], $0x1, s10, s19, $0xb8;
	[tilespmem:$0x1980] =	vst v63  }
0xf5: {  	s10 =	simm.s32 $0x480  }
0xf6: {  	[spmem:s3] =	stream.indirect.scatter.add.f32 [tilespmem:s18], [sflag:$0x1], $0x1, s10, s19, $0xb8;
	[tilespmem:$0x1980] =	vst v63  }
0xf7: {  	s10 =	simm.s32 $0x500  }
0xf8: {  	[spmem:s3] =	stream.indirect.scatter.add.f32 [tilespmem:s18], [sflag:$0x1], $0x1, s10, s19, $0xb8;
	[tilespmem:$0x1980] =	vst v63  }
0xf9: {  	s10 =	simm.s32 $0x580  }
0xfa: {  	[spmem:s3] =	stream.indirect.scatter.add.f32 [tilespmem:s18], [sflag:$0x1], $0x1, s10, s19, $0xb8;
	[tilespmem:$0x1980] =	vst v63  }
0xfb: {  	s10 =	simm.s32 $0x600  }
0xfc: {  	[spmem:s3] =	stream.indirect.scatter.add.f32 [tilespmem:s18], [sflag:$0x1], $0x1, s10, s19, $0xb8;
	[tilespmem:$0x1980] =	vst v63  }
0xfd: {  	s10 =	simm.s32 $0x680  }
0xfe: {  	[spmem:s3] =	stream.indirect.scatter.add.f32 [tilespmem:s18], [sflag:$0x1], $0x1, s10, s19, $0xb8;
	[tilespmem:$0x1980] =	vst v63  }
0xff: {  	s10 =	simm.s32 $0x700  }
0x100: {  	[spmem:s3] =	stream.indirect.scatter.add.f32 [tilespmem:s18], [sflag:$0x1], $0x1, s10, s19, $0xb8;
	[tilespmem:$0x1980] =	vst v63  }
0x101: {  	s10 =	simm.s32 $0x780  }
0x102: {  	[spmem:s3] =	stream.indirect.scatter.add.f32 [tilespmem:s18], [sflag:$0x1], $0x1, s10, s19, $0xb8;
	[tilespmem:$0x1980] =	vst v63  }
0x103: {  	s10 =	simm.s32 $0x800  }
0x104: {  	[spmem:s3] =	stream.indirect.scatter.add.f32 [tilespmem:s18], [sflag:$0x1], $0x1, s10, s19, $0xb8;
	[tilespmem:$0x1980] =	vst v63  }
0x105: {  	s10 =	simm.s32 $0x880  }
0x106: {  	[spmem:s3] =	stream.indirect.scatter.add.f32 [tilespmem:s18], [sflag:$0x1], $0x1, s10, s19, $0xb8;
	[tilespmem:$0x1980] =	vst v63  }
0x107: {  	s10 =	simm.s32 $0x900  }
0x108: {  	[spmem:s3] =	stream.indirect.scatter.add.f32 [tilespmem:s18], [sflag:$0x1], $0x1, s10, s19, $0xb8;
	[tilespmem:$0x1980] =	vst v63  }
0x109: {  	s10 =	simm.s32 $0x980  }
0x10a: {  	[spmem:s3] =	stream.indirect.scatter.add.f32 [tilespmem:s18], [sflag:$0x1], $0x1, s10, s19, $0xb8;
	[tilespmem:$0x1980] =	vst v63  }
0x10b: {  	s10 =	simm.s32 $0xA00  }
0x10c: {  	[spmem:s3] =	stream.indirect.scatter.add.f32 [tilespmem:s18], [sflag:$0x1], $0x1, s10, s19, $0xb8;
	[tilespmem:$0x1980] =	vst v63  }
0x10d: {  	s10 =	simm.s32 $0xA80  }
0x10e: {  	[spmem:s3] =	stream.indirect.scatter.add.f32 [tilespmem:s18], [sflag:$0x1], $0x1, s10, s19, $0xb8;
	[tilespmem:$0x1980] =	vst v63  }
0x10f: {  	s10 =	simm.s32 $0xB00  }
0x110: {  	[spmem:s3] =	stream.indirect.scatter.add.f32 [tilespmem:s18], [sflag:$0x1], $0x1, s10, s19, $0xb8;
	[tilespmem:$0x1980] =	vst v63  }
0x111: {  	_ = 	snop  }
0x112: {  	[spmem:s3] =	stream.indirect.scatter.add.f32 [tilespmem:s18], [sflag:$0x1], $0x1, s5, s19, $0xb8;
	[tilespmem:$0x1980] =	vst v63  }
0x113: {  	_ = 	snop  }
0x114: {  	[spmem:s3] =	stream.indirect.scatter.add.f32 [tilespmem:s18], [sflag:$0x1], $0x1, s15, s19, $0xb8;
	[tilespmem:$0x1980] =	vst v63  }
0x115: {  	_ = 	snop  }
0x116: {  	[spmem:s3] =	stream.indirect.scatter.add.f32 [tilespmem:s18], [sflag:$0x1], $0x1, s17, s19, $0xb8;
	[tilespmem:$0x1980] =	vst v63  }
0x117: {  	_ = 	snop  }
0x118: {  	[spmem:s3] =	stream.indirect.scatter.add.f32 [tilespmem:s18], [sflag:$0x1], $0x1, s20, s19, $0xb8;
	[tilespmem:$0x1980] =	vst v63  }
0x119: {  	_ = 	snop  }
0x11a: {  	[spmem:s3] =	stream.indirect.scatter.add.f32 [tilespmem:s18], [sflag:$0x1], $0x1, s21, s19, $0xb8;
	[tilespmem:$0x1980] =	vst v63  }
0x11b: {  	_ = 	snop  }
0x11c: {  	[spmem:s3] =	stream.indirect.scatter.add.f32 [tilespmem:s18], [sflag:$0x1], $0x1, s22, s19, $0xb8;
	[tilespmem:$0x1980] =	vst v63  }
0x11d: {  	_ = 	snop  }
0x11e: {  	[spmem:s3] =	stream.indirect.scatter.add.f32 [tilespmem:s18], [sflag:$0x1], $0x1, s23, s19, $0xb8;
	[tilespmem:$0x1980] =	vst v63  }
0x11f: {  	_ = 	snop  }
0x120: {  	[spmem:s3] =	stream.indirect.scatter.add.f32 [tilespmem:s18], [sflag:$0x1], $0x1, s24, s19, $0xb8;
	[tilespmem:$0x1980] =	vst v63  }
0x121: {  	_ = 	snop  }
0x122: {  	[spmem:s3] =	stream.indirect.scatter.add.f32 [tilespmem:s18], [sflag:$0x1], $0x1, s25, s19, $0xb8;
	[tilespmem:$0x1980] =	vst v63  }
0x123: {  	_ = 	snop  }
0x124: {  	[spmem:s3] =	stream.indirect.scatter.add.f32 [tilespmem:s18], [sflag:$0x1], $0x1, s26, s19, $0xb8;
	[tilespmem:$0x1980] =	vst v63  }
0x125: {  	_ = 	snop  }
0x126: {  	[spmem:s3] =	stream.indirect.scatter.add.f32 [tilespmem:s18], [sflag:$0x1], $0x1, s28, s19, $0xb8;
	[tilespmem:$0x1980] =	vst v63  }
0x127: {  	_ = 	snop  }
0x128: {  	[spmem:s3] =	stream.indirect.scatter.add.f32 [tilespmem:s18], [sflag:$0x1], $0x1, s29, s19, $0xb8;
	[tilespmem:$0x1980] =	vst v63  }
0x129: {  	_ = 	snop  }
0x12a: {  	[spmem:s3] =	stream.indirect.scatter.add.f32 [tilespmem:s18], [sflag:$0x1], $0x1, s30, s19, $0xb8;
	[tilespmem:$0x1980] =	vst v63  }
0x12b: {  	_ = 	snop  }
0x12c: {  	[spmem:s3] =	stream.indirect.scatter.add.f32 [tilespmem:s18], [sflag:$0x1], $0x1, s31, s19, $0xb8;
	[tilespmem:$0x1980] =	vst v63  }
0x12d: {  	_ = 	snop  }
0x12e: {  	[spmem:s3] =	stream.indirect.scatter.add.f32 [tilespmem:s18], [sflag:$0x1], $0x1, s0, s19, $0xb8;
	[tilespmem:$0x1980] =	vst v63  }
0x12f: {  	_ = 	snop  }
0x130: {  	[spmem:s3] =	stream.indirect.scatter.add.f32 [tilespmem:s18], [sflag:$0x1], $0x1, s2, s19, $0xb8;
	[tilespmem:$0x1980] =	vst v63  }
0x131: {  	_ = 	snop  }
0x132: {  	[spmem:s3] =	stream.indirect.scatter.add.f32 [tilespmem:s18], [sflag:$0x1], $0x1, s6, s19, $0xb8;
	[tilespmem:$0x1980] =	vst v63  }
0x133: {  	_ =	swait.ge [sflag:s8], $0x80  }
0x134: {  	s10 =	simm.s32 $0x27;
	[sflag:s8] =	ssyncset.done $0x0  }
.LBB2_6:
0x135: {  	p0 =	sne.s32 s10, $0x1;
	s10 =	sadd.s32 $0xFFFFFFFF, s10;
	[sflag:s8] =	ssyncadd.s32 $0xFFFFFF80  }
.Ltmp2:
0x136: {  	(pc) =	sbr.rel @p0 .LBB2_6-.Ltmp2, $3  }
0x137: {  	_ =	sdelay $0x1  }
0x138: {  	_ =	swait.ge [sflag:s8], $0x80  }
0x139: {  	[sflag:s8] =	ssyncset.done $0x0  }
0x13a: {  	[sflag:s8] =	ssyncadd.s32 $0xFFFFFF80;
	s10 =	rddreg [dreg:$0xa]  }
0x13b: {  	[tilespmem:s4], [sflag:$0x2] =	stream.linear.gather [hbm4b:s10+s4], $0x1400, $0x38;
	[tilespmem:$0x1980] =	vst v63  }
0x13c: {  	_ =	swait.ge [sflag:s16], $0x1400  }
0x13d: {  	[sflag:s16] =	ssyncset.done $0x0  }
0x13e: {  	[sflag:s16] =	ssyncadd.s32 $0xFFFFEC00  }
0x13f: {  	[spmem:s3] =	stream.indirect.scatter.add.f32 [tilespmem:s18], [sflag:$0x1], $0x1, s4, s19, $0xb8;
	[tilespmem:$0x1980] =	vst v63  }
0x140: {  	_ = 	snop  }
0x141: {  	[spmem:s3] =	stream.indirect.scatter.add.f32 [tilespmem:s18], [sflag:$0x1], $0x1, s19, s19, $0xb8;
	[tilespmem:$0x1980] =	vst v63  }
0x142: {  	_ = 	snop  }
0x143: {  	[spmem:s3] =	stream.indirect.scatter.add.f32 [tilespmem:s18], [sflag:$0x1], $0x1, s11, s19, $0xb8;
	[tilespmem:$0x1980] =	vst v63  }
0x144: {  	_ = 	snop  }
0x145: {  	[spmem:s3] =	stream.indirect.scatter.add.f32 [tilespmem:s18], [sflag:$0x1], $0x1, s13, s19, $0xb8;
	[tilespmem:$0x1980] =	vst v63  }
0x146: {  	s13 =	simm.s32 $0x200  }
0x147: {  	[spmem:s3] =	stream.indirect.scatter.add.f32 [tilespmem:s18], [sflag:$0x1], $0x1, s13, s19, $0xb8;
	[tilespmem:$0x1980] =	vst v63  }
0x148: {  	s11 =	simm.s32 $0x280  }
0x149: {  	[spmem:s3] =	stream.indirect.scatter.add.f32 [tilespmem:s18], [sflag:$0x1], $0x1, s11, s19, $0xb8;
	[tilespmem:$0x1980] =	vst v63  }
0x14a: {  	s13 =	simm.s32 $0x300  }
0x14b: {  	[spmem:s3] =	stream.indirect.scatter.add.f32 [tilespmem:s18], [sflag:$0x1], $0x1, s13, s19, $0xb8;
	[tilespmem:$0x1980] =	vst v63  }
0x14c: {  	s11 =	simm.s32 $0x380  }
0x14d: {  	[spmem:s3] =	stream.indirect.scatter.add.f32 [tilespmem:s18], [sflag:$0x1], $0x1, s11, s19, $0xb8;
	[tilespmem:$0x1980] =	vst v63  }
0x14e: {  	s13 =	simm.s32 $0x400  }
0x14f: {  	[spmem:s3] =	stream.indirect.scatter.add.f32 [tilespmem:s18], [sflag:$0x1], $0x1, s13, s19, $0xb8;
	[tilespmem:$0x1980] =	vst v63  }
0x150: {  	s11 =	simm.s32 $0x480  }
0x151: {  	[spmem:s3] =	stream.indirect.scatter.add.f32 [tilespmem:s18], [sflag:$0x1], $0x1, s11, s19, $0xb8;
	[tilespmem:$0x1980] =	vst v63  }
0x152: {  	s13 =	simm.s32 $0x500  }
0x153: {  	[spmem:s3] =	stream.indirect.scatter.add.f32 [tilespmem:s18], [sflag:$0x1], $0x1, s13, s19, $0xb8;
	[tilespmem:$0x1980] =	vst v63  }
0x154: {  	s11 =	simm.s32 $0x580  }
0x155: {  	[spmem:s3] =	stream.indirect.scatter.add.f32 [tilespmem:s18], [sflag:$0x1], $0x1, s11, s19, $0xb8;
	[tilespmem:$0x1980] =	vst v63  }
0x156: {  	s13 =	simm.s32 $0x600  }
0x157: {  	[spmem:s3] =	stream.indirect.scatter.add.f32 [tilespmem:s18], [sflag:$0x1], $0x1, s13, s19, $0xb8;
	[tilespmem:$0x1980] =	vst v63  }
0x158: {  	s11 =	simm.s32 $0x680  }
0x159: {  	[spmem:s3] =	stream.indirect.scatter.add.f32 [tilespmem:s18], [sflag:$0x1], $0x1, s11, s19, $0xb8;
	[tilespmem:$0x1980] =	vst v63  }
0x15a: {  	s13 =	simm.s32 $0x700  }
0x15b: {  	[spmem:s3] =	stream.indirect.scatter.add.f32 [tilespmem:s18], [sflag:$0x1], $0x1, s13, s19, $0xb8;
	[tilespmem:$0x1980] =	vst v63  }
0x15c: {  	s11 =	simm.s32 $0x780  }
0x15d: {  	[spmem:s3] =	stream.indirect.scatter.add.f32 [tilespmem:s18], [sflag:$0x1], $0x1, s11, s19, $0xb8;
	[tilespmem:$0x1980] =	vst v63  }
0x15e: {  	s13 =	simm.s32 $0x800  }
0x15f: {  	[spmem:s3] =	stream.indirect.scatter.add.f32 [tilespmem:s18], [sflag:$0x1], $0x1, s13, s19, $0xb8;
	[tilespmem:$0x1980] =	vst v63  }
0x160: {  	s11 =	simm.s32 $0x880  }
0x161: {  	[spmem:s3] =	stream.indirect.scatter.add.f32 [tilespmem:s18], [sflag:$0x1], $0x1, s11, s19, $0xb8;
	[tilespmem:$0x1980] =	vst v63  }
0x162: {  	s13 =	simm.s32 $0x900  }
0x163: {  	[spmem:s3] =	stream.indirect.scatter.add.f32 [tilespmem:s18], [sflag:$0x1], $0x1, s13, s19, $0xb8;
	[tilespmem:$0x1980] =	vst v63  }
0x164: {  	s11 =	simm.s32 $0x980  }
0x165: {  	[spmem:s3] =	stream.indirect.scatter.add.f32 [tilespmem:s18], [sflag:$0x1], $0x1, s11, s19, $0xb8;
	[tilespmem:$0x1980] =	vst v63  }
0x166: {  	s13 =	simm.s32 $0xA00  }
0x167: {  	[spmem:s3] =	stream.indirect.scatter.add.f32 [tilespmem:s18], [sflag:$0x1], $0x1, s13, s19, $0xb8;
	[tilespmem:$0x1980] =	vst v63  }
0x168: {  	s11 =	simm.s32 $0xA80  }
0x169: {  	[spmem:s3] =	stream.indirect.scatter.add.f32 [tilespmem:s18], [sflag:$0x1], $0x1, s11, s19, $0xb8;
	[tilespmem:$0x1980] =	vst v63  }
0x16a: {  	s13 =	simm.s32 $0xB00  }
0x16b: {  	[spmem:s3] =	stream.indirect.scatter.add.f32 [tilespmem:s18], [sflag:$0x1], $0x1, s13, s19, $0xb8;
	[tilespmem:$0x1980] =	vst v63  }
0x16c: {  	_ = 	snop  }
0x16d: {  	[spmem:s3] =	stream.indirect.scatter.add.f32 [tilespmem:s18], [sflag:$0x1], $0x1, s5, s19, $0xb8;
	[tilespmem:$0x1980] =	vst v63  }
0x16e: {  	_ = 	snop  }
0x16f: {  	[spmem:s3] =	stream.indirect.scatter.add.f32 [tilespmem:s18], [sflag:$0x1], $0x1, s15, s19, $0xb8;
	[tilespmem:$0x1980] =	vst v63  }
0x170: {  	_ = 	snop  }
0x171: {  	[spmem:s3] =	stream.indirect.scatter.add.f32 [tilespmem:s18], [sflag:$0x1], $0x1, s17, s19, $0xb8;
	[tilespmem:$0x1980] =	vst v63  }
0x172: {  	_ = 	snop  }
0x173: {  	[spmem:s3] =	stream.indirect.scatter.add.f32 [tilespmem:s18], [sflag:$0x1], $0x1, s20, s19, $0xb8;
	[tilespmem:$0x1980] =	vst v63  }
0x174: {  	_ = 	snop  }
0x175: {  	[spmem:s3] =	stream.indirect.scatter.add.f32 [tilespmem:s18], [sflag:$0x1], $0x1, s21, s19, $0xb8;
	[tilespmem:$0x1980] =	vst v63  }
0x176: {  	_ = 	snop  }
0x177: {  	[spmem:s3] =	stream.indirect.scatter.add.f32 [tilespmem:s18], [sflag:$0x1], $0x1, s22, s19, $0xb8;
	[tilespmem:$0x1980] =	vst v63  }
0x178: {  	_ = 	snop  }
0x179: {  	[spmem:s3] =	stream.indirect.scatter.add.f32 [tilespmem:s18], [sflag:$0x1], $0x1, s23, s19, $0xb8;
	[tilespmem:$0x1980] =	vst v63  }
0x17a: {  	_ = 	snop  }
0x17b: {  	[spmem:s3] =	stream.indirect.scatter.add.f32 [tilespmem:s18], [sflag:$0x1], $0x1, s24, s19, $0xb8;
	[tilespmem:$0x1980] =	vst v63  }
0x17c: {  	_ = 	snop  }
0x17d: {  	[spmem:s3] =	stream.indirect.scatter.add.f32 [tilespmem:s18], [sflag:$0x1], $0x1, s25, s19, $0xb8;
	[tilespmem:$0x1980] =	vst v63  }
0x17e: {  	_ = 	snop  }
0x17f: {  	[spmem:s3] =	stream.indirect.scatter.add.f32 [tilespmem:s18], [sflag:$0x1], $0x1, s26, s19, $0xb8;
	[tilespmem:$0x1980] =	vst v63  }
0x180: {  	_ = 	snop  }
0x181: {  	[spmem:s3] =	stream.indirect.scatter.add.f32 [tilespmem:s18], [sflag:$0x1], $0x1, s28, s19, $0xb8;
	[tilespmem:$0x1980] =	vst v63  }
0x182: {  	_ = 	snop  }
0x183: {  	[spmem:s3] =	stream.indirect.scatter.add.f32 [tilespmem:s18], [sflag:$0x1], $0x1, s29, s19, $0xb8;
	[tilespmem:$0x1980] =	vst v63  }
0x184: {  	_ = 	snop  }
0x185: {  	[spmem:s3] =	stream.indirect.scatter.add.f32 [tilespmem:s18], [sflag:$0x1], $0x1, s30, s19, $0xb8;
	[tilespmem:$0x1980] =	vst v63  }
0x186: {  	_ = 	snop  }
0x187: {  	[spmem:s3] =	stream.indirect.scatter.add.f32 [tilespmem:s18], [sflag:$0x1], $0x1, s31, s19, $0xb8;
	[tilespmem:$0x1980] =	vst v63  }
0x188: {  	_ = 	snop  }
0x189: {  	[spmem:s3] =	stream.indirect.scatter.add.f32 [tilespmem:s18], [sflag:$0x1], $0x1, s0, s19, $0xb8;
	[tilespmem:$0x1980] =	vst v63  }
0x18a: {  	_ = 	snop  }
0x18b: {  	[spmem:s3] =	stream.indirect.scatter.add.f32 [tilespmem:s18], [sflag:$0x1], $0x1, s2, s19, $0xb8;
	[tilespmem:$0x1980] =	vst v63  }
0x18c: {  	_ = 	snop  }
0x18d: {  	[spmem:s3] =	stream.indirect.scatter.add.f32 [tilespmem:s18], [sflag:$0x1], $0x1, s6, s19, $0xb8;
	[tilespmem:$0x1980] =	vst v63  }
0x18e: {  	_ =	swait.ge [sflag:s8], $0x80  }
0x18f: {  	s10 =	simm.s32 $0x27;
	[sflag:s8] =	ssyncset.done $0x0  }
.LBB2_8:
0x190: {  	p0 =	sne.s32 s10, $0x1;
	s10 =	sadd.s32 $0xFFFFFFFF, s10;
	[sflag:s8] =	ssyncadd.s32 $0xFFFFFF80  }
.Ltmp3:
0x191: {  	(pc) =	sbr.rel @p0 .LBB2_8-.Ltmp3, $3  }
0x192: {  	_ =	sdelay $0x1  }
0x193: {  	_ =	swait.ge [sflag:s8], $0x80  }
0x194: {  	[sflag:s8] =	ssyncset.done $0x0  }
0x195: {  	[sflag:s8] =	ssyncadd.s32 $0xFFFFFF80  }
0x196: {  	[bflag:$0x0] =	sbarrier.arrive $0xFFFF  }
0x197: {  	s10 =	rddreg [dreg:$0xb]  }
0x198: {  	[hbm:s10], [sflag:s7] =	dma.local [spmem:s12], $0x50  }
0x199: {  	_ =	swait.ge [sflag:s16], $0x50  }
0x19a: {  	[sflag:s16] =	ssyncset.done $0x0  }
0x19b: {  	s11 =	smov.u32 s12;
	s12 =	rddreg [dreg:$0xc];
	[sflag:s16] =	ssyncadd.s32 $0xFFFFFFB0  }
0x19c: {  	[hbm:s12], [sflag:s7] =	dma.local [spmem:s14], $0x50  }
0x19d: {  	_ =	swait.ge [sflag:s16], $0x50  }
0x19e: {  	s13 =	smov.u32 s14;
	s9 =	sadd.s32 $0x1, s9;
	s14 =	rddreg [dreg:$0xd]  }
0x19f: {  	p0 =	sne.s32 s9, s14  }
.Ltmp4:
0x1a0: {  	_ = 	snop;
	(pc) =	sbr.rel @p0 .LBB2_1-.Ltmp4, $3  }
0x1a1: {  	_ =	sdelay $0x1  }
0x1a2: {  	[sflag:s16] =	ssyncset.done $0x0  }
0x1a3: {  	[sflag:s16] =	ssyncadd.s32 $0xFFFFFFB0  }
0x1a4: {  	_ =	sfence.sel $0x180000  }
0x1a5: {  	[bflag:$0x0] =	sbarrier.arrive $0xFFFF  }
0x1a6: {  	_ =	strace $0x90000047  }
0x1a7: {  	s0 =	stileid.u32;
	[bflag:$0x2] =	sbarrier.arrive $0xFFFF  }
0x1a8: {  	p0 =	sne.s32 s0, $0x0;
	s0 =	rddreg [dreg:$0x4]  }
0x1a9: {  	s0 =	sadd.s32 @!p0 $0x100000, s0  }
0x1aa: {  	[sflag:s0] =	ssyncadd.tile.s32 @!p0 $0x1;
	_ =	shalt  }
.Lfunc_end2:
_tile_overlayer_lowered:
.L_overlay_start_2:
0x1ab: {  	(tag) =	ssettag $0x2  }
0x1ac: {  	s0 =	rddreg [dreg:$0x0];
	s2 =	stileid.u32  }
0x1ad: {  	s1 =	rddreg [dreg:$0x1];
	p0 =	sne.s32 s2, $0x0  }
0x1ae: {  	s3 =	rddreg [dreg:$0x2];
	[bflag:$0x3] =	sbarrier.arrive $0xFFFF;
	s2 =	simm.s32 @!p0 $0x1C02  }
0x1af: {  	[timem:s3], [sflag:s2] =	dma.local @!p0 [hbm:s0], s1  }
0x1b0: {  	s0 =	simm.s32 @!p0 $0x2  }
0x1b1: {  	_ =	swait.ge @!p0 [sflag:s0], s1  }
0x1b2: {  	s1 =	ssub.s32 @!p0 $0x0, s1;
	[sflag:s0] =	ssyncset.done @!p0 $0x0  }
0x1b3: {  	[sflag:s0] =	ssyncadd.s32 @!p0 s1  }
0x1b4: {  	[bflag:$0x3] =	sbarrier.arrive $0xFFFF  }
0x1b5: {  	_ =	shalt  }

// kernel: kernel.15.cloned.1.call-start
scs
__scs_entry_jumppad:
0x0: {  	(pc) =	sbr.rel $0x88, $3  }
0x1: {  	(tag) =	ssettag $0x0;
	lr =	simm.s32 $0x1  }
0x2: {  	[smem:$0x3F98] =	sst lr;
	_ =	strace $0xD0000000  }
0x3: {  	_ = 	snop  }
0x4: {  	_ = 	snop  }
0x5: {  	_ = 	snop  }
0x6: {  	_ = 	snop  }
0x7: {  	_ = 	snop  }
__scs_overlays_trampoline_lowered:
0x8: {  	[smem:$0x3FA7] =	sst s0  }
0x9: {  	[smem:$0x3FA8] =	sst s1  }
0xa: {  	[smem:$0x3FA9] =	sst s2  }
0xb: {  	[smem:$0x3FAA] =	sst s3  }
0xc: {  	[smem:$0x3FAB] =	sst s4  }
0xd: {  	[smem:$0x3FAC] =	sst s5  }
0xe: {  	[smem:$0x3FAD] =	sst s6  }
0xf: {  	[smem:$0x3FAE] =	sst s7  }
0x10: {  	[smem:$0x3FAF] =	sst s8  }
0x11: {  	[smem:$0x3FB0] =	sst s9;
	s0 =	simm.s32 @!p0 $0x0  }
0x12: {  	s1 =	sld [smem:$0x3F96];
	s0 =	simm.s32 @p0 $0x1  }
0x13: {  	[smem:$0x3FB1] =	sst s0;
	s0 =	simm.s32 @!p1 $0x0  }
0x14: {  	s2 =	sld [smem:$0x3F95];
	s0 =	simm.s32 @p1 $0x1  }
0x15: {  	[smem:$0x3FB2] =	sst s0;
	s0 =	simm.s32 @!p2 $0x0  }
0x16: {  	s3 =	sld [smem:$0x3FDB];
	s0 =	simm.s32 @p2 $0x1  }
0x17: {  	s4 =	simm.s32 $0x1BF5;
	[smem:$0x3FB4] =	sst s0  }
0x18: {  	s0 =	sld [smem:$0x3F97];
	_ =	swait.ge [sflag:s4], $0x0  }
0x19: {  	s7 =	sld [smem:$0x3F98]  }
0x1a: {  	s8 =	sadd.s32 $0xFFFFE003, lr  }
0x1b: {  	s9 =	sadd.s32 $0xFFFFFEF7, lr;
	s5 =	simm.s32 $0xFFFFFFFF;
	p2 =	slt.u32 s8, $0xFFFFF086  }
0x1c: {  	p1 =	slt.u32 s9, $0xF7A;
	s5 =	simm.s32 @!p2 $0x0  }
0x1d: {  	s5 =	simm.s32 @p1 $0x1;
	p0 =	seq.s32 s7, s2  }
0x1e: {  	s7 =	smul.u32 @!p0 $0xF7A, s2;
	p2 =	seq.s32 @!p0 s5, $0x0  }
0x1f: {  	s9 =	smul.u32 $0xF7A, s1;
	s8 =	simm.s32 @!p0 $0x1BF5;
	p2 =	por !p2, p0  }
0x20: {  	[sflag:s8] =	ssyncset.s32 @!p0 $0xFFFFF086;
	s6 =	sadd.s32 @!p0 s3, s7;
	s7 =	simm.s32 @!p0 $0x108  }
0x21: {  	s3 =	sadd.s32 s3, s9;
	s6 =	sadd.s32 @!p0 $0x88, s6;
	s7 =	simm.s32 @p2 $0x1082  }
0x22: {  	[simem:s7], [sflag:s8] =	dma.local @!p0 [hbm:s6], $0xF7A  }
0x23: {  	s9 =	sor.u32 $0xD0000000, s2;
	s6 =	simm.s32 $0x108;
	_ =	swait.ge @!p0 [sflag:s8], $0x0  }
0x24: {  	s3 =	sadd.s32 $0x88, s3;
	s6 =	simm.s32 @!p1 $0x1082;
	[sflag:s4] =	ssyncset.s32 $0xFFFFF086  }
0x25: {  	[simem:s6], [sflag:s4] =	dma.local [hbm:s3], $0xF7A  }
0x26: {  	[smem:$0x3F98] =	sst s1;
	(tag) =	ssettag s2;
	_ =	strace s9  }
0x27: {  	s1 =	sld [smem:$0x3FA8]  }
0x28: {  	s2 =	sld [smem:$0x3FA9]  }
0x29: {  	s4 =	sld [smem:$0x3FAB]  }
0x2a: {  	p0 =	seq.s32 s5, $0x0;
	s5 =	sld [smem:$0x3FAC]  }
0x2b: {  	s6 =	sld [smem:$0x3FAD]  }
0x2c: {  	s7 =	sld [smem:$0x3FAE]  }
0x2d: {  	s3 =	simm.s32 $0x108;
	s8 =	sld [smem:$0x3FAF]  }
0x2e: {  	s3 =	simm.s32 @!p0 $0x1082;
	s9 =	sld [smem:$0x3FB0]  }
0x2f: {  	lr =	sadd.s32 s0, s3;
	s0 =	sld [smem:$0x3FA7]  }
0x30: {  	s3 =	sld [smem:$0x3FAA]  }
0x31: {  	[smem:$0x3FB3] =	sst s10  }
0x32: {  	s10 =	sld [smem:$0x3FB1];
	_ =	sdelay $0x3  }
0x33: {  	p0 =	seq.s32 s10, $0x1;
	s10 =	sld [smem:$0x3FB3];
	_ =	sdelay $0x3  }
0x34: {  	[smem:$0x3FB3] =	sst s10  }
0x35: {  	s10 =	sld [smem:$0x3FB2];
	_ =	sdelay $0x3  }
0x36: {  	p1 =	seq.s32 s10, $0x1;
	s10 =	sld [smem:$0x3FB3];
	_ =	sdelay $0x3  }
0x37: {  	[smem:$0x3FB3] =	sst s10  }
0x38: {  	s10 =	sld [smem:$0x3FB4]  }
0x39: {  	_ = 	snop;
	(pc) =	sbr.ind lr, $3  }
0x3a: {  	_ = 	snop  }
0x3b: {  	_ = 	snop  }
0x3c: {  	p2 =	seq.s32 s10, $0x1;
	s10 =	sld [smem:$0x3FB3]  }
0x3d: {  	_ =	shalt  }
0x3e: {  	_ =	shalt  }
0x3f: {  	_ =	shalt  }
0x40: {  	_ =	shalt  }
0x41: {  	_ =	shalt  }
0x42: {  	_ =	shalt  }
0x43: {  	_ =	shalt  }
0x44: {  	_ =	shalt  }
0x45: {  	_ =	shalt  }
0x46: {  	_ =	shalt  }
0x47: {  	_ =	shalt  }
0x48: {  	_ =	shalt  }
0x49: {  	_ =	shalt  }
0x4a: {  	_ =	shalt  }
0x4b: {  	_ =	shalt  }
0x4c: {  	_ =	shalt  }
0x4d: {  	_ =	shalt  }
0x4e: {  	_ =	shalt  }
0x4f: {  	_ =	shalt  }
0x50: {  	_ =	shalt  }
0x51: {  	_ =	shalt  }
0x52: {  	_ =	shalt  }
0x53: {  	_ =	shalt  }
0x54: {  	_ =	shalt  }
0x55: {  	_ =	shalt  }
0x56: {  	_ =	shalt  }
0x57: {  	_ =	shalt  }
0x58: {  	_ =	shalt  }
0x59: {  	_ =	shalt  }
0x5a: {  	_ =	shalt  }
0x5b: {  	_ =	shalt  }
0x5c: {  	_ =	shalt  }
0x5d: {  	_ =	shalt  }
0x5e: {  	_ =	shalt  }
0x5f: {  	_ =	shalt  }
0x60: {  	_ =	shalt  }
0x61: {  	_ =	shalt  }
0x62: {  	_ =	shalt  }
0x63: {  	_ =	shalt  }
0x64: {  	_ =	shalt  }
0x65: {  	_ =	shalt  }
0x66: {  	_ =	shalt  }
0x67: {  	_ =	shalt  }
0x68: {  	_ =	shalt  }
0x69: {  	_ =	shalt  }
0x6a: {  	_ =	shalt  }
0x6b: {  	_ =	shalt  }
0x6c: {  	_ =	shalt  }
0x6d: {  	_ =	shalt  }
0x6e: {  	_ =	shalt  }
0x6f: {  	_ =	shalt  }
0x70: {  	_ =	shalt  }
0x71: {  	_ =	shalt  }
0x72: {  	_ =	shalt  }
0x73: {  	_ =	shalt  }
0x74: {  	_ =	shalt  }
0x75: {  	_ =	shalt  }
0x76: {  	_ =	shalt  }
0x77: {  	_ =	shalt  }
0x78: {  	_ =	shalt  }
0x79: {  	_ =	shalt  }
0x7a: {  	_ =	shalt  }
0x7b: {  	_ =	shalt  }
0x7c: {  	_ =	shalt  }
0x7d: {  	_ =	shalt  }
0x7e: {  	_ =	shalt  }
0x7f: {  	_ =	shalt  }
0x80: {  	_ =	shalt  }
0x81: {  	_ =	shalt  }
0x82: {  	_ =	shalt  }
0x83: {  	_ =	shalt  }
0x84: {  	_ =	shalt  }
0x85: {  	_ =	shalt  }
0x86: {  	_ =	shalt  }
0x87: {  	_ =	shalt  }
.Lfunc_end0:
.L_simem_size_0:
called_computation.1_lowered:
.L_overlay_start_0:
0x88: {  	s2 =	sld [smem:$0x3FD9]  }
0x89: {  	s3 =	sld [smem:$0x3FFE];
	_ =	sdelay $0x1  }
0x8a: {  	s1 =	srdreg.scid  }
0x8b: {  	s0 =	sand.u32 $0x1, s1  }
0x8c: {  	s17 =	sshll.u32 s0, $0xA;
	s2 =	sadd.s32 s3, s2  }
0x8d: {  	s2 =	sadd.s32 s2, s17  }
0x8e: {  	[smem:$0x3FBF] =	sst s2  }
0x8f: {  	_ = 	snop  }
0x90: {  	s2 =	sld [smem:$0x3FD0];
	(tm) =	ssettm $0x1  }
0x91: {  	s18 =	sld [smem:$0x3FFB];
	_ =	sdelay $0x3  }
0x92: {  	_ =	strace s18  }
0x93: {  	s3 =	sld [smem:$0x3FFC];
	_ =	sdelay $0x3  }
0x94: {  	_ =	strace s3  }
0x95: {  	s3 =	sld [smem:$0x3FFD];
	_ =	sdelay $0x3  }
0x96: {  	_ =	strace s3  }
0x97: {  	_ =	strace $0x8FFFFFFF  }
0x98: {  	s19 =	sld [smem:$0x3FDB];
	_ =	sdelay $0x1  }
0x99: {  	s4 =	simm.s32 $_scs_section_size  }
0x9a: {  	s5 =	simm.s32 $_size__tile_overlayer_lowered;
	s6 =	simm.s32 $_tile_overlayer_lowered  }
0x9b: {  	s22 =	simm.s32 $0x1BFF;
	s21 =	sshll.u32 s6, $0x1;
	s3 =	sadd.s32 s4, s19  }
0x9c: {  	s7 =	simm.s32 $0x0;
	s20 =	sshll.u32 s5, $0x1;
	s5 =	sadd.s32 s21, s3  }
0x9d: {  	[timem:s7], [sflag:s22] =	dma.local [hbm:s5], s20  }
0x9e: {  	_ =	swait.ge [sflag:s22], s20  }
0x9f: {  	s4 =	ssub.s32 $0x0, s20;
	[sflag:s22] =	ssyncset.done $0x0  }
0xa0: {  	[sflag:s22] =	ssyncadd.s32 s4;
	_ =	sdelay $0x1  }
0xa1: {  	s23 =	simm.s32 $0x1B8B  }
0xa2: {  	_ =	swait.ge [sflag:s23], $0x1  }
0xa3: {  	[sflag:s23] =	ssyncset.done $0x0  }
0xa4: {  	s25 =	simm.s32 $0x1B8E;
	s24 =	sld [smem:$0x3FFE];
	[sflag:s23] =	ssyncadd.s32 $0xFFFFFFFF  }
0xa5: {  	s26 =	simm.s32 $execute0_lowered;
	[smem:$0x3FD2] =	sst s25  }
0xa6: {  	s5 =	sshll.u32 s26, $0x1;
	_ =	strace $0x80000049;
	[dreg:$0x1] =	wrdreg $0xFFFFFFFF  }
0xa7: {  	s28 =	simm.s32 $_size_execute0_lowered;
	s3 =	sadd.s32 s3, s5;
	[dreg:$0x0] =	wrdreg $0x0  }
0xa8: {  	s5 =	sshll.u32 s28, $0x1;
	[dreg:$0x2] =	wrdreg s3  }
0xa9: {  	[dreg:$0x3] =	wrdreg s5  }
0xaa: {  	[dreg:$0x4] =	wrdreg $0xC0  }
0xab: {  	_ =	task [dreg:s7], $0x5FFFF  }
0xac: {  	[dreg:$0x1] =	wrdreg $0xFFFFFFFF  }
0xad: {  	[dreg:$0x0] =	wrdreg $0x60  }
0xae: {  	[dreg:$0x2] =	wrdreg s24  }
0xaf: {  	[dreg:$0x3] =	wrdreg s2  }
0xb0: {  	[dreg:$0x4] =	wrdreg $0xA8000  }
0xb1: {  	[dreg:$0x5] =	wrdreg $0x9  }
0xb2: {  	_ =	task.clear_ibuf [dreg:s7], $0x6FFFF;
	_ =	strace $0x90000049  }
0xb3: {  	s29 =	simm.s32 $0x9;
	_ =	strace $0x8000004B  }
0xb4: {  	_ =	swait.ge [sflag:s29], $0x1  }
0xb5: {  	[sflag:s29] =	ssyncadd.s32 $0xFFFFFFFF  }
0xb6: {  	_ =	strace $0x9000004B  }
0xb7: {  	_ =	sfence  }
0xb8: {  	s30 =	sld [smem:$0x0];
	_ =	sdelay $0x2  }
0xb9: {  	s31 =	sshll.u32 s1, $0xD;
	s1 =	sshrl.u32 s1, $0x2  }
0xba: {  	s3 =	sand.u32 $0x4000, s31;
	s1 =	sadd.s32 s1, s30  }
0xbb: {  	s0 =	sor.u32 s3, s0;
	s1 =	sshll.u32 s1, $0x11  }
0xbc: {  	s0 =	sor.u32 s1, s0  }
0xbd: {  	s0 =	sadd.s32 $0x8F2B, s0  }
0xbe: {  	[sflag:s0] =	ssyncadd.remote.s32 $0x1  }
0xbf: {  	_ =	sfence.sel $0xFFFF  }
0xc0: {  	[dreg:$0x0] =	wrdreg $0xFFFFFFFF;
	(pc) =	sbr.abs _section_cstart, $3  }
0xc1: {  	[dreg:$0x1] =	wrdreg $0xFFFFFFFF  }
0xc2: {  	_ =	task.clear_ibuf [dreg:s7], $0x2FFFF;
	_ =	strace $0x9FFFFFFF  }
0xc3: {  	(tm) =	ssettm $0x7FFFFFFF  }
tec
execute0_lowered:
.L_overlay_start_1:
0x0: {  	(tag) =	ssettag $0x1  }
0x1: {  	s6 =	rddreg [dreg:$0x0]  }
0x2: {  	s10 =	rddreg [dreg:$0x1]  }
0x3: {  	s1 =	rddreg [dreg:$0x2]  }
0x4: {  	s2 =	srdreg.scid;
	s0 =	rddreg [dreg:$0x3];
	s3 =	simm.s32 $0x0  }
0x5: {  	s16 =	simm.s32 $0x80;
	s17 =	simm.s32 $0x1;
	s18 =	simm.s32 $0x2780  }
0x6: {  	s19 =	simm.s32 $0x6800;
	s7 =	sand.u32 $0x1, s2;
	s2 =	stileid.u32  }
0x7: {  	s20 =	simm.s32 $0x0;
	[smem:$0x7FF] =	sst s3;
	s5 =	smul.u32 $0x140000, s7  }
0x8: {  	s4 =	sadd.s32 $0xADA00, s6;
	s9 =	sadd.s32 $0x3600, s6;
	s8 =	smul.u32 $0x14000, s2  }
0x9: {  	_ =	strace $0x8000004A;
	s11 =	sshll.u32 s7, $0x4;
	s7 =	ssub.s32 $0x2, s7  }
0xa: {  	s12 =	smul.u32 $0x50000, s2;
	s31 =	sshll.u32 s2, $0x6;
	s11 =	sor.u32 s2, s11  }
0xb: {  	s28 =	sshrl.u32 s7, $0x1;
	s8 =	sadd.s32 s8, s5;
	s5 =	sadd.s32 $0xD5A00, s6  }
0xc: {  	s29 =	smul.u32 $0x2800, s11;
	s14 =	ssub.s32 s7, s28;
	s30 =	sshrl.u32 s12, $0x2  }
0xd: {  	s8 =	sshrl.u32 s8, $0x3;
	s15 =	sadd.s32 s30, s1;
	s12 =	smax.u32 s14, $0x1  }
0xe: {  	s14 =	simm.s32 $0x2;
	s13 =	sadd.s32 s8, s6;
	s11 =	sshrl.u32 s29, $0x3  }
0xf: {  	s7 =	sadd.s32 s9, s11;
	s8 =	sadd.s32 s10, s11;
	s11 =	sadd.s32 $0x280, s11  }
0x10: {  	s6 =	sor.u32 $0x1C02, s31;
	s9 =	sadd.s32 s9, s11;
	s10 =	sadd.s32 s10, s11  }
0x11: {  	s11 =	sadd.s32 $0xD8200, s13;
	s13 =	sshrl.u32 s15, $0x3;
	s15 =	simm.s32 $0x2800  }
.LBB2_1:
0x12: {  	[spmem:s13], [sflag:s6] =	dma.local [hbm:s5], $0x2800  }
0x13: {  	_ =	swait.ge [sflag:s14], $0x2800  }
0x14: {  	[sflag:s14] =	ssyncset.done $0x0  }
0x15: {  	[sflag:s14] =	ssyncadd.s32 $0xFFFFD800  }
0x16: {  	[bflag:$0x0] =	sbarrier.arrive $0xFFFF  }
0x17: {  	[tilespmem:s3], [sflag:$0x2] =	stream.linear.gather [hbm4b:s7+s3], $0x1400, $0x38;
	[tilespmem:$0x1E800] =	vst v63  }
0x18: {  	_ =	swait.ge [sflag:s14], $0x1400  }
0x19: {  	[sflag:s14] =	ssyncset.done $0x0  }
0x1a: {  	s22 =	simm.s32 $0x1400;
	[sflag:s14] =	ssyncadd.s32 $0xFFFFEC00  }
0x1b: {  	[tilespmem:s22], [sflag:$0x2] =	stream.linear.gather [hbm4b:s8+s3], $0x1400, $0x38;
	[tilespmem:$0x1E800] =	vst v63  }
0x1c: {  	s21 =	simm.s32 $0x10000;
	_ =	swait.ge [sflag:s14], $0x1400  }
0x1d: {  	s21 =	sand.u32 $0x10000, s21;
	[sflag:s14] =	ssyncset.done $0x0  }
0x1e: {  	s21 =	sshrl.u32 s21, $0x2;
	[sflag:s14] =	ssyncadd.s32 $0xFFFFEC00  }
0x1f: {  	[tilespmem:s15], [sflag:$0x1] =	stream.indirect.gather [hbm4b:s4+s16], $0x80, s3, s16, $0xb8;
	[tilespmem:$0x1E800] =	vst v63  }
0x20: {  	s23 =	simm.s32 $0x0;
	s21 =	sor.u32 $0x2800, s21  }
0x21: {  	[tilespmem:s21], [sflag:$0x1] =	stream.indirect.gather [hbm4b:s4+s16], $0x80, s16, s16, $0xb8;
	[tilespmem:$0x1E800] =	vst v63  }
0x22: {  	s23 =	sand.u32 $0x10000, s23;
	_ =	swait.ge [sflag:s17], $0x4000  }
0x23: {  	s23 =	sshrl.u32 s23, $0x2;
	s21 =	simm.s32 $0x20000;
	[sflag:s17] =	ssyncset.done $0x0  }
0x24: {  	s23 =	sor.u32 $0x2800, s23;
	s31 =	sand.u32 $0x10000, s21;
	[sflag:s17] =	ssyncadd.s32 $0xFFFFC000  }
0x25: {  	[spmem:s1] =	stream.indirect.scatter.add.f32 [tilespmem:s23], [sflag:$0x2], $0x80, s22, s16, $0xb8;
	[tilespmem:$0x1E800] =	vst v63  }
0x26: {  	s24 =	simm.s32 $0x30000;
	s25 =	sshrl.u32 s31, $0x2;
	_ =	swait.ge [sflag:s14], $0x4000  }
0x27: {  	s23 =	simm.s32 $0x100;
	s22 =	simm.s32 $0x1480;
	[sflag:s14] =	ssyncset.done $0x0  }
.LBB2_2:
0x28: {  	s25 =	sor.u32 $0x2800, s25;
	s26 =	sadd.s32 $0xFFFF0000, s21  }
0x29: {  	[sflag:s14] =	ssyncadd.s32 $0xFFFFC000;
	s21 =	smov.u32 s24;
	s28 =	sadd.s32 $0x10000, s24  }
0x2a: {  	[tilespmem:s25], [sflag:$0x1] =	stream.indirect.gather [hbm4b:s4+s16], $0x80, s23, s16, $0xb8;
	[tilespmem:$0x1E800] =	vst v63  }
0x2b: {  	p0 =	sne.s32 s24, $0x270000;
	s25 =	sand.u32 $0x10000, s26;
	_ =	swait.ge [sflag:s17], $0x4000  }
.Ltmp0:
0x2c: {  	s25 =	sshrl.u32 s25, $0x2;
	[sflag:s17] =	ssyncset.done $0x0;
	(pc) =	sbr.rel @p0 .LBB2_2-.Ltmp0, $4  }
0x2d: {  	s23 =	sadd.s32 $0x80, s23;
	s24 =	sor.u32 $0x2800, s25;
	[sflag:s17] =	ssyncadd.s32 $0xFFFFC000  }
0x2e: {  	[spmem:s1] =	stream.indirect.scatter.add.f32 [tilespmem:s24], [sflag:$0x2], $0x80, s22, s16, $0xb8;
	[tilespmem:$0x1E800] =	vst v63  }
0x2f: {  	s24 =	sand.u32 $0x10000, s21;
	s22 =	sadd.s32 $0x80, s22;
	_ =	swait.ge [sflag:s14], $0x4000  }
0x30: {  	s25 =	sshrl.u32 s24, $0x2;
	s24 =	smov.u32 s28;
	[sflag:s14] =	ssyncset.done $0x0  }
0x31: {  	s24 =	sor.u32 $0x2800, s25;
	s21 =	sadd.s32 $0xFFFF0000, s21;
	[sflag:s14] =	ssyncadd.s32 $0xFFFFC000  }
0x32: {  	[tilespmem:s24], [sflag:$0x1] =	stream.indirect.gather [hbm4b:s4+s16], $0x80, s23, s16, $0xb8;
	[tilespmem:$0x1E800] =	vst v63  }
0x33: {  	s21 =	sand.u32 $0x10000, s21;
	_ =	swait.ge [sflag:s17], $0x4000  }
0x34: {  	s21 =	sshrl.u32 s21, $0x2;
	[sflag:s17] =	ssyncset.done $0x0  }
0x35: {  	s21 =	sor.u32 $0x2800, s21;
	[sflag:s17] =	ssyncadd.s32 $0xFFFFC000  }
0x36: {  	[spmem:s1] =	stream.indirect.scatter.add.f32 [tilespmem:s21], [sflag:$0x2], $0x80, s22, s16, $0xb8;
	[tilespmem:$0x1E800] =	vst v63  }
0x37: {  	_ =	swait.ge [sflag:s14], $0x4000  }
0x38: {  	[sflag:s14] =	ssyncset.done $0x0  }
0x39: {  	[sflag:s14] =	ssyncadd.s32 $0xFFFFC000  }
0x3a: {  	_ =	swait.ge [sflag:s17], $0x4000  }
0x3b: {  	[sflag:s17] =	ssyncset.done $0x0  }
0x3c: {  	s25 =	simm.s32 $0x80;
	[sflag:s17] =	ssyncadd.s32 $0xFFFFC000  }
0x3d: {  	[spmem:s1] =	stream.indirect.scatter.add.f32 [tilespmem:s19], [sflag:$0x2], $0x80, s18, s25, $0xb8;
	[tilespmem:$0x1E800] =	vst v63  }
0x3e: {  	_ =	swait.ge [sflag:s14], $0x4000  }
0x3f: {  	[sflag:s14] =	ssyncset.done $0x0  }
0x40: {  	[sflag:s14] =	ssyncadd.s32 $0xFFFFC000  }
0x41: {  	[tilespmem:s3], [sflag:$0x2] =	stream.linear.gather [hbm4b:s9+s3], $0x1400, $0x38;
	[tilespmem:$0x1E800] =	vst v63  }
0x42: {  	_ =	swait.ge [sflag:s14], $0x1400  }
0x43: {  	[sflag:s14] =	ssyncset.done $0x0  }
0x44: {  	s26 =	simm.s32 $0x1400;
	[sflag:s14] =	ssyncadd.s32 $0xFFFFEC00  }
0x45: {  	[tilespmem:s26], [sflag:$0x2] =	stream.linear.gather [hbm4b:s10+s3], $0x1400, $0x38;
	[tilespmem:$0x1E800] =	vst v63  }
0x46: {  	s28 =	simm.s32 $0x10000;
	_ =	swait.ge [sflag:s14], $0x1400  }
0x47: {  	s23 =	sand.u32 $0x10000, s28;
	[sflag:s14] =	ssyncset.done $0x0  }
0x48: {  	s23 =	sshrl.u32 s23, $0x2;
	[sflag:s14] =	ssyncadd.s32 $0xFFFFEC00  }
0x49: {  	[tilespmem:s15], [sflag:$0x1] =	stream.indirect.gather [hbm4b:s4+s25], $0x80, s3, s25, $0xb8;
	[tilespmem:$0x1E800] =	vst v63  }
0x4a: {  	s29 =	simm.s32 $0x0;
	s23 =	sor.u32 $0x2800, s23  }
0x4b: {  	[tilespmem:s23], [sflag:$0x1] =	stream.indirect.gather [hbm4b:s4+s16], $0x80, s25, s16, $0xb8;
	[tilespmem:$0x1E800] =	vst v63  }
0x4c: {  	s30 =	sand.u32 $0x10000, s29;
	_ =	swait.ge [sflag:s17], $0x4000  }
0x4d: {  	s24 =	simm.s32 $0x30000;
	s23 =	sshrl.u32 s30, $0x2;
	[sflag:s17] =	ssyncset.done $0x0  }
0x4e: {  	s21 =	simm.s32 $0x20000;
	s23 =	sor.u32 $0x2800, s23;
	[sflag:s17] =	ssyncadd.s32 $0xFFFFC000  }
0x4f: {  	[spmem:s1] =	stream.indirect.scatter.add.f32 [tilespmem:s23], [sflag:$0x2], $0x80, s26, s16, $0xb8;
	[tilespmem:$0x1E800] =	vst v63  }
0x50: {  	s22 =	simm.s32 $0x1480;
	s31 =	sand.u32 $0x10000, s21;
	_ =	swait.ge [sflag:s14], $0x4000  }
0x51: {  	s25 =	sshrl.u32 s31, $0x2;
	s23 =	simm.s32 $0x100;
	[sflag:s14] =	ssyncset.done $0x0  }
.LBB2_4:
0x52: {  	s25 =	sor.u32 $0x2800, s25;
	s26 =	sadd.s32 $0xFFFF0000, s21  }
0x53: {  	[sflag:s14] =	ssyncadd.s32 $0xFFFFC000;
	s21 =	smov.u32 s24;
	s28 =	sadd.s32 $0x10000, s24  }
0x54: {  	[tilespmem:s25], [sflag:$0x1] =	stream.indirect.gather [hbm4b:s4+s16], $0x80, s23, s16, $0xb8;
	[tilespmem:$0x1E800] =	vst v63  }
0x55: {  	p0 =	sne.s32 s24, $0x270000;
	s25 =	sand.u32 $0x10000, s26;
	_ =	swait.ge [sflag:s17], $0x4000  }
.Ltmp1:
0x56: {  	s25 =	sshrl.u32 s25, $0x2;
	[sflag:s17] =	ssyncset.done $0x0;
	(pc) =	sbr.rel @p0 .LBB2_4-.Ltmp1, $4  }
0x57: {  	s23 =	sadd.s32 $0x80, s23;
	s24 =	sor.u32 $0x2800, s25;
	[sflag:s17] =	ssyncadd.s32 $0xFFFFC000  }
0x58: {  	[spmem:s1] =	stream.indirect.scatter.add.f32 [tilespmem:s24], [sflag:$0x2], $0x80, s22, s16, $0xb8;
	[tilespmem:$0x1E800] =	vst v63  }
0x59: {  	s24 =	sand.u32 $0x10000, s21;
	s22 =	sadd.s32 $0x80, s22;
	_ =	swait.ge [sflag:s14], $0x4000  }
0x5a: {  	s25 =	sshrl.u32 s24, $0x2;
	s24 =	smov.u32 s28;
	[sflag:s14] =	ssyncset.done $0x0  }
0x5b: {  	s24 =	sor.u32 $0x2800, s25;
	s21 =	sadd.s32 $0xFFFF0000, s21;
	[sflag:s14] =	ssyncadd.s32 $0xFFFFC000  }
0x5c: {  	[tilespmem:s24], [sflag:$0x1] =	stream.indirect.gather [hbm4b:s4+s16], $0x80, s23, s16, $0xb8;
	[tilespmem:$0x1E800] =	vst v63  }
0x5d: {  	s21 =	sand.u32 $0x10000, s21;
	_ =	swait.ge [sflag:s17], $0x4000  }
0x5e: {  	s21 =	sshrl.u32 s21, $0x2;
	[sflag:s17] =	ssyncset.done $0x0  }
0x5f: {  	s21 =	sor.u32 $0x2800, s21;
	[sflag:s17] =	ssyncadd.s32 $0xFFFFC000  }
0x60: {  	[spmem:s1] =	stream.indirect.scatter.add.f32 [tilespmem:s21], [sflag:$0x2], $0x80, s22, s16, $0xb8;
	[tilespmem:$0x1E800] =	vst v63  }
0x61: {  	_ =	swait.ge [sflag:s14], $0x4000  }
0x62: {  	[sflag:s14] =	ssyncset.done $0x0  }
0x63: {  	[sflag:s14] =	ssyncadd.s32 $0xFFFFC000  }
0x64: {  	_ =	swait.ge [sflag:s17], $0x4000  }
0x65: {  	[sflag:s17] =	ssyncset.done $0x0  }
0x66: {  	[sflag:s17] =	ssyncadd.s32 $0xFFFFC000  }
0x67: {  	[spmem:s1] =	stream.indirect.scatter.add.f32 [tilespmem:s19], [sflag:$0x2], $0x80, s18, s16, $0xb8;
	[tilespmem:$0x1E800] =	vst v63  }
0x68: {  	_ =	swait.ge [sflag:s14], $0x4000  }
0x69: {  	s20 =	sadd.s32 $0x1, s20;
	[sflag:s14] =	ssyncset.done $0x0  }
0x6a: {  	p0 =	sne.s32 s20, s12;
	[sflag:s14] =	ssyncadd.s32 $0xFFFFC000  }
.Ltmp2:
0x6b: {  	[bflag:$0x0] =	sbarrier.arrive $0xFFFF;
	(pc) =	sbr.rel @p0 .LBB2_1-.Ltmp2, $4  }
0x6c: {  	[hbm:s11], [sflag:s6] =	dma.local [spmem:s13], $0x2800  }
0x6d: {  	_ =	swait.ge [sflag:s14], $0x2800  }
0x6e: {  	[sflag:s14] =	ssyncset.done $0x0  }
0x6f: {  	[sflag:s14] =	ssyncadd.s32 $0xFFFFD800  }
0x70: {  	_ =	sfence.sel $0x180000  }
0x71: {  	[bflag:$0x0] =	sbarrier.arrive $0xFFFF  }
0x72: {  	p0 =	sne.s32 s2, $0x0;
	_ =	strace $0x9000004A  }
0x73: {  	s0 =	sadd.s32 @!p0 $0x100000, s0;
	[bflag:$0x2] =	sbarrier.arrive $0xFFFF  }
0x74: {  	[sflag:s0] =	ssyncadd.tile.s32 @!p0 $0x1;
	_ =	shalt  }
.Lfunc_end2:
_tile_overlayer_lowered:
.L_overlay_start_2:
0x75: {  	(tag) =	ssettag $0x2  }
0x76: {  	s0 =	rddreg [dreg:$0x0];
	s2 =	stileid.u32  }
0x77: {  	s1 =	rddreg [dreg:$0x1];
	p0 =	sne.s32 s2, $0x0  }
0x78: {  	s3 =	rddreg [dreg:$0x2];
	[bflag:$0x3] =	sbarrier.arrive $0xFFFF;
	s2 =	simm.s32 @!p0 $0x1C02  }
0x79: {  	[timem:s3], [sflag:s2] =	dma.local @!p0 [hbm:s0], s1  }
0x7a: {  	s0 =	simm.s32 @!p0 $0x2  }
0x7b: {  	_ =	swait.ge @!p0 [sflag:s0], s1  }
0x7c: {  	s1 =	ssub.s32 @!p0 $0x0, s1;
	[sflag:s0] =	ssyncset.done @!p0 $0x0  }
0x7d: {  	[sflag:s0] =	ssyncadd.s32 @!p0 s1  }
0x7e: {  	[bflag:$0x3] =	sbarrier.arrive $0xFFFF  }
0x7f: {  	_ =	shalt  }

// kernel: kernel.18.cloned.1.call-start
scs
__scs_entry_jumppad:
0x0: {  	(pc) =	sbr.rel $0x88, $3  }
0x1: {  	(tag) =	ssettag $0x0;
	lr =	simm.s32 $0x1  }
0x2: {  	[smem:$0x3F98] =	sst lr;
	_ =	strace $0xD0000000  }
0x3: {  	_ = 	snop  }
0x4: {  	_ = 	snop  }
0x5: {  	_ = 	snop  }
0x6: {  	_ = 	snop  }
0x7: {  	_ = 	snop  }
__scs_overlays_trampoline_lowered:
0x8: {  	[smem:$0x3FA7] =	sst s0  }
0x9: {  	[smem:$0x3FA8] =	sst s1  }
0xa: {  	[smem:$0x3FA9] =	sst s2  }
0xb: {  	[smem:$0x3FAA] =	sst s3  }
0xc: {  	[smem:$0x3FAB] =	sst s4  }
0xd: {  	[smem:$0x3FAC] =	sst s5  }
0xe: {  	[smem:$0x3FAD] =	sst s6  }
0xf: {  	[smem:$0x3FAE] =	sst s7  }
0x10: {  	[smem:$0x3FAF] =	sst s8  }
0x11: {  	[smem:$0x3FB0] =	sst s9;
	s0 =	simm.s32 @!p0 $0x0  }
0x12: {  	s1 =	sld [smem:$0x3F96];
	s0 =	simm.s32 @p0 $0x1  }
0x13: {  	[smem:$0x3FB1] =	sst s0;
	s0 =	simm.s32 @!p1 $0x0  }
0x14: {  	s2 =	sld [smem:$0x3F95];
	s0 =	simm.s32 @p1 $0x1  }
0x15: {  	[smem:$0x3FB2] =	sst s0;
	s0 =	simm.s32 @!p2 $0x0  }
0x16: {  	s3 =	sld [smem:$0x3FDB];
	s0 =	simm.s32 @p2 $0x1  }
0x17: {  	s4 =	simm.s32 $0x1BF5;
	[smem:$0x3FB4] =	sst s0  }
0x18: {  	s0 =	sld [smem:$0x3F97];
	_ =	swait.ge [sflag:s4], $0x0  }
0x19: {  	s7 =	sld [smem:$0x3F98]  }
0x1a: {  	s8 =	sadd.s32 $0xFFFFE003, lr  }
0x1b: {  	s9 =	sadd.s32 $0xFFFFFEF7, lr;
	s5 =	simm.s32 $0xFFFFFFFF;
	p2 =	slt.u32 s8, $0xFFFFF086  }
0x1c: {  	p1 =	slt.u32 s9, $0xF7A;
	s5 =	simm.s32 @!p2 $0x0  }
0x1d: {  	s5 =	simm.s32 @p1 $0x1;
	p0 =	seq.s32 s7, s2  }
0x1e: {  	s7 =	smul.u32 @!p0 $0xF7A, s2;
	p2 =	seq.s32 @!p0 s5, $0x0  }
0x1f: {  	s9 =	smul.u32 $0xF7A, s1;
	s8 =	simm.s32 @!p0 $0x1BF5;
	p2 =	por !p2, p0  }
0x20: {  	[sflag:s8] =	ssyncset.s32 @!p0 $0xFFFFF086;
	s6 =	sadd.s32 @!p0 s3, s7;
	s7 =	simm.s32 @!p0 $0x108  }
0x21: {  	s3 =	sadd.s32 s3, s9;
	s6 =	sadd.s32 @!p0 $0x88, s6;
	s7 =	simm.s32 @p2 $0x1082  }
0x22: {  	[simem:s7], [sflag:s8] =	dma.local @!p0 [hbm:s6], $0xF7A  }
0x23: {  	s9 =	sor.u32 $0xD0000000, s2;
	s6 =	simm.s32 $0x108;
	_ =	swait.ge @!p0 [sflag:s8], $0x0  }
0x24: {  	s3 =	sadd.s32 $0x88, s3;
	s6 =	simm.s32 @!p1 $0x1082;
	[sflag:s4] =	ssyncset.s32 $0xFFFFF086  }
0x25: {  	[simem:s6], [sflag:s4] =	dma.local [hbm:s3], $0xF7A  }
0x26: {  	[smem:$0x3F98] =	sst s1;
	(tag) =	ssettag s2;
	_ =	strace s9  }
0x27: {  	s1 =	sld [smem:$0x3FA8]  }
0x28: {  	s2 =	sld [smem:$0x3FA9]  }
0x29: {  	s4 =	sld [smem:$0x3FAB]  }
0x2a: {  	p0 =	seq.s32 s5, $0x0;
	s5 =	sld [smem:$0x3FAC]  }
0x2b: {  	s6 =	sld [smem:$0x3FAD]  }
0x2c: {  	s7 =	sld [smem:$0x3FAE]  }
0x2d: {  	s3 =	simm.s32 $0x108;
	s8 =	sld [smem:$0x3FAF]  }
0x2e: {  	s3 =	simm.s32 @!p0 $0x1082;
	s9 =	sld [smem:$0x3FB0]  }
0x2f: {  	lr =	sadd.s32 s0, s3;
	s0 =	sld [smem:$0x3FA7]  }
0x30: {  	s3 =	sld [smem:$0x3FAA]  }
0x31: {  	[smem:$0x3FB3] =	sst s10  }
0x32: {  	s10 =	sld [smem:$0x3FB1];
	_ =	sdelay $0x3  }
0x33: {  	p0 =	seq.s32 s10, $0x1;
	s10 =	sld [smem:$0x3FB3];
	_ =	sdelay $0x3  }
0x34: {  	[smem:$0x3FB3] =	sst s10  }
0x35: {  	s10 =	sld [smem:$0x3FB2];
	_ =	sdelay $0x3  }
0x36: {  	p1 =	seq.s32 s10, $0x1;
	s10 =	sld [smem:$0x3FB3];
	_ =	sdelay $0x3  }
0x37: {  	[smem:$0x3FB3] =	sst s10  }
0x38: {  	s10 =	sld [smem:$0x3FB4]  }
0x39: {  	_ = 	snop;
	(pc) =	sbr.ind lr, $3  }
0x3a: {  	_ = 	snop  }
0x3b: {  	_ = 	snop  }
0x3c: {  	p2 =	seq.s32 s10, $0x1;
	s10 =	sld [smem:$0x3FB3]  }
0x3d: {  	_ =	shalt  }
0x3e: {  	_ =	shalt  }
0x3f: {  	_ =	shalt  }
0x40: {  	_ =	shalt  }
0x41: {  	_ =	shalt  }
0x42: {  	_ =	shalt  }
0x43: {  	_ =	shalt  }
0x44: {  	_ =	shalt  }
0x45: {  	_ =	shalt  }
0x46: {  	_ =	shalt  }
0x47: {  	_ =	shalt  }
0x48: {  	_ =	shalt  }
0x49: {  	_ =	shalt  }
0x4a: {  	_ =	shalt  }
0x4b: {  	_ =	shalt  }
0x4c: {  	_ =	shalt  }
0x4d: {  	_ =	shalt  }
0x4e: {  	_ =	shalt  }
0x4f: {  	_ =	shalt  }
0x50: {  	_ =	shalt  }
0x51: {  	_ =	shalt  }
0x52: {  	_ =	shalt  }
0x53: {  	_ =	shalt  }
0x54: {  	_ =	shalt  }
0x55: {  	_ =	shalt  }
0x56: {  	_ =	shalt  }
0x57: {  	_ =	shalt  }
0x58: {  	_ =	shalt  }
0x59: {  	_ =	shalt  }
0x5a: {  	_ =	shalt  }
0x5b: {  	_ =	shalt  }
0x5c: {  	_ =	shalt  }
0x5d: {  	_ =	shalt  }
0x5e: {  	_ =	shalt  }
0x5f: {  	_ =	shalt  }
0x60: {  	_ =	shalt  }
0x61: {  	_ =	shalt  }
0x62: {  	_ =	shalt  }
0x63: {  	_ =	shalt  }
0x64: {  	_ =	shalt  }
0x65: {  	_ =	shalt  }
0x66: {  	_ =	shalt  }
0x67: {  	_ =	shalt  }
0x68: {  	_ =	shalt  }
0x69: {  	_ =	shalt  }
0x6a: {  	_ =	shalt  }
0x6b: {  	_ =	shalt  }
0x6c: {  	_ =	shalt  }
0x6d: {  	_ =	shalt  }
0x6e: {  	_ =	shalt  }
0x6f: {  	_ =	shalt  }
0x70: {  	_ =	shalt  }
0x71: {  	_ =	shalt  }
0x72: {  	_ =	shalt  }
0x73: {  	_ =	shalt  }
0x74: {  	_ =	shalt  }
0x75: {  	_ =	shalt  }
0x76: {  	_ =	shalt  }
0x77: {  	_ =	shalt  }
0x78: {  	_ =	shalt  }
0x79: {  	_ =	shalt  }
0x7a: {  	_ =	shalt  }
0x7b: {  	_ =	shalt  }
0x7c: {  	_ =	shalt  }
0x7d: {  	_ =	shalt  }
0x7e: {  	_ =	shalt  }
0x7f: {  	_ =	shalt  }
0x80: {  	_ =	shalt  }
0x81: {  	_ =	shalt  }
0x82: {  	_ =	shalt  }
0x83: {  	_ =	shalt  }
0x84: {  	_ =	shalt  }
0x85: {  	_ =	shalt  }
0x86: {  	_ =	shalt  }
0x87: {  	_ =	shalt  }
.Lfunc_end0:
.L_simem_size_0:
called_computation.2_lowered:
.L_overlay_start_0:
0x88: {  	s2 =	sld [smem:$0x3FD9]  }
0x89: {  	s3 =	sld [smem:$0x3FFE];
	_ =	sdelay $0x1  }
0x8a: {  	s1 =	srdreg.scid  }
0x8b: {  	s0 =	sand.u32 $0x1, s1  }
0x8c: {  	s17 =	sshll.u32 s0, $0xA;
	s2 =	sadd.s32 s3, s2  }
0x8d: {  	s2 =	sadd.s32 s2, s17  }
0x8e: {  	[smem:$0x3FBF] =	sst s2  }
0x8f: {  	_ = 	snop  }
0x90: {  	s2 =	sld [smem:$0x3FD0];
	(tm) =	ssettm $0x1  }
0x91: {  	s18 =	sld [smem:$0x3FFB];
	_ =	sdelay $0x3  }
0x92: {  	_ =	strace s18  }
0x93: {  	s3 =	sld [smem:$0x3FFC];
	_ =	sdelay $0x3  }
0x94: {  	_ =	strace s3  }
0x95: {  	s3 =	sld [smem:$0x3FFD];
	_ =	sdelay $0x3  }
0x96: {  	_ =	strace s3  }
0x97: {  	_ =	strace $0x8FFFFFFF  }
0x98: {  	s19 =	sld [smem:$0x3FDB];
	_ =	sdelay $0x1  }
0x99: {  	s4 =	simm.s32 $_scs_section_size  }
0x9a: {  	s5 =	simm.s32 $_size__tile_overlayer_lowered;
	s6 =	simm.s32 $_tile_overlayer_lowered  }
0x9b: {  	s22 =	simm.s32 $0x1BFF;
	s21 =	sshll.u32 s6, $0x1;
	s3 =	sadd.s32 s4, s19  }
0x9c: {  	s7 =	simm.s32 $0x0;
	s20 =	sshll.u32 s5, $0x1;
	s5 =	sadd.s32 s21, s3  }
0x9d: {  	[timem:s7], [sflag:s22] =	dma.local [hbm:s5], s20  }
0x9e: {  	_ =	swait.ge [sflag:s22], s20  }
0x9f: {  	s4 =	ssub.s32 $0x0, s20;
	[sflag:s22] =	ssyncset.done $0x0  }
0xa0: {  	[sflag:s22] =	ssyncadd.s32 s4;
	_ =	sdelay $0x1  }
0xa1: {  	s23 =	simm.s32 $0x1B8B  }
0xa2: {  	_ =	swait.ge [sflag:s23], $0x1  }
0xa3: {  	[sflag:s23] =	ssyncset.done $0x0  }
0xa4: {  	s25 =	simm.s32 $0x1B8E;
	s24 =	sld [smem:$0x3FFE];
	[sflag:s23] =	ssyncadd.s32 $0xFFFFFFFF  }
0xa5: {  	s26 =	simm.s32 $execute0_lowered;
	[smem:$0x3FD2] =	sst s25  }
0xa6: {  	s5 =	sshll.u32 s26, $0x1;
	_ =	strace $0x8000004C;
	[dreg:$0x1] =	wrdreg $0xFFFFFFFF  }
0xa7: {  	s28 =	simm.s32 $_size_execute0_lowered;
	s3 =	sadd.s32 s3, s5;
	[dreg:$0x0] =	wrdreg $0x0  }
0xa8: {  	s5 =	sshll.u32 s28, $0x1;
	[dreg:$0x2] =	wrdreg s3  }
0xa9: {  	[dreg:$0x3] =	wrdreg s5  }
0xaa: {  	[dreg:$0x4] =	wrdreg $0xC0  }
0xab: {  	_ =	task [dreg:s7], $0x5FFFF  }
0xac: {  	[dreg:$0x1] =	wrdreg $0xFFFFFFFF  }
0xad: {  	[dreg:$0x0] =	wrdreg $0x60  }
0xae: {  	[dreg:$0x2] =	wrdreg s24  }
0xaf: {  	[dreg:$0x3] =	wrdreg s2  }
0xb0: {  	[dreg:$0x4] =	wrdreg $0xAC000  }
0xb1: {  	[dreg:$0x5] =	wrdreg $0x1EC000  }
0xb2: {  	[dreg:$0x6] =	wrdreg $0x9  }
0xb3: {  	_ =	task.clear_ibuf [dreg:s7], $0x7FFFF;
	_ =	strace $0x9000004C  }
0xb4: {  	s29 =	simm.s32 $0x9;
	_ =	strace $0x8000004E  }
0xb5: {  	_ =	swait.ge [sflag:s29], $0x1  }
0xb6: {  	[sflag:s29] =	ssyncadd.s32 $0xFFFFFFFF  }
0xb7: {  	_ =	strace $0x9000004E  }
0xb8: {  	_ =	sfence  }
0xb9: {  	s30 =	sld [smem:$0x0];
	_ =	sdelay $0x2  }
0xba: {  	s31 =	sshll.u32 s1, $0xD;
	s1 =	sshrl.u32 s1, $0x2  }
0xbb: {  	s3 =	sand.u32 $0x4000, s31;
	s1 =	sadd.s32 s1, s30  }
0xbc: {  	s0 =	sor.u32 s3, s0;
	s1 =	sshll.u32 s1, $0x11  }
0xbd: {  	s0 =	sor.u32 s1, s0  }
0xbe: {  	s0 =	sadd.s32 $0x8F2B, s0  }
0xbf: {  	[sflag:s0] =	ssyncadd.remote.s32 $0x1  }
0xc0: {  	_ =	sfence.sel $0xFFFF  }
0xc1: {  	[dreg:$0x0] =	wrdreg $0xFFFFFFFF;
	(pc) =	sbr.abs _section_cstart, $3  }
0xc2: {  	[dreg:$0x1] =	wrdreg $0xFFFFFFFF  }
0xc3: {  	_ =	task.clear_ibuf [dreg:s7], $0x2FFFF;
	_ =	strace $0x9FFFFFFF  }
0xc4: {  	(tm) =	ssettm $0x7FFFFFFF  }
0xc5: {  	_ =	shalt  }
tec
execute0_lowered:
.L_overlay_start_1:
0x0: {  	(tag) =	ssettag $0x1  }
0x1: {  	s0 =	rddreg [dreg:$0x0]  }
0x2: {  	s3 =	rddreg [dreg:$0x1]  }
0x3: {  	s1 =	rddreg [dreg:$0x2]  }
0x4: {  	s2 =	rddreg [dreg:$0x3];
	s4 =	simm.s32 $0x0  }
0x5: {  	s5 =	srdreg.scid;
	s16 =	stileid.u32;
	s28 =	simm.s32 $0x1400  }
0x6: {  	s29 =	simm.s32 $0xA800;
	s30 =	simm.s32 $0xA880;
	s31 =	simm.s32 $0x0  }
0x7: {  	[smem:$0x7FF] =	sst s4;
	s7 =	sand.u32 $0x1, s5;
	s5 =	sadd.s32 $0xADA00, s0  }
0x8: {  	s9 =	smul.u32 $0x14000, s16;
	s6 =	sadd.s32 $0xD8200, s0;
	s10 =	sadd.s32 $0x3600, s0  }
0x9: {  	s11 =	smul.u32 $0x280, s16;
	s13 =	sadd.s32 $0x128200, s0;
	s12 =	sadd.s32 $0xD5A00, s0  }
0xa: {  	s15 =	sadd.s32 $0xD800, s0;
	s20 =	sshll.u32 s16, $0x6;
	s8 =	smul.u32 $0x140000, s7  }
0xb: {  	_ =	strace $0x8000004D;
	s14 =	smul.u32 $0x2800, s7;
	[dreg:$0x5] =	wrdreg s12  }
0xc: {  	[dreg:$0x6] =	wrdreg s15;
	s17 =	sshll.u32 s7, $0x4;
	s7 =	ssub.s32 $0x2, s7  }
0xd: {  	s12 =	sor.u32 s16, s17;
	s15 =	sshrl.u32 s7, $0x1;
	s17 =	simm.s32 $0x1500  }
0xe: {  	s8 =	sadd.s32 s9, s8;
	s9 =	sadd.s32 s11, s14;
	s14 =	smul.u32 $0x50000, s16  }
0xf: {  	s12 =	smul.u32 $0x2800, s12;
	s7 =	ssub.s32 s7, s15;
	s11 =	sadd.s32 s11, s2  }
0x10: {  	s8 =	sshrl.u32 s8, $0x3;
	s9 =	sshrl.u32 s9, $0x3;
	[dreg:$0x7] =	wrdreg s11  }
0x11: {  	s26 =	smax.u32 s7, $0x1;
	s7 =	simm.s32 $0xA980;
	s8 =	sadd.s32 s8, s0  }
0x12: {  	s0 =	sadd.s32 s9, s0;
	s18 =	sshrl.u32 s14, $0x2;
	s21 =	sshrl.u32 s12, $0x3  }
0x13: {  	s9 =	sor.u32 $0x1C03, s20;
	[dreg:$0xe] =	wrdreg s26;
	s26 =	simm.s32 $0x2  }
0x14: {  	s19 =	sadd.s32 s18, s1;
	s22 =	sadd.s32 $0x280, s21;
	s12 =	sadd.s32 s10, s21  }
0x15: {  	s23 =	sadd.s32 s13, s21;
	s25 =	sadd.s32 $0x132200, s8;
	[dreg:$0x8] =	wrdreg s12  }
0x16: {  	s0 =	sadd.s32 $0xDAA00, s0;
	s18 =	simm.s32 $0x380;
	[dreg:$0xa] =	wrdreg s23  }
0x17: {  	s12 =	sadd.s32 s3, s21;
	s10 =	sadd.s32 s10, s22;
	[dreg:$0xc] =	wrdreg s25  }
0x18: {  	s14 =	sadd.s32 s3, s22;
	s24 =	sadd.s32 s13, s22;
	[dreg:$0xd] =	wrdreg s0  }
0x19: {  	s20 =	sshrl.u32 s19, $0x3;
	s21 =	simm.s32 $0x3;
	s23 =	simm.s32 $0x80  }
0x1a: {  	s0 =	simm.s32 $0xA900;
	s25 =	simm.s32 $0xAB80;
	[dreg:$0x9] =	wrdreg s10  }
0x1b: {  	s19 =	simm.s32 $0x1580;
	[dreg:$0xb] =	wrdreg s24;
	s24 =	simm.s32 $0x1  }
.LBB2_1:
0x1c: {  	s3 =	rddreg [dreg:$0x5]  }
0x1d: {  	[spmem:s20], [sflag:s9] =	dma.local [hbm:s3], $0x2800  }
0x1e: {  	_ =	swait.ge [sflag:s21], $0x2800  }
0x1f: {  	[sflag:s21] =	ssyncset.done $0x0;
	s11 =	rddreg [dreg:$0x7]  }
0x20: {  	s8 =	rddreg [dreg:$0x6];
	[sflag:s21] =	ssyncadd.s32 $0xFFFFD800;
	s3 =	sshrl.u32 s11, $0x3  }
0x21: {  	[spmem:s3], [sflag:s9] =	dma.local [hbm:s8], $0x50  }
0x22: {  	_ =	swait.ge [sflag:s21], $0x50  }
0x23: {  	[sflag:s21] =	ssyncset.done $0x0  }
0x24: {  	[sflag:s21] =	ssyncadd.s32 $0xFFFFFFB0  }
0x25: {  	[bflag:$0x0] =	sbarrier.arrive $0xFFFF  }
0x26: {  	s13 =	rddreg [dreg:$0x8]  }
0x27: {  	[tilespmem:s4], [sflag:$0x3] =	stream.linear.gather [hbm4b:s13+s4], $0x1400, $0x38;
	[tilespmem:$0x1EE80] =	vst v63  }
0x28: {  	_ =	swait.ge [sflag:s21], $0x1400  }
0x29: {  	[sflag:s21] =	ssyncset.done $0x0  }
0x2a: {  	[sflag:s21] =	ssyncadd.s32 $0xFFFFEC00  }
0x2b: {  	[tilespmem:s28], [sflag:$0x3] =	stream.linear.gather [hbm4b:s12+s4], $0x1400, $0x38;
	[tilespmem:$0x1EE80] =	vst v63  }
0x2c: {  	s16 =	simm.s32 $0x10000;
	_ =	swait.ge [sflag:s21], $0x1400  }
0x2d: {  	s15 =	simm.s32 $0x2800;
	s8 =	sand.u32 $0x10000, s16;
	[sflag:s21] =	ssyncset.done $0x0  }
0x2e: {  	s10 =	simm.s32 $0x0;
	s8 =	sshrl.u32 s8, $0x2;
	[sflag:s21] =	ssyncadd.s32 $0xFFFFEC00  }
0x2f: {  	[tilespmem:s15], [sflag:$0x1] =	stream.indirect.gather [hbm4b:s5+s23], $0x80, s4, s23, $0xb8;
	[tilespmem:$0x1EE80] =	vst v63  }
0x30: {  	s10 =	sand.u32 $0x10000, s10;
	s8 =	sor.u32 $0x2800, s8  }
0x31: {  	[tilespmem:s8], [sflag:$0x1] =	stream.indirect.gather [hbm4b:s5+s23], $0x80, s23, s23, $0xb8;
	[tilespmem:$0x1EE80] =	vst v63  }
0x32: {  	s10 =	sshrl.u32 s10, $0x2;
	_ =	swait.ge [sflag:s24], $0x4000  }
0x33: {  	s10 =	sor.u32 $0x2800, s10;
	[sflag:s24] =	ssyncset.done $0x0  }
0x34: {  	s11 =	simm.s32 $0x100;
	s8 =	simm.s32 $0x20000;
	[sflag:s24] =	ssyncadd.s32 $0xFFFFC000  }
0x35: {  	[spmem:s1] =	stream.indirect.scatter.add.f32 [tilespmem:s10], [sflag:$0x3], $0x80, s28, s23, $0xb8;
	[tilespmem:$0x1EE80] =	vst v63  }
0x36: {  	s13 =	simm.s32 $0x30000;
	s22 =	sand.u32 $0x10000, s8;
	_ =	swait.ge [sflag:s21], $0x4000  }
0x37: {  	s22 =	sshrl.u32 s22, $0x2;
	s10 =	simm.s32 $0x1480;
	[sflag:s21] =	ssyncset.done $0x0  }
.LBB2_2:
0x38: {  	s22 =	sor.u32 $0x2800, s22;
	s15 =	sadd.s32 $0xFFFF0000, s8  }
0x39: {  	[sflag:s21] =	ssyncadd.s32 $0xFFFFC000;
	s8 =	smov.u32 s13;
	s16 =	sadd.s32 $0x10000, s13  }
0x3a: {  	[tilespmem:s22], [sflag:$0x1] =	stream.indirect.gather [hbm4b:s5+s23], $0x80, s11, s23, $0xb8;
	[tilespmem:$0x1EE80] =	vst v63  }
0x3b: {  	p0 =	sne.s32 s13, $0x270000;
	s15 =	sand.u32 $0x10000, s15;
	_ =	swait.ge [sflag:s24], $0x4000  }
.Ltmp0:
0x3c: {  	s15 =	sshrl.u32 s15, $0x2;
	[sflag:s24] =	ssyncset.done $0x0;
	(pc) =	sbr.rel @p0 .LBB2_2-.Ltmp0, $4  }
0x3d: {  	s11 =	sadd.s32 $0x80, s11;
	s13 =	sor.u32 $0x2800, s15;
	[sflag:s24] =	ssyncadd.s32 $0xFFFFC000  }
0x3e: {  	[spmem:s1] =	stream.indirect.scatter.add.f32 [tilespmem:s13], [sflag:$0x3], $0x80, s10, s23, $0xb8;
	[tilespmem:$0x1EE80] =	vst v63  }
0x3f: {  	s13 =	sand.u32 $0x10000, s8;
	s10 =	sadd.s32 $0x80, s10;
	_ =	swait.ge [sflag:s21], $0x4000  }
0x40: {  	s22 =	sshrl.u32 s13, $0x2;
	s13 =	smov.u32 s16;
	[sflag:s21] =	ssyncset.done $0x0  }
0x41: {  	s13 =	sor.u32 $0x2800, s22;
	s8 =	sadd.s32 $0xFFFF0000, s8;
	[sflag:s21] =	ssyncadd.s32 $0xFFFFC000  }
0x42: {  	[tilespmem:s13], [sflag:$0x1] =	stream.indirect.gather [hbm4b:s5+s23], $0x80, s11, s23, $0xb8;
	[tilespmem:$0x1EE80] =	vst v63  }
0x43: {  	s8 =	sand.u32 $0x10000, s8;
	_ =	swait.ge [sflag:s24], $0x4000  }
0x44: {  	s8 =	sshrl.u32 s8, $0x2;
	[sflag:s24] =	ssyncset.done $0x0  }
0x45: {  	s8 =	sor.u32 $0x2800, s8;
	[sflag:s24] =	ssyncadd.s32 $0xFFFFC000  }
0x46: {  	[spmem:s1] =	stream.indirect.scatter.add.f32 [tilespmem:s8], [sflag:$0x3], $0x80, s10, s23, $0xb8;
	[tilespmem:$0x1EE80] =	vst v63  }
0x47: {  	_ =	swait.ge [sflag:s21], $0x4000  }
0x48: {  	[sflag:s21] =	ssyncset.done $0x0  }
0x49: {  	[sflag:s21] =	ssyncadd.s32 $0xFFFFC000  }
0x4a: {  	_ =	swait.ge [sflag:s24], $0x4000  }
0x4b: {  	s15 =	simm.s32 $0x6800;
	[sflag:s24] =	ssyncset.done $0x0  }
0x4c: {  	s13 =	simm.s32 $0x2780;
	s8 =	simm.s32 $0x80;
	[sflag:s24] =	ssyncadd.s32 $0xFFFFC000  }
0x4d: {  	[spmem:s1] =	stream.indirect.scatter.add.f32 [tilespmem:s15], [sflag:$0x3], $0x80, s13, s8, $0xb8;
	[tilespmem:$0x1EE80] =	vst v63  }
0x4e: {  	_ =	swait.ge [sflag:s21], $0x4000  }
0x4f: {  	[sflag:s21] =	ssyncset.done $0x0  }
0x50: {  	s16 =	rddreg [dreg:$0x9];
	[sflag:s21] =	ssyncadd.s32 $0xFFFFC000  }
0x51: {  	[tilespmem:s4], [sflag:$0x3] =	stream.linear.gather [hbm4b:s16+s4], $0x1400, $0x38;
	[tilespmem:$0x1EE80] =	vst v63  }
0x52: {  	_ =	swait.ge [sflag:s21], $0x1400  }
0x53: {  	[sflag:s21] =	ssyncset.done $0x0  }
0x54: {  	s10 =	simm.s32 $0x1400;
	[sflag:s21] =	ssyncadd.s32 $0xFFFFEC00  }
0x55: {  	[tilespmem:s10], [sflag:$0x3] =	stream.linear.gather [hbm4b:s14+s4], $0x1400, $0x38;
	[tilespmem:$0x1EE80] =	vst v63  }
0x56: {  	s13 =	simm.s32 $0x10000;
	_ =	swait.ge [sflag:s21], $0x1400  }
0x57: {  	s11 =	sand.u32 $0x10000, s13;
	[sflag:s21] =	ssyncset.done $0x0  }
0x58: {  	s22 =	simm.s32 $0x2800;
	s11 =	sshrl.u32 s11, $0x2;
	[sflag:s21] =	ssyncadd.s32 $0xFFFFEC00  }
0x59: {  	[tilespmem:s22], [sflag:$0x1] =	stream.indirect.gather [hbm4b:s5+s8], $0x80, s4, s8, $0xb8;
	[tilespmem:$0x1EE80] =	vst v63  }
0x5a: {  	s15 =	simm.s32 $0x0;
	s11 =	sor.u32 $0x2800, s11  }
0x5b: {  	[tilespmem:s11], [sflag:$0x1] =	stream.indirect.gather [hbm4b:s5+s23], $0x80, s8, s23, $0xb8;
	[tilespmem:$0x1EE80] =	vst v63  }
0x5c: {  	s16 =	sand.u32 $0x10000, s15;
	_ =	swait.ge [sflag:s24], $0x4000  }
0x5d: {  	s8 =	simm.s32 $0x20000;
	s11 =	sshrl.u32 s16, $0x2;
	[sflag:s24] =	ssyncset.done $0x0  }
0x5e: {  	s11 =	sor.u32 $0x2800, s11;
	s22 =	sand.u32 $0x10000, s8;
	[sflag:s24] =	ssyncadd.s32 $0xFFFFC000  }
0x5f: {  	[spmem:s1] =	stream.indirect.scatter.add.f32 [tilespmem:s11], [sflag:$0x3], $0x80, s10, s23, $0xb8;
	[tilespmem:$0x1EE80] =	vst v63  }
0x60: {  	s13 =	simm.s32 $0x30000;
	s22 =	sshrl.u32 s22, $0x2;
	_ =	swait.ge [sflag:s21], $0x4000  }
0x61: {  	s11 =	simm.s32 $0x100;
	s10 =	simm.s32 $0x1480;
	[sflag:s21] =	ssyncset.done $0x0  }
.LBB2_4:
0x62: {  	s15 =	sor.u32 $0x2800, s22;
	s16 =	sadd.s32 $0xFFFF0000, s8  }
0x63: {  	[sflag:s21] =	ssyncadd.s32 $0xFFFFC000;
	s8 =	smov.u32 s13;
	p0 =	sne.s32 s13, $0x270000  }
0x64: {  	[tilespmem:s15], [sflag:$0x1] =	stream.indirect.gather [hbm4b:s5+s23], $0x80, s11, s23, $0xb8;
	[tilespmem:$0x1EE80] =	vst v63  }
0x65: {  	s15 =	sadd.s32 $0x10000, s13;
	s16 =	sand.u32 $0x10000, s16;
	_ =	swait.ge [sflag:s24], $0x4000  }
.Ltmp1:
0x66: {  	s16 =	sshrl.u32 s16, $0x2;
	[sflag:s24] =	ssyncset.done $0x0;
	(pc) =	sbr.rel @p0 .LBB2_4-.Ltmp1, $4  }
0x67: {  	s11 =	sadd.s32 $0x80, s11;
	s13 =	sor.u32 $0x2800, s16;
	[sflag:s24] =	ssyncadd.s32 $0xFFFFC000  }
0x68: {  	[spmem:s1] =	stream.indirect.scatter.add.f32 [tilespmem:s13], [sflag:$0x3], $0x80, s10, s23, $0xb8;
	[tilespmem:$0x1EE80] =	vst v63  }
0x69: {  	s13 =	sand.u32 $0x10000, s8;
	s10 =	sadd.s32 $0x80, s10;
	_ =	swait.ge [sflag:s21], $0x4000  }
0x6a: {  	s22 =	sshrl.u32 s13, $0x2;
	s13 =	smov.u32 s15;
	[sflag:s21] =	ssyncset.done $0x0  }
0x6b: {  	s13 =	sor.u32 $0x2800, s22;
	s8 =	sadd.s32 $0xFFFF0000, s8;
	[sflag:s21] =	ssyncadd.s32 $0xFFFFC000  }
0x6c: {  	[tilespmem:s13], [sflag:$0x1] =	stream.indirect.gather [hbm4b:s5+s23], $0x80, s11, s23, $0xb8;
	[tilespmem:$0x1EE80] =	vst v63  }
0x6d: {  	s8 =	sand.u32 $0x10000, s8;
	_ =	swait.ge [sflag:s24], $0x4000  }
0x6e: {  	s8 =	sshrl.u32 s8, $0x2;
	[sflag:s24] =	ssyncset.done $0x0  }
0x6f: {  	s8 =	sor.u32 $0x2800, s8;
	[sflag:s24] =	ssyncadd.s32 $0xFFFFC000  }
0x70: {  	[spmem:s1] =	stream.indirect.scatter.add.f32 [tilespmem:s8], [sflag:$0x3], $0x80, s10, s23, $0xb8;
	[tilespmem:$0x1EE80] =	vst v63  }
0x71: {  	_ =	swait.ge [sflag:s21], $0x4000  }
0x72: {  	[sflag:s21] =	ssyncset.done $0x0  }
0x73: {  	[sflag:s21] =	ssyncadd.s32 $0xFFFFC000  }
0x74: {  	_ =	swait.ge [sflag:s24], $0x4000  }
0x75: {  	[sflag:s24] =	ssyncset.done $0x0  }
0x76: {  	s15 =	simm.s32 $0x6800;
	s13 =	simm.s32 $0x2780;
	[sflag:s24] =	ssyncadd.s32 $0xFFFFC000  }
0x77: {  	[spmem:s1] =	stream.indirect.scatter.add.f32 [tilespmem:s15], [sflag:$0x3], $0x80, s13, s23, $0xb8;
	[tilespmem:$0x1EE80] =	vst v63  }
0x78: {  	_ =	swait.ge [sflag:s21], $0x4000  }
0x79: {  	[sflag:s21] =	ssyncset.done $0x0  }
0x7a: {  	s16 =	simm.s32 $0x0;
	s22 =	rddreg [dreg:$0xa];
	[sflag:s21] =	ssyncadd.s32 $0xFFFFC000  }
0x7b: {  	[tilespmem:s16], [sflag:$0x3] =	stream.linear.gather [hbm4b:s22+s16], $0x1400, $0x38;
	[tilespmem:$0x1EE80] =	vst v63  }
0x7c: {  	_ =	swait.ge [sflag:s21], $0x1400  }
0x7d: {  	[sflag:s21] =	ssyncset.done $0x0  }
0x7e: {  	[sflag:s21] =	ssyncadd.s32 $0xFFFFEC00  }
0x7f: {  	[tilespmem:s28], [sflag:$0x3] =	stream.linear.gather [hbm4b:s12+s16], $0x1400, $0x38;
	[tilespmem:$0x1EE80] =	vst v63  }
0x80: {  	_ =	swait.ge [sflag:s21], $0x1400  }
0x81: {  	[sflag:s21] =	ssyncset.done $0x0  }
0x82: {  	[sflag:s21] =	ssyncadd.s32 $0xFFFFEC00  }
0x83: {  	[tilespmem:s29], [sflag:$0x1] =	stream.indirect.gather [hbm4b:s6+s23], $0x1, s16, s23, $0xb8;
	[tilespmem:$0x1EE80] =	vst v63  }
0x84: {  	_ = 	snop  }
0x85: {  	[tilespmem:s30], [sflag:$0x1] =	stream.indirect.gather [hbm4b:s6+s23], $0x1, s23, s23, $0xb8;
	[tilespmem:$0x1EE80] =	vst v63  }
0x86: {  	s10 =	simm.s32 $0x100  }
0x87: {  	[tilespmem:s0], [sflag:$0x1] =	stream.indirect.gather [hbm4b:s6+s23], $0x1, s10, s23, $0xb8;
	[tilespmem:$0x1EE80] =	vst v63  }
0x88: {  	s11 =	simm.s32 $0x180  }
0x89: {  	[tilespmem:s7], [sflag:$0x1] =	stream.indirect.gather [hbm4b:s6+s23], $0x1, s11, s23, $0xb8;
	[tilespmem:$0x1EE80] =	vst v63  }
0x8a: {  	s13 =	simm.s32 $0x200;
	s15 =	simm.s32 $0xAA00  }
0x8b: {  	[tilespmem:s15], [sflag:$0x1] =	stream.indirect.gather [hbm4b:s6+s23], $0x1, s13, s23, $0xb8;
	[tilespmem:$0x1EE80] =	vst v63  }
0x8c: {  	_ =	swait.ge [sflag:s24], $0x80  }
0x8d: {  	[sflag:s24] =	ssyncset.done $0x0  }
0x8e: {  	[sflag:s24] =	ssyncadd.s32 $0xFFFFFF80  }
0x8f: {  	[spmem:s2] =	stream.indirect.scatter.add.f32 [tilespmem:s29], [sflag:$0x2], $0x1, s28, s23, $0xb8;
	[tilespmem:$0x1EE80] =	vst v63  }
0x90: {  	s22 =	simm.s32 $0xAA80;
	s16 =	simm.s32 $0x280  }
0x91: {  	[tilespmem:s22], [sflag:$0x1] =	stream.indirect.gather [hbm4b:s6+s23], $0x1, s16, s23, $0xb8;
	[tilespmem:$0x1EE80] =	vst v63  }
0x92: {  	_ =	swait.ge [sflag:s24], $0x80  }
0x93: {  	[sflag:s24] =	ssyncset.done $0x0  }
0x94: {  	s11 =	simm.s32 $0x1480;
	[sflag:s24] =	ssyncadd.s32 $0xFFFFFF80  }
0x95: {  	[spmem:s2] =	stream.indirect.scatter.add.f32 [tilespmem:s30], [sflag:$0x2], $0x1, s11, s23, $0xb8;
	[tilespmem:$0x1EE80] =	vst v63  }
0x96: {  	s13 =	simm.s32 $0x300;
	s15 =	simm.s32 $0xAB00  }
0x97: {  	[tilespmem:s15], [sflag:$0x1] =	stream.indirect.gather [hbm4b:s6+s23], $0x1, s13, s23, $0xb8;
	[tilespmem:$0x1EE80] =	vst v63  }
0x98: {  	_ =	swait.ge [sflag:s24], $0x80  }
0x99: {  	[sflag:s24] =	ssyncset.done $0x0  }
0x9a: {  	[sflag:s24] =	ssyncadd.s32 $0xFFFFFF80  }
0x9b: {  	[spmem:s2] =	stream.indirect.scatter.add.f32 [tilespmem:s0], [sflag:$0x2], $0x1, s17, s23, $0xb8;
	[tilespmem:$0x1EE80] =	vst v63  }
0x9c: {  	_ = 	snop  }
0x9d: {  	[tilespmem:s25], [sflag:$0x1] =	stream.indirect.gather [hbm4b:s6+s23], $0x1, s18, s23, $0xb8;
	[tilespmem:$0x1EE80] =	vst v63  }
0x9e: {  	p0 =	por $0x0, $0x0;
	_ =	swait.ge [sflag:s24], $0x80  }
0x9f: {  	s8 =	simm.s32 @!p0 $0x1000;
	[sflag:s24] =	ssyncset.done $0x0  }
0xa0: {  	s8 =	sand.u32 @!p0 $0xE00, s8;
	[sflag:s24] =	ssyncadd.s32 $0xFFFFFF80  }
0xa1: {  	[spmem:s2] =	stream.indirect.scatter.add.f32 [tilespmem:s7], [sflag:$0x2], $0x1, s19, s23, $0xb8;
	[tilespmem:$0x1EE80] =	vst v63  }
0xa2: {  	s8 =	sshrl.u32 @!p0 s8, $0x2;
	_ =	swait.ge [sflag:s26], $0x80  }
0xa3: {  	s8 =	sor.u32 @!p0 $0xA800, s8;
	s16 =	simm.s32 $0x800;
	[sflag:s26] =	ssyncset.done $0x0  }
0xa4: {  	s11 =	simm.s32 @!p0 $0x400;
	s13 =	simm.s32 @!p0 $0x80;
	[sflag:s26] =	ssyncadd.s32 $0xFFFFFF80  }
0xa5: {  	[tilespmem:s8], [sflag:$0x1] =	stream.indirect.gather @!p0 [hbm4b:s6+s13], $0x1, s11, s13, $0xb8;
	[tilespmem:$0x1EE80] =	vst v63  }
0xa6: {  	s10 =	simm.s32 $0x200;
	s22 =	sand.u32 $0xE00, s16;
	_ =	swait.ge [sflag:s24], $0x80  }
0xa7: {  	s8 =	simm.s32 $0x5;
	s11 =	sshrl.u32 s22, $0x2;
	[sflag:s24] =	ssyncset.done $0x0  }
0xa8: {  	s13 =	simm.s32 $0x1600;
	s11 =	sor.u32 $0xA800, s11;
	[sflag:s24] =	ssyncadd.s32 $0xFFFFFF80  }
.LBB2_6:
0xa9: {  	[spmem:s2] =	stream.indirect.scatter.add.f32 [tilespmem:s11], [sflag:$0x2], $0x1, s13, s23, $0xb8;
	[tilespmem:$0x1EE80] =	vst v63  }
0xaa: {  	s11 =	smov.u32 s10  }
0xab: {  	p0 =	sgt.u32 s8, $0x23;
	s8 =	sadd.s32 $0x1, s8;
	s10 =	sadd.s32 $0x200, s10  }
0xac: {  	s13 =	sadd.s32 $0x800, s11;
	s15 =	sadd.s32 @!p0 $0x1000, s11;
	s16 =	sshra.s32 @!p0 s11, $0x2  }
0xad: {  	s15 =	sand.u32 @!p0 $0xE00, s15;
	s16 =	sadd.s32 @!p0 $0x400, s16;
	_ =	swait.ge [sflag:s26], $0x80  }
0xae: {  	s22 =	simm.s32 @!p0 $0x80;
	s15 =	sshrl.u32 @!p0 s15, $0x2;
	[sflag:s26] =	ssyncset.done $0x0  }
0xaf: {  	s15 =	sor.u32 @!p0 $0xA800, s15;
	[sflag:s26] =	ssyncadd.s32 $0xFFFFFF80  }
0xb0: {  	[tilespmem:s15], [sflag:$0x1] =	stream.indirect.gather @!p0 [hbm4b:s6+s22], $0x1, s16, s22, $0xb8;
	[tilespmem:$0x1EE80] =	vst v63  }
0xb1: {  	p0 =	sne.s32 s8, $0x28  }
.Ltmp2:
0xb2: {  	_ = 	snop;
	(pc) =	sbr.rel @p0 .LBB2_6-.Ltmp2, $4  }
0xb3: {  	_ = 	snop  }
0xb4: {  	s13 =	sand.u32 $0xE00, s13;
	_ =	swait.ge [sflag:s24], $0x80  }
0xb5: {  	s13 =	sshrl.u32 s13, $0x2;
	s15 =	sshra.s32 s11, $0x2;
	[sflag:s24] =	ssyncset.done $0x0  }
0xb6: {  	s11 =	sor.u32 $0xA800, s13;
	s13 =	sadd.s32 $0x1600, s15;
	[sflag:s24] =	ssyncadd.s32 $0xFFFFFF80  }
0xb7: {  	[spmem:s2] =	stream.indirect.scatter.add.f32 [tilespmem:s11], [sflag:$0x2], $0x1, s13, s23, $0xb8;
	[tilespmem:$0x1EE80] =	vst v63  }
0xb8: {  	_ =	swait.ge [sflag:s26], $0x80  }
0xb9: {  	[sflag:s26] =	ssyncset.done $0x0  }
0xba: {  	[sflag:s26] =	ssyncadd.s32 $0xFFFFFF80  }
0xbb: {  	_ =	swait.ge [sflag:s26], $0x80  }
0xbc: {  	[sflag:s26] =	ssyncset.done $0x0  }
0xbd: {  	[sflag:s26] =	ssyncadd.s32 $0xFFFFFF80  }
0xbe: {  	_ =	swait.ge [sflag:s26], $0x80  }
0xbf: {  	[sflag:s26] =	ssyncset.done $0x0  }
0xc0: {  	[sflag:s26] =	ssyncadd.s32 $0xFFFFFF80  }
0xc1: {  	_ =	swait.ge [sflag:s26], $0x80  }
0xc2: {  	[sflag:s26] =	ssyncset.done $0x0  }
0xc3: {  	s8 =	simm.s32 $0x0;
	s10 =	rddreg [dreg:$0xb];
	[sflag:s26] =	ssyncadd.s32 $0xFFFFFF80  }
0xc4: {  	[tilespmem:s8], [sflag:$0x3] =	stream.linear.gather [hbm4b:s10+s8], $0x1400, $0x38;
	[tilespmem:$0x1EE80] =	vst v63  }
0xc5: {  	_ =	swait.ge [sflag:s21], $0x1400  }
0xc6: {  	[sflag:s21] =	ssyncset.done $0x0  }
0xc7: {  	[sflag:s21] =	ssyncadd.s32 $0xFFFFEC00  }
0xc8: {  	[tilespmem:s28], [sflag:$0x3] =	stream.linear.gather [hbm4b:s14+s8], $0x1400, $0x38;
	[tilespmem:$0x1EE80] =	vst v63  }
0xc9: {  	_ =	swait.ge [sflag:s21], $0x1400  }
0xca: {  	[sflag:s21] =	ssyncset.done $0x0  }
0xcb: {  	[sflag:s21] =	ssyncadd.s32 $0xFFFFEC00  }
0xcc: {  	[tilespmem:s29], [sflag:$0x1] =	stream.indirect.gather [hbm4b:s6+s23], $0x1, s8, s23, $0xb8;
	[tilespmem:$0x1EE80] =	vst v63  }
0xcd: {  	_ = 	snop  }
0xce: {  	[tilespmem:s30], [sflag:$0x1] =	stream.indirect.gather [hbm4b:s6+s23], $0x1, s23, s23, $0xb8;
	[tilespmem:$0x1EE80] =	vst v63  }
0xcf: {  	s10 =	simm.s32 $0x100  }
0xd0: {  	[tilespmem:s0], [sflag:$0x1] =	stream.indirect.gather [hbm4b:s6+s23], $0x1, s10, s23, $0xb8;
	[tilespmem:$0x1EE80] =	vst v63  }
0xd1: {  	s11 =	simm.s32 $0x180  }
0xd2: {  	[tilespmem:s7], [sflag:$0x1] =	stream.indirect.gather [hbm4b:s6+s23], $0x1, s11, s23, $0xb8;
	[tilespmem:$0x1EE80] =	vst v63  }
0xd3: {  	s13 =	simm.s32 $0x200;
	s15 =	simm.s32 $0xAA00  }
0xd4: {  	[tilespmem:s15], [sflag:$0x1] =	stream.indirect.gather [hbm4b:s6+s23], $0x1, s13, s23, $0xb8;
	[tilespmem:$0x1EE80] =	vst v63  }
0xd5: {  	_ =	swait.ge [sflag:s24], $0x80  }
0xd6: {  	[sflag:s24] =	ssyncset.done $0x0  }
0xd7: {  	[sflag:s24] =	ssyncadd.s32 $0xFFFFFF80  }
0xd8: {  	[spmem:s2] =	stream.indirect.scatter.add.f32 [tilespmem:s29], [sflag:$0x2], $0x1, s28, s23, $0xb8;
	[tilespmem:$0x1EE80] =	vst v63  }
0xd9: {  	s16 =	simm.s32 $0x280;
	s22 =	simm.s32 $0xAA80  }
0xda: {  	[tilespmem:s22], [sflag:$0x1] =	stream.indirect.gather [hbm4b:s6+s23], $0x1, s16, s23, $0xb8;
	[tilespmem:$0x1EE80] =	vst v63  }
0xdb: {  	_ =	swait.ge [sflag:s24], $0x80  }
0xdc: {  	[sflag:s24] =	ssyncset.done $0x0  }
0xdd: {  	s11 =	simm.s32 $0x1480;
	[sflag:s24] =	ssyncadd.s32 $0xFFFFFF80  }
0xde: {  	[spmem:s2] =	stream.indirect.scatter.add.f32 [tilespmem:s30], [sflag:$0x2], $0x1, s11, s23, $0xb8;
	[tilespmem:$0x1EE80] =	vst v63  }
0xdf: {  	s13 =	simm.s32 $0x300;
	s15 =	simm.s32 $0xAB00  }
0xe0: {  	[tilespmem:s15], [sflag:$0x1] =	stream.indirect.gather [hbm4b:s6+s23], $0x1, s13, s23, $0xb8;
	[tilespmem:$0x1EE80] =	vst v63  }
0xe1: {  	_ =	swait.ge [sflag:s24], $0x80  }
0xe2: {  	[sflag:s24] =	ssyncset.done $0x0  }
0xe3: {  	[sflag:s24] =	ssyncadd.s32 $0xFFFFFF80  }
0xe4: {  	[spmem:s2] =	stream.indirect.scatter.add.f32 [tilespmem:s0], [sflag:$0x2], $0x1, s17, s23, $0xb8;
	[tilespmem:$0x1EE80] =	vst v63  }
0xe5: {  	_ = 	snop  }
0xe6: {  	[tilespmem:s25], [sflag:$0x1] =	stream.indirect.gather [hbm4b:s6+s23], $0x1, s18, s23, $0xb8;
	[tilespmem:$0x1EE80] =	vst v63  }
0xe7: {  	p0 =	por $0x0, $0x0;
	_ =	swait.ge [sflag:s24], $0x80  }
0xe8: {  	s8 =	simm.s32 @!p0 $0x1000;
	[sflag:s24] =	ssyncset.done $0x0  }
0xe9: {  	s8 =	sand.u32 @!p0 $0xE00, s8;
	[sflag:s24] =	ssyncadd.s32 $0xFFFFFF80  }
0xea: {  	[spmem:s2] =	stream.indirect.scatter.add.f32 [tilespmem:s7], [sflag:$0x2], $0x1, s19, s23, $0xb8;
	[tilespmem:$0x1EE80] =	vst v63  }
0xeb: {  	s8 =	sshrl.u32 @!p0 s8, $0x2;
	_ =	swait.ge [sflag:s26], $0x80  }
0xec: {  	s8 =	sor.u32 @!p0 $0xA800, s8;
	s16 =	simm.s32 $0x800;
	[sflag:s26] =	ssyncset.done $0x0  }
0xed: {  	s11 =	simm.s32 @!p0 $0x400;
	s13 =	simm.s32 @!p0 $0x80;
	[sflag:s26] =	ssyncadd.s32 $0xFFFFFF80  }
0xee: {  	[tilespmem:s8], [sflag:$0x1] =	stream.indirect.gather @!p0 [hbm4b:s6+s13], $0x1, s11, s13, $0xb8;
	[tilespmem:$0x1EE80] =	vst v63  }
0xef: {  	s10 =	simm.s32 $0x200;
	s22 =	sand.u32 $0xE00, s16;
	_ =	swait.ge [sflag:s24], $0x80  }
0xf0: {  	s8 =	simm.s32 $0x5;
	s11 =	sshrl.u32 s22, $0x2;
	[sflag:s24] =	ssyncset.done $0x0  }
0xf1: {  	s13 =	simm.s32 $0x1600;
	s11 =	sor.u32 $0xA800, s11;
	[sflag:s24] =	ssyncadd.s32 $0xFFFFFF80  }
.LBB2_8:
0xf2: {  	[spmem:s2] =	stream.indirect.scatter.add.f32 [tilespmem:s11], [sflag:$0x2], $0x1, s13, s23, $0xb8;
	[tilespmem:$0x1EE80] =	vst v63  }
0xf3: {  	s11 =	smov.u32 s10  }
0xf4: {  	p0 =	sgt.u32 s8, $0x23;
	s8 =	sadd.s32 $0x1, s8;
	s10 =	sadd.s32 $0x200, s10  }
0xf5: {  	s13 =	sadd.s32 $0x800, s11;
	s15 =	sadd.s32 @!p0 $0x1000, s11;
	s16 =	sshra.s32 @!p0 s11, $0x2  }
0xf6: {  	s15 =	sand.u32 @!p0 $0xE00, s15;
	s16 =	sadd.s32 @!p0 $0x400, s16;
	_ =	swait.ge [sflag:s26], $0x80  }
0xf7: {  	s22 =	simm.s32 @!p0 $0x80;
	s15 =	sshrl.u32 @!p0 s15, $0x2;
	[sflag:s26] =	ssyncset.done $0x0  }
0xf8: {  	s15 =	sor.u32 @!p0 $0xA800, s15;
	[sflag:s26] =	ssyncadd.s32 $0xFFFFFF80  }
0xf9: {  	[tilespmem:s15], [sflag:$0x1] =	stream.indirect.gather @!p0 [hbm4b:s6+s22], $0x1, s16, s22, $0xb8;
	[tilespmem:$0x1EE80] =	vst v63  }
0xfa: {  	p0 =	sne.s32 s8, $0x28  }
.Ltmp3:
0xfb: {  	_ = 	snop;
	(pc) =	sbr.rel @p0 .LBB2_8-.Ltmp3, $4  }
0xfc: {  	_ = 	snop  }
0xfd: {  	s13 =	sand.u32 $0xE00, s13;
	_ =	swait.ge [sflag:s24], $0x80  }
0xfe: {  	s13 =	sshrl.u32 s13, $0x2;
	s15 =	sshra.s32 s11, $0x2;
	[sflag:s24] =	ssyncset.done $0x0  }
0xff: {  	s11 =	sor.u32 $0xA800, s13;
	s13 =	sadd.s32 $0x1600, s15;
	[sflag:s24] =	ssyncadd.s32 $0xFFFFFF80  }
0x100: {  	[spmem:s2] =	stream.indirect.scatter.add.f32 [tilespmem:s11], [sflag:$0x2], $0x1, s13, s23, $0xb8;
	[tilespmem:$0x1EE80] =	vst v63  }
0x101: {  	_ =	swait.ge [sflag:s26], $0x80  }
0x102: {  	[sflag:s26] =	ssyncset.done $0x0  }
0x103: {  	[sflag:s26] =	ssyncadd.s32 $0xFFFFFF80  }
0x104: {  	_ =	swait.ge [sflag:s26], $0x80  }
0x105: {  	[sflag:s26] =	ssyncset.done $0x0  }
0x106: {  	[sflag:s26] =	ssyncadd.s32 $0xFFFFFF80  }
0x107: {  	_ =	swait.ge [sflag:s26], $0x80  }
0x108: {  	[sflag:s26] =	ssyncset.done $0x0  }
0x109: {  	[sflag:s26] =	ssyncadd.s32 $0xFFFFFF80  }
0x10a: {  	_ =	swait.ge [sflag:s26], $0x80  }
0x10b: {  	[sflag:s26] =	ssyncset.done $0x0  }
0x10c: {  	[sflag:s26] =	ssyncadd.s32 $0xFFFFFF80  }
0x10d: {  	[bflag:$0x0] =	sbarrier.arrive $0xFFFF  }
0x10e: {  	s8 =	rddreg [dreg:$0xc]  }
0x10f: {  	[hbm:s8], [sflag:s9] =	dma.local [spmem:s20], $0x2800  }
0x110: {  	_ =	swait.ge [sflag:s21], $0x2800  }
0x111: {  	[sflag:s21] =	ssyncset.done $0x0  }
0x112: {  	s16 =	rddreg [dreg:$0xd];
	[sflag:s21] =	ssyncadd.s32 $0xFFFFD800  }
0x113: {  	[hbm:s16], [sflag:s9] =	dma.local [spmem:s3], $0x50  }
0x114: {  	_ =	swait.ge [sflag:s21], $0x50  }
0x115: {  	s31 =	sadd.s32 $0x1, s31;
	s22 =	rddreg [dreg:$0xe]  }
0x116: {  	p0 =	sne.s32 s31, s22  }
.Ltmp4:
0x117: {  	_ = 	snop;
	(pc) =	sbr.rel @p0 .LBB2_1-.Ltmp4, $3  }
0x118: {  	_ =	sdelay $0x1  }
0x119: {  	[sflag:s21] =	ssyncset.done $0x0  }
0x11a: {  	[sflag:s21] =	ssyncadd.s32 $0xFFFFFFB0  }
0x11b: {  	_ =	sfence.sel $0x180000  }
0x11c: {  	[bflag:$0x0] =	sbarrier.arrive $0xFFFF  }
0x11d: {  	_ =	strace $0x9000004D  }
0x11e: {  	s0 =	stileid.u32;
	[bflag:$0x2] =	sbarrier.arrive $0xFFFF  }
0x11f: {  	p0 =	sne.s32 s0, $0x0;
	s0 =	rddreg [dreg:$0x4]  }
0x120: {  	s0 =	sadd.s32 @!p0 $0x100000, s0  }
0x121: {  	[sflag:s0] =	ssyncadd.tile.s32 @!p0 $0x1;
	_ =	shalt  }
.Lfunc_end2:
_tile_overlayer_lowered:
.L_overlay_start_2:
0x122: {  	(tag) =	ssettag $0x2  }
0x123: {  	s0 =	rddreg [dreg:$0x0];
	s2 =	stileid.u32  }
0x124: {  	s1 =	rddreg [dreg:$0x1];
	p0 =	sne.s32 s2, $0x0  }
0x125: {  	s3 =	rddreg [dreg:$0x2];
	[bflag:$0x3] =	sbarrier.arrive $0xFFFF;
	s2 =	simm.s32 @!p0 $0x1C03  }
0x126: {  	[timem:s3], [sflag:s2] =	dma.local @!p0 [hbm:s0], s1  }
0x127: {  	s0 =	simm.s32 @!p0 $0x3  }
0x128: {  	_ =	swait.ge @!p0 [sflag:s0], s1  }
0x129: {  	s1 =	ssub.s32 @!p0 $0x0, s1;
	[sflag:s0] =	ssyncset.done @!p0 $0x0  }
0x12a: {  	[sflag:s0] =	ssyncadd.s32 @!p0 s1  }
0x12b: {  	[bflag:$0x3] =	sbarrier.arrive $0xFFFF  }
0x12c: {  	_ =	shalt  }

// kernel: kernel.21.cloned.1.call-start
scs
__scs_entry_jumppad:
0x0: {  	(pc) =	sbr.rel $0x88, $3  }
0x1: {  	(tag) =	ssettag $0x0;
	lr =	simm.s32 $0x1  }
0x2: {  	[smem:$0x3F98] =	sst lr;
	_ =	strace $0xD0000000  }
0x3: {  	_ = 	snop  }
0x4: {  	_ = 	snop  }
0x5: {  	_ = 	snop  }
0x6: {  	_ = 	snop  }
0x7: {  	_ = 	snop  }
__scs_overlays_trampoline_lowered:
0x8: {  	[smem:$0x3FA7] =	sst s0  }
0x9: {  	[smem:$0x3FA8] =	sst s1  }
0xa: {  	[smem:$0x3FA9] =	sst s2  }
0xb: {  	[smem:$0x3FAA] =	sst s3  }
0xc: {  	[smem:$0x3FAB] =	sst s4  }
0xd: {  	[smem:$0x3FAC] =	sst s5  }
0xe: {  	[smem:$0x3FAD] =	sst s6  }
0xf: {  	[smem:$0x3FAE] =	sst s7  }
0x10: {  	[smem:$0x3FAF] =	sst s8  }
0x11: {  	[smem:$0x3FB0] =	sst s9;
	s0 =	simm.s32 @!p0 $0x0  }
0x12: {  	s1 =	sld [smem:$0x3F96];
	s0 =	simm.s32 @p0 $0x1  }
0x13: {  	[smem:$0x3FB1] =	sst s0;
	s0 =	simm.s32 @!p1 $0x0  }
0x14: {  	s2 =	sld [smem:$0x3F95];
	s0 =	simm.s32 @p1 $0x1  }
0x15: {  	[smem:$0x3FB2] =	sst s0;
	s0 =	simm.s32 @!p2 $0x0  }
0x16: {  	s3 =	sld [smem:$0x3FDB];
	s0 =	simm.s32 @p2 $0x1  }
0x17: {  	s4 =	simm.s32 $0x1BF5;
	[smem:$0x3FB4] =	sst s0  }
0x18: {  	s0 =	sld [smem:$0x3F97];
	_ =	swait.ge [sflag:s4], $0x0  }
0x19: {  	s7 =	sld [smem:$0x3F98]  }
0x1a: {  	s8 =	sadd.s32 $0xFFFFE003, lr  }
0x1b: {  	s9 =	sadd.s32 $0xFFFFFEF7, lr;
	s5 =	simm.s32 $0xFFFFFFFF;
	p2 =	slt.u32 s8, $0xFFFFF086  }
0x1c: {  	p1 =	slt.u32 s9, $0xF7A;
	s5 =	simm.s32 @!p2 $0x0  }
0x1d: {  	s5 =	simm.s32 @p1 $0x1;
	p0 =	seq.s32 s7, s2  }
0x1e: {  	s7 =	smul.u32 @!p0 $0xF7A, s2;
	p2 =	seq.s32 @!p0 s5, $0x0  }
0x1f: {  	s9 =	smul.u32 $0xF7A, s1;
	s8 =	simm.s32 @!p0 $0x1BF5;
	p2 =	por !p2, p0  }
0x20: {  	[sflag:s8] =	ssyncset.s32 @!p0 $0xFFFFF086;
	s6 =	sadd.s32 @!p0 s3, s7;
	s7 =	simm.s32 @!p0 $0x108  }
0x21: {  	s3 =	sadd.s32 s3, s9;
	s6 =	sadd.s32 @!p0 $0x88, s6;
	s7 =	simm.s32 @p2 $0x1082  }
0x22: {  	[simem:s7], [sflag:s8] =	dma.local @!p0 [hbm:s6], $0xF7A  }
0x23: {  	s9 =	sor.u32 $0xD0000000, s2;
	s6 =	simm.s32 $0x108;
	_ =	swait.ge @!p0 [sflag:s8], $0x0  }
0x24: {  	s3 =	sadd.s32 $0x88, s3;
	s6 =	simm.s32 @!p1 $0x1082;
	[sflag:s4] =	ssyncset.s32 $0xFFFFF086  }
0x25: {  	[simem:s6], [sflag:s4] =	dma.local [hbm:s3], $0xF7A  }
0x26: {  	[smem:$0x3F98] =	sst s1;
	(tag) =	ssettag s2;
	_ =	strace s9  }
0x27: {  	s1 =	sld [smem:$0x3FA8]  }
0x28: {  	s2 =	sld [smem:$0x3FA9]  }
0x29: {  	s4 =	sld [smem:$0x3FAB]  }
0x2a: {  	p0 =	seq.s32 s5, $0x0;
	s5 =	sld [smem:$0x3FAC]  }
0x2b: {  	s6 =	sld [smem:$0x3FAD]  }
0x2c: {  	s7 =	sld [smem:$0x3FAE]  }
0x2d: {  	s3 =	simm.s32 $0x108;
	s8 =	sld [smem:$0x3FAF]  }
0x2e: {  	s3 =	simm.s32 @!p0 $0x1082;
	s9 =	sld [smem:$0x3FB0]  }
0x2f: {  	lr =	sadd.s32 s0, s3;
	s0 =	sld [smem:$0x3FA7]  }
0x30: {  	s3 =	sld [smem:$0x3FAA]  }
0x31: {  	[smem:$0x3FB3] =	sst s10  }
0x32: {  	s10 =	sld [smem:$0x3FB1];
	_ =	sdelay $0x3  }
0x33: {  	p0 =	seq.s32 s10, $0x1;
	s10 =	sld [smem:$0x3FB3];
	_ =	sdelay $0x3  }
0x34: {  	[smem:$0x3FB3] =	sst s10  }
0x35: {  	s10 =	sld [smem:$0x3FB2];
	_ =	sdelay $0x3  }
0x36: {  	p1 =	seq.s32 s10, $0x1;
	s10 =	sld [smem:$0x3FB3];
	_ =	sdelay $0x3  }
0x37: {  	[smem:$0x3FB3] =	sst s10  }
0x38: {  	s10 =	sld [smem:$0x3FB4]  }
0x39: {  	_ = 	snop;
	(pc) =	sbr.ind lr, $3  }
0x3a: {  	_ = 	snop  }
0x3b: {  	_ = 	snop  }
0x3c: {  	p2 =	seq.s32 s10, $0x1;
	s10 =	sld [smem:$0x3FB3]  }
0x3d: {  	_ =	shalt  }
0x3e: {  	_ =	shalt  }
0x3f: {  	_ =	shalt  }
0x40: {  	_ =	shalt  }
0x41: {  	_ =	shalt  }
0x42: {  	_ =	shalt  }
0x43: {  	_ =	shalt  }
0x44: {  	_ =	shalt  }
0x45: {  	_ =	shalt  }
0x46: {  	_ =	shalt  }
0x47: {  	_ =	shalt  }
0x48: {  	_ =	shalt  }
0x49: {  	_ =	shalt  }
0x4a: {  	_ =	shalt  }
0x4b: {  	_ =	shalt  }
0x4c: {  	_ =	shalt  }
0x4d: {  	_ =	shalt  }
0x4e: {  	_ =	shalt  }
0x4f: {  	_ =	shalt  }
0x50: {  	_ =	shalt  }
0x51: {  	_ =	shalt  }
0x52: {  	_ =	shalt  }
0x53: {  	_ =	shalt  }
0x54: {  	_ =	shalt  }
0x55: {  	_ =	shalt  }
0x56: {  	_ =	shalt  }
0x57: {  	_ =	shalt  }
0x58: {  	_ =	shalt  }
0x59: {  	_ =	shalt  }
0x5a: {  	_ =	shalt  }
0x5b: {  	_ =	shalt  }
0x5c: {  	_ =	shalt  }
0x5d: {  	_ =	shalt  }
0x5e: {  	_ =	shalt  }
0x5f: {  	_ =	shalt  }
0x60: {  	_ =	shalt  }
0x61: {  	_ =	shalt  }
0x62: {  	_ =	shalt  }
0x63: {  	_ =	shalt  }
0x64: {  	_ =	shalt  }
0x65: {  	_ =	shalt  }
0x66: {  	_ =	shalt  }
0x67: {  	_ =	shalt  }
0x68: {  	_ =	shalt  }
0x69: {  	_ =	shalt  }
0x6a: {  	_ =	shalt  }
0x6b: {  	_ =	shalt  }
0x6c: {  	_ =	shalt  }
0x6d: {  	_ =	shalt  }
0x6e: {  	_ =	shalt  }
0x6f: {  	_ =	shalt  }
0x70: {  	_ =	shalt  }
0x71: {  	_ =	shalt  }
0x72: {  	_ =	shalt  }
0x73: {  	_ =	shalt  }
0x74: {  	_ =	shalt  }
0x75: {  	_ =	shalt  }
0x76: {  	_ =	shalt  }
0x77: {  	_ =	shalt  }
0x78: {  	_ =	shalt  }
0x79: {  	_ =	shalt  }
0x7a: {  	_ =	shalt  }
0x7b: {  	_ =	shalt  }
0x7c: {  	_ =	shalt  }
0x7d: {  	_ =	shalt  }
0x7e: {  	_ =	shalt  }
0x7f: {  	_ =	shalt  }
0x80: {  	_ =	shalt  }
0x81: {  	_ =	shalt  }
0x82: {  	_ =	shalt  }
0x83: {  	_ =	shalt  }
0x84: {  	_ =	shalt  }
0x85: {  	_ =	shalt  }
0x86: {  	_ =	shalt  }
0x87: {  	_ =	shalt  }
.Lfunc_end0:
.L_simem_size_0:
called_computation.3_lowered:
.L_overlay_start_0:
0x88: {  	s2 =	sld [smem:$0x3FD9]  }
0x89: {  	s3 =	sld [smem:$0x3FFE];
	_ =	sdelay $0x1  }
0x8a: {  	s1 =	srdreg.scid  }
0x8b: {  	s0 =	sand.u32 $0x1, s1  }
0x8c: {  	s17 =	sshll.u32 s0, $0xA;
	s2 =	sadd.s32 s3, s2  }
0x8d: {  	s2 =	sadd.s32 s2, s17  }
0x8e: {  	[smem:$0x3FBF] =	sst s2  }
0x8f: {  	_ = 	snop  }
0x90: {  	s2 =	sld [smem:$0x3FD0];
	(tm) =	ssettm $0x1  }
0x91: {  	s18 =	sld [smem:$0x3FFB];
	_ =	sdelay $0x3  }
0x92: {  	_ =	strace s18  }
0x93: {  	s3 =	sld [smem:$0x3FFC];
	_ =	sdelay $0x3  }
0x94: {  	_ =	strace s3  }
0x95: {  	s3 =	sld [smem:$0x3FFD];
	_ =	sdelay $0x3  }
0x96: {  	_ =	strace s3  }
0x97: {  	_ =	strace $0x8FFFFFFF  }
0x98: {  	s19 =	sld [smem:$0x3FDB];
	_ =	sdelay $0x1  }
0x99: {  	s4 =	simm.s32 $_scs_section_size  }
0x9a: {  	s5 =	simm.s32 $_size__tile_overlayer_lowered;
	s6 =	simm.s32 $_tile_overlayer_lowered  }
0x9b: {  	s22 =	simm.s32 $0x1BFF;
	s21 =	sshll.u32 s6, $0x1;
	s3 =	sadd.s32 s4, s19  }
0x9c: {  	s7 =	simm.s32 $0x0;
	s20 =	sshll.u32 s5, $0x1;
	s5 =	sadd.s32 s21, s3  }
0x9d: {  	[timem:s7], [sflag:s22] =	dma.local [hbm:s5], s20  }
0x9e: {  	_ =	swait.ge [sflag:s22], s20  }
0x9f: {  	s4 =	ssub.s32 $0x0, s20;
	[sflag:s22] =	ssyncset.done $0x0  }
0xa0: {  	[sflag:s22] =	ssyncadd.s32 s4;
	_ =	sdelay $0x1  }
0xa1: {  	s23 =	simm.s32 $0x1B8B  }
0xa2: {  	_ =	swait.ge [sflag:s23], $0x1  }
0xa3: {  	[sflag:s23] =	ssyncset.done $0x0  }
0xa4: {  	s25 =	simm.s32 $0x1B8E;
	s24 =	sld [smem:$0x3FFE];
	[sflag:s23] =	ssyncadd.s32 $0xFFFFFFFF  }
0xa5: {  	s26 =	simm.s32 $execute0_lowered;
	[smem:$0x3FD2] =	sst s25  }
0xa6: {  	s5 =	sshll.u32 s26, $0x1;
	_ =	strace $0x8000004F;
	[dreg:$0x1] =	wrdreg $0xFFFFFFFF  }
0xa7: {  	s28 =	simm.s32 $_size_execute0_lowered;
	s3 =	sadd.s32 s3, s5;
	[dreg:$0x0] =	wrdreg $0x0  }
0xa8: {  	s5 =	sshll.u32 s28, $0x1;
	[dreg:$0x2] =	wrdreg s3  }
0xa9: {  	[dreg:$0x3] =	wrdreg s5  }
0xaa: {  	[dreg:$0x4] =	wrdreg $0xC0  }
0xab: {  	_ =	task [dreg:s7], $0x5FFFF  }
0xac: {  	[dreg:$0x1] =	wrdreg $0xFFFFFFFF  }
0xad: {  	[dreg:$0x0] =	wrdreg $0x60  }
0xae: {  	[dreg:$0x2] =	wrdreg s24  }
0xaf: {  	[dreg:$0x3] =	wrdreg s2  }
0xb0: {  	[dreg:$0x4] =	wrdreg $0xA8000  }
0xb1: {  	[dreg:$0x5] =	wrdreg $0x9  }
0xb2: {  	_ =	task.clear_ibuf [dreg:s7], $0x6FFFF;
	_ =	strace $0x9000004F  }
0xb3: {  	s29 =	simm.s32 $0x9;
	_ =	strace $0x80000051  }
0xb4: {  	_ =	swait.ge [sflag:s29], $0x1  }
0xb5: {  	[sflag:s29] =	ssyncadd.s32 $0xFFFFFFFF  }
0xb6: {  	_ =	strace $0x90000051  }
0xb7: {  	_ =	sfence  }
0xb8: {  	s30 =	sld [smem:$0x0];
	_ =	sdelay $0x2  }
0xb9: {  	s31 =	sshll.u32 s1, $0xD;
	s1 =	sshrl.u32 s1, $0x2  }
0xba: {  	s3 =	sand.u32 $0x4000, s31;
	s1 =	sadd.s32 s1, s30  }
0xbb: {  	s0 =	sor.u32 s3, s0;
	s1 =	sshll.u32 s1, $0x11  }
0xbc: {  	s0 =	sor.u32 s1, s0  }
0xbd: {  	s0 =	sadd.s32 $0x8F2B, s0  }
0xbe: {  	[sflag:s0] =	ssyncadd.remote.s32 $0x1  }
0xbf: {  	_ =	sfence.sel $0xFFFF  }
0xc0: {  	[dreg:$0x0] =	wrdreg $0xFFFFFFFF;
	(pc) =	sbr.abs _section_cstart, $3  }
0xc1: {  	[dreg:$0x1] =	wrdreg $0xFFFFFFFF  }
0xc2: {  	_ =	task.clear_ibuf [dreg:s7], $0x2FFFF;
	_ =	strace $0x9FFFFFFF  }
0xc3: {  	(tm) =	ssettm $0x7FFFFFFF  }
tec
execute0_lowered:
.L_overlay_start_1:
0x0: {  	(tag) =	ssettag $0x1  }
0x1: {  	s6 =	rddreg [dreg:$0x0]  }
0x2: {  	s10 =	rddreg [dreg:$0x1]  }
0x3: {  	s1 =	rddreg [dreg:$0x2]  }
0x4: {  	s2 =	srdreg.scid;
	s0 =	rddreg [dreg:$0x3];
	s3 =	simm.s32 $0x0  }
0x5: {  	s16 =	simm.s32 $0x80;
	s17 =	simm.s32 $0x1;
	s18 =	simm.s32 $0x2780  }
0x6: {  	s19 =	simm.s32 $0x6800;
	s7 =	sand.u32 $0x1, s2;
	s2 =	stileid.u32  }
0x7: {  	s20 =	simm.s32 $0x0;
	[smem:$0x7FF] =	sst s3;
	s5 =	smul.u32 $0x140000, s7  }
0x8: {  	s4 =	sadd.s32 $0xADA00, s6;
	s9 =	sadd.s32 $0x3600, s6;
	s8 =	smul.u32 $0x14000, s2  }
0x9: {  	_ =	strace $0x80000050;
	s11 =	sshll.u32 s7, $0x4;
	s7 =	ssub.s32 $0x2, s7  }
0xa: {  	s12 =	smul.u32 $0x50000, s2;
	s31 =	sshll.u32 s2, $0x6;
	s11 =	sor.u32 s2, s11  }
0xb: {  	s28 =	sshrl.u32 s7, $0x1;
	s8 =	sadd.s32 s8, s5;
	s5 =	sadd.s32 $0xD5A00, s6  }
0xc: {  	s29 =	smul.u32 $0x2800, s11;
	s14 =	ssub.s32 s7, s28;
	s30 =	sshrl.u32 s12, $0x2  }
0xd: {  	s8 =	sshrl.u32 s8, $0x3;
	s15 =	sadd.s32 s30, s1;
	s12 =	smax.u32 s14, $0x1  }
0xe: {  	s14 =	simm.s32 $0x2;
	s13 =	sadd.s32 s8, s6;
	s11 =	sshrl.u32 s29, $0x3  }
0xf: {  	s7 =	sadd.s32 s9, s11;
	s8 =	sadd.s32 s10, s11;
	s11 =	sadd.s32 $0x280, s11  }
0x10: {  	s6 =	sor.u32 $0x1C02, s31;
	s9 =	sadd.s32 s9, s11;
	s10 =	sadd.s32 s10, s11  }
0x11: {  	s11 =	sadd.s32 $0xD8200, s13;
	s13 =	sshrl.u32 s15, $0x3;
	s15 =	simm.s32 $0x2800  }
.LBB2_1:
0x12: {  	[spmem:s13], [sflag:s6] =	dma.local [hbm:s5], $0x2800  }
0x13: {  	_ =	swait.ge [sflag:s14], $0x2800  }
0x14: {  	[sflag:s14] =	ssyncset.done $0x0  }
0x15: {  	[sflag:s14] =	ssyncadd.s32 $0xFFFFD800  }
0x16: {  	[bflag:$0x0] =	sbarrier.arrive $0xFFFF  }
0x17: {  	[tilespmem:s3], [sflag:$0x2] =	stream.linear.gather [hbm4b:s7+s3], $0x1400, $0x38;
	[tilespmem:$0x1E800] =	vst v63  }
0x18: {  	_ =	swait.ge [sflag:s14], $0x1400  }
0x19: {  	[sflag:s14] =	ssyncset.done $0x0  }
0x1a: {  	s22 =	simm.s32 $0x1400;
	[sflag:s14] =	ssyncadd.s32 $0xFFFFEC00  }
0x1b: {  	[tilespmem:s22], [sflag:$0x2] =	stream.linear.gather [hbm4b:s8+s3], $0x1400, $0x38;
	[tilespmem:$0x1E800] =	vst v63  }
0x1c: {  	s21 =	simm.s32 $0x10000;
	_ =	swait.ge [sflag:s14], $0x1400  }
0x1d: {  	s21 =	sand.u32 $0x10000, s21;
	[sflag:s14] =	ssyncset.done $0x0  }
0x1e: {  	s21 =	sshrl.u32 s21, $0x2;
	[sflag:s14] =	ssyncadd.s32 $0xFFFFEC00  }
0x1f: {  	[tilespmem:s15], [sflag:$0x1] =	stream.indirect.gather [hbm4b:s4+s16], $0x80, s3, s16, $0xb8;
	[tilespmem:$0x1E800] =	vst v63  }
0x20: {  	s23 =	simm.s32 $0x0;
	s21 =	sor.u32 $0x2800, s21  }
0x21: {  	[tilespmem:s21], [sflag:$0x1] =	stream.indirect.gather [hbm4b:s4+s16], $0x80, s16, s16, $0xb8;
	[tilespmem:$0x1E800] =	vst v63  }
0x22: {  	s23 =	sand.u32 $0x10000, s23;
	_ =	swait.ge [sflag:s17], $0x4000  }
0x23: {  	s23 =	sshrl.u32 s23, $0x2;
	s21 =	simm.s32 $0x20000;
	[sflag:s17] =	ssyncset.done $0x0  }
0x24: {  	s23 =	sor.u32 $0x2800, s23;
	s31 =	sand.u32 $0x10000, s21;
	[sflag:s17] =	ssyncadd.s32 $0xFFFFC000  }
0x25: {  	[spmem:s1] =	stream.indirect.scatter.add.f32 [tilespmem:s23], [sflag:$0x2], $0x80, s22, s16, $0xb8;
	[tilespmem:$0x1E800] =	vst v63  }
0x26: {  	s24 =	simm.s32 $0x30000;
	s25 =	sshrl.u32 s31, $0x2;
	_ =	swait.ge [sflag:s14], $0x4000  }
0x27: {  	s23 =	simm.s32 $0x100;
	s22 =	simm.s32 $0x1480;
	[sflag:s14] =	ssyncset.done $0x0  }
.LBB2_2:
0x28: {  	s25 =	sor.u32 $0x2800, s25;
	s26 =	sadd.s32 $0xFFFF0000, s21  }
0x29: {  	[sflag:s14] =	ssyncadd.s32 $0xFFFFC000;
	s21 =	smov.u32 s24;
	s28 =	sadd.s32 $0x10000, s24  }
0x2a: {  	[tilespmem:s25], [sflag:$0x1] =	stream.indirect.gather [hbm4b:s4+s16], $0x80, s23, s16, $0xb8;
	[tilespmem:$0x1E800] =	vst v63  }
0x2b: {  	p0 =	sne.s32 s24, $0x270000;
	s25 =	sand.u32 $0x10000, s26;
	_ =	swait.ge [sflag:s17], $0x4000  }
.Ltmp0:
0x2c: {  	s25 =	sshrl.u32 s25, $0x2;
	[sflag:s17] =	ssyncset.done $0x0;
	(pc) =	sbr.rel @p0 .LBB2_2-.Ltmp0, $4  }
0x2d: {  	s23 =	sadd.s32 $0x80, s23;
	s24 =	sor.u32 $0x2800, s25;
	[sflag:s17] =	ssyncadd.s32 $0xFFFFC000  }
0x2e: {  	[spmem:s1] =	stream.indirect.scatter.add.f32 [tilespmem:s24], [sflag:$0x2], $0x80, s22, s16, $0xb8;
	[tilespmem:$0x1E800] =	vst v63  }
0x2f: {  	s24 =	sand.u32 $0x10000, s21;
	s22 =	sadd.s32 $0x80, s22;
	_ =	swait.ge [sflag:s14], $0x4000  }
0x30: {  	s25 =	sshrl.u32 s24, $0x2;
	s24 =	smov.u32 s28;
	[sflag:s14] =	ssyncset.done $0x0  }
0x31: {  	s24 =	sor.u32 $0x2800, s25;
	s21 =	sadd.s32 $0xFFFF0000, s21;
	[sflag:s14] =	ssyncadd.s32 $0xFFFFC000  }
0x32: {  	[tilespmem:s24], [sflag:$0x1] =	stream.indirect.gather [hbm4b:s4+s16], $0x80, s23, s16, $0xb8;
	[tilespmem:$0x1E800] =	vst v63  }
0x33: {  	s21 =	sand.u32 $0x10000, s21;
	_ =	swait.ge [sflag:s17], $0x4000  }
0x34: {  	s21 =	sshrl.u32 s21, $0x2;
	[sflag:s17] =	ssyncset.done $0x0  }
0x35: {  	s21 =	sor.u32 $0x2800, s21;
	[sflag:s17] =	ssyncadd.s32 $0xFFFFC000  }
0x36: {  	[spmem:s1] =	stream.indirect.scatter.add.f32 [tilespmem:s21], [sflag:$0x2], $0x80, s22, s16, $0xb8;
	[tilespmem:$0x1E800] =	vst v63  }
0x37: {  	_ =	swait.ge [sflag:s14], $0x4000  }
0x38: {  	[sflag:s14] =	ssyncset.done $0x0  }
0x39: {  	[sflag:s14] =	ssyncadd.s32 $0xFFFFC000  }
0x3a: {  	_ =	swait.ge [sflag:s17], $0x4000  }
0x3b: {  	[sflag:s17] =	ssyncset.done $0x0  }
0x3c: {  	s25 =	simm.s32 $0x80;
	[sflag:s17] =	ssyncadd.s32 $0xFFFFC000  }
0x3d: {  	[spmem:s1] =	stream.indirect.scatter.add.f32 [tilespmem:s19], [sflag:$0x2], $0x80, s18, s25, $0xb8;
	[tilespmem:$0x1E800] =	vst v63  }
0x3e: {  	_ =	swait.ge [sflag:s14], $0x4000  }
0x3f: {  	[sflag:s14] =	ssyncset.done $0x0  }
0x40: {  	[sflag:s14] =	ssyncadd.s32 $0xFFFFC000  }
0x41: {  	[tilespmem:s3], [sflag:$0x2] =	stream.linear.gather [hbm4b:s9+s3], $0x1400, $0x38;
	[tilespmem:$0x1E800] =	vst v63  }
0x42: {  	_ =	swait.ge [sflag:s14], $0x1400  }
0x43: {  	[sflag:s14] =	ssyncset.done $0x0  }
0x44: {  	s26 =	simm.s32 $0x1400;
	[sflag:s14] =	ssyncadd.s32 $0xFFFFEC00  }
0x45: {  	[tilespmem:s26], [sflag:$0x2] =	stream.linear.gather [hbm4b:s10+s3], $0x1400, $0x38;
	[tilespmem:$0x1E800] =	vst v63  }
0x46: {  	s28 =	simm.s32 $0x10000;
	_ =	swait.ge [sflag:s14], $0x1400  }
0x47: {  	s23 =	sand.u32 $0x10000, s28;
	[sflag:s14] =	ssyncset.done $0x0  }
0x48: {  	s23 =	sshrl.u32 s23, $0x2;
	[sflag:s14] =	ssyncadd.s32 $0xFFFFEC00  }
0x49: {  	[tilespmem:s15], [sflag:$0x1] =	stream.indirect.gather [hbm4b:s4+s25], $0x80, s3, s25, $0xb8;
	[tilespmem:$0x1E800] =	vst v63  }
0x4a: {  	s29 =	simm.s32 $0x0;
	s23 =	sor.u32 $0x2800, s23  }
0x4b: {  	[tilespmem:s23], [sflag:$0x1] =	stream.indirect.gather [hbm4b:s4+s16], $0x80, s25, s16, $0xb8;
	[tilespmem:$0x1E800] =	vst v63  }
0x4c: {  	s30 =	sand.u32 $0x10000, s29;
	_ =	swait.ge [sflag:s17], $0x4000  }
0x4d: {  	s24 =	simm.s32 $0x30000;
	s23 =	sshrl.u32 s30, $0x2;
	[sflag:s17] =	ssyncset.done $0x0  }
0x4e: {  	s21 =	simm.s32 $0x20000;
	s23 =	sor.u32 $0x2800, s23;
	[sflag:s17] =	ssyncadd.s32 $0xFFFFC000  }
0x4f: {  	[spmem:s1] =	stream.indirect.scatter.add.f32 [tilespmem:s23], [sflag:$0x2], $0x80, s26, s16, $0xb8;
	[tilespmem:$0x1E800] =	vst v63  }
0x50: {  	s22 =	simm.s32 $0x1480;
	s31 =	sand.u32 $0x10000, s21;
	_ =	swait.ge [sflag:s14], $0x4000  }
0x51: {  	s25 =	sshrl.u32 s31, $0x2;
	s23 =	simm.s32 $0x100;
	[sflag:s14] =	ssyncset.done $0x0  }
.LBB2_4:
0x52: {  	s25 =	sor.u32 $0x2800, s25;
	s26 =	sadd.s32 $0xFFFF0000, s21  }
0x53: {  	[sflag:s14] =	ssyncadd.s32 $0xFFFFC000;
	s21 =	smov.u32 s24;
	s28 =	sadd.s32 $0x10000, s24  }
0x54: {  	[tilespmem:s25], [sflag:$0x1] =	stream.indirect.gather [hbm4b:s4+s16], $0x80, s23, s16, $0xb8;
	[tilespmem:$0x1E800] =	vst v63  }
0x55: {  	p0 =	sne.s32 s24, $0x270000;
	s25 =	sand.u32 $0x10000, s26;
	_ =	swait.ge [sflag:s17], $0x4000  }
.Ltmp1:
0x56: {  	s25 =	sshrl.u32 s25, $0x2;
	[sflag:s17] =	ssyncset.done $0x0;
	(pc) =	sbr.rel @p0 .LBB2_4-.Ltmp1, $4  }
0x57: {  	s23 =	sadd.s32 $0x80, s23;
	s24 =	sor.u32 $0x2800, s25;
	[sflag:s17] =	ssyncadd.s32 $0xFFFFC000  }
0x58: {  	[spmem:s1] =	stream.indirect.scatter.add.f32 [tilespmem:s24], [sflag:$0x2], $0x80, s22, s16, $0xb8;
	[tilespmem:$0x1E800] =	vst v63  }
0x59: {  	s24 =	sand.u32 $0x10000, s21;
	s22 =	sadd.s32 $0x80, s22;
	_ =	swait.ge [sflag:s14], $0x4000  }
0x5a: {  	s25 =	sshrl.u32 s24, $0x2;
	s24 =	smov.u32 s28;
	[sflag:s14] =	ssyncset.done $0x0  }
0x5b: {  	s24 =	sor.u32 $0x2800, s25;
	s21 =	sadd.s32 $0xFFFF0000, s21;
	[sflag:s14] =	ssyncadd.s32 $0xFFFFC000  }
0x5c: {  	[tilespmem:s24], [sflag:$0x1] =	stream.indirect.gather [hbm4b:s4+s16], $0x80, s23, s16, $0xb8;
	[tilespmem:$0x1E800] =	vst v63  }
0x5d: {  	s21 =	sand.u32 $0x10000, s21;
	_ =	swait.ge [sflag:s17], $0x4000  }
0x5e: {  	s21 =	sshrl.u32 s21, $0x2;
	[sflag:s17] =	ssyncset.done $0x0  }
0x5f: {  	s21 =	sor.u32 $0x2800, s21;
	[sflag:s17] =	ssyncadd.s32 $0xFFFFC000  }
0x60: {  	[spmem:s1] =	stream.indirect.scatter.add.f32 [tilespmem:s21], [sflag:$0x2], $0x80, s22, s16, $0xb8;
	[tilespmem:$0x1E800] =	vst v63  }
0x61: {  	_ =	swait.ge [sflag:s14], $0x4000  }
0x62: {  	[sflag:s14] =	ssyncset.done $0x0  }
0x63: {  	[sflag:s14] =	ssyncadd.s32 $0xFFFFC000  }
0x64: {  	_ =	swait.ge [sflag:s17], $0x4000  }
0x65: {  	[sflag:s17] =	ssyncset.done $0x0  }
0x66: {  	[sflag:s17] =	ssyncadd.s32 $0xFFFFC000  }
0x67: {  	[spmem:s1] =	stream.indirect.scatter.add.f32 [tilespmem:s19], [sflag:$0x2], $0x80, s18, s16, $0xb8;
	[tilespmem:$0x1E800] =	vst v63  }
0x68: {  	_ =	swait.ge [sflag:s14], $0x4000  }
0x69: {  	s20 =	sadd.s32 $0x1, s20;
	[sflag:s14] =	ssyncset.done $0x0  }
0x6a: {  	p0 =	sne.s32 s20, s12;
	[sflag:s14] =	ssyncadd.s32 $0xFFFFC000  }
.Ltmp2:
0x6b: {  	[bflag:$0x0] =	sbarrier.arrive $0xFFFF;
	(pc) =	sbr.rel @p0 .LBB2_1-.Ltmp2, $4  }
0x6c: {  	[hbm:s11], [sflag:s6] =	dma.local [spmem:s13], $0x2800  }
0x6d: {  	_ =	swait.ge [sflag:s14], $0x2800  }
0x6e: {  	[sflag:s14] =	ssyncset.done $0x0  }
0x6f: {  	[sflag:s14] =	ssyncadd.s32 $0xFFFFD800  }
0x70: {  	_ =	sfence.sel $0x180000  }
0x71: {  	[bflag:$0x0] =	sbarrier.arrive $0xFFFF  }
0x72: {  	p0 =	sne.s32 s2, $0x0;
	_ =	strace $0x90000050  }
0x73: {  	s0 =	sadd.s32 @!p0 $0x100000, s0;
	[bflag:$0x2] =	sbarrier.arrive $0xFFFF  }
0x74: {  	[sflag:s0] =	ssyncadd.tile.s32 @!p0 $0x1;
	_ =	shalt  }
.Lfunc_end2:
_tile_overlayer_lowered:
.L_overlay_start_2:
0x75: {  	(tag) =	ssettag $0x2  }
0x76: {  	s0 =	rddreg [dreg:$0x0];
	s2 =	stileid.u32  }
0x77: {  	s1 =	rddreg [dreg:$0x1];
	p0 =	sne.s32 s2, $0x0  }
0x78: {  	s3 =	rddreg [dreg:$0x2];
	[bflag:$0x3] =	sbarrier.arrive $0xFFFF;
	s2 =	simm.s32 @!p0 $0x1C02  }
0x79: {  	[timem:s3], [sflag:s2] =	dma.local @!p0 [hbm:s0], s1  }
0x7a: {  	s0 =	simm.s32 @!p0 $0x2  }
0x7b: {  	_ =	swait.ge @!p0 [sflag:s0], s1  }
0x7c: {  	s1 =	ssub.s32 @!p0 $0x0, s1;
	[sflag:s0] =	ssyncset.done @!p0 $0x0  }
0x7d: {  	[sflag:s0] =	ssyncadd.s32 @!p0 s1  }
0x7e: {  	[bflag:$0x3] =	sbarrier.arrive $0xFFFF  }
0x7f: {  	_ =	shalt  }

</sc_bundles>
